<compile_context>
chip_gen: v7x
topology: tpu7x:2x2x1
jax: 0.10.2.dev20260603
libtpu: 0.0.44.dev20260713+nightly
codegen_flags: <defaults>
</compile_context>

<pallas_src>
import functools

import jax
import jax.numpy as jnp
from jax import lax
from jax.experimental import pallas as pl
from jax.experimental.pallas import tpu as pltpu
from jax.experimental.pallas import tpu_sc as plsc

N = 10000
E = 320000
D_IN = 128
D_HID = 256
D_OUT = 128
HEADS = 4

NC = 2
NS = 16
NW = NC * NS
EPW = E // NW
B = 40
ITERS = EPW // B
B2 = 80
ITERS2 = EPW // B2
BG = 40
ITERS_G = EPW // BG
NP = 10240
RPS = NP // NS

DC = D_IN + 32

_mesh = plsc.VectorSubcoreMesh(
    core_axis_name="c", subcore_axis_name="s", num_cores=NC, num_subcores=NS)
_sc_params = pltpu.CompilerParams(use_tc_tiling_on_sc=False)
_sc_params_nl = pltpu.CompilerParams(use_tc_tiling_on_sc=False,
                                     needs_layout_passes=False)


def _pipeline(issue, compute, iters):
  issue(0, 0)

  def body(j, carry):
    jn = jnp.minimum(j + 1, iters - 1)

    @pl.when(j % 2 == 0)
    def _even():
      issue(jn, 1)
      compute(j, 0)

    @pl.when(j % 2 == 1)
    def _odd():
      issue(jn, 0)
      compute(j, 1)

    return carry

  lax.fori_loop(0, iters, body, 0)


def _make_sc_segsum(D, B, ITERS, dt):

  @functools.partial(
      pl.kernel,
      out_type=jax.ShapeDtypeStruct((NC, NP, D), dt),
      mesh=_mesh,
      compiler_params=_sc_params,
      scratch_types=[
          pltpu.VMEM((ITERS, B), jnp.int32),
          pltpu.VMEM((ITERS, B), jnp.int32),
          pltpu.VMEM((2, B, D), dt),
          pltpu.VMEM_SHARED((NP, D), dt),
          pltpu.SemaphoreType.DMA,
          pltpu.SemaphoreType.DMA,
      ],
  )
  def k(table, src_blk, dst_blk, zeros, out, src_v, dst_v, rows2, acc,
        sem0, sem1):
    cid = lax.axis_index("c")
    sid = lax.axis_index("s")
    w = cid * NS + sid
    r0 = sid * RPS
    pltpu.sync_copy(zeros.at[pl.ds(r0, RPS)], acc.at[pl.ds(r0, RPS)])
    plsc.subcore_barrier()
    pltpu.sync_copy(src_blk.at[w], src_v)
    pltpu.sync_copy(dst_blk.at[w], dst_v)
    sems = (sem0, sem1)

    def issue(j, s):
      pltpu.async_copy(table.at[src_v.at[j]], rows2.at[s], sems[s])

    def compute(j, s):
      pltpu.make_async_copy(table.at[src_v.at[j]], rows2.at[s],
                            sems[s]).wait()
      pltpu.sync_copy(rows2.at[s], acc.at[dst_v.at[j]], add=True)

    _pipeline(issue, compute, ITERS)
    s_l = ITERS % 2
    pltpu.make_async_copy(table.at[src_v.at[0]], rows2.at[s_l],
                          sems[s_l]).wait()
    plsc.subcore_barrier()
    pltpu.sync_copy(acc.at[pl.ds(r0, RPS)], out.at[cid, pl.ds(r0, RPS)])

  return k


def _sc_attn_weights(es, ed, zeros16, src_blk, dst_blk):

  @functools.partial(
      pl.kernel,
      out_type=(
          jax.ShapeDtypeStruct((NC, NP, 16), jnp.float32),
          jax.ShapeDtypeStruct((NW, ITERS2, B2, 16), jnp.float32),
      ),
      mesh=_mesh,
      compiler_params=_sc_params,
      scratch_types=[
          pltpu.VMEM((ITERS2, B2), jnp.int32),
          pltpu.VMEM((ITERS2, B2), jnp.int32),
          pltpu.VMEM((2, B2, 16), jnp.float32),
          pltpu.VMEM((2, B2, 16), jnp.float32),
          pltpu.VMEM((B2, 16), jnp.float32),
          pltpu.VMEM_SHARED((NP, 16), jnp.float32),
          pltpu.SemaphoreType.DMA,
          pltpu.SemaphoreType.DMA,
          pltpu.SemaphoreType.DMA,
          pltpu.SemaphoreType.DMA,
      ],
  )
  def k(es_h, ed_h, z_h, src_blk_h, dst_blk_h, den_out, w_out,
        src_v, dst_v, es_r, ed_r, w_r, den, semA0, semA1, semB0, semB1):
    cid = lax.axis_index("c")
    sid = lax.axis_index("s")
    w = cid * NS + sid
    r0 = sid * RPS
    pltpu.sync_copy(z_h.at[pl.ds(r0, RPS)], den.at[pl.ds(r0, RPS)])
    plsc.subcore_barrier()
    pltpu.sync_copy(src_blk_h.at[w], src_v)
    pltpu.sync_copy(dst_blk_h.at[w], dst_v)
    semsA = (semA0, semA1)
    semsB = (semB0, semB1)

    def issue(j, s):
      pltpu.async_copy(es_h.at[src_v.at[j]], es_r.at[s], semsA[s])
      pltpu.async_copy(ed_h.at[dst_v.at[j]], ed_r.at[s], semsB[s])

    def compute(j, s):
      pltpu.make_async_copy(es_h.at[src_v.at[j]], es_r.at[s],
                            semsA[s]).wait()
      pltpu.make_async_copy(ed_h.at[dst_v.at[j]], ed_r.at[s],
                            semsB[s]).wait()

      def inner(i, c_):
        t = es_r[s, i, :] + ed_r[s, i, :]
        t = jnp.where(t >= 0.0, t, t * 0.2)
        w_r[i, :] = jnp.exp(t)
        return c_

      lax.fori_loop(0, B2, inner, 0)
      pltpu.sync_copy(w_r, den.at[dst_v.at[j]], add=True)
      pltpu.sync_copy(w_r, w_out.at[w, j])

    _pipeline(issue, compute, ITERS2)
    s_l = ITERS2 % 2
    pltpu.make_async_copy(es_h.at[src_v.at[0]], es_r.at[s_l],
                          semsA[s_l]).wait()
    pltpu.make_async_copy(ed_h.at[dst_v.at[0]], ed_r.at[s_l],
                          semsB[s_l]).wait()
    plsc.subcore_barrier()
    pltpu.sync_copy(den.at[pl.ds(r0, RPS)], den_out.at[cid, pl.ds(r0, RPS)])

  return k(es, ed, zeros16, src_blk, dst_blk)


def _sc_gat_aggregate(hg, invd, w_in, zeros128, src_blk, dst_blk):

  @functools.partial(
      pl.kernel,
      out_type=jax.ShapeDtypeStruct((NC, NP, D_OUT), jnp.float32),
      mesh=_mesh,
      compiler_params=_sc_params_nl,
      scratch_types=[
          pltpu.VMEM((ITERS_G, BG), jnp.int32),
          pltpu.VMEM((ITERS_G, BG), jnp.int32),
          pltpu.VMEM((2, BG, HEADS * D_OUT // 2), jnp.int32),
          pltpu.VMEM((2, BG, 16), jnp.float32),
          pltpu.VMEM((2, BG, 16), jnp.float32),
          pltpu.VMEM((BG, D_OUT), jnp.float32),
          pltpu.VMEM_SHARED((NP, D_OUT), jnp.float32),
          pltpu.SemaphoreType.DMA,
          pltpu.SemaphoreType.DMA,
          pltpu.SemaphoreType.DMA,
          pltpu.SemaphoreType.DMA,
          pltpu.SemaphoreType.DMA,
          pltpu.SemaphoreType.DMA,
      ],
  )
  def k(hg_h, invd_h, w_h, z_h, src_blk_h, dst_blk_h, out,
        src_v, dst_v, rows, invd_r, w_r, v_buf, acc,
        semA0, semA1, semB0, semB1, semC0, semC1):
    cid = lax.axis_index("c")
    sid = lax.axis_index("s")
    w = cid * NS + sid
    r0 = sid * RPS
    pltpu.sync_copy(z_h.at[pl.ds(r0, RPS)], acc.at[pl.ds(r0, RPS)])
    plsc.subcore_barrier()
    pltpu.sync_copy(src_blk_h.at[w], src_v)
    pltpu.sync_copy(dst_blk_h.at[w], dst_v)
    semsA = (semA0, semA1)
    semsB = (semB0, semB1)
    semsC = (semC0, semC1)

    def issue(j, s):
      pltpu.async_copy(hg_h.at[src_v.at[j]], rows.at[s], semsA[s])
      pltpu.async_copy(invd_h.at[dst_v.at[j]], invd_r.at[s], semsB[s])
      pltpu.async_copy(w_h.at[w, j], w_r.at[s], semsC[s])

    def waits(j, s):
      pltpu.make_async_copy(hg_h.at[src_v.at[j]], rows.at[s],
                            semsA[s]).wait()
      pltpu.make_async_copy(invd_h.at[dst_v.at[j]], invd_r.at[s],
                            semsB[s]).wait()
      pltpu.make_async_copy(w_h.at[w, j], w_r.at[s], semsC[s]).wait()

    def compute(j, s):
      waits(j, s)

      himask = jnp.int32(-65536)

      def inner(i, c_):
        av = w_r[s, i, :] * invd_r[s, i, :]
        al = (av[0], av[1], av[2], av[3])
        for q in range(4):
          vlo = None
          vhi = None
          for h in range(HEADS):
            xq = rows[s, i, pl.ds(h * 64 + q * 16, 16)]
            lo = plsc.bitcast(xq << 16, jnp.float32)
            hi = plsc.bitcast(xq & himask, jnp.float32)
            vlo = al[h] * lo if vlo is None else vlo + al[h] * lo
            vhi = al[h] * hi if vhi is None else vhi + al[h] * hi
          v_buf[i, pl.ds(q * 32, 16)] = vlo
          v_buf[i, pl.ds(q * 32 + 16, 16)] = vhi
        return c_

      lax.fori_loop(0, BG, inner, 0, unroll=2)
      pltpu.sync_copy(v_buf, acc.at[dst_v.at[j]], add=True)

    _pipeline(issue, compute, ITERS_G)
    waits(0, ITERS_G % 2)
    plsc.subcore_barrier()
    pltpu.sync_copy(acc.at[pl.ds(r0, RPS)], out.at[cid, pl.ds(r0, RPS)])

  return k(hg, invd, w_in, zeros128, src_blk, dst_blk)



NBLK = 10
RB = N // NBLK


def _tc1a(P, x, W_l1, W_r1, b1):

  def body(p_ref, x_ref, wl_ref, wr_ref, b_ref, hp_ref, st_ref):
    i = pl.program_id(0)
    s = p_ref[0].astype(jnp.float32) + p_ref[1].astype(jnp.float32)
    cnt = jnp.maximum(s[:, 128:129], 1.0)
    agg = s[:, :128] / cnt
    hp = (jnp.dot(agg, wl_ref[...], preferred_element_type=jnp.float32)
          + jnp.dot(x_ref[...], wr_ref[...], preferred_element_type=jnp.float32)
          + b_ref[...])
    hp_ref[...] = hp

    @pl.when(i == 0)
    def _():
      st_ref[...] = jnp.zeros_like(st_ref)

    st_ref[...] += jnp.concatenate(
        [jnp.sum(hp, axis=0, keepdims=True),
         jnp.sum(hp * hp, axis=0, keepdims=True)], axis=0)

  return pl.pallas_call(
      body,
      grid=(NBLK,),
      in_specs=[
          pl.BlockSpec((NC, RB, DC), lambda i: (0, i, 0)),
          pl.BlockSpec((RB, D_IN), lambda i: (i, 0)),
          pl.BlockSpec((D_IN, D_HID), lambda i: (0, 0)),
          pl.BlockSpec((D_IN, D_HID), lambda i: (0, 0)),
          pl.BlockSpec((1, D_HID), lambda i: (0, 0)),
      ],
      out_specs=[
          pl.BlockSpec((RB, D_HID), lambda i: (i, 0)),
          pl.BlockSpec((2, D_HID), lambda i: (0, 0)),
      ],
      out_shape=[
          jax.ShapeDtypeStruct((N, D_HID), jnp.float32),
          jax.ShapeDtypeStruct((2, D_HID), jnp.float32),
      ],
  )(P, x, W_l1, W_r1, b1)


def _tc1b(h_pre, stats, g1, be1, W_l2, W_r2):

  def body(hp_ref, st_ref, g_ref, be_ref, wl_ref, wr_ref, p2_ref, hr_ref):
    m = st_ref[0:1, :] * (1.0 / N)
    v = st_ref[1:2, :] * (1.0 / N) - m * m
    inv = g_ref[...] * lax.rsqrt(v + 1e-5)
    h = jnp.maximum((hp_ref[...] - m) * inv + be_ref[...], 0.0)
    p2_ref[...] = jnp.dot(h, wl_ref[...],
                          preferred_element_type=jnp.float32).astype(
                              jnp.bfloat16)
    hr_ref[...] = jnp.dot(h, wr_ref[...], preferred_element_type=jnp.float32)

  return pl.pallas_call(
      body,
      grid=(NBLK,),
      in_specs=[
          pl.BlockSpec((RB, D_HID), lambda i: (i, 0)),
          pl.BlockSpec((2, D_HID), lambda i: (0, 0)),
          pl.BlockSpec((1, D_HID), lambda i: (0, 0)),
          pl.BlockSpec((1, D_HID), lambda i: (0, 0)),
          pl.BlockSpec((D_HID, D_OUT), lambda i: (0, 0)),
          pl.BlockSpec((D_HID, D_OUT), lambda i: (0, 0)),
      ],
      out_specs=[
          pl.BlockSpec((RB, D_OUT), lambda i: (i, 0)),
          pl.BlockSpec((RB, D_OUT), lambda i: (i, 0)),
      ],
      out_shape=[
          jax.ShapeDtypeStruct((N, D_OUT), jnp.bfloat16),
          jax.ShapeDtypeStruct((N, D_OUT), jnp.float32),
      ],
  )(h_pre, stats, g1, be1, W_l2, W_r2)


def _tc2a(P, Q, hr2, b2):

  def body(p_ref, q_ref, hr_ref, b_ref, hp_ref, st_ref):
    i = pl.program_id(0)
    cnt = jnp.maximum(p_ref[0][:, 128:129].astype(jnp.float32)
                      + p_ref[1][:, 128:129].astype(jnp.float32), 1.0)
    hp = ((q_ref[0].astype(jnp.float32) + q_ref[1].astype(jnp.float32)) / cnt
          + hr_ref[...] + b_ref[...])
    hp_ref[...] = hp

    @pl.when(i == 0)
    def _():
      st_ref[...] = jnp.zeros_like(st_ref)

    st_ref[...] += jnp.concatenate(
        [jnp.sum(hp, axis=0, keepdims=True),
         jnp.sum(hp * hp, axis=0, keepdims=True)], axis=0)

  return pl.pallas_call(
      body,
      grid=(NBLK,),
      in_specs=[
          pl.BlockSpec((NC, RB, DC), lambda i: (0, i, 0)),
          pl.BlockSpec((NC, RB, D_OUT), lambda i: (0, i, 0)),
          pl.BlockSpec((RB, D_OUT), lambda i: (i, 0)),
          pl.BlockSpec((1, D_OUT), lambda i: (0, 0)),
      ],
      out_specs=[
          pl.BlockSpec((RB, D_OUT), lambda i: (i, 0)),
          pl.BlockSpec((2, D_OUT), lambda i: (0, 0)),
      ],
      out_shape=[
          jax.ShapeDtypeStruct((N, D_OUT), jnp.float32),
          jax.ShapeDtypeStruct((2, D_OUT), jnp.float32),
      ],
  )(P, Q, hr2, b2)


def _tc2b(h2_pre, stats, g2, be2, As, Ad):

  def body(hp_ref, st_ref, g_ref, be_ref, as_ref, ad_ref,
           h2_ref, es_ref, ed_ref):
    m = st_ref[0:1, :] * (1.0 / N)
    v = st_ref[1:2, :] * (1.0 / N) - m * m
    inv = g_ref[...] * lax.rsqrt(v + 1e-5)
    h2 = jnp.maximum((hp_ref[...] - m) * inv + be_ref[...], 0.0)
    h2_ref[...] = h2
    es_ref[...] = jnp.dot(h2, as_ref[...], preferred_element_type=jnp.float32)
    ed_ref[...] = jnp.dot(h2, ad_ref[...], preferred_element_type=jnp.float32)

  return pl.pallas_call(
      body,
      grid=(NBLK,),
      in_specs=[
          pl.BlockSpec((RB, D_OUT), lambda i: (i, 0)),
          pl.BlockSpec((2, D_OUT), lambda i: (0, 0)),
          pl.BlockSpec((1, D_OUT), lambda i: (0, 0)),
          pl.BlockSpec((1, D_OUT), lambda i: (0, 0)),
          pl.BlockSpec((D_OUT, 16), lambda i: (0, 0)),
          pl.BlockSpec((D_OUT, 16), lambda i: (0, 0)),
      ],
      out_specs=[
          pl.BlockSpec((RB, D_OUT), lambda i: (i, 0)),
          pl.BlockSpec((RB, 16), lambda i: (i, 0)),
          pl.BlockSpec((RB, 16), lambda i: (i, 0)),
      ],
      out_shape=[
          jax.ShapeDtypeStruct((N, D_OUT), jnp.float32),
          jax.ShapeDtypeStruct((N, 16), jnp.float32),
          jax.ShapeDtypeStruct((N, 16), jnp.float32),
      ],
  )(h2_pre, stats, g2, be2, As, Ad)


def _tc_hg(h2, W_gat):

  def body(h2_ref, wg_ref, hg_ref):
    hg = jnp.dot(h2_ref[...], wg_ref[...],
                 preferred_element_type=jnp.float32).astype(jnp.bfloat16)
    hg_ref[...] = hg

  return pl.pallas_call(
      body,
      grid=(NBLK,),
      in_specs=[
          pl.BlockSpec((RB, D_OUT), lambda i: (i, 0)),
          pl.BlockSpec((D_OUT, HEADS * D_OUT), lambda i: (0, 0)),
      ],
      out_specs=pl.BlockSpec((RB, HEADS * D_OUT), lambda i: (i, 0)),
      out_shape=jax.ShapeDtypeStruct((N, HEADS * D_OUT), jnp.bfloat16),
  )(h2, W_gat)


def _tc_invd(den):

  def body(d_ref, o_ref):
    o_ref[...] = 1.0 / jnp.maximum(d_ref[0] + d_ref[1], 1e-16)

  return pl.pallas_call(
      body,
      grid=(NBLK,),
      in_specs=[pl.BlockSpec((NC, RB, 16), lambda i: (0, i, 0))],
      out_specs=pl.BlockSpec((RB, 16), lambda i: (i, 0)),
      out_shape=jax.ShapeDtypeStruct((N, 16), jnp.float32),
  )(den)


def _tc3(A, b_gat):

  def body(a_ref, b_ref, o_ref):
    i = pl.program_id(0)

    @pl.when(i == 0)
    def _():
      o_ref[...] = jnp.zeros_like(o_ref)

    blk = jnp.maximum((a_ref[0] + a_ref[1]) * (1.0 / HEADS) + b_ref[...], 0.0)
    o_ref[...] += jnp.sum(blk, axis=0, keepdims=True) * (1.0 / N)

  return pl.pallas_call(
      body,
      grid=(NBLK,),
      in_specs=[
          pl.BlockSpec((NC, RB, D_OUT), lambda i: (0, i, 0)),
          pl.BlockSpec((1, D_OUT), lambda i: (0, 0)),
      ],
      out_specs=pl.BlockSpec((1, D_OUT), lambda i: (0, 0)),
      out_shape=jax.ShapeDtypeStruct((1, D_OUT), jnp.float32),
  )(A, b_gat)


_sc_segsum_xc = _make_sc_segsum(DC, B2, ITERS2, jnp.bfloat16)
_sc_segsum_p2 = _make_sc_segsum(D_OUT, B2, ITERS2, jnp.bfloat16)


def kernel(x, edge_index, W_l1, W_r1, b1, g1, be1, W_l2, W_r2, b2, g2, be2,
           W_gat, a_src, a_dst, b_gat):
  src_blk = edge_index[0].reshape(NW, ITERS, B)
  dst_blk = edge_index[1].reshape(NW, ITERS, B)
  src_b2 = edge_index[0].reshape(NW, ITERS2, B2)
  dst_b2 = edge_index[1].reshape(NW, ITERS2, B2)
  x_aug = jnp.concatenate(
      [x.astype(jnp.bfloat16), jnp.ones((N, 32), jnp.bfloat16)], axis=1)
  zDC = jnp.zeros((NP, DC), jnp.bfloat16)
  z128b = jnp.zeros((NP, D_OUT), jnp.bfloat16)
  z128 = jnp.zeros((NP, D_OUT), jnp.float32)
  z16 = jnp.zeros((NP, 16), jnp.float32)
  Wg3 = W_gat.reshape(D_OUT, HEADS, D_OUT)
  As = jnp.einsum('khd,hd->kh', Wg3, a_src)
  Ad = jnp.einsum('khd,hd->kh', Wg3, a_dst)
  pad = jnp.zeros((D_OUT, 16 - HEADS), jnp.float32)
  As = jnp.concatenate([As, pad], axis=1)
  Ad = jnp.concatenate([Ad, pad], axis=1)

  P = _sc_segsum_xc(x_aug, src_b2, dst_b2, zDC)
  h_pre, st1 = _tc1a(P, x, W_l1, W_r1, b1.reshape(1, D_HID))
  p2, hr2 = _tc1b(h_pre, st1, g1.reshape(1, D_HID), be1.reshape(1, D_HID),
                  W_l2, W_r2)
  Q = _sc_segsum_p2(p2, src_b2, dst_b2, z128b)
  h2_pre, st2 = _tc2a(P, Q, hr2, b2.reshape(1, D_OUT))
  h2, es, ed = _tc2b(h2_pre, st2, g2.reshape(1, D_OUT), be2.reshape(1, D_OUT),
                     As, Ad)
  den, w_e = _sc_attn_weights(es, ed, z16, src_b2, dst_b2)
  hg = _tc_hg(h2, W_gat)
  hg_i32 = lax.bitcast_convert_type(
      hg.reshape(N, HEADS * D_OUT // 2, 2), jnp.int32)
  invd = _tc_invd(den)
  src_g = edge_index[0].reshape(NW, ITERS_G, BG)
  dst_g = edge_index[1].reshape(NW, ITERS_G, BG)
  w_g = w_e.reshape(NW, ITERS_G, BG, 16)
  A = _sc_gat_aggregate(hg_i32, invd, w_g, z128, src_g, dst_g)
  bg_perm = b_gat.reshape(4, 16, 2).transpose(0, 2, 1).reshape(1, D_OUT)
  out_perm = _tc3(A, bg_perm)
  return out_perm.reshape(1, 4, 2, 16).transpose(0, 1, 3, 2).reshape(
      1, D_OUT)

# --- scband reference (transcript-rebuilt; emitter-appended) ---
"""Pipeline reference for scband-graph-network-78134045049078 (READ-ONLY COPY).

The authoritative reference and input builder live on the scoring server;
editing this copy changes nothing except your own understanding.
"""

import jax, jax.numpy as jnp
import numpy as np

N = 10000
E = 320000
D_IN = 128
D_HID = 256
D_OUT = 128
HEADS = 4


def setup_inputs(seed: int = 0) -> dict:
    key = jax.random.key(seed)
    ks = jax.random.split(key, 20)
    x = jax.random.normal(ks[0], (N, D_IN), dtype=jnp.float32)
    edge_index = jax.random.randint(ks[1], (2, E), 0, N, dtype=jnp.int32)
    s1 = 1.0 / np.sqrt(D_IN)
    s2 = 1.0 / np.sqrt(D_HID)
    s3 = 1.0 / np.sqrt(D_OUT)
    return {
        'x': x,
        'edge_index': edge_index,
        'W_l1': jax.random.normal(ks[2], (D_IN, D_HID), jnp.float32) * s1,
        'W_r1': jax.random.normal(ks[3], (D_IN, D_HID), jnp.float32) * s1,
        'b1': jnp.zeros((D_HID,), jnp.float32),
        'g1': jnp.ones((D_HID,), jnp.float32),
        'be1': jnp.zeros((D_HID,), jnp.float32),
        'W_l2': jax.random.normal(ks[4], (D_HID, D_OUT), jnp.float32) * s2,
        'W_r2': jax.random.normal(ks[5], (D_HID, D_OUT), jnp.float32) * s2,
        'b2': jnp.zeros((D_OUT,), jnp.float32),
        'g2': jnp.ones((D_OUT,), jnp.float32),
        'be2': jnp.zeros((D_OUT,), jnp.float32),
        'W_gat': jax.random.normal(ks[6], (D_OUT, HEADS * D_OUT), jnp.float32) * s3,
        'a_src': jax.random.normal(ks[7], (HEADS, D_OUT), jnp.float32) * s3,
        'a_dst': jax.random.normal(ks[8], (HEADS, D_OUT), jnp.float32) * s3,
        'b_gat': jnp.zeros((D_OUT,), jnp.float32),
    }


def _seg_mean(vals, seg, n):
    s = jax.ops.segment_sum(vals, seg, num_segments=n)
    cnt = jax.ops.segment_sum(jnp.ones((seg.shape[0], 1), vals.dtype), seg, num_segments=n)
    return s / jnp.maximum(cnt, 1.0)


def _bn(h, g, b):
    m = h.mean(axis=0)
    v = h.var(axis=0)
    return (h - m) / jnp.sqrt(v + 1e-5) * g + b


def reference(x, edge_index, W_l1, W_r1, b1, g1, be1, W_l2, W_r2, b2, g2, be2, W_gat, a_src, a_dst, b_gat):
    src = edge_index[0]
    dst = edge_index[1]
    # SAGEConv layer 1 (mean aggregation): lin_l(aggr) + lin_r(x)
    agg = _seg_mean(x[src], dst, N)
    h = agg @ W_l1 + x @ W_r1 + b1
    h = jax.nn.relu(_bn(h, g1, be1))
    # dropout: inference mode (identity)
    # SAGEConv layer 2
    agg2 = _seg_mean(h[src], dst, N)
    h2 = agg2 @ W_l2 + h @ W_r2 + b2
    h2 = jax.nn.relu(_bn(h2, g2, be2))
    # GATConv, 4 heads, concat=False (mean over heads)
    hg = (h2 @ W_gat).reshape(N, HEADS, D_OUT)
    e_s = (hg * a_src[None, :, :]).sum(-1)  # [N, H]
    e_d = (hg * a_dst[None, :, :]).sum(-1)
    e = jax.nn.leaky_relu(e_s[src] + e_d[dst], negative_slope=0.2)  # [E, H]
    mx = jax.ops.segment_max(e, dst, num_segments=N)
    mx = jnp.where(jnp.isfinite(mx), mx, 0.0)
    ex = jnp.exp(e - mx[dst])
    denom = jax.ops.segment_sum(ex, dst, num_segments=N)
    alpha = ex / jnp.maximum(denom[dst], 1e-16)
    out = jax.ops.segment_sum(hg[src] * alpha[:, :, None], dst, num_segments=N)  # [N, H, C]
    out = out.mean(axis=1) + b_gat
    out = jax.nn.relu(out)
    return out.mean(axis=0, keepdims=True)

if __name__ == "__main__":
    import jax
    _d = setup_inputs()
    print(jax.jit(kernel)(*tuple(_d.values())))

</pallas_src>

<mosaic_0001>
#map = affine_map<(d0, d1) -> (0, 0)>
#map1 = affine_map<(d0, d1) -> (0, 0, 0, 0)>
#map2 = affine_map<(d0, d1) -> (0, 0, 0)>
module attributes {stable_mosaic.version = 14 : i64} {
  func.func @k(%arg0: i32, %arg1: i32, %arg2: memref<10000x256xi32, #tpu.memory_space<hbm>>, %arg3: memref<10000x16xf32, #tpu.memory_space<hbm>>, %arg4: memref<32x250x40x16xf32, #tpu.memory_space<hbm>>, %arg5: memref<10240x128xf32, #tpu.memory_space<hbm>>, %arg6: memref<32x250x40xi32, #tpu.memory_space<hbm>>, %arg7: memref<32x250x40xi32, #tpu.memory_space<hbm>>, %arg8: memref<2x10240x128xf32, #tpu.memory_space<hbm>>, %arg9: memref<250x40xi32, #tpu.memory_space<vmem>>, %arg10: memref<250x40xi32, #tpu.memory_space<vmem>>, %arg11: memref<2x40x256xi32, #tpu.memory_space<vmem>>, %arg12: memref<2x40x16xf32, #tpu.memory_space<vmem>>, %arg13: memref<2x40x16xf32, #tpu.memory_space<vmem>>, %arg14: memref<40x128xf32, #tpu.memory_space<vmem>>, %arg15: memref<10240x128xf32, #tpu.memory_space<vmem_shared>>, %arg16: memref<!tpu.dma_semaphore, #tpu.memory_space<semaphore_mem>>, %arg17: memref<!tpu.dma_semaphore, #tpu.memory_space<semaphore_mem>>, %arg18: memref<!tpu.dma_semaphore, #tpu.memory_space<semaphore_mem>>, %arg19: memref<!tpu.dma_semaphore, #tpu.memory_space<semaphore_mem>>, %arg20: memref<!tpu.dma_semaphore, #tpu.memory_space<semaphore_mem>>, %arg21: memref<!tpu.dma_semaphore, #tpu.memory_space<semaphore_mem>>) attributes {dimension_semantics = [#tpu.dimension_semantics<core_parallel>, #tpu.dimension_semantics<subcore_parallel>], iteration_bounds = array<i64: 2, 16>, scalar_prefetch = 0 : i64, scratch_operands = 13 : i64, tpu.core_type = #tpu.core_type<sc_vector_subcore>, window_params = [{transform_indices = #map}, {transform_indices = #map}, {transform_indices = #map1}, {transform_indices = #map}, {transform_indices = #map2}, {transform_indices = #map2}, {transform_indices = #map2}]} {
    %mul3A = arith.constant 16 : i32
    %mul3A_0 = arith.muli %arg0, %mul3A : i32
    %add3A = arith.addi %mul3A_0, %arg1 : i32
    %mul3A_1 = arith.constant 640 : i32
    %mul3A_2 = arith.muli %arg1, %mul3A_1 : i32
    "tpu.region"() ({
      %run_scoped3A = tpu.sem_alloc : memref<!tpu.dma_semaphore, #tpu.memory_space<semaphore_mem>>
      %dma_start3A_91 = arith.constant 0 : i32
      %dma_start3A_92 = tpu.memref_slice %arg15[%mul3A_2, %dma_start3A_91] : memref<10240x128xf32, #tpu.memory_space<vmem_shared>> -> memref<640x128xf32, #tpu.memory_space<vmem_shared>>
      %dma_start3A_93 = arith.constant 0 : i32
      %dma_start3A_94 = tpu.memref_slice %arg5[%mul3A_2, %dma_start3A_93] : memref<10240x128xf32, #tpu.memory_space<hbm>> -> memref<640x128xf32, #tpu.memory_space<hbm>>
      tpu.enqueue_dma source(%dma_start3A_94 : memref<640x128xf32, #tpu.memory_space<hbm>>) target(%dma_start3A_92 : memref<640x128xf32, #tpu.memory_space<vmem_shared>>) target_semaphore(%run_scoped3A : memref<!tpu.dma_semaphore, #tpu.memory_space<semaphore_mem>>)
      %dma_wait3A_95 = arith.constant 0 : i32
      %dma_wait3A_96 = tpu.memref_slice %arg15[%mul3A_2, %dma_wait3A_95] : memref<10240x128xf32, #tpu.memory_space<vmem_shared>> -> memref<640x128xf32, #tpu.memory_space<vmem_shared>>
      %dma_wait3A_97 = arith.constant 0 : i32
      %dma_wait3A_98 = tpu.memref_slice %arg5[%mul3A_2, %dma_wait3A_97] : memref<10240x128xf32, #tpu.memory_space<hbm>> -> memref<640x128xf32, #tpu.memory_space<hbm>>
      tpu.wait_dma2 semaphore(%run_scoped3A : memref<!tpu.dma_semaphore, #tpu.memory_space<semaphore_mem>>) src(%dma_wait3A_98 : memref<640x128xf32, #tpu.memory_space<hbm>>) dst(%dma_wait3A_96 : memref<640x128xf32, #tpu.memory_space<vmem_shared>>)
      tpu.yield
    }) : () -> ()
    %barrier3A = arith.constant 0 : index
    tpu.barrier barrier_id(%barrier3A)
    "tpu.region"() ({
      %run_scoped3A = tpu.sem_alloc : memref<!tpu.dma_semaphore, #tpu.memory_space<semaphore_mem>>
      %dma_start3A_91 = arith.constant 0 : i32
      %dma_start3A_92 = arith.constant 0 : i32
      %dma_start3A_93 = tpu.memref_slice %arg6[%add3A, %dma_start3A_91, %dma_start3A_92] : memref<32x250x40xi32, #tpu.memory_space<hbm>> -> memref<1x250x40xi32, #tpu.memory_space<hbm>>
      %dma_start3A_94 = tpu.memref_squeeze %dma_start3A_93 : memref<1x250x40xi32, #tpu.memory_space<hbm>> -> memref<250x40xi32, #tpu.memory_space<hbm>>
      %dma_start3A_95 = arith.constant 0 : i32
      %dma_start3A_96 = arith.constant 0 : i32
      %dma_start3A_97 = tpu.memref_slice %arg6[%add3A, %dma_start3A_95, %dma_start3A_96] : memref<32x250x40xi32, #tpu.memory_space<hbm>> -> memref<1x250x40xi32, #tpu.memory_space<hbm>>
      %dma_start3A_98 = tpu.memref_squeeze %dma_start3A_97 : memref<1x250x40xi32, #tpu.memory_space<hbm>> -> memref<250x40xi32, #tpu.memory_space<hbm>>
      tpu.enqueue_dma source(%dma_start3A_98 : memref<250x40xi32, #tpu.memory_space<hbm>>) target(%arg9 : memref<250x40xi32, #tpu.memory_space<vmem>>) target_semaphore(%run_scoped3A : memref<!tpu.dma_semaphore, #tpu.memory_space<semaphore_mem>>)
      %dma_wait3A_99 = arith.constant 0 : i32
      %dma_wait3A_100 = arith.constant 0 : i32
      %dma_wait3A_101 = tpu.memref_slice %arg6[%add3A, %dma_wait3A_99, %dma_wait3A_100] : memref<32x250x40xi32, #tpu.memory_space<hbm>> -> memref<1x250x40xi32, #tpu.memory_space<hbm>>
      %dma_wait3A_102 = tpu.memref_squeeze %dma_wait3A_101 : memref<1x250x40xi32, #tpu.memory_space<hbm>> -> memref<250x40xi32, #tpu.memory_space<hbm>>
      %dma_wait3A_103 = arith.constant 0 : i32
      %dma_wait3A_104 = arith.constant 0 : i32
      %dma_wait3A_105 = tpu.memref_slice %arg6[%add3A, %dma_wait3A_103, %dma_wait3A_104] : memref<32x250x40xi32, #tpu.memory_space<hbm>> -> memref<1x250x40xi32, #tpu.memory_space<hbm>>
      %dma_wait3A_106 = tpu.memref_squeeze %dma_wait3A_105 : memref<1x250x40xi32, #tpu.memory_space<hbm>> -> memref<250x40xi32, #tpu.memory_space<hbm>>
      tpu.wait_dma2 semaphore(%run_scoped3A : memref<!tpu.dma_semaphore, #tpu.memory_space<semaphore_mem>>) src(%dma_wait3A_106 : memref<250x40xi32, #tpu.memory_space<hbm>>) dst(%arg9 : memref<250x40xi32, #tpu.memory_space<vmem>>)
      tpu.yield
    }) : () -> ()
    "tpu.region"() ({
      %run_scoped3A = tpu.sem_alloc : memref<!tpu.dma_semaphore, #tpu.memory_space<semaphore_mem>>
      %dma_start3A_91 = arith.constant 0 : i32
      %dma_start3A_92 = arith.constant 0 : i32
      %dma_start3A_93 = tpu.memref_slice %arg7[%add3A, %dma_start3A_91, %dma_start3A_92] : memref<32x250x40xi32, #tpu.memory_space<hbm>> -> memref<1x250x40xi32, #tpu.memory_space<hbm>>
      %dma_start3A_94 = tpu.memref_squeeze %dma_start3A_93 : memref<1x250x40xi32, #tpu.memory_space<hbm>> -> memref<250x40xi32, #tpu.memory_space<hbm>>
      %dma_start3A_95 = arith.constant 0 : i32
      %dma_start3A_96 = arith.constant 0 : i32
      %dma_start3A_97 = tpu.memref_slice %arg7[%add3A, %dma_start3A_95, %dma_start3A_96] : memref<32x250x40xi32, #tpu.memory_space<hbm>> -> memref<1x250x40xi32, #tpu.memory_space<hbm>>
      %dma_start3A_98 = tpu.memref_squeeze %dma_start3A_97 : memref<1x250x40xi32, #tpu.memory_space<hbm>> -> memref<250x40xi32, #tpu.memory_space<hbm>>
      tpu.enqueue_dma source(%dma_start3A_98 : memref<250x40xi32, #tpu.memory_space<hbm>>) target(%arg10 : memref<250x40xi32, #tpu.memory_space<vmem>>) target_semaphore(%run_scoped3A : memref<!tpu.dma_semaphore, #tpu.memory_space<semaphore_mem>>)
      %dma_wait3A_99 = arith.constant 0 : i32
      %dma_wait3A_100 = arith.constant 0 : i32
      %dma_wait3A_101 = tpu.memref_slice %arg7[%add3A, %dma_wait3A_99, %dma_wait3A_100] : memref<32x250x40xi32, #tpu.memory_space<hbm>> -> memref<1x250x40xi32, #tpu.memory_space<hbm>>
      %dma_wait3A_102 = tpu.memref_squeeze %dma_wait3A_101 : memref<1x250x40xi32, #tpu.memory_space<hbm>> -> memref<250x40xi32, #tpu.memory_space<hbm>>
      %dma_wait3A_103 = arith.constant 0 : i32
      %dma_wait3A_104 = arith.constant 0 : i32
      %dma_wait3A_105 = tpu.memref_slice %arg7[%add3A, %dma_wait3A_103, %dma_wait3A_104] : memref<32x250x40xi32, #tpu.memory_space<hbm>> -> memref<1x250x40xi32, #tpu.memory_space<hbm>>
      %dma_wait3A_106 = tpu.memref_squeeze %dma_wait3A_105 : memref<1x250x40xi32, #tpu.memory_space<hbm>> -> memref<250x40xi32, #tpu.memory_space<hbm>>
      tpu.wait_dma2 semaphore(%run_scoped3A : memref<!tpu.dma_semaphore, #tpu.memory_space<semaphore_mem>>) src(%dma_wait3A_106 : memref<250x40xi32, #tpu.memory_space<hbm>>) dst(%arg10 : memref<250x40xi32, #tpu.memory_space<vmem>>)
      tpu.yield
    }) : () -> ()
    %dma_start3A = arith.constant 0 : i32
    %dma_start3A_3 = arith.constant 0 : i32
    %dma_start3A_4 = arith.constant 0 : i32
    %dma_start3A_5 = arith.constant 0 : i32
    %dma_start3A_6 = tpu.memref_slice %arg11[%dma_start3A_3, %dma_start3A_4, %dma_start3A_5] : memref<2x40x256xi32, #tpu.memory_space<vmem>> -> memref<1x40x256xi32, #tpu.memory_space<vmem>>
    %dma_start3A_7 = tpu.memref_squeeze %dma_start3A_6 : memref<1x40x256xi32, #tpu.memory_space<vmem>> -> memref<40x256xi32, #tpu.memory_space<vmem>>
    %dma_start3A_8 = arith.constant 0 : i32
    %dma_start3A_9 = tpu.memref_slice %arg9[%dma_start3A, %dma_start3A_8] : memref<250x40xi32, #tpu.memory_space<vmem>> -> memref<1x40xi32, #tpu.memory_space<vmem>>
    %dma_start3A_10 = tpu.memref_squeeze %dma_start3A_9 : memref<1x40xi32, #tpu.memory_space<vmem>> -> memref<40xi32, #tpu.memory_space<vmem>>
    %dma_start3A_11 = arith.constant 0 : i32
    %dma_start3A_12 = arith.constant 0 : i32
    %dma_start3A_13 = tpu.memref_slice %arg2[%dma_start3A_11, %dma_start3A_12] : memref<10000x256xi32, #tpu.memory_space<hbm>> -> memref<10000x256xi32, #tpu.memory_space<hbm>>
    tpu.enqueue_indirect_dma source(%dma_start3A_13 : memref<10000x256xi32, #tpu.memory_space<hbm>>) target(%dma_start3A_7 : memref<40x256xi32, #tpu.memory_space<vmem>>) offsets(%dma_start3A_10 : memref<40xi32, #tpu.memory_space<vmem>>) semaphore(%arg16 : memref<!tpu.dma_semaphore, #tpu.memory_space<semaphore_mem>>)
    %dma_start3A_14 = arith.constant 0 : i32
    %dma_start3A_15 = arith.constant 0 : i32
    %dma_start3A_16 = arith.constant 0 : i32
    %dma_start3A_17 = arith.constant 0 : i32
    %dma_start3A_18 = tpu.memref_slice %arg12[%dma_start3A_15, %dma_start3A_16, %dma_start3A_17] : memref<2x40x16xf32, #tpu.memory_space<vmem>> -> memref<1x40x16xf32, #tpu.memory_space<vmem>>
    %dma_start3A_19 = tpu.memref_squeeze %dma_start3A_18 : memref<1x40x16xf32, #tpu.memory_space<vmem>> -> memref<40x16xf32, #tpu.memory_space<vmem>>
    %dma_start3A_20 = arith.constant 0 : i32
    %dma_start3A_21 = tpu.memref_slice %arg10[%dma_start3A_14, %dma_start3A_20] : memref<250x40xi32, #tpu.memory_space<vmem>> -> memref<1x40xi32, #tpu.memory_space<vmem>>
    %dma_start3A_22 = tpu.memref_squeeze %dma_start3A_21 : memref<1x40xi32, #tpu.memory_space<vmem>> -> memref<40xi32, #tpu.memory_space<vmem>>
    %dma_start3A_23 = arith.constant 0 : i32
    %dma_start3A_24 = arith.constant 0 : i32
    %dma_start3A_25 = tpu.memref_slice %arg3[%dma_start3A_23, %dma_start3A_24] : memref<10000x16xf32, #tpu.memory_space<hbm>> -> memref<10000x16xf32, #tpu.memory_space<hbm>>
    tpu.enqueue_indirect_dma source(%dma_start3A_25 : memref<10000x16xf32, #tpu.memory_space<hbm>>) target(%dma_start3A_19 : memref<40x16xf32, #tpu.memory_space<vmem>>) offsets(%dma_start3A_22 : memref<40xi32, #tpu.memory_space<vmem>>) semaphore(%arg18 : memref<!tpu.dma_semaphore, #tpu.memory_space<semaphore_mem>>)
    %dma_start3A_26 = arith.constant 0 : i32
    %dma_start3A_27 = arith.constant 0 : i32
    %dma_start3A_28 = arith.constant 0 : i32
    %dma_start3A_29 = arith.constant 0 : i32
    %dma_start3A_30 = tpu.memref_slice %arg13[%dma_start3A_27, %dma_start3A_28, %dma_start3A_29] : memref<2x40x16xf32, #tpu.memory_space<vmem>> -> memref<1x40x16xf32, #tpu.memory_space<vmem>>
    %dma_start3A_31 = tpu.memref_squeeze %dma_start3A_30 : memref<1x40x16xf32, #tpu.memory_space<vmem>> -> memref<40x16xf32, #tpu.memory_space<vmem>>
    %dma_start3A_32 = arith.constant 0 : i32
    %dma_start3A_33 = arith.constant 0 : i32
    %dma_start3A_34 = tpu.memref_slice %arg4[%add3A, %dma_start3A_26, %dma_start3A_32, %dma_start3A_33] : memref<32x250x40x16xf32, #tpu.memory_space<hbm>> -> memref<1x1x40x16xf32, #tpu.memory_space<hbm>>
    %dma_start3A_35 = tpu.memref_squeeze %dma_start3A_34 : memref<1x1x40x16xf32, #tpu.memory_space<hbm>> -> memref<40x16xf32, #tpu.memory_space<hbm>>
    %dma_start3A_36 = arith.constant 0 : i32
    %dma_start3A_37 = arith.constant 0 : i32
    %dma_start3A_38 = tpu.memref_slice %arg13[%dma_start3A_27, %dma_start3A_36, %dma_start3A_37] : memref<2x40x16xf32, #tpu.memory_space<vmem>> -> memref<1x40x16xf32, #tpu.memory_space<vmem>>
    %dma_start3A_39 = tpu.memref_squeeze %dma_start3A_38 : memref<1x40x16xf32, #tpu.memory_space<vmem>> -> memref<40x16xf32, #tpu.memory_space<vmem>>
    %dma_start3A_40 = arith.constant 0 : i32
    %dma_start3A_41 = arith.constant 0 : i32
    %dma_start3A_42 = tpu.memref_slice %arg4[%add3A, %dma_start3A_26, %dma_start3A_40, %dma_start3A_41] : memref<32x250x40x16xf32, #tpu.memory_space<hbm>> -> memref<1x1x40x16xf32, #tpu.memory_space<hbm>>
    %dma_start3A_43 = tpu.memref_squeeze %dma_start3A_42 : memref<1x1x40x16xf32, #tpu.memory_space<hbm>> -> memref<40x16xf32, #tpu.memory_space<hbm>>
    tpu.enqueue_dma source(%dma_start3A_43 : memref<40x16xf32, #tpu.memory_space<hbm>>) target(%dma_start3A_39 : memref<40x16xf32, #tpu.memory_space<vmem>>) target_semaphore(%arg20 : memref<!tpu.dma_semaphore, #tpu.memory_space<semaphore_mem>>)
    %scan3A = arith.constant 0 : i32
    %scan3A_44 = arith.constant 0 : i32
    %scan3A_45 = arith.constant 250 : i32
    %scan3A_46 = arith.addi %scan3A_44, %scan3A_45 : i32
    %scan3A_47 = arith.constant 1 : i32
    scf.for %scan3A_91 = %scan3A_44 to %scan3A_46 step %scan3A_47  : i32 {
      %add3A_92 = arith.constant 1 : i32
      %add3A_93 = arith.addi %scan3A_91, %add3A_92 : i32
      %min3A = arith.constant 249 : i32
      %min3A_94 = arith.minsi %add3A_93, %min3A : i32
      %jit3A = arith.constant 2 : i32
      %eq3A = arith.constant 0 : i32
      %eq3A_95 = arith.cmpi eq, %jit3A, %eq3A : i32
      %jit3A_96 = arith.constant 1 : i32
      %select_n3A = arith.select %eq3A_95, %jit3A_96, %jit3A : i32
      %rem3A = arith.remsi %scan3A_91, %select_n3A : i32
      %ne3A = arith.constant 0 : i32
      %ne3A_97 = arith.cmpi ne, %rem3A, %ne3A : i32
      %lt3A = arith.constant 0 : i32
      %lt3A_98 = arith.cmpi slt, %rem3A, %lt3A : i32
      %lt3A_99 = arith.constant 0 : i32
      %lt3A_100 = arith.cmpi slt, %select_n3A, %lt3A_99 : i32
      %ne3A_101 = arith.xori %lt3A_98, %lt3A_100 : i1
      %and3A = arith.andi %ne3A_101, %ne3A_97 : i1
      %add3A_102 = arith.addi %rem3A, %select_n3A : i32
      %select_n3A_103 = arith.select %and3A, %add3A_102, %rem3A : i32
      %eq3A_104 = arith.constant 0 : i32
      %eq3A_105 = arith.cmpi eq, %select_n3A_103, %eq3A_104 : i32
      %convert_element_type3A = arith.extui %eq3A_105 : i1 to i32
      %cond3A = arith.constant 0 : i32
      %cond3A_106 = arith.cmpi ne, %convert_element_type3A, %cond3A : i32
      scf.if %cond3A_106 {
        %dma_start3A_128 = arith.constant 1 : i32
        %dma_start3A_129 = arith.constant 0 : i32
        %dma_start3A_130 = arith.constant 0 : i32
        %dma_start3A_131 = tpu.memref_slice %arg11[%dma_start3A_128, %dma_start3A_129, %dma_start3A_130] : memref<2x40x256xi32, #tpu.memory_space<vmem>> -> memref<1x40x256xi32, #tpu.memory_space<vmem>>
        %dma_start3A_132 = tpu.memref_squeeze %dma_start3A_131 : memref<1x40x256xi32, #tpu.memory_space<vmem>> -> memref<40x256xi32, #tpu.memory_space<vmem>>
        %dma_start3A_133 = arith.constant 0 : i32
        %dma_start3A_134 = tpu.memref_slice %arg9[%min3A_94, %dma_start3A_133] : memref<250x40xi32, #tpu.memory_space<vmem>> -> memref<1x40xi32, #tpu.memory_space<vmem>>
        %dma_start3A_135 = tpu.memref_squeeze %dma_start3A_134 : memref<1x40xi32, #tpu.memory_space<vmem>> -> memref<40xi32, #tpu.memory_space<vmem>>
        %dma_start3A_136 = arith.constant 0 : i32
        %dma_start3A_137 = arith.constant 0 : i32
        %dma_start3A_138 = tpu.memref_slice %arg2[%dma_start3A_136, %dma_start3A_137] : memref<10000x256xi32, #tpu.memory_space<hbm>> -> memref<10000x256xi32, #tpu.memory_space<hbm>>
        tpu.enqueue_indirect_dma source(%dma_start3A_138 : memref<10000x256xi32, #tpu.memory_space<hbm>>) target(%dma_start3A_132 : memref<40x256xi32, #tpu.memory_space<vmem>>) offsets(%dma_start3A_135 : memref<40xi32, #tpu.memory_space<vmem>>) semaphore(%arg17 : memref<!tpu.dma_semaphore, #tpu.memory_space<semaphore_mem>>)
        %dma_start3A_139 = arith.constant 1 : i32
        %dma_start3A_140 = arith.constant 0 : i32
        %dma_start3A_141 = arith.constant 0 : i32
        %dma_start3A_142 = tpu.memref_slice %arg12[%dma_start3A_139, %dma_start3A_140, %dma_start3A_141] : memref<2x40x16xf32, #tpu.memory_space<vmem>> -> memref<1x40x16xf32, #tpu.memory_space<vmem>>
        %dma_start3A_143 = tpu.memref_squeeze %dma_start3A_142 : memref<1x40x16xf32, #tpu.memory_space<vmem>> -> memref<40x16xf32, #tpu.memory_space<vmem>>
        %dma_start3A_144 = arith.constant 0 : i32
        %dma_start3A_145 = tpu.memref_slice %arg10[%min3A_94, %dma_start3A_144] : memref<250x40xi32, #tpu.memory_space<vmem>> -> memref<1x40xi32, #tpu.memory_space<vmem>>
        %dma_start3A_146 = tpu.memref_squeeze %dma_start3A_145 : memref<1x40xi32, #tpu.memory_space<vmem>> -> memref<40xi32, #tpu.memory_space<vmem>>
        %dma_start3A_147 = arith.constant 0 : i32
        %dma_start3A_148 = arith.constant 0 : i32
        %dma_start3A_149 = tpu.memref_slice %arg3[%dma_start3A_147, %dma_start3A_148] : memref<10000x16xf32, #tpu.memory_space<hbm>> -> memref<10000x16xf32, #tpu.memory_space<hbm>>
        tpu.enqueue_indirect_dma source(%dma_start3A_149 : memref<10000x16xf32, #tpu.memory_space<hbm>>) target(%dma_start3A_143 : memref<40x16xf32, #tpu.memory_space<vmem>>) offsets(%dma_start3A_146 : memref<40xi32, #tpu.memory_space<vmem>>) semaphore(%arg19 : memref<!tpu.dma_semaphore, #tpu.memory_space<semaphore_mem>>)
        %dma_start3A_150 = arith.constant 1 : i32
        %dma_start3A_151 = arith.constant 0 : i32
        %dma_start3A_152 = arith.constant 0 : i32
        %dma_start3A_153 = tpu.memref_slice %arg13[%dma_start3A_150, %dma_start3A_151, %dma_start3A_152] : memref<2x40x16xf32, #tpu.memory_space<vmem>> -> memref<1x40x16xf32, #tpu.memory_space<vmem>>
        %dma_start3A_154 = tpu.memref_squeeze %dma_start3A_153 : memref<1x40x16xf32, #tpu.memory_space<vmem>> -> memref<40x16xf32, #tpu.memory_space<vmem>>
        %dma_start3A_155 = arith.constant 0 : i32
        %dma_start3A_156 = arith.constant 0 : i32
        %dma_start3A_157 = tpu.memref_slice %arg4[%add3A, %min3A_94, %dma_start3A_155, %dma_start3A_156] : memref<32x250x40x16xf32, #tpu.memory_space<hbm>> -> memref<1x1x40x16xf32, #tpu.memory_space<hbm>>
        %dma_start3A_158 = tpu.memref_squeeze %dma_start3A_157 : memref<1x1x40x16xf32, #tpu.memory_space<hbm>> -> memref<40x16xf32, #tpu.memory_space<hbm>>
        %dma_start3A_159 = arith.constant 0 : i32
        %dma_start3A_160 = arith.constant 0 : i32
        %dma_start3A_161 = tpu.memref_slice %arg13[%dma_start3A_150, %dma_start3A_159, %dma_start3A_160] : memref<2x40x16xf32, #tpu.memory_space<vmem>> -> memref<1x40x16xf32, #tpu.memory_space<vmem>>
        %dma_start3A_162 = tpu.memref_squeeze %dma_start3A_161 : memref<1x40x16xf32, #tpu.memory_space<vmem>> -> memref<40x16xf32, #tpu.memory_space<vmem>>
        %dma_start3A_163 = arith.constant 0 : i32
        %dma_start3A_164 = arith.constant 0 : i32
        %dma_start3A_165 = tpu.memref_slice %arg4[%add3A, %min3A_94, %dma_start3A_163, %dma_start3A_164] : memref<32x250x40x16xf32, #tpu.memory_space<hbm>> -> memref<1x1x40x16xf32, #tpu.memory_space<hbm>>
        %dma_start3A_166 = tpu.memref_squeeze %dma_start3A_165 : memref<1x1x40x16xf32, #tpu.memory_space<hbm>> -> memref<40x16xf32, #tpu.memory_space<hbm>>
        tpu.enqueue_dma source(%dma_start3A_166 : memref<40x16xf32, #tpu.memory_space<hbm>>) target(%dma_start3A_162 : memref<40x16xf32, #tpu.memory_space<vmem>>) target_semaphore(%arg21 : memref<!tpu.dma_semaphore, #tpu.memory_space<semaphore_mem>>)
        %dma_wait3A_167 = arith.constant 0 : i32
        %dma_wait3A_168 = arith.constant 0 : i32
        %dma_wait3A_169 = arith.constant 0 : i32
        %dma_wait3A_170 = tpu.memref_slice %arg11[%dma_wait3A_167, %dma_wait3A_168, %dma_wait3A_169] : memref<2x40x256xi32, #tpu.memory_space<vmem>> -> memref<1x40x256xi32, #tpu.memory_space<vmem>>
        %dma_wait3A_171 = tpu.memref_squeeze %dma_wait3A_170 : memref<1x40x256xi32, #tpu.memory_space<vmem>> -> memref<40x256xi32, #tpu.memory_space<vmem>>
        %dma_wait3A_172 = arith.constant 0 : i32
        %dma_wait3A_173 = tpu.memref_slice %arg9[%scan3A_91, %dma_wait3A_172] : memref<250x40xi32, #tpu.memory_space<vmem>> -> memref<1x40xi32, #tpu.memory_space<vmem>>
        %dma_wait3A_174 = tpu.memref_squeeze %dma_wait3A_173 : memref<1x40xi32, #tpu.memory_space<vmem>> -> memref<40xi32, #tpu.memory_space<vmem>>
        %dma_wait3A_175 = arith.constant 0 : i32
        %dma_wait3A_176 = arith.constant 0 : i32
        %dma_wait3A_177 = tpu.memref_slice %arg2[%dma_wait3A_175, %dma_wait3A_176] : memref<10000x256xi32, #tpu.memory_space<hbm>> -> memref<10000x256xi32, #tpu.memory_space<hbm>>
        tpu.wait_indirect_dma semaphore(%arg16 : memref<!tpu.dma_semaphore, #tpu.memory_space<semaphore_mem>>) src(%dma_wait3A_177 : memref<10000x256xi32, #tpu.memory_space<hbm>>) dst(%dma_wait3A_171 : memref<40x256xi32, #tpu.memory_space<vmem>>)
        %dma_wait3A_178 = arith.constant 0 : i32
        %dma_wait3A_179 = arith.constant 0 : i32
        %dma_wait3A_180 = arith.constant 0 : i32
        %dma_wait3A_181 = tpu.memref_slice %arg12[%dma_wait3A_178, %dma_wait3A_179, %dma_wait3A_180] : memref<2x40x16xf32, #tpu.memory_space<vmem>> -> memref<1x40x16xf32, #tpu.memory_space<vmem>>
        %dma_wait3A_182 = tpu.memref_squeeze %dma_wait3A_181 : memref<1x40x16xf32, #tpu.memory_space<vmem>> -> memref<40x16xf32, #tpu.memory_space<vmem>>
        %dma_wait3A_183 = arith.constant 0 : i32
        %dma_wait3A_184 = tpu.memref_slice %arg10[%scan3A_91, %dma_wait3A_183] : memref<250x40xi32, #tpu.memory_space<vmem>> -> memref<1x40xi32, #tpu.memory_space<vmem>>
        %dma_wait3A_185 = tpu.memref_squeeze %dma_wait3A_184 : memref<1x40xi32, #tpu.memory_space<vmem>> -> memref<40xi32, #tpu.memory_space<vmem>>
        %dma_wait3A_186 = arith.constant 0 : i32
        %dma_wait3A_187 = arith.constant 0 : i32
        %dma_wait3A_188 = tpu.memref_slice %arg3[%dma_wait3A_186, %dma_wait3A_187] : memref<10000x16xf32, #tpu.memory_space<hbm>> -> memref<10000x16xf32, #tpu.memory_space<hbm>>
        tpu.wait_indirect_dma semaphore(%arg18 : memref<!tpu.dma_semaphore, #tpu.memory_space<semaphore_mem>>) src(%dma_wait3A_188 : memref<10000x16xf32, #tpu.memory_space<hbm>>) dst(%dma_wait3A_182 : memref<40x16xf32, #tpu.memory_space<vmem>>)
        %dma_wait3A_189 = arith.constant 0 : i32
        %dma_wait3A_190 = arith.constant 0 : i32
        %dma_wait3A_191 = arith.constant 0 : i32
        %dma_wait3A_192 = tpu.memref_slice %arg13[%dma_wait3A_189, %dma_wait3A_190, %dma_wait3A_191] : memref<2x40x16xf32, #tpu.memory_space<vmem>> -> memref<1x40x16xf32, #tpu.memory_space<vmem>>
        %dma_wait3A_193 = tpu.memref_squeeze %dma_wait3A_192 : memref<1x40x16xf32, #tpu.memory_space<vmem>> -> memref<40x16xf32, #tpu.memory_space<vmem>>
        %dma_wait3A_194 = arith.constant 0 : i32
        %dma_wait3A_195 = arith.constant 0 : i32
        %dma_wait3A_196 = tpu.memref_slice %arg4[%add3A, %scan3A_91, %dma_wait3A_194, %dma_wait3A_195] : memref<32x250x40x16xf32, #tpu.memory_space<hbm>> -> memref<1x1x40x16xf32, #tpu.memory_space<hbm>>
        %dma_wait3A_197 = tpu.memref_squeeze %dma_wait3A_196 : memref<1x1x40x16xf32, #tpu.memory_space<hbm>> -> memref<40x16xf32, #tpu.memory_space<hbm>>
        %dma_wait3A_198 = arith.constant 0 : i32
        %dma_wait3A_199 = arith.constant 0 : i32
        %dma_wait3A_200 = tpu.memref_slice %arg13[%dma_wait3A_189, %dma_wait3A_198, %dma_wait3A_199] : memref<2x40x16xf32, #tpu.memory_space<vmem>> -> memref<1x40x16xf32, #tpu.memory_space<vmem>>
        %dma_wait3A_201 = tpu.memref_squeeze %dma_wait3A_200 : memref<1x40x16xf32, #tpu.memory_space<vmem>> -> memref<40x16xf32, #tpu.memory_space<vmem>>
        %dma_wait3A_202 = arith.constant 0 : i32
        %dma_wait3A_203 = arith.constant 0 : i32
        %dma_wait3A_204 = tpu.memref_slice %arg4[%add3A, %scan3A_91, %dma_wait3A_202, %dma_wait3A_203] : memref<32x250x40x16xf32, #tpu.memory_space<hbm>> -> memref<1x1x40x16xf32, #tpu.memory_space<hbm>>
        %dma_wait3A_205 = tpu.memref_squeeze %dma_wait3A_204 : memref<1x1x40x16xf32, #tpu.memory_space<hbm>> -> memref<40x16xf32, #tpu.memory_space<hbm>>
        tpu.wait_dma2 semaphore(%arg20 : memref<!tpu.dma_semaphore, #tpu.memory_space<semaphore_mem>>) src(%dma_wait3A_205 : memref<40x16xf32, #tpu.memory_space<hbm>>) dst(%dma_wait3A_201 : memref<40x16xf32, #tpu.memory_space<vmem>>)
        %scan3A_206 = arith.constant 0 : i32
        %scan3A_207 = arith.constant -65536 : i32
        %scan3A_208 = arith.constant 0 : i32
        %scan3A_209 = arith.constant 40 : i32
        %scan3A_210 = arith.addi %scan3A_208, %scan3A_209 : i32
        %scan3A_211 = arith.constant 2 : i32
        scf.for %scan3A_213 = %scan3A_208 to %scan3A_210 step %scan3A_211  : i32 {
          %get3A = arith.constant 0 : i32
          %get3A_214 = arith.index_cast %get3A : i32 to index
          %get3A_215 = arith.index_cast %scan3A_213 : i32 to index
          %get3A_216 = arith.constant 0 : index
          %get3A_217 = tpu.vector_load %arg13[%get3A_214, %get3A_215, %get3A_216] {strides = array<i32>} : memref<2x40x16xf32, #tpu.memory_space<vmem>>, vector<16xf32>,
          %get3A_218 = arith.constant 0 : i32
          %get3A_219 = arith.index_cast %get3A_218 : i32 to index
          %get3A_220 = arith.index_cast %scan3A_213 : i32 to index
          %get3A_221 = arith.constant 0 : index
          %get3A_222 = tpu.vector_load %arg12[%get3A_219, %get3A_220, %get3A_221] {strides = array<i32>} : memref<2x40x16xf32, #tpu.memory_space<vmem>>, vector<16xf32>,
          %mul3A_223 = arith.mulf %get3A_217, %get3A_222 : vector<16xf32>
          %slice3A = vector.extract_strided_slice %mul3A_223 {offsets = [0], sizes = [1], strides = [1]} : vector<16xf32> to vector<1xf32>
          %squeeze3A = vector.extract %slice3A[0] : f32 from vector<1xf32>
          %slice3A_224 = vector.extract_strided_slice %mul3A_223 {offsets = [1], sizes = [1], strides = [1]} : vector<16xf32> to vector<1xf32>
          %squeeze3A_225 = vector.extract %slice3A_224[0] : f32 from vector<1xf32>
          %slice3A_226 = vector.extract_strided_slice %mul3A_223 {offsets = [2], sizes = [1], strides = [1]} : vector<16xf32> to vector<1xf32>
          %squeeze3A_227 = vector.extract %slice3A_226[0] : f32 from vector<1xf32>
          %slice3A_228 = vector.extract_strided_slice %mul3A_223 {offsets = [3], sizes = [1], strides = [1]} : vector<16xf32> to vector<1xf32>
          %squeeze3A_229 = vector.extract %slice3A_228[0] : f32 from vector<1xf32>
          %get3A_230 = arith.constant 0 : i32
          %get3A_231 = arith.index_cast %get3A_230 : i32 to index
          %get3A_232 = arith.index_cast %scan3A_213 : i32 to index
          %get3A_233 = arith.constant 0 : index
          %get3A_234 = tpu.vector_load %arg11[%get3A_231, %get3A_232, %get3A_233] {strides = array<i32>} : memref<2x40x256xi32, #tpu.memory_space<vmem>>, vector<16xi32>,
          %shift_left3A = arith.constant 16 : i32
          %shift_left3A_235 = vector.broadcast %shift_left3A : i32 to vector<16xi32>
          %shift_left3A_236 = arith.shli %get3A_234, %shift_left3A_235 : vector<16xi32>
          %bitcast3A = vector.bitcast %shift_left3A_236 : vector<16xi32> to vector<16xf32>
          %and3A_237 = vector.broadcast %scan3A_207 : i32 to vector<16xi32>
          %and3A_238 = arith.andi %get3A_234, %and3A_237 : vector<16xi32>
          %bitcast3A_239 = vector.bitcast %and3A_238 : vector<16xi32> to vector<16xf32>
          %mul3A_240 = vector.broadcast %squeeze3A : f32 to vector<16xf32>
          %mul3A_241 = arith.mulf %mul3A_240, %bitcast3A : vector<16xf32>
          %mul3A_242 = vector.broadcast %squeeze3A : f32 to vector<16xf32>
          %mul3A_243 = arith.mulf %mul3A_242, %bitcast3A_239 : vector<16xf32>
          %get3A_244 = arith.constant 0 : i32
          %get3A_245 = arith.index_cast %get3A_244 : i32 to index
          %get3A_246 = arith.index_cast %scan3A_213 : i32 to index
          %get3A_247 = arith.constant 64 : index
          %get3A_248 = tpu.vector_load %arg11[%get3A_245, %get3A_246, %get3A_247] {strides = array<i32>} : memref<2x40x256xi32, #tpu.memory_space<vmem>>, vector<16xi32>,
          %shift_left3A_249 = arith.constant 16 : i32
          %shift_left3A_250 = vector.broadcast %shift_left3A_249 : i32 to vector<16xi32>
          %shift_left3A_251 = arith.shli %get3A_248, %shift_left3A_250 : vector<16xi32>
          %bitcast3A_252 = vector.bitcast %shift_left3A_251 : vector<16xi32> to vector<16xf32>
          %and3A_253 = vector.broadcast %scan3A_207 : i32 to vector<16xi32>
          %and3A_254 = arith.andi %get3A_248, %and3A_253 : vector<16xi32>
          %bitcast3A_255 = vector.bitcast %and3A_254 : vector<16xi32> to vector<16xf32>
          %mul3A_256 = vector.broadcast %squeeze3A_225 : f32 to vector<16xf32>
          %mul3A_257 = arith.mulf %mul3A_256, %bitcast3A_252 : vector<16xf32>
          %add3A_258 = arith.addf %mul3A_241, %mul3A_257 : vector<16xf32>
          %mul3A_259 = vector.broadcast %squeeze3A_225 : f32 to vector<16xf32>
          %mul3A_260 = arith.mulf %mul3A_259, %bitcast3A_255 : vector<16xf32>
          %add3A_261 = arith.addf %mul3A_243, %mul3A_260 : vector<16xf32>
          %get3A_262 = arith.constant 0 : i32
          %get3A_263 = arith.index_cast %get3A_262 : i32 to index
          %get3A_264 = arith.index_cast %scan3A_213 : i32 to index
          %get3A_265 = arith.constant 128 : index
          %get3A_266 = tpu.vector_load %arg11[%get3A_263, %get3A_264, %get3A_265] {strides = array<i32>} : memref<2x40x256xi32, #tpu.memory_space<vmem>>, vector<16xi32>,
          %shift_left3A_267 = arith.constant 16 : i32
          %shift_left3A_268 = vector.broadcast %shift_left3A_267 : i32 to vector<16xi32>
          %shift_left3A_269 = arith.shli %get3A_266, %shift_left3A_268 : vector<16xi32>
          %bitcast3A_270 = vector.bitcast %shift_left3A_269 : vector<16xi32> to vector<16xf32>
          %and3A_271 = vector.broadcast %scan3A_207 : i32 to vector<16xi32>
          %and3A_272 = arith.andi %get3A_266, %and3A_271 : vector<16xi32>
          %bitcast3A_273 = vector.bitcast %and3A_272 : vector<16xi32> to vector<16xf32>
          %mul3A_274 = vector.broadcast %squeeze3A_227 : f32 to vector<16xf32>
          %mul3A_275 = arith.mulf %mul3A_274, %bitcast3A_270 : vector<16xf32>
          %add3A_276 = arith.addf %add3A_258, %mul3A_275 : vector<16xf32>
          %mul3A_277 = vector.broadcast %squeeze3A_227 : f32 to vector<16xf32>
          %mul3A_278 = arith.mulf %mul3A_277, %bitcast3A_273 : vector<16xf32>
          %add3A_279 = arith.addf %add3A_261, %mul3A_278 : vector<16xf32>
          %get3A_280 = arith.constant 0 : i32
          %get3A_281 = arith.index_cast %get3A_280 : i32 to index
          %get3A_282 = arith.index_cast %scan3A_213 : i32 to index
          %get3A_283 = arith.constant 192 : index
          %get3A_284 = tpu.vector_load %arg11[%get3A_281, %get3A_282, %get3A_283] {strides = array<i32>} : memref<2x40x256xi32, #tpu.memory_space<vmem>>, vector<16xi32>,
          %shift_left3A_285 = arith.constant 16 : i32
          %shift_left3A_286 = vector.broadcast %shift_left3A_285 : i32 to vector<16xi32>
          %shift_left3A_287 = arith.shli %get3A_284, %shift_left3A_286 : vector<16xi32>
          %bitcast3A_288 = vector.bitcast %shift_left3A_287 : vector<16xi32> to vector<16xf32>
          %and3A_289 = vector.broadcast %scan3A_207 : i32 to vector<16xi32>
          %and3A_290 = arith.andi %get3A_284, %and3A_289 : vector<16xi32>
          %bitcast3A_291 = vector.bitcast %and3A_290 : vector<16xi32> to vector<16xf32>
          %mul3A_292 = vector.broadcast %squeeze3A_229 : f32 to vector<16xf32>
          %mul3A_293 = arith.mulf %mul3A_292, %bitcast3A_288 : vector<16xf32>
          %add3A_294 = arith.addf %add3A_276, %mul3A_293 : vector<16xf32>
          %mul3A_295 = vector.broadcast %squeeze3A_229 : f32 to vector<16xf32>
          %mul3A_296 = arith.mulf %mul3A_295, %bitcast3A_291 : vector<16xf32>
          %add3A_297 = arith.addf %add3A_279, %mul3A_296 : vector<16xf32>
          %swap3A = arith.index_cast %scan3A_213 : i32 to index
          %swap3A_298 = arith.constant 0 : index
          %swap3A_299 = tpu.vector_load %arg14[%swap3A, %swap3A_298] {strides = array<i32>} : memref<40x128xf32, #tpu.memory_space<vmem>>, vector<16xf32>,
          tpu.vector_store %arg14[%swap3A, %swap3A_298], %add3A_294 {strides = array<i32>} : memref<40x128xf32, #tpu.memory_space<vmem>>, vector<16xf32>,
          %swap3A_300 = arith.index_cast %scan3A_213 : i32 to index
          %swap3A_301 = arith.constant 16 : index
          %swap3A_302 = tpu.vector_load %arg14[%swap3A_300, %swap3A_301] {strides = array<i32>} : memref<40x128xf32, #tpu.memory_space<vmem>>, vector<16xf32>,
          tpu.vector_store %arg14[%swap3A_300, %swap3A_301], %add3A_297 {strides = array<i32>} : memref<40x128xf32, #tpu.memory_space<vmem>>, vector<16xf32>,
          %get3A_303 = arith.constant 0 : i32
          %get3A_304 = arith.index_cast %get3A_303 : i32 to index
          %get3A_305 = arith.index_cast %scan3A_213 : i32 to index
          %get3A_306 = arith.constant 16 : index
          %get3A_307 = tpu.vector_load %arg11[%get3A_304, %get3A_305, %get3A_306] {strides = array<i32>} : memref<2x40x256xi32, #tpu.memory_space<vmem>>, vector<16xi32>,
          %shift_left3A_308 = arith.constant 16 : i32
          %shift_left3A_309 = vector.broadcast %shift_left3A_308 : i32 to vector<16xi32>
          %shift_left3A_310 = arith.shli %get3A_307, %shift_left3A_309 : vector<16xi32>
          %bitcast3A_311 = vector.bitcast %shift_left3A_310 : vector<16xi32> to vector<16xf32>
          %and3A_312 = vector.broadcast %scan3A_207 : i32 to vector<16xi32>
          %and3A_313 = arith.andi %get3A_307, %and3A_312 : vector<16xi32>
          %bitcast3A_314 = vector.bitcast %and3A_313 : vector<16xi32> to vector<16xf32>
          %mul3A_315 = vector.broadcast %squeeze3A : f32 to vector<16xf32>
          %mul3A_316 = arith.mulf %mul3A_315, %bitcast3A_311 : vector<16xf32>
          %mul3A_317 = vector.broadcast %squeeze3A : f32 to vector<16xf32>
          %mul3A_318 = arith.mulf %mul3A_317, %bitcast3A_314 : vector<16xf32>
          %get3A_319 = arith.constant 0 : i32
          %get3A_320 = arith.index_cast %get3A_319 : i32 to index
          %get3A_321 = arith.index_cast %scan3A_213 : i32 to index
          %get3A_322 = arith.constant 80 : index
          %get3A_323 = tpu.vector_load %arg11[%get3A_320, %get3A_321, %get3A_322] {strides = array<i32>} : memref<2x40x256xi32, #tpu.memory_space<vmem>>, vector<16xi32>,
          %shift_left3A_324 = arith.constant 16 : i32
          %shift_left3A_325 = vector.broadcast %shift_left3A_324 : i32 to vector<16xi32>
          %shift_left3A_326 = arith.shli %get3A_323, %shift_left3A_325 : vector<16xi32>
          %bitcast3A_327 = vector.bitcast %shift_left3A_326 : vector<16xi32> to vector<16xf32>
          %and3A_328 = vector.broadcast %scan3A_207 : i32 to vector<16xi32>
          %and3A_329 = arith.andi %get3A_323, %and3A_328 : vector<16xi32>
          %bitcast3A_330 = vector.bitcast %and3A_329 : vector<16xi32> to vector<16xf32>
          %mul3A_331 = vector.broadcast %squeeze3A_225 : f32 to vector<16xf32>
          %mul3A_332 = arith.mulf %mul3A_331, %bitcast3A_327 : vector<16xf32>
          %add3A_333 = arith.addf %mul3A_316, %mul3A_332 : vector<16xf32>
          %mul3A_334 = vector.broadcast %squeeze3A_225 : f32 to vector<16xf32>
          %mul3A_335 = arith.mulf %mul3A_334, %bitcast3A_330 : vector<16xf32>
          %add3A_336 = arith.addf %mul3A_318, %mul3A_335 : vector<16xf32>
          %get3A_337 = arith.constant 0 : i32
          %get3A_338 = arith.index_cast %get3A_337 : i32 to index
          %get3A_339 = arith.index_cast %scan3A_213 : i32 to index
          %get3A_340 = arith.constant 144 : index
          %get3A_341 = tpu.vector_load %arg11[%get3A_338, %get3A_339, %get3A_340] {strides = array<i32>} : memref<2x40x256xi32, #tpu.memory_space<vmem>>, vector<16xi32>,
          %shift_left3A_342 = arith.constant 16 : i32
          %shift_left3A_343 = vector.broadcast %shift_left3A_342 : i32 to vector<16xi32>
          %shift_left3A_344 = arith.shli %get3A_341, %shift_left3A_343 : vector<16xi32>
          %bitcast3A_345 = vector.bitcast %shift_left3A_344 : vector<16xi32> to vector<16xf32>
          %and3A_346 = vector.broadcast %scan3A_207 : i32 to vector<16xi32>
          %and3A_347 = arith.andi %get3A_341, %and3A_346 : vector<16xi32>
          %bitcast3A_348 = vector.bitcast %and3A_347 : vector<16xi32> to vector<16xf32>
          %mul3A_349 = vector.broadcast %squeeze3A_227 : f32 to vector<16xf32>
          %mul3A_350 = arith.mulf %mul3A_349, %bitcast3A_345 : vector<16xf32>
          %add3A_351 = arith.addf %add3A_333, %mul3A_350 : vector<16xf32>
          %mul3A_352 = vector.broadcast %squeeze3A_227 : f32 to vector<16xf32>
          %mul3A_353 = arith.mulf %mul3A_352, %bitcast3A_348 : vector<16xf32>
          %add3A_354 = arith.addf %add3A_336, %mul3A_353 : vector<16xf32>
          %get3A_355 = arith.constant 0 : i32
          %get3A_356 = arith.index_cast %get3A_355 : i32 to index
          %get3A_357 = arith.index_cast %scan3A_213 : i32 to index
          %get3A_358 = arith.constant 208 : index
          %get3A_359 = tpu.vector_load %arg11[%get3A_356, %get3A_357, %get3A_358] {strides = array<i32>} : memref<2x40x256xi32, #tpu.memory_space<vmem>>, vector<16xi32>,
          %shift_left3A_360 = arith.constant 16 : i32
          %shift_left3A_361 = vector.broadcast %shift_left3A_360 : i32 to vector<16xi32>
          %shift_left3A_362 = arith.shli %get3A_359, %shift_left3A_361 : vector<16xi32>
          %bitcast3A_363 = vector.bitcast %shift_left3A_362 : vector<16xi32> to vector<16xf32>
          %and3A_364 = vector.broadcast %scan3A_207 : i32 to vector<16xi32>
          %and3A_365 = arith.andi %get3A_359, %and3A_364 : vector<16xi32>
          %bitcast3A_366 = vector.bitcast %and3A_365 : vector<16xi32> to vector<16xf32>
          %mul3A_367 = vector.broadcast %squeeze3A_229 : f32 to vector<16xf32>
          %mul3A_368 = arith.mulf %mul3A_367, %bitcast3A_363 : vector<16xf32>
          %add3A_369 = arith.addf %add3A_351, %mul3A_368 : vector<16xf32>
          %mul3A_370 = vector.broadcast %squeeze3A_229 : f32 to vector<16xf32>
          %mul3A_371 = arith.mulf %mul3A_370, %bitcast3A_366 : vector<16xf32>
          %add3A_372 = arith.addf %add3A_354, %mul3A_371 : vector<16xf32>
          %swap3A_373 = arith.index_cast %scan3A_213 : i32 to index
          %swap3A_374 = arith.constant 32 : index
          %swap3A_375 = tpu.vector_load %arg14[%swap3A_373, %swap3A_374] {strides = array<i32>} : memref<40x128xf32, #tpu.memory_space<vmem>>, vector<16xf32>,
          tpu.vector_store %arg14[%swap3A_373, %swap3A_374], %add3A_369 {strides = array<i32>} : memref<40x128xf32, #tpu.memory_space<vmem>>, vector<16xf32>,
          %swap3A_376 = arith.index_cast %scan3A_213 : i32 to index
          %swap3A_377 = arith.constant 48 : index
          %swap3A_378 = tpu.vector_load %arg14[%swap3A_376, %swap3A_377] {strides = array<i32>} : memref<40x128xf32, #tpu.memory_space<vmem>>, vector<16xf32>,
          tpu.vector_store %arg14[%swap3A_376, %swap3A_377], %add3A_372 {strides = array<i32>} : memref<40x128xf32, #tpu.memory_space<vmem>>, vector<16xf32>,
          %get3A_379 = arith.constant 0 : i32
          %get3A_380 = arith.index_cast %get3A_379 : i32 to index
          %get3A_381 = arith.index_cast %scan3A_213 : i32 to index
          %get3A_382 = arith.constant 32 : index
          %get3A_383 = tpu.vector_load %arg11[%get3A_380, %get3A_381, %get3A_382] {strides = array<i32>} : memref<2x40x256xi32, #tpu.memory_space<vmem>>, vector<16xi32>,
          %shift_left3A_384 = arith.constant 16 : i32
          %shift_left3A_385 = vector.broadcast %shift_left3A_384 : i32 to vector<16xi32>
          %shift_left3A_386 = arith.shli %get3A_383, %shift_left3A_385 : vector<16xi32>
          %bitcast3A_387 = vector.bitcast %shift_left3A_386 : vector<16xi32> to vector<16xf32>
          %and3A_388 = vector.broadcast %scan3A_207 : i32 to vector<16xi32>
          %and3A_389 = arith.andi %get3A_383, %and3A_388 : vector<16xi32>
          %bitcast3A_390 = vector.bitcast %and3A_389 : vector<16xi32> to vector<16xf32>
          %mul3A_391 = vector.broadcast %squeeze3A : f32 to vector<16xf32>
          %mul3A_392 = arith.mulf %mul3A_391, %bitcast3A_387 : vector<16xf32>
          %mul3A_393 = vector.broadcast %squeeze3A : f32 to vector<16xf32>
          %mul3A_394 = arith.mulf %mul3A_393, %bitcast3A_390 : vector<16xf32>
          %get3A_395 = arith.constant 0 : i32
          %get3A_396 = arith.index_cast %get3A_395 : i32 to index
          %get3A_397 = arith.index_cast %scan3A_213 : i32 to index
          %get3A_398 = arith.constant 96 : index
          %get3A_399 = tpu.vector_load %arg11[%get3A_396, %get3A_397, %get3A_398] {strides = array<i32>} : memref<2x40x256xi32, #tpu.memory_space<vmem>>, vector<16xi32>,
          %shift_left3A_400 = arith.constant 16 : i32
          %shift_left3A_401 = vector.broadcast %shift_left3A_400 : i32 to vector<16xi32>
          %shift_left3A_402 = arith.shli %get3A_399, %shift_left3A_401 : vector<16xi32>
          %bitcast3A_403 = vector.bitcast %shift_left3A_402 : vector<16xi32> to vector<16xf32>
          %and3A_404 = vector.broadcast %scan3A_207 : i32 to vector<16xi32>
          %and3A_405 = arith.andi %get3A_399, %and3A_404 : vector<16xi32>
          %bitcast3A_406 = vector.bitcast %and3A_405 : vector<16xi32> to vector<16xf32>
          %mul3A_407 = vector.broadcast %squeeze3A_225 : f32 to vector<16xf32>
          %mul3A_408 = arith.mulf %mul3A_407, %bitcast3A_403 : vector<16xf32>
          %add3A_409 = arith.addf %mul3A_392, %mul3A_408 : vector<16xf32>
          %mul3A_410 = vector.broadcast %squeeze3A_225 : f32 to vector<16xf32>
          %mul3A_411 = arith.mulf %mul3A_410, %bitcast3A_406 : vector<16xf32>
          %add3A_412 = arith.addf %mul3A_394, %mul3A_411 : vector<16xf32>
          %get3A_413 = arith.constant 0 : i32
          %get3A_414 = arith.index_cast %get3A_413 : i32 to index
          %get3A_415 = arith.index_cast %scan3A_213 : i32 to index
          %get3A_416 = arith.constant 160 : index
          %get3A_417 = tpu.vector_load %arg11[%get3A_414, %get3A_415, %get3A_416] {strides = array<i32>} : memref<2x40x256xi32, #tpu.memory_space<vmem>>, vector<16xi32>,
          %shift_left3A_418 = arith.constant 16 : i32
          %shift_left3A_419 = vector.broadcast %shift_left3A_418 : i32 to vector<16xi32>
          %shift_left3A_420 = arith.shli %get3A_417, %shift_left3A_419 : vector<16xi32>
          %bitcast3A_421 = vector.bitcast %shift_left3A_420 : vector<16xi32> to vector<16xf32>
          %and3A_422 = vector.broadcast %scan3A_207 : i32 to vector<16xi32>
          %and3A_423 = arith.andi %get3A_417, %and3A_422 : vector<16xi32>
          %bitcast3A_424 = vector.bitcast %and3A_423 : vector<16xi32> to vector<16xf32>
          %mul3A_425 = vector.broadcast %squeeze3A_227 : f32 to vector<16xf32>
          %mul3A_426 = arith.mulf %mul3A_425, %bitcast3A_421 : vector<16xf32>
          %add3A_427 = arith.addf %add3A_409, %mul3A_426 : vector<16xf32>
          %mul3A_428 = vector.broadcast %squeeze3A_227 : f32 to vector<16xf32>
          %mul3A_429 = arith.mulf %mul3A_428, %bitcast3A_424 : vector<16xf32>
          %add3A_430 = arith.addf %add3A_412, %mul3A_429 : vector<16xf32>
          %get3A_431 = arith.constant 0 : i32
          %get3A_432 = arith.index_cast %get3A_431 : i32 to index
          %get3A_433 = arith.index_cast %scan3A_213 : i32 to index
          %get3A_434 = arith.constant 224 : index
          %get3A_435 = tpu.vector_load %arg11[%get3A_432, %get3A_433, %get3A_434] {strides = array<i32>} : memref<2x40x256xi32, #tpu.memory_space<vmem>>, vector<16xi32>,
          %shift_left3A_436 = arith.constant 16 : i32
          %shift_left3A_437 = vector.broadcast %shift_left3A_436 : i32 to vector<16xi32>
          %shift_left3A_438 = arith.shli %get3A_435, %shift_left3A_437 : vector<16xi32>
          %bitcast3A_439 = vector.bitcast %shift_left3A_438 : vector<16xi32> to vector<16xf32>
          %and3A_440 = vector.broadcast %scan3A_207 : i32 to vector<16xi32>
          %and3A_441 = arith.andi %get3A_435, %and3A_440 : vector<16xi32>
          %bitcast3A_442 = vector.bitcast %and3A_441 : vector<16xi32> to vector<16xf32>
          %mul3A_443 = vector.broadcast %squeeze3A_229 : f32 to vector<16xf32>
          %mul3A_444 = arith.mulf %mul3A_443, %bitcast3A_439 : vector<16xf32>
          %add3A_445 = arith.addf %add3A_427, %mul3A_444 : vector<16xf32>
          %mul3A_446 = vector.broadcast %squeeze3A_229 : f32 to vector<16xf32>
          %mul3A_447 = arith.mulf %mul3A_446, %bitcast3A_442 : vector<16xf32>
          %add3A_448 = arith.addf %add3A_430, %mul3A_447 : vector<16xf32>
          %swap3A_449 = arith.index_cast %scan3A_213 : i32 to index
          %swap3A_450 = arith.constant 64 : index
          %swap3A_451 = tpu.vector_load %arg14[%swap3A_449, %swap3A_450] {strides = array<i32>} : memref<40x128xf32, #tpu.memory_space<vmem>>, vector<16xf32>,
          tpu.vector_store %arg14[%swap3A_449, %swap3A_450], %add3A_445 {strides = array<i32>} : memref<40x128xf32, #tpu.memory_space<vmem>>, vector<16xf32>,
          %swap3A_452 = arith.index_cast %scan3A_213 : i32 to index
          %swap3A_453 = arith.constant 80 : index
          %swap3A_454 = tpu.vector_load %arg14[%swap3A_452, %swap3A_453] {strides = array<i32>} : memref<40x128xf32, #tpu.memory_space<vmem>>, vector<16xf32>,
          tpu.vector_store %arg14[%swap3A_452, %swap3A_453], %add3A_448 {strides = array<i32>} : memref<40x128xf32, #tpu.memory_space<vmem>>, vector<16xf32>,
          %get3A_455 = arith.constant 0 : i32
          %get3A_456 = arith.index_cast %get3A_455 : i32 to index
          %get3A_457 = arith.index_cast %scan3A_213 : i32 to index
          %get3A_458 = arith.constant 48 : index
          %get3A_459 = tpu.vector_load %arg11[%get3A_456, %get3A_457, %get3A_458] {strides = array<i32>} : memref<2x40x256xi32, #tpu.memory_space<vmem>>, vector<16xi32>,
          %shift_left3A_460 = arith.constant 16 : i32
          %shift_left3A_461 = vector.broadcast %shift_left3A_460 : i32 to vector<16xi32>
          %shift_left3A_462 = arith.shli %get3A_459, %shift_left3A_461 : vector<16xi32>
          %bitcast3A_463 = vector.bitcast %shift_left3A_462 : vector<16xi32> to vector<16xf32>
          %and3A_464 = vector.broadcast %scan3A_207 : i32 to vector<16xi32>
          %and3A_465 = arith.andi %get3A_459, %and3A_464 : vector<16xi32>
          %bitcast3A_466 = vector.bitcast %and3A_465 : vector<16xi32> to vector<16xf32>
          %mul3A_467 = vector.broadcast %squeeze3A : f32 to vector<16xf32>
          %mul3A_468 = arith.mulf %mul3A_467, %bitcast3A_463 : vector<16xf32>
          %mul3A_469 = vector.broadcast %squeeze3A : f32 to vector<16xf32>
          %mul3A_470 = arith.mulf %mul3A_469, %bitcast3A_466 : vector<16xf32>
          %get3A_471 = arith.constant 0 : i32
          %get3A_472 = arith.index_cast %get3A_471 : i32 to index
          %get3A_473 = arith.index_cast %scan3A_213 : i32 to index
          %get3A_474 = arith.constant 112 : index
          %get3A_475 = tpu.vector_load %arg11[%get3A_472, %get3A_473, %get3A_474] {strides = array<i32>} : memref<2x40x256xi32, #tpu.memory_space<vmem>>, vector<16xi32>,
          %shift_left3A_476 = arith.constant 16 : i32
          %shift_left3A_477 = vector.broadcast %shift_left3A_476 : i32 to vector<16xi32>
          %shift_left3A_478 = arith.shli %get3A_475, %shift_left3A_477 : vector<16xi32>
          %bitcast3A_479 = vector.bitcast %shift_left3A_478 : vector<16xi32> to vector<16xf32>
          %and3A_480 = vector.broadcast %scan3A_207 : i32 to vector<16xi32>
          %and3A_481 = arith.andi %get3A_475, %and3A_480 : vector<16xi32>
          %bitcast3A_482 = vector.bitcast %and3A_481 : vector<16xi32> to vector<16xf32>
          %mul3A_483 = vector.broadcast %squeeze3A_225 : f32 to vector<16xf32>
          %mul3A_484 = arith.mulf %mul3A_483, %bitcast3A_479 : vector<16xf32>
          %add3A_485 = arith.addf %mul3A_468, %mul3A_484 : vector<16xf32>
          %mul3A_486 = vector.broadcast %squeeze3A_225 : f32 to vector<16xf32>
          %mul3A_487 = arith.mulf %mul3A_486, %bitcast3A_482 : vector<16xf32>
          %add3A_488 = arith.addf %mul3A_470, %mul3A_487 : vector<16xf32>
          %get3A_489 = arith.constant 0 : i32
          %get3A_490 = arith.index_cast %get3A_489 : i32 to index
          %get3A_491 = arith.index_cast %scan3A_213 : i32 to index
          %get3A_492 = arith.constant 176 : index
          %get3A_493 = tpu.vector_load %arg11[%get3A_490, %get3A_491, %get3A_492] {strides = array<i32>} : memref<2x40x256xi32, #tpu.memory_space<vmem>>, vector<16xi32>,
          %shift_left3A_494 = arith.constant 16 : i32
          %shift_left3A_495 = vector.broadcast %shift_left3A_494 : i32 to vector<16xi32>
          %shift_left3A_496 = arith.shli %get3A_493, %shift_left3A_495 : vector<16xi32>
          %bitcast3A_497 = vector.bitcast %shift_left3A_496 : vector<16xi32> to vector<16xf32>
          %and3A_498 = vector.broadcast %scan3A_207 : i32 to vector<16xi32>
          %and3A_499 = arith.andi %get3A_493, %and3A_498 : vector<16xi32>
          %bitcast3A_500 = vector.bitcast %and3A_499 : vector<16xi32> to vector<16xf32>
          %mul3A_501 = vector.broadcast %squeeze3A_227 : f32 to vector<16xf32>
          %mul3A_502 = arith.mulf %mul3A_501, %bitcast3A_497 : vector<16xf32>
          %add3A_503 = arith.addf %add3A_485, %mul3A_502 : vector<16xf32>
          %mul3A_504 = vector.broadcast %squeeze3A_227 : f32 to vector<16xf32>
          %mul3A_505 = arith.mulf %mul3A_504, %bitcast3A_500 : vector<16xf32>
          %add3A_506 = arith.addf %add3A_488, %mul3A_505 : vector<16xf32>
          %get3A_507 = arith.constant 0 : i32
          %get3A_508 = arith.index_cast %get3A_507 : i32 to index
          %get3A_509 = arith.index_cast %scan3A_213 : i32 to index
          %get3A_510 = arith.constant 240 : index
          %get3A_511 = tpu.vector_load %arg11[%get3A_508, %get3A_509, %get3A_510] {strides = array<i32>} : memref<2x40x256xi32, #tpu.memory_space<vmem>>, vector<16xi32>,
          %shift_left3A_512 = arith.constant 16 : i32
          %shift_left3A_513 = vector.broadcast %shift_left3A_512 : i32 to vector<16xi32>
          %shift_left3A_514 = arith.shli %get3A_511, %shift_left3A_513 : vector<16xi32>
          %bitcast3A_515 = vector.bitcast %shift_left3A_514 : vector<16xi32> to vector<16xf32>
          %and3A_516 = vector.broadcast %scan3A_207 : i32 to vector<16xi32>
          %and3A_517 = arith.andi %get3A_511, %and3A_516 : vector<16xi32>
          %bitcast3A_518 = vector.bitcast %and3A_517 : vector<16xi32> to vector<16xf32>
          %mul3A_519 = vector.broadcast %squeeze3A_229 : f32 to vector<16xf32>
          %mul3A_520 = arith.mulf %mul3A_519, %bitcast3A_515 : vector<16xf32>
          %add3A_521 = arith.addf %add3A_503, %mul3A_520 : vector<16xf32>
          %mul3A_522 = vector.broadcast %squeeze3A_229 : f32 to vector<16xf32>
          %mul3A_523 = arith.mulf %mul3A_522, %bitcast3A_518 : vector<16xf32>
          %add3A_524 = arith.addf %add3A_506, %mul3A_523 : vector<16xf32>
          %swap3A_525 = arith.index_cast %scan3A_213 : i32 to index
          %swap3A_526 = arith.constant 96 : index
          %swap3A_527 = tpu.vector_load %arg14[%swap3A_525, %swap3A_526] {strides = array<i32>} : memref<40x128xf32, #tpu.memory_space<vmem>>, vector<16xf32>,
          tpu.vector_store %arg14[%swap3A_525, %swap3A_526], %add3A_521 {strides = array<i32>} : memref<40x128xf32, #tpu.memory_space<vmem>>, vector<16xf32>,
          %swap3A_528 = arith.index_cast %scan3A_213 : i32 to index
          %swap3A_529 = arith.constant 112 : index
          %swap3A_530 = tpu.vector_load %arg14[%swap3A_528, %swap3A_529] {strides = array<i32>} : memref<40x128xf32, #tpu.memory_space<vmem>>, vector<16xf32>,
          tpu.vector_store %arg14[%swap3A_528, %swap3A_529], %add3A_524 {strides = array<i32>} : memref<40x128xf32, #tpu.memory_space<vmem>>, vector<16xf32>,
          %scan3A_531 = arith.constant 1 : i32
          %scan3A_532 = arith.addi %scan3A_213, %scan3A_531 : i32
          %get3A_533 = arith.constant 0 : i32
          %get3A_534 = arith.index_cast %get3A_533 : i32 to index
          %get3A_535 = arith.index_cast %scan3A_532 : i32 to index
          %get3A_536 = arith.constant 0 : index
          %get3A_537 = tpu.vector_load %arg13[%get3A_534, %get3A_535, %get3A_536] {strides = array<i32>} : memref<2x40x16xf32, #tpu.memory_space<vmem>>, vector<16xf32>,
          %get3A_538 = arith.constant 0 : i32
          %get3A_539 = arith.index_cast %get3A_538 : i32 to index
          %get3A_540 = arith.index_cast %scan3A_532 : i32 to index
          %get3A_541 = arith.constant 0 : index
          %get3A_542 = tpu.vector_load %arg12[%get3A_539, %get3A_540, %get3A_541] {strides = array<i32>} : memref<2x40x16xf32, #tpu.memory_space<vmem>>, vector<16xf32>,
          %mul3A_543 = arith.mulf %get3A_537, %get3A_542 : vector<16xf32>
          %slice3A_544 = vector.extract_strided_slice %mul3A_543 {offsets = [0], sizes = [1], strides = [1]} : vector<16xf32> to vector<1xf32>
          %squeeze3A_545 = vector.extract %slice3A_544[0] : f32 from vector<1xf32>
          %slice3A_546 = vector.extract_strided_slice %mul3A_543 {offsets = [1], sizes = [1], strides = [1]} : vector<16xf32> to vector<1xf32>
          %squeeze3A_547 = vector.extract %slice3A_546[0] : f32 from vector<1xf32>
          %slice3A_548 = vector.extract_strided_slice %mul3A_543 {offsets = [2], sizes = [1], strides = [1]} : vector<16xf32> to vector<1xf32>
          %squeeze3A_549 = vector.extract %slice3A_548[0] : f32 from vector<1xf32>
          %slice3A_550 = vector.extract_strided_slice %mul3A_543 {offsets = [3], sizes = [1], strides = [1]} : vector<16xf32> to vector<1xf32>
          %squeeze3A_551 = vector.extract %slice3A_550[0] : f32 from vector<1xf32>
          %get3A_552 = arith.constant 0 : i32
          %get3A_553 = arith.index_cast %get3A_552 : i32 to index
          %get3A_554 = arith.index_cast %scan3A_532 : i32 to index
          %get3A_555 = arith.constant 0 : index
          %get3A_556 = tpu.vector_load %arg11[%get3A_553, %get3A_554, %get3A_555] {strides = array<i32>} : memref<2x40x256xi32, #tpu.memory_space<vmem>>, vector<16xi32>,
          %shift_left3A_557 = arith.constant 16 : i32
          %shift_left3A_558 = vector.broadcast %shift_left3A_557 : i32 to vector<16xi32>
          %shift_left3A_559 = arith.shli %get3A_556, %shift_left3A_558 : vector<16xi32>
          %bitcast3A_560 = vector.bitcast %shift_left3A_559 : vector<16xi32> to vector<16xf32>
          %and3A_561 = vector.broadcast %scan3A_207 : i32 to vector<16xi32>
          %and3A_562 = arith.andi %get3A_556, %and3A_561 : vector<16xi32>
          %bitcast3A_563 = vector.bitcast %and3A_562 : vector<16xi32> to vector<16xf32>
          %mul3A_564 = vector.broadcast %squeeze3A_545 : f32 to vector<16xf32>
          %mul3A_565 = arith.mulf %mul3A_564, %bitcast3A_560 : vector<16xf32>
          %mul3A_566 = vector.broadcast %squeeze3A_545 : f32 to vector<16xf32>
          %mul3A_567 = arith.mulf %mul3A_566, %bitcast3A_563 : vector<16xf32>
          %get3A_568 = arith.constant 0 : i32
          %get3A_569 = arith.index_cast %get3A_568 : i32 to index
          %get3A_570 = arith.index_cast %scan3A_532 : i32 to index
          %get3A_571 = arith.constant 64 : index
          %get3A_572 = tpu.vector_load %arg11[%get3A_569, %get3A_570, %get3A_571] {strides = array<i32>} : memref<2x40x256xi32, #tpu.memory_space<vmem>>, vector<16xi32>,
          %shift_left3A_573 = arith.constant 16 : i32
          %shift_left3A_574 = vector.broadcast %shift_left3A_573 : i32 to vector<16xi32>
          %shift_left3A_575 = arith.shli %get3A_572, %shift_left3A_574 : vector<16xi32>
          %bitcast3A_576 = vector.bitcast %shift_left3A_575 : vector<16xi32> to vector<16xf32>
          %and3A_577 = vector.broadcast %scan3A_207 : i32 to vector<16xi32>
          %and3A_578 = arith.andi %get3A_572, %and3A_577 : vector<16xi32>
          %bitcast3A_579 = vector.bitcast %and3A_578 : vector<16xi32> to vector<16xf32>
          %mul3A_580 = vector.broadcast %squeeze3A_547 : f32 to vector<16xf32>
          %mul3A_581 = arith.mulf %mul3A_580, %bitcast3A_576 : vector<16xf32>
          %add3A_582 = arith.addf %mul3A_565, %mul3A_581 : vector<16xf32>
          %mul3A_583 = vector.broadcast %squeeze3A_547 : f32 to vector<16xf32>
          %mul3A_584 = arith.mulf %mul3A_583, %bitcast3A_579 : vector<16xf32>
          %add3A_585 = arith.addf %mul3A_567, %mul3A_584 : vector<16xf32>
          %get3A_586 = arith.constant 0 : i32
          %get3A_587 = arith.index_cast %get3A_586 : i32 to index
          %get3A_588 = arith.index_cast %scan3A_532 : i32 to index
          %get3A_589 = arith.constant 128 : index
          %get3A_590 = tpu.vector_load %arg11[%get3A_587, %get3A_588, %get3A_589] {strides = array<i32>} : memref<2x40x256xi32, #tpu.memory_space<vmem>>, vector<16xi32>,
          %shift_left3A_591 = arith.constant 16 : i32
          %shift_left3A_592 = vector.broadcast %shift_left3A_591 : i32 to vector<16xi32>
          %shift_left3A_593 = arith.shli %get3A_590, %shift_left3A_592 : vector<16xi32>
          %bitcast3A_594 = vector.bitcast %shift_left3A_593 : vector<16xi32> to vector<16xf32>
          %and3A_595 = vector.broadcast %scan3A_207 : i32 to vector<16xi32>
          %and3A_596 = arith.andi %get3A_590, %and3A_595 : vector<16xi32>
          %bitcast3A_597 = vector.bitcast %and3A_596 : vector<16xi32> to vector<16xf32>
          %mul3A_598 = vector.broadcast %squeeze3A_549 : f32 to vector<16xf32>
          %mul3A_599 = arith.mulf %mul3A_598, %bitcast3A_594 : vector<16xf32>
          %add3A_600 = arith.addf %add3A_582, %mul3A_599 : vector<16xf32>
          %mul3A_601 = vector.broadcast %squeeze3A_549 : f32 to vector<16xf32>
          %mul3A_602 = arith.mulf %mul3A_601, %bitcast3A_597 : vector<16xf32>
          %add3A_603 = arith.addf %add3A_585, %mul3A_602 : vector<16xf32>
          %get3A_604 = arith.constant 0 : i32
          %get3A_605 = arith.index_cast %get3A_604 : i32 to index
          %get3A_606 = arith.index_cast %scan3A_532 : i32 to index
          %get3A_607 = arith.constant 192 : index
          %get3A_608 = tpu.vector_load %arg11[%get3A_605, %get3A_606, %get3A_607] {strides = array<i32>} : memref<2x40x256xi32, #tpu.memory_space<vmem>>, vector<16xi32>,
          %shift_left3A_609 = arith.constant 16 : i32
          %shift_left3A_610 = vector.broadcast %shift_left3A_609 : i32 to vector<16xi32>
          %shift_left3A_611 = arith.shli %get3A_608, %shift_left3A_610 : vector<16xi32>
          %bitcast3A_612 = vector.bitcast %shift_left3A_611 : vector<16xi32> to vector<16xf32>
          %and3A_613 = vector.broadcast %scan3A_207 : i32 to vector<16xi32>
          %and3A_614 = arith.andi %get3A_608, %and3A_613 : vector<16xi32>
          %bitcast3A_615 = vector.bitcast %and3A_614 : vector<16xi32> to vector<16xf32>
          %mul3A_616 = vector.broadcast %squeeze3A_551 : f32 to vector<16xf32>
          %mul3A_617 = arith.mulf %mul3A_616, %bitcast3A_612 : vector<16xf32>
          %add3A_618 = arith.addf %add3A_600, %mul3A_617 : vector<16xf32>
          %mul3A_619 = vector.broadcast %squeeze3A_551 : f32 to vector<16xf32>
          %mul3A_620 = arith.mulf %mul3A_619, %bitcast3A_615 : vector<16xf32>
          %add3A_621 = arith.addf %add3A_603, %mul3A_620 : vector<16xf32>
          %swap3A_622 = arith.index_cast %scan3A_532 : i32 to index
          %swap3A_623 = arith.constant 0 : index
          %swap3A_624 = tpu.vector_load %arg14[%swap3A_622, %swap3A_623] {strides = array<i32>} : memref<40x128xf32, #tpu.memory_space<vmem>>, vector<16xf32>,
          tpu.vector_store %arg14[%swap3A_622, %swap3A_623], %add3A_618 {strides = array<i32>} : memref<40x128xf32, #tpu.memory_space<vmem>>, vector<16xf32>,
          %swap3A_625 = arith.index_cast %scan3A_532 : i32 to index
          %swap3A_626 = arith.constant 16 : index
          %swap3A_627 = tpu.vector_load %arg14[%swap3A_625, %swap3A_626] {strides = array<i32>} : memref<40x128xf32, #tpu.memory_space<vmem>>, vector<16xf32>,
          tpu.vector_store %arg14[%swap3A_625, %swap3A_626], %add3A_621 {strides = array<i32>} : memref<40x128xf32, #tpu.memory_space<vmem>>, vector<16xf32>,
          %get3A_628 = arith.constant 0 : i32
          %get3A_629 = arith.index_cast %get3A_628 : i32 to index
          %get3A_630 = arith.index_cast %scan3A_532 : i32 to index
          %get3A_631 = arith.constant 16 : index
          %get3A_632 = tpu.vector_load %arg11[%get3A_629, %get3A_630, %get3A_631] {strides = array<i32>} : memref<2x40x256xi32, #tpu.memory_space<vmem>>, vector<16xi32>,
          %shift_left3A_633 = arith.constant 16 : i32
          %shift_left3A_634 = vector.broadcast %shift_left3A_633 : i32 to vector<16xi32>
          %shift_left3A_635 = arith.shli %get3A_632, %shift_left3A_634 : vector<16xi32>
          %bitcast3A_636 = vector.bitcast %shift_left3A_635 : vector<16xi32> to vector<16xf32>
          %and3A_637 = vector.broadcast %scan3A_207 : i32 to vector<16xi32>
          %and3A_638 = arith.andi %get3A_632, %and3A_637 : vector<16xi32>
          %bitcast3A_639 = vector.bitcast %and3A_638 : vector<16xi32> to vector<16xf32>
          %mul3A_640 = vector.broadcast %squeeze3A_545 : f32 to vector<16xf32>
          %mul3A_641 = arith.mulf %mul3A_640, %bitcast3A_636 : vector<16xf32>
          %mul3A_642 = vector.broadcast %squeeze3A_545 : f32 to vector<16xf32>
          %mul3A_643 = arith.mulf %mul3A_642, %bitcast3A_639 : vector<16xf32>
          %get3A_644 = arith.constant 0 : i32
          %get3A_645 = arith.index_cast %get3A_644 : i32 to index
          %get3A_646 = arith.index_cast %scan3A_532 : i32 to index
          %get3A_647 = arith.constant 80 : index
          %get3A_648 = tpu.vector_load %arg11[%get3A_645, %get3A_646, %get3A_647] {strides = array<i32>} : memref<2x40x256xi32, #tpu.memory_space<vmem>>, vector<16xi32>,
          %shift_left3A_649 = arith.constant 16 : i32
          %shift_left3A_650 = vector.broadcast %shift_left3A_649 : i32 to vector<16xi32>
          %shift_left3A_651 = arith.shli %get3A_648, %shift_left3A_650 : vector<16xi32>
          %bitcast3A_652 = vector.bitcast %shift_left3A_651 : vector<16xi32> to vector<16xf32>
          %and3A_653 = vector.broadcast %scan3A_207 : i32 to vector<16xi32>
          %and3A_654 = arith.andi %get3A_648, %and3A_653 : vector<16xi32>
          %bitcast3A_655 = vector.bitcast %and3A_654 : vector<16xi32> to vector<16xf32>
          %mul3A_656 = vector.broadcast %squeeze3A_547 : f32 to vector<16xf32>
          %mul3A_657 = arith.mulf %mul3A_656, %bitcast3A_652 : vector<16xf32>
          %add3A_658 = arith.addf %mul3A_641, %mul3A_657 : vector<16xf32>
          %mul3A_659 = vector.broadcast %squeeze3A_547 : f32 to vector<16xf32>
          %mul3A_660 = arith.mulf %mul3A_659, %bitcast3A_655 : vector<16xf32>
          %add3A_661 = arith.addf %mul3A_643, %mul3A_660 : vector<16xf32>
          %get3A_662 = arith.constant 0 : i32
          %get3A_663 = arith.index_cast %get3A_662 : i32 to index
          %get3A_664 = arith.index_cast %scan3A_532 : i32 to index
          %get3A_665 = arith.constant 144 : index
          %get3A_666 = tpu.vector_load %arg11[%get3A_663, %get3A_664, %get3A_665] {strides = array<i32>} : memref<2x40x256xi32, #tpu.memory_space<vmem>>, vector<16xi32>,
          %shift_left3A_667 = arith.constant 16 : i32
          %shift_left3A_668 = vector.broadcast %shift_left3A_667 : i32 to vector<16xi32>
          %shift_left3A_669 = arith.shli %get3A_666, %shift_left3A_668 : vector<16xi32>
          %bitcast3A_670 = vector.bitcast %shift_left3A_669 : vector<16xi32> to vector<16xf32>
          %and3A_671 = vector.broadcast %scan3A_207 : i32 to vector<16xi32>
          %and3A_672 = arith.andi %get3A_666, %and3A_671 : vector<16xi32>
          %bitcast3A_673 = vector.bitcast %and3A_672 : vector<16xi32> to vector<16xf32>
          %mul3A_674 = vector.broadcast %squeeze3A_549 : f32 to vector<16xf32>
          %mul3A_675 = arith.mulf %mul3A_674, %bitcast3A_670 : vector<16xf32>
          %add3A_676 = arith.addf %add3A_658, %mul3A_675 : vector<16xf32>
          %mul3A_677 = vector.broadcast %squeeze3A_549 : f32 to vector<16xf32>
          %mul3A_678 = arith.mulf %mul3A_677, %bitcast3A_673 : vector<16xf32>
          %add3A_679 = arith.addf %add3A_661, %mul3A_678 : vector<16xf32>
          %get3A_680 = arith.constant 0 : i32
          %get3A_681 = arith.index_cast %get3A_680 : i32 to index
          %get3A_682 = arith.index_cast %scan3A_532 : i32 to index
          %get3A_683 = arith.constant 208 : index
          %get3A_684 = tpu.vector_load %arg11[%get3A_681, %get3A_682, %get3A_683] {strides = array<i32>} : memref<2x40x256xi32, #tpu.memory_space<vmem>>, vector<16xi32>,
          %shift_left3A_685 = arith.constant 16 : i32
          %shift_left3A_686 = vector.broadcast %shift_left3A_685 : i32 to vector<16xi32>
          %shift_left3A_687 = arith.shli %get3A_684, %shift_left3A_686 : vector<16xi32>
          %bitcast3A_688 = vector.bitcast %shift_left3A_687 : vector<16xi32> to vector<16xf32>
          %and3A_689 = vector.broadcast %scan3A_207 : i32 to vector<16xi32>
          %and3A_690 = arith.andi %get3A_684, %and3A_689 : vector<16xi32>
          %bitcast3A_691 = vector.bitcast %and3A_690 : vector<16xi32> to vector<16xf32>
          %mul3A_692 = vector.broadcast %squeeze3A_551 : f32 to vector<16xf32>
          %mul3A_693 = arith.mulf %mul3A_692, %bitcast3A_688 : vector<16xf32>
          %add3A_694 = arith.addf %add3A_676, %mul3A_693 : vector<16xf32>
          %mul3A_695 = vector.broadcast %squeeze3A_551 : f32 to vector<16xf32>
          %mul3A_696 = arith.mulf %mul3A_695, %bitcast3A_691 : vector<16xf32>
          %add3A_697 = arith.addf %add3A_679, %mul3A_696 : vector<16xf32>
          %swap3A_698 = arith.index_cast %scan3A_532 : i32 to index
          %swap3A_699 = arith.constant 32 : index
          %swap3A_700 = tpu.vector_load %arg14[%swap3A_698, %swap3A_699] {strides = array<i32>} : memref<40x128xf32, #tpu.memory_space<vmem>>, vector<16xf32>,
          tpu.vector_store %arg14[%swap3A_698, %swap3A_699], %add3A_694 {strides = array<i32>} : memref<40x128xf32, #tpu.memory_space<vmem>>, vector<16xf32>,
          %swap3A_701 = arith.index_cast %scan3A_532 : i32 to index
          %swap3A_702 = arith.constant 48 : index
          %swap3A_703 = tpu.vector_load %arg14[%swap3A_701, %swap3A_702] {strides = array<i32>} : memref<40x128xf32, #tpu.memory_space<vmem>>, vector<16xf32>,
          tpu.vector_store %arg14[%swap3A_701, %swap3A_702], %add3A_697 {strides = array<i32>} : memref<40x128xf32, #tpu.memory_space<vmem>>, vector<16xf32>,
          %get3A_704 = arith.constant 0 : i32
          %get3A_705 = arith.index_cast %get3A_704 : i32 to index
          %get3A_706 = arith.index_cast %scan3A_532 : i32 to index
          %get3A_707 = arith.constant 32 : index
          %get3A_708 = tpu.vector_load %arg11[%get3A_705, %get3A_706, %get3A_707] {strides = array<i32>} : memref<2x40x256xi32, #tpu.memory_space<vmem>>, vector<16xi32>,
          %shift_left3A_709 = arith.constant 16 : i32
          %shift_left3A_710 = vector.broadcast %shift_left3A_709 : i32 to vector<16xi32>
          %shift_left3A_711 = arith.shli %get3A_708, %shift_left3A_710 : vector<16xi32>
          %bitcast3A_712 = vector.bitcast %shift_left3A_711 : vector<16xi32> to vector<16xf32>
          %and3A_713 = vector.broadcast %scan3A_207 : i32 to vector<16xi32>
          %and3A_714 = arith.andi %get3A_708, %and3A_713 : vector<16xi32>
          %bitcast3A_715 = vector.bitcast %and3A_714 : vector<16xi32> to vector<16xf32>
          %mul3A_716 = vector.broadcast %squeeze3A_545 : f32 to vector<16xf32>
          %mul3A_717 = arith.mulf %mul3A_716, %bitcast3A_712 : vector<16xf32>
          %mul3A_718 = vector.broadcast %squeeze3A_545 : f32 to vector<16xf32>
          %mul3A_719 = arith.mulf %mul3A_718, %bitcast3A_715 : vector<16xf32>
          %get3A_720 = arith.constant 0 : i32
          %get3A_721 = arith.index_cast %get3A_720 : i32 to index
          %get3A_722 = arith.index_cast %scan3A_532 : i32 to index
          %get3A_723 = arith.constant 96 : index
          %get3A_724 = tpu.vector_load %arg11[%get3A_721, %get3A_722, %get3A_723] {strides = array<i32>} : memref<2x40x256xi32, #tpu.memory_space<vmem>>, vector<16xi32>,
          %shift_left3A_725 = arith.constant 16 : i32
          %shift_left3A_726 = vector.broadcast %shift_left3A_725 : i32 to vector<16xi32>
          %shift_left3A_727 = arith.shli %get3A_724, %shift_left3A_726 : vector<16xi32>
          %bitcast3A_728 = vector.bitcast %shift_left3A_727 : vector<16xi32> to vector<16xf32>
          %and3A_729 = vector.broadcast %scan3A_207 : i32 to vector<16xi32>
          %and3A_730 = arith.andi %get3A_724, %and3A_729 : vector<16xi32>
          %bitcast3A_731 = vector.bitcast %and3A_730 : vector<16xi32> to vector<16xf32>
          %mul3A_732 = vector.broadcast %squeeze3A_547 : f32 to vector<16xf32>
          %mul3A_733 = arith.mulf %mul3A_732, %bitcast3A_728 : vector<16xf32>
          %add3A_734 = arith.addf %mul3A_717, %mul3A_733 : vector<16xf32>
          %mul3A_735 = vector.broadcast %squeeze3A_547 : f32 to vector<16xf32>
          %mul3A_736 = arith.mulf %mul3A_735, %bitcast3A_731 : vector<16xf32>
          %add3A_737 = arith.addf %mul3A_719, %mul3A_736 : vector<16xf32>
          %get3A_738 = arith.constant 0 : i32
          %get3A_739 = arith.index_cast %get3A_738 : i32 to index
          %get3A_740 = arith.index_cast %scan3A_532 : i32 to index
          %get3A_741 = arith.constant 160 : index
          %get3A_742 = tpu.vector_load %arg11[%get3A_739, %get3A_740, %get3A_741] {strides = array<i32>} : memref<2x40x256xi32, #tpu.memory_space<vmem>>, vector<16xi32>,
          %shift_left3A_743 = arith.constant 16 : i32
          %shift_left3A_744 = vector.broadcast %shift_left3A_743 : i32 to vector<16xi32>
          %shift_left3A_745 = arith.shli %get3A_742, %shift_left3A_744 : vector<16xi32>
          %bitcast3A_746 = vector.bitcast %shift_left3A_745 : vector<16xi32> to vector<16xf32>
          %and3A_747 = vector.broadcast %scan3A_207 : i32 to vector<16xi32>
          %and3A_748 = arith.andi %get3A_742, %and3A_747 : vector<16xi32>
          %bitcast3A_749 = vector.bitcast %and3A_748 : vector<16xi32> to vector<16xf32>
          %mul3A_750 = vector.broadcast %squeeze3A_549 : f32 to vector<16xf32>
          %mul3A_751 = arith.mulf %mul3A_750, %bitcast3A_746 : vector<16xf32>
          %add3A_752 = arith.addf %add3A_734, %mul3A_751 : vector<16xf32>
          %mul3A_753 = vector.broadcast %squeeze3A_549 : f32 to vector<16xf32>
          %mul3A_754 = arith.mulf %mul3A_753, %bitcast3A_749 : vector<16xf32>
          %add3A_755 = arith.addf %add3A_737, %mul3A_754 : vector<16xf32>
          %get3A_756 = arith.constant 0 : i32
          %get3A_757 = arith.index_cast %get3A_756 : i32 to index
          %get3A_758 = arith.index_cast %scan3A_532 : i32 to index
          %get3A_759 = arith.constant 224 : index
          %get3A_760 = tpu.vector_load %arg11[%get3A_757, %get3A_758, %get3A_759] {strides = array<i32>} : memref<2x40x256xi32, #tpu.memory_space<vmem>>, vector<16xi32>,
          %shift_left3A_761 = arith.constant 16 : i32
          %shift_left3A_762 = vector.broadcast %shift_left3A_761 : i32 to vector<16xi32>
          %shift_left3A_763 = arith.shli %get3A_760, %shift_left3A_762 : vector<16xi32>
          %bitcast3A_764 = vector.bitcast %shift_left3A_763 : vector<16xi32> to vector<16xf32>
          %and3A_765 = vector.broadcast %scan3A_207 : i32 to vector<16xi32>
          %and3A_766 = arith.andi %get3A_760, %and3A_765 : vector<16xi32>
          %bitcast3A_767 = vector.bitcast %and3A_766 : vector<16xi32> to vector<16xf32>
          %mul3A_768 = vector.broadcast %squeeze3A_551 : f32 to vector<16xf32>
          %mul3A_769 = arith.mulf %mul3A_768, %bitcast3A_764 : vector<16xf32>
          %add3A_770 = arith.addf %add3A_752, %mul3A_769 : vector<16xf32>
          %mul3A_771 = vector.broadcast %squeeze3A_551 : f32 to vector<16xf32>
          %mul3A_772 = arith.mulf %mul3A_771, %bitcast3A_767 : vector<16xf32>
          %add3A_773 = arith.addf %add3A_755, %mul3A_772 : vector<16xf32>
          %swap3A_774 = arith.index_cast %scan3A_532 : i32 to index
          %swap3A_775 = arith.constant 64 : index
          %swap3A_776 = tpu.vector_load %arg14[%swap3A_774, %swap3A_775] {strides = array<i32>} : memref<40x128xf32, #tpu.memory_space<vmem>>, vector<16xf32>,
          tpu.vector_store %arg14[%swap3A_774, %swap3A_775], %add3A_770 {strides = array<i32>} : memref<40x128xf32, #tpu.memory_space<vmem>>, vector<16xf32>,
          %swap3A_777 = arith.index_cast %scan3A_532 : i32 to index
          %swap3A_778 = arith.constant 80 : index
          %swap3A_779 = tpu.vector_load %arg14[%swap3A_777, %swap3A_778] {strides = array<i32>} : memref<40x128xf32, #tpu.memory_space<vmem>>, vector<16xf32>,
          tpu.vector_store %arg14[%swap3A_777, %swap3A_778], %add3A_773 {strides = array<i32>} : memref<40x128xf32, #tpu.memory_space<vmem>>, vector<16xf32>,
          %get3A_780 = arith.constant 0 : i32
          %get3A_781 = arith.index_cast %get3A_780 : i32 to index
          %get3A_782 = arith.index_cast %scan3A_532 : i32 to index
          %get3A_783 = arith.constant 48 : index
          %get3A_784 = tpu.vector_load %arg11[%get3A_781, %get3A_782, %get3A_783] {strides = array<i32>} : memref<2x40x256xi32, #tpu.memory_space<vmem>>, vector<16xi32>,
          %shift_left3A_785 = arith.constant 16 : i32
          %shift_left3A_786 = vector.broadcast %shift_left3A_785 : i32 to vector<16xi32>
          %shift_left3A_787 = arith.shli %get3A_784, %shift_left3A_786 : vector<16xi32>
          %bitcast3A_788 = vector.bitcast %shift_left3A_787 : vector<16xi32> to vector<16xf32>
          %and3A_789 = vector.broadcast %scan3A_207 : i32 to vector<16xi32>
          %and3A_790 = arith.andi %get3A_784, %and3A_789 : vector<16xi32>
          %bitcast3A_791 = vector.bitcast %and3A_790 : vector<16xi32> to vector<16xf32>
          %mul3A_792 = vector.broadcast %squeeze3A_545 : f32 to vector<16xf32>
          %mul3A_793 = arith.mulf %mul3A_792, %bitcast3A_788 : vector<16xf32>
          %mul3A_794 = vector.broadcast %squeeze3A_545 : f32 to vector<16xf32>
          %mul3A_795 = arith.mulf %mul3A_794, %bitcast3A_791 : vector<16xf32>
          %get3A_796 = arith.constant 0 : i32
          %get3A_797 = arith.index_cast %get3A_796 : i32 to index
          %get3A_798 = arith.index_cast %scan3A_532 : i32 to index
          %get3A_799 = arith.constant 112 : index
          %get3A_800 = tpu.vector_load %arg11[%get3A_797, %get3A_798, %get3A_799] {strides = array<i32>} : memref<2x40x256xi32, #tpu.memory_space<vmem>>, vector<16xi32>,
          %shift_left3A_801 = arith.constant 16 : i32
          %shift_left3A_802 = vector.broadcast %shift_left3A_801 : i32 to vector<16xi32>
          %shift_left3A_803 = arith.shli %get3A_800, %shift_left3A_802 : vector<16xi32>
          %bitcast3A_804 = vector.bitcast %shift_left3A_803 : vector<16xi32> to vector<16xf32>
          %and3A_805 = vector.broadcast %scan3A_207 : i32 to vector<16xi32>
          %and3A_806 = arith.andi %get3A_800, %and3A_805 : vector<16xi32>
          %bitcast3A_807 = vector.bitcast %and3A_806 : vector<16xi32> to vector<16xf32>
          %mul3A_808 = vector.broadcast %squeeze3A_547 : f32 to vector<16xf32>
          %mul3A_809 = arith.mulf %mul3A_808, %bitcast3A_804 : vector<16xf32>
          %add3A_810 = arith.addf %mul3A_793, %mul3A_809 : vector<16xf32>
          %mul3A_811 = vector.broadcast %squeeze3A_547 : f32 to vector<16xf32>
          %mul3A_812 = arith.mulf %mul3A_811, %bitcast3A_807 : vector<16xf32>
          %add3A_813 = arith.addf %mul3A_795, %mul3A_812 : vector<16xf32>
          %get3A_814 = arith.constant 0 : i32
          %get3A_815 = arith.index_cast %get3A_814 : i32 to index
          %get3A_816 = arith.index_cast %scan3A_532 : i32 to index
          %get3A_817 = arith.constant 176 : index
          %get3A_818 = tpu.vector_load %arg11[%get3A_815, %get3A_816, %get3A_817] {strides = array<i32>} : memref<2x40x256xi32, #tpu.memory_space<vmem>>, vector<16xi32>,
          %shift_left3A_819 = arith.constant 16 : i32
          %shift_left3A_820 = vector.broadcast %shift_left3A_819 : i32 to vector<16xi32>
          %shift_left3A_821 = arith.shli %get3A_818, %shift_left3A_820 : vector<16xi32>
          %bitcast3A_822 = vector.bitcast %shift_left3A_821 : vector<16xi32> to vector<16xf32>
          %and3A_823 = vector.broadcast %scan3A_207 : i32 to vector<16xi32>
          %and3A_824 = arith.andi %get3A_818, %and3A_823 : vector<16xi32>
          %bitcast3A_825 = vector.bitcast %and3A_824 : vector<16xi32> to vector<16xf32>
          %mul3A_826 = vector.broadcast %squeeze3A_549 : f32 to vector<16xf32>
          %mul3A_827 = arith.mulf %mul3A_826, %bitcast3A_822 : vector<16xf32>
          %add3A_828 = arith.addf %add3A_810, %mul3A_827 : vector<16xf32>
          %mul3A_829 = vector.broadcast %squeeze3A_549 : f32 to vector<16xf32>
          %mul3A_830 = arith.mulf %mul3A_829, %bitcast3A_825 : vector<16xf32>
          %add3A_831 = arith.addf %add3A_813, %mul3A_830 : vector<16xf32>
          %get3A_832 = arith.constant 0 : i32
          %get3A_833 = arith.index_cast %get3A_832 : i32 to index
          %get3A_834 = arith.index_cast %scan3A_532 : i32 to index
          %get3A_835 = arith.constant 240 : index
          %get3A_836 = tpu.vector_load %arg11[%get3A_833, %get3A_834, %get3A_835] {strides = array<i32>} : memref<2x40x256xi32, #tpu.memory_space<vmem>>, vector<16xi32>,
          %shift_left3A_837 = arith.constant 16 : i32
          %shift_left3A_838 = vector.broadcast %shift_left3A_837 : i32 to vector<16xi32>
          %shift_left3A_839 = arith.shli %get3A_836, %shift_left3A_838 : vector<16xi32>
          %bitcast3A_840 = vector.bitcast %shift_left3A_839 : vector<16xi32> to vector<16xf32>
          %and3A_841 = vector.broadcast %scan3A_207 : i32 to vector<16xi32>
          %and3A_842 = arith.andi %get3A_836, %and3A_841 : vector<16xi32>
          %bitcast3A_843 = vector.bitcast %and3A_842 : vector<16xi32> to vector<16xf32>
          %mul3A_844 = vector.broadcast %squeeze3A_551 : f32 to vector<16xf32>
          %mul3A_845 = arith.mulf %mul3A_844, %bitcast3A_840 : vector<16xf32>
          %add3A_846 = arith.addf %add3A_828, %mul3A_845 : vector<16xf32>
          %mul3A_847 = vector.broadcast %squeeze3A_551 : f32 to vector<16xf32>
          %mul3A_848 = arith.mulf %mul3A_847, %bitcast3A_843 : vector<16xf32>
          %add3A_849 = arith.addf %add3A_831, %mul3A_848 : vector<16xf32>
          %swap3A_850 = arith.index_cast %scan3A_532 : i32 to index
          %swap3A_851 = arith.constant 96 : index
          %swap3A_852 = tpu.vector_load %arg14[%swap3A_850, %swap3A_851] {strides = array<i32>} : memref<40x128xf32, #tpu.memory_space<vmem>>, vector<16xf32>,
          tpu.vector_store %arg14[%swap3A_850, %swap3A_851], %add3A_846 {strides = array<i32>} : memref<40x128xf32, #tpu.memory_space<vmem>>, vector<16xf32>,
          %swap3A_853 = arith.index_cast %scan3A_532 : i32 to index
          %swap3A_854 = arith.constant 112 : index
          %swap3A_855 = tpu.vector_load %arg14[%swap3A_853, %swap3A_854] {strides = array<i32>} : memref<40x128xf32, #tpu.memory_space<vmem>>, vector<16xf32>,
          tpu.vector_store %arg14[%swap3A_853, %swap3A_854], %add3A_849 {strides = array<i32>} : memref<40x128xf32, #tpu.memory_space<vmem>>, vector<16xf32>,
        }
        %scan3A_212 = arith.constant 40 : i32
        "tpu.region"() ({
          %run_scoped3A = tpu.sem_alloc : memref<!tpu.dma_semaphore, #tpu.memory_space<semaphore_mem>>
          %dma_start3A_213 = arith.constant 0 : i32
          %dma_start3A_214 = tpu.memref_slice %arg10[%scan3A_91, %dma_start3A_213] : memref<250x40xi32, #tpu.memory_space<vmem>> -> memref<1x40xi32, #tpu.memory_space<vmem>>
          %dma_start3A_215 = tpu.memref_squeeze %dma_start3A_214 : memref<1x40xi32, #tpu.memory_space<vmem>> -> memref<40xi32, #tpu.memory_space<vmem>>
          %dma_start3A_216 = arith.constant 0 : i32
          %dma_start3A_217 = arith.constant 0 : i32
          %dma_start3A_218 = tpu.memref_slice %arg15[%dma_start3A_216, %dma_start3A_217] : memref<10240x128xf32, #tpu.memory_space<vmem_shared>> -> memref<10240x128xf32, #tpu.memory_space<vmem_shared>>
          tpu.enqueue_indirect_dma source(%arg14 : memref<40x128xf32, #tpu.memory_space<vmem>>) target(%dma_start3A_218 : memref<10240x128xf32, #tpu.memory_space<vmem_shared>>) offsets(%dma_start3A_215 : memref<40xi32, #tpu.memory_space<vmem>>) semaphore(%run_scoped3A : memref<!tpu.dma_semaphore, #tpu.memory_space<semaphore_mem>>) {add = true}
          %dma_wait3A_219 = arith.constant 0 : i32
          %dma_wait3A_220 = tpu.memref_slice %arg10[%scan3A_91, %dma_wait3A_219] : memref<250x40xi32, #tpu.memory_space<vmem>> -> memref<1x40xi32, #tpu.memory_space<vmem>>
          %dma_wait3A_221 = tpu.memref_squeeze %dma_wait3A_220 : memref<1x40xi32, #tpu.memory_space<vmem>> -> memref<40xi32, #tpu.memory_space<vmem>>
          %dma_wait3A_222 = arith.constant 0 : i32
          %dma_wait3A_223 = arith.constant 0 : i32
          %dma_wait3A_224 = tpu.memref_slice %arg15[%dma_wait3A_222, %dma_wait3A_223] : memref<10240x128xf32, #tpu.memory_space<vmem_shared>> -> memref<10240x128xf32, #tpu.memory_space<vmem_shared>>
          tpu.wait_indirect_dma semaphore(%run_scoped3A : memref<!tpu.dma_semaphore, #tpu.memory_space<semaphore_mem>>) src(%arg14 : memref<40x128xf32, #tpu.memory_space<vmem>>) dst(%dma_wait3A_224 : memref<10240x128xf32, #tpu.memory_space<vmem_shared>>)
          tpu.yield
        }) : () -> ()
      } else {
      }
      %jit3A_107 = arith.constant 2 : i32
      %eq3A_108 = arith.constant 0 : i32
      %eq3A_109 = arith.cmpi eq, %jit3A_107, %eq3A_108 : i32
      %jit3A_110 = arith.constant 1 : i32
      %select_n3A_111 = arith.select %eq3A_109, %jit3A_110, %jit3A_107 : i32
      %rem3A_112 = arith.remsi %scan3A_91, %select_n3A_111 : i32
      %ne3A_113 = arith.constant 0 : i32
      %ne3A_114 = arith.cmpi ne, %rem3A_112, %ne3A_113 : i32
      %lt3A_115 = arith.constant 0 : i32
      %lt3A_116 = arith.cmpi slt, %rem3A_112, %lt3A_115 : i32
      %lt3A_117 = arith.constant 0 : i32
      %lt3A_118 = arith.cmpi slt, %select_n3A_111, %lt3A_117 : i32
      %ne3A_119 = arith.xori %lt3A_116, %lt3A_118 : i1
      %and3A_120 = arith.andi %ne3A_119, %ne3A_114 : i1
      %add3A_121 = arith.addi %rem3A_112, %select_n3A_111 : i32
      %select_n3A_122 = arith.select %and3A_120, %add3A_121, %rem3A_112 : i32
      %eq3A_123 = arith.constant 1 : i32
      %eq3A_124 = arith.cmpi eq, %select_n3A_122, %eq3A_123 : i32
      %convert_element_type3A_125 = arith.extui %eq3A_124 : i1 to i32
      %cond3A_126 = arith.constant 0 : i32
      %cond3A_127 = arith.cmpi ne, %convert_element_type3A_125, %cond3A_126 : i32
      scf.if %cond3A_127 {
        %dma_start3A_128 = arith.constant 0 : i32
        %dma_start3A_129 = arith.constant 0 : i32
        %dma_start3A_130 = arith.constant 0 : i32
        %dma_start3A_131 = tpu.memref_slice %arg11[%dma_start3A_128, %dma_start3A_129, %dma_start3A_130] : memref<2x40x256xi32, #tpu.memory_space<vmem>> -> memref<1x40x256xi32, #tpu.memory_space<vmem>>
        %dma_start3A_132 = tpu.memref_squeeze %dma_start3A_131 : memref<1x40x256xi32, #tpu.memory_space<vmem>> -> memref<40x256xi32, #tpu.memory_space<vmem>>
        %dma_start3A_133 = arith.constant 0 : i32
        %dma_start3A_134 = tpu.memref_slice %arg9[%min3A_94, %dma_start3A_133] : memref<250x40xi32, #tpu.memory_space<vmem>> -> memref<1x40xi32, #tpu.memory_space<vmem>>
        %dma_start3A_135 = tpu.memref_squeeze %dma_start3A_134 : memref<1x40xi32, #tpu.memory_space<vmem>> -> memref<40xi32, #tpu.memory_space<vmem>>
        %dma_start3A_136 = arith.constant 0 : i32
        %dma_start3A_137 = arith.constant 0 : i32
        %dma_start3A_138 = tpu.memref_slice %arg2[%dma_start3A_136, %dma_start3A_137] : memref<10000x256xi32, #tpu.memory_space<hbm>> -> memref<10000x256xi32, #tpu.memory_space<hbm>>
        tpu.enqueue_indirect_dma source(%dma_start3A_138 : memref<10000x256xi32, #tpu.memory_space<hbm>>) target(%dma_start3A_132 : memref<40x256xi32, #tpu.memory_space<vmem>>) offsets(%dma_start3A_135 : memref<40xi32, #tpu.memory_space<vmem>>) semaphore(%arg16 : memref<!tpu.dma_semaphore, #tpu.memory_space<semaphore_mem>>)
        %dma_start3A_139 = arith.constant 0 : i32
        %dma_start3A_140 = arith.constant 0 : i32
        %dma_start3A_141 = arith.constant 0 : i32
        %dma_start3A_142 = tpu.memref_slice %arg12[%dma_start3A_139, %dma_start3A_140, %dma_start3A_141] : memref<2x40x16xf32, #tpu.memory_space<vmem>> -> memref<1x40x16xf32, #tpu.memory_space<vmem>>
        %dma_start3A_143 = tpu.memref_squeeze %dma_start3A_142 : memref<1x40x16xf32, #tpu.memory_space<vmem>> -> memref<40x16xf32, #tpu.memory_space<vmem>>
        %dma_start3A_144 = arith.constant 0 : i32
        %dma_start3A_145 = tpu.memref_slice %arg10[%min3A_94, %dma_start3A_144] : memref<250x40xi32, #tpu.memory_space<vmem>> -> memref<1x40xi32, #tpu.memory_space<vmem>>
        %dma_start3A_146 = tpu.memref_squeeze %dma_start3A_145 : memref<1x40xi32, #tpu.memory_space<vmem>> -> memref<40xi32, #tpu.memory_space<vmem>>
        %dma_start3A_147 = arith.constant 0 : i32
        %dma_start3A_148 = arith.constant 0 : i32
        %dma_start3A_149 = tpu.memref_slice %arg3[%dma_start3A_147, %dma_start3A_148] : memref<10000x16xf32, #tpu.memory_space<hbm>> -> memref<10000x16xf32, #tpu.memory_space<hbm>>
        tpu.enqueue_indirect_dma source(%dma_start3A_149 : memref<10000x16xf32, #tpu.memory_space<hbm>>) target(%dma_start3A_143 : memref<40x16xf32, #tpu.memory_space<vmem>>) offsets(%dma_start3A_146 : memref<40xi32, #tpu.memory_space<vmem>>) semaphore(%arg18 : memref<!tpu.dma_semaphore, #tpu.memory_space<semaphore_mem>>)
        %dma_start3A_150 = arith.constant 0 : i32
        %dma_start3A_151 = arith.constant 0 : i32
        %dma_start3A_152 = arith.constant 0 : i32
        %dma_start3A_153 = tpu.memref_slice %arg13[%dma_start3A_150, %dma_start3A_151, %dma_start3A_152] : memref<2x40x16xf32, #tpu.memory_space<vmem>> -> memref<1x40x16xf32, #tpu.memory_space<vmem>>
        %dma_start3A_154 = tpu.memref_squeeze %dma_start3A_153 : memref<1x40x16xf32, #tpu.memory_space<vmem>> -> memref<40x16xf32, #tpu.memory_space<vmem>>
        %dma_start3A_155 = arith.constant 0 : i32
        %dma_start3A_156 = arith.constant 0 : i32
        %dma_start3A_157 = tpu.memref_slice %arg4[%add3A, %min3A_94, %dma_start3A_155, %dma_start3A_156] : memref<32x250x40x16xf32, #tpu.memory_space<hbm>> -> memref<1x1x40x16xf32, #tpu.memory_space<hbm>>
        %dma_start3A_158 = tpu.memref_squeeze %dma_start3A_157 : memref<1x1x40x16xf32, #tpu.memory_space<hbm>> -> memref<40x16xf32, #tpu.memory_space<hbm>>
        %dma_start3A_159 = arith.constant 0 : i32
        %dma_start3A_160 = arith.constant 0 : i32
        %dma_start3A_161 = tpu.memref_slice %arg13[%dma_start3A_150, %dma_start3A_159, %dma_start3A_160] : memref<2x40x16xf32, #tpu.memory_space<vmem>> -> memref<1x40x16xf32, #tpu.memory_space<vmem>>
        %dma_start3A_162 = tpu.memref_squeeze %dma_start3A_161 : memref<1x40x16xf32, #tpu.memory_space<vmem>> -> memref<40x16xf32, #tpu.memory_space<vmem>>
        %dma_start3A_163 = arith.constant 0 : i32
        %dma_start3A_164 = arith.constant 0 : i32
        %dma_start3A_165 = tpu.memref_slice %arg4[%add3A, %min3A_94, %dma_start3A_163, %dma_start3A_164] : memref<32x250x40x16xf32, #tpu.memory_space<hbm>> -> memref<1x1x40x16xf32, #tpu.memory_space<hbm>>
        %dma_start3A_166 = tpu.memref_squeeze %dma_start3A_165 : memref<1x1x40x16xf32, #tpu.memory_space<hbm>> -> memref<40x16xf32, #tpu.memory_space<hbm>>
        tpu.enqueue_dma source(%dma_start3A_166 : memref<40x16xf32, #tpu.memory_space<hbm>>) target(%dma_start3A_162 : memref<40x16xf32, #tpu.memory_space<vmem>>) target_semaphore(%arg20 : memref<!tpu.dma_semaphore, #tpu.memory_space<semaphore_mem>>)
        %dma_wait3A_167 = arith.constant 1 : i32
        %dma_wait3A_168 = arith.constant 0 : i32
        %dma_wait3A_169 = arith.constant 0 : i32
        %dma_wait3A_170 = tpu.memref_slice %arg11[%dma_wait3A_167, %dma_wait3A_168, %dma_wait3A_169] : memref<2x40x256xi32, #tpu.memory_space<vmem>> -> memref<1x40x256xi32, #tpu.memory_space<vmem>>
        %dma_wait3A_171 = tpu.memref_squeeze %dma_wait3A_170 : memref<1x40x256xi32, #tpu.memory_space<vmem>> -> memref<40x256xi32, #tpu.memory_space<vmem>>
        %dma_wait3A_172 = arith.constant 0 : i32
        %dma_wait3A_173 = tpu.memref_slice %arg9[%scan3A_91, %dma_wait3A_172] : memref<250x40xi32, #tpu.memory_space<vmem>> -> memref<1x40xi32, #tpu.memory_space<vmem>>
        %dma_wait3A_174 = tpu.memref_squeeze %dma_wait3A_173 : memref<1x40xi32, #tpu.memory_space<vmem>> -> memref<40xi32, #tpu.memory_space<vmem>>
        %dma_wait3A_175 = arith.constant 0 : i32
        %dma_wait3A_176 = arith.constant 0 : i32
        %dma_wait3A_177 = tpu.memref_slice %arg2[%dma_wait3A_175, %dma_wait3A_176] : memref<10000x256xi32, #tpu.memory_space<hbm>> -> memref<10000x256xi32, #tpu.memory_space<hbm>>
        tpu.wait_indirect_dma semaphore(%arg17 : memref<!tpu.dma_semaphore, #tpu.memory_space<semaphore_mem>>) src(%dma_wait3A_177 : memref<10000x256xi32, #tpu.memory_space<hbm>>) dst(%dma_wait3A_171 : memref<40x256xi32, #tpu.memory_space<vmem>>)
        %dma_wait3A_178 = arith.constant 1 : i32
        %dma_wait3A_179 = arith.constant 0 : i32
        %dma_wait3A_180 = arith.constant 0 : i32
        %dma_wait3A_181 = tpu.memref_slice %arg12[%dma_wait3A_178, %dma_wait3A_179, %dma_wait3A_180] : memref<2x40x16xf32, #tpu.memory_space<vmem>> -> memref<1x40x16xf32, #tpu.memory_space<vmem>>
        %dma_wait3A_182 = tpu.memref_squeeze %dma_wait3A_181 : memref<1x40x16xf32, #tpu.memory_space<vmem>> -> memref<40x16xf32, #tpu.memory_space<vmem>>
        %dma_wait3A_183 = arith.constant 0 : i32
        %dma_wait3A_184 = tpu.memref_slice %arg10[%scan3A_91, %dma_wait3A_183] : memref<250x40xi32, #tpu.memory_space<vmem>> -> memref<1x40xi32, #tpu.memory_space<vmem>>
        %dma_wait3A_185 = tpu.memref_squeeze %dma_wait3A_184 : memref<1x40xi32, #tpu.memory_space<vmem>> -> memref<40xi32, #tpu.memory_space<vmem>>
        %dma_wait3A_186 = arith.constant 0 : i32
        %dma_wait3A_187 = arith.constant 0 : i32
        %dma_wait3A_188 = tpu.memref_slice %arg3[%dma_wait3A_186, %dma_wait3A_187] : memref<10000x16xf32, #tpu.memory_space<hbm>> -> memref<10000x16xf32, #tpu.memory_space<hbm>>
        tpu.wait_indirect_dma semaphore(%arg19 : memref<!tpu.dma_semaphore, #tpu.memory_space<semaphore_mem>>) src(%dma_wait3A_188 : memref<10000x16xf32, #tpu.memory_space<hbm>>) dst(%dma_wait3A_182 : memref<40x16xf32, #tpu.memory_space<vmem>>)
        %dma_wait3A_189 = arith.constant 1 : i32
        %dma_wait3A_190 = arith.constant 0 : i32
        %dma_wait3A_191 = arith.constant 0 : i32
        %dma_wait3A_192 = tpu.memref_slice %arg13[%dma_wait3A_189, %dma_wait3A_190, %dma_wait3A_191] : memref<2x40x16xf32, #tpu.memory_space<vmem>> -> memref<1x40x16xf32, #tpu.memory_space<vmem>>
        %dma_wait3A_193 = tpu.memref_squeeze %dma_wait3A_192 : memref<1x40x16xf32, #tpu.memory_space<vmem>> -> memref<40x16xf32, #tpu.memory_space<vmem>>
        %dma_wait3A_194 = arith.constant 0 : i32
        %dma_wait3A_195 = arith.constant 0 : i32
        %dma_wait3A_196 = tpu.memref_slice %arg4[%add3A, %scan3A_91, %dma_wait3A_194, %dma_wait3A_195] : memref<32x250x40x16xf32, #tpu.memory_space<hbm>> -> memref<1x1x40x16xf32, #tpu.memory_space<hbm>>
        %dma_wait3A_197 = tpu.memref_squeeze %dma_wait3A_196 : memref<1x1x40x16xf32, #tpu.memory_space<hbm>> -> memref<40x16xf32, #tpu.memory_space<hbm>>
        %dma_wait3A_198 = arith.constant 0 : i32
        %dma_wait3A_199 = arith.constant 0 : i32
        %dma_wait3A_200 = tpu.memref_slice %arg13[%dma_wait3A_189, %dma_wait3A_198, %dma_wait3A_199] : memref<2x40x16xf32, #tpu.memory_space<vmem>> -> memref<1x40x16xf32, #tpu.memory_space<vmem>>
        %dma_wait3A_201 = tpu.memref_squeeze %dma_wait3A_200 : memref<1x40x16xf32, #tpu.memory_space<vmem>> -> memref<40x16xf32, #tpu.memory_space<vmem>>
        %dma_wait3A_202 = arith.constant 0 : i32
        %dma_wait3A_203 = arith.constant 0 : i32
        %dma_wait3A_204 = tpu.memref_slice %arg4[%add3A, %scan3A_91, %dma_wait3A_202, %dma_wait3A_203] : memref<32x250x40x16xf32, #tpu.memory_space<hbm>> -> memref<1x1x40x16xf32, #tpu.memory_space<hbm>>
        %dma_wait3A_205 = tpu.memref_squeeze %dma_wait3A_204 : memref<1x1x40x16xf32, #tpu.memory_space<hbm>> -> memref<40x16xf32, #tpu.memory_space<hbm>>
        tpu.wait_dma2 semaphore(%arg21 : memref<!tpu.dma_semaphore, #tpu.memory_space<semaphore_mem>>) src(%dma_wait3A_205 : memref<40x16xf32, #tpu.memory_space<hbm>>) dst(%dma_wait3A_201 : memref<40x16xf32, #tpu.memory_space<vmem>>)
        %scan3A_206 = arith.constant 0 : i32
        %scan3A_207 = arith.constant -65536 : i32
        %scan3A_208 = arith.constant 0 : i32
        %scan3A_209 = arith.constant 40 : i32
        %scan3A_210 = arith.addi %scan3A_208, %scan3A_209 : i32
        %scan3A_211 = arith.constant 2 : i32
        scf.for %scan3A_213 = %scan3A_208 to %scan3A_210 step %scan3A_211  : i32 {
          %get3A = arith.constant 1 : i32
          %get3A_214 = arith.index_cast %get3A : i32 to index
          %get3A_215 = arith.index_cast %scan3A_213 : i32 to index
          %get3A_216 = arith.constant 0 : index
          %get3A_217 = tpu.vector_load %arg13[%get3A_214, %get3A_215, %get3A_216] {strides = array<i32>} : memref<2x40x16xf32, #tpu.memory_space<vmem>>, vector<16xf32>,
          %get3A_218 = arith.constant 1 : i32
          %get3A_219 = arith.index_cast %get3A_218 : i32 to index
          %get3A_220 = arith.index_cast %scan3A_213 : i32 to index
          %get3A_221 = arith.constant 0 : index
          %get3A_222 = tpu.vector_load %arg12[%get3A_219, %get3A_220, %get3A_221] {strides = array<i32>} : memref<2x40x16xf32, #tpu.memory_space<vmem>>, vector<16xf32>,
          %mul3A_223 = arith.mulf %get3A_217, %get3A_222 : vector<16xf32>
          %slice3A = vector.extract_strided_slice %mul3A_223 {offsets = [0], sizes = [1], strides = [1]} : vector<16xf32> to vector<1xf32>
          %squeeze3A = vector.extract %slice3A[0] : f32 from vector<1xf32>
          %slice3A_224 = vector.extract_strided_slice %mul3A_223 {offsets = [1], sizes = [1], strides = [1]} : vector<16xf32> to vector<1xf32>
          %squeeze3A_225 = vector.extract %slice3A_224[0] : f32 from vector<1xf32>
          %slice3A_226 = vector.extract_strided_slice %mul3A_223 {offsets = [2], sizes = [1], strides = [1]} : vector<16xf32> to vector<1xf32>
          %squeeze3A_227 = vector.extract %slice3A_226[0] : f32 from vector<1xf32>
          %slice3A_228 = vector.extract_strided_slice %mul3A_223 {offsets = [3], sizes = [1], strides = [1]} : vector<16xf32> to vector<1xf32>
          %squeeze3A_229 = vector.extract %slice3A_228[0] : f32 from vector<1xf32>
          %get3A_230 = arith.constant 1 : i32
          %get3A_231 = arith.index_cast %get3A_230 : i32 to index
          %get3A_232 = arith.index_cast %scan3A_213 : i32 to index
          %get3A_233 = arith.constant 0 : index
          %get3A_234 = tpu.vector_load %arg11[%get3A_231, %get3A_232, %get3A_233] {strides = array<i32>} : memref<2x40x256xi32, #tpu.memory_space<vmem>>, vector<16xi32>,
          %shift_left3A = arith.constant 16 : i32
          %shift_left3A_235 = vector.broadcast %shift_left3A : i32 to vector<16xi32>
          %shift_left3A_236 = arith.shli %get3A_234, %shift_left3A_235 : vector<16xi32>
          %bitcast3A = vector.bitcast %shift_left3A_236 : vector<16xi32> to vector<16xf32>
          %and3A_237 = vector.broadcast %scan3A_207 : i32 to vector<16xi32>
          %and3A_238 = arith.andi %get3A_234, %and3A_237 : vector<16xi32>
          %bitcast3A_239 = vector.bitcast %and3A_238 : vector<16xi32> to vector<16xf32>
          %mul3A_240 = vector.broadcast %squeeze3A : f32 to vector<16xf32>
          %mul3A_241 = arith.mulf %mul3A_240, %bitcast3A : vector<16xf32>
          %mul3A_242 = vector.broadcast %squeeze3A : f32 to vector<16xf32>
          %mul3A_243 = arith.mulf %mul3A_242, %bitcast3A_239 : vector<16xf32>
          %get3A_244 = arith.constant 1 : i32
          %get3A_245 = arith.index_cast %get3A_244 : i32 to index
          %get3A_246 = arith.index_cast %scan3A_213 : i32 to index
          %get3A_247 = arith.constant 64 : index
          %get3A_248 = tpu.vector_load %arg11[%get3A_245, %get3A_246, %get3A_247] {strides = array<i32>} : memref<2x40x256xi32, #tpu.memory_space<vmem>>, vector<16xi32>,
          %shift_left3A_249 = arith.constant 16 : i32
          %shift_left3A_250 = vector.broadcast %shift_left3A_249 : i32 to vector<16xi32>
          %shift_left3A_251 = arith.shli %get3A_248, %shift_left3A_250 : vector<16xi32>
          %bitcast3A_252 = vector.bitcast %shift_left3A_251 : vector<16xi32> to vector<16xf32>
          %and3A_253 = vector.broadcast %scan3A_207 : i32 to vector<16xi32>
          %and3A_254 = arith.andi %get3A_248, %and3A_253 : vector<16xi32>
          %bitcast3A_255 = vector.bitcast %and3A_254 : vector<16xi32> to vector<16xf32>
          %mul3A_256 = vector.broadcast %squeeze3A_225 : f32 to vector<16xf32>
          %mul3A_257 = arith.mulf %mul3A_256, %bitcast3A_252 : vector<16xf32>
          %add3A_258 = arith.addf %mul3A_241, %mul3A_257 : vector<16xf32>
          %mul3A_259 = vector.broadcast %squeeze3A_225 : f32 to vector<16xf32>
          %mul3A_260 = arith.mulf %mul3A_259, %bitcast3A_255 : vector<16xf32>
          %add3A_261 = arith.addf %mul3A_243, %mul3A_260 : vector<16xf32>
          %get3A_262 = arith.constant 1 : i32
          %get3A_263 = arith.index_cast %get3A_262 : i32 to index
          %get3A_264 = arith.index_cast %scan3A_213 : i32 to index
          %get3A_265 = arith.constant 128 : index
          %get3A_266 = tpu.vector_load %arg11[%get3A_263, %get3A_264, %get3A_265] {strides = array<i32>} : memref<2x40x256xi32, #tpu.memory_space<vmem>>, vector<16xi32>,
          %shift_left3A_267 = arith.constant 16 : i32
          %shift_left3A_268 = vector.broadcast %shift_left3A_267 : i32 to vector<16xi32>
          %shift_left3A_269 = arith.shli %get3A_266, %shift_left3A_268 : vector<16xi32>
          %bitcast3A_270 = vector.bitcast %shift_left3A_269 : vector<16xi32> to vector<16xf32>
          %and3A_271 = vector.broadcast %scan3A_207 : i32 to vector<16xi32>
          %and3A_272 = arith.andi %get3A_266, %and3A_271 : vector<16xi32>
          %bitcast3A_273 = vector.bitcast %and3A_272 : vector<16xi32> to vector<16xf32>
          %mul3A_274 = vector.broadcast %squeeze3A_227 : f32 to vector<16xf32>
          %mul3A_275 = arith.mulf %mul3A_274, %bitcast3A_270 : vector<16xf32>
          %add3A_276 = arith.addf %add3A_258, %mul3A_275 : vector<16xf32>
          %mul3A_277 = vector.broadcast %squeeze3A_227 : f32 to vector<16xf32>
          %mul3A_278 = arith.mulf %mul3A_277, %bitcast3A_273 : vector<16xf32>
          %add3A_279 = arith.addf %add3A_261, %mul3A_278 : vector<16xf32>
          %get3A_280 = arith.constant 1 : i32
          %get3A_281 = arith.index_cast %get3A_280 : i32 to index
          %get3A_282 = arith.index_cast %scan3A_213 : i32 to index
          %get3A_283 = arith.constant 192 : index
          %get3A_284 = tpu.vector_load %arg11[%get3A_281, %get3A_282, %get3A_283] {strides = array<i32>} : memref<2x40x256xi32, #tpu.memory_space<vmem>>, vector<16xi32>,
          %shift_left3A_285 = arith.constant 16 : i32
          %shift_left3A_286 = vector.broadcast %shift_left3A_285 : i32 to vector<16xi32>
          %shift_left3A_287 = arith.shli %get3A_284, %shift_left3A_286 : vector<16xi32>
          %bitcast3A_288 = vector.bitcast %shift_left3A_287 : vector<16xi32> to vector<16xf32>
          %and3A_289 = vector.broadcast %scan3A_207 : i32 to vector<16xi32>
          %and3A_290 = arith.andi %get3A_284, %and3A_289 : vector<16xi32>
          %bitcast3A_291 = vector.bitcast %and3A_290 : vector<16xi32> to vector<16xf32>
          %mul3A_292 = vector.broadcast %squeeze3A_229 : f32 to vector<16xf32>
          %mul3A_293 = arith.mulf %mul3A_292, %bitcast3A_288 : vector<16xf32>
          %add3A_294 = arith.addf %add3A_276, %mul3A_293 : vector<16xf32>
          %mul3A_295 = vector.broadcast %squeeze3A_229 : f32 to vector<16xf32>
          %mul3A_296 = arith.mulf %mul3A_295, %bitcast3A_291 : vector<16xf32>
          %add3A_297 = arith.addf %add3A_279, %mul3A_296 : vector<16xf32>
          %swap3A = arith.index_cast %scan3A_213 : i32 to index
          %swap3A_298 = arith.constant 0 : index
          %swap3A_299 = tpu.vector_load %arg14[%swap3A, %swap3A_298] {strides = array<i32>} : memref<40x128xf32, #tpu.memory_space<vmem>>, vector<16xf32>,
          tpu.vector_store %arg14[%swap3A, %swap3A_298], %add3A_294 {strides = array<i32>} : memref<40x128xf32, #tpu.memory_space<vmem>>, vector<16xf32>,
          %swap3A_300 = arith.index_cast %scan3A_213 : i32 to index
          %swap3A_301 = arith.constant 16 : index
          %swap3A_302 = tpu.vector_load %arg14[%swap3A_300, %swap3A_301] {strides = array<i32>} : memref<40x128xf32, #tpu.memory_space<vmem>>, vector<16xf32>,
          tpu.vector_store %arg14[%swap3A_300, %swap3A_301], %add3A_297 {strides = array<i32>} : memref<40x128xf32, #tpu.memory_space<vmem>>, vector<16xf32>,
          %get3A_303 = arith.constant 1 : i32
          %get3A_304 = arith.index_cast %get3A_303 : i32 to index
          %get3A_305 = arith.index_cast %scan3A_213 : i32 to index
          %get3A_306 = arith.constant 16 : index
          %get3A_307 = tpu.vector_load %arg11[%get3A_304, %get3A_305, %get3A_306] {strides = array<i32>} : memref<2x40x256xi32, #tpu.memory_space<vmem>>, vector<16xi32>,
          %shift_left3A_308 = arith.constant 16 : i32
          %shift_left3A_309 = vector.broadcast %shift_left3A_308 : i32 to vector<16xi32>
          %shift_left3A_310 = arith.shli %get3A_307, %shift_left3A_309 : vector<16xi32>
          %bitcast3A_311 = vector.bitcast %shift_left3A_310 : vector<16xi32> to vector<16xf32>
          %and3A_312 = vector.broadcast %scan3A_207 : i32 to vector<16xi32>
          %and3A_313 = arith.andi %get3A_307, %and3A_312 : vector<16xi32>
          %bitcast3A_314 = vector.bitcast %and3A_313 : vector<16xi32> to vector<16xf32>
          %mul3A_315 = vector.broadcast %squeeze3A : f32 to vector<16xf32>
          %mul3A_316 = arith.mulf %mul3A_315, %bitcast3A_311 : vector<16xf32>
          %mul3A_317 = vector.broadcast %squeeze3A : f32 to vector<16xf32>
          %mul3A_318 = arith.mulf %mul3A_317, %bitcast3A_314 : vector<16xf32>
          %get3A_319 = arith.constant 1 : i32
          %get3A_320 = arith.index_cast %get3A_319 : i32 to index
          %get3A_321 = arith.index_cast %scan3A_213 : i32 to index
          %get3A_322 = arith.constant 80 : index
          %get3A_323 = tpu.vector_load %arg11[%get3A_320, %get3A_321, %get3A_322] {strides = array<i32>} : memref<2x40x256xi32, #tpu.memory_space<vmem>>, vector<16xi32>,
          %shift_left3A_324 = arith.constant 16 : i32
          %shift_left3A_325 = vector.broadcast %shift_left3A_324 : i32 to vector<16xi32>
          %shift_left3A_326 = arith.shli %get3A_323, %shift_left3A_325 : vector<16xi32>
          %bitcast3A_327 = vector.bitcast %shift_left3A_326 : vector<16xi32> to vector<16xf32>
          %and3A_328 = vector.broadcast %scan3A_207 : i32 to vector<16xi32>
          %and3A_329 = arith.andi %get3A_323, %and3A_328 : vector<16xi32>
          %bitcast3A_330 = vector.bitcast %and3A_329 : vector<16xi32> to vector<16xf32>
          %mul3A_331 = vector.broadcast %squeeze3A_225 : f32 to vector<16xf32>
          %mul3A_332 = arith.mulf %mul3A_331, %bitcast3A_327 : vector<16xf32>
          %add3A_333 = arith.addf %mul3A_316, %mul3A_332 : vector<16xf32>
          %mul3A_334 = vector.broadcast %squeeze3A_225 : f32 to vector<16xf32>
          %mul3A_335 = arith.mulf %mul3A_334, %bitcast3A_330 : vector<16xf32>
          %add3A_336 = arith.addf %mul3A_318, %mul3A_335 : vector<16xf32>
          %get3A_337 = arith.constant 1 : i32
          %get3A_338 = arith.index_cast %get3A_337 : i32 to index
          %get3A_339 = arith.index_cast %scan3A_213 : i32 to index
          %get3A_340 = arith.constant 144 : index
          %get3A_341 = tpu.vector_load %arg11[%get3A_338, %get3A_339, %get3A_340] {strides = array<i32>} : memref<2x40x256xi32, #tpu.memory_space<vmem>>, vector<16xi32>,
          %shift_left3A_342 = arith.constant 16 : i32
          %shift_left3A_343 = vector.broadcast %shift_left3A_342 : i32 to vector<16xi32>
          %shift_left3A_344 = arith.shli %get3A_341, %shift_left3A_343 : vector<16xi32>
          %bitcast3A_345 = vector.bitcast %shift_left3A_344 : vector<16xi32> to vector<16xf32>
          %and3A_346 = vector.broadcast %scan3A_207 : i32 to vector<16xi32>
          %and3A_347 = arith.andi %get3A_341, %and3A_346 : vector<16xi32>
          %bitcast3A_348 = vector.bitcast %and3A_347 : vector<16xi32> to vector<16xf32>
          %mul3A_349 = vector.broadcast %squeeze3A_227 : f32 to vector<16xf32>
          %mul3A_350 = arith.mulf %mul3A_349, %bitcast3A_345 : vector<16xf32>
          %add3A_351 = arith.addf %add3A_333, %mul3A_350 : vector<16xf32>
          %mul3A_352 = vector.broadcast %squeeze3A_227 : f32 to vector<16xf32>
          %mul3A_353 = arith.mulf %mul3A_352, %bitcast3A_348 : vector<16xf32>
          %add3A_354 = arith.addf %add3A_336, %mul3A_353 : vector<16xf32>
          %get3A_355 = arith.constant 1 : i32
          %get3A_356 = arith.index_cast %get3A_355 : i32 to index
          %get3A_357 = arith.index_cast %scan3A_213 : i32 to index
          %get3A_358 = arith.constant 208 : index
          %get3A_359 = tpu.vector_load %arg11[%get3A_356, %get3A_357, %get3A_358] {strides = array<i32>} : memref<2x40x256xi32, #tpu.memory_space<vmem>>, vector<16xi32>,
          %shift_left3A_360 = arith.constant 16 : i32
          %shift_left3A_361 = vector.broadcast %shift_left3A_360 : i32 to vector<16xi32>
          %shift_left3A_362 = arith.shli %get3A_359, %shift_left3A_361 : vector<16xi32>
          %bitcast3A_363 = vector.bitcast %shift_left3A_362 : vector<16xi32> to vector<16xf32>
          %and3A_364 = vector.broadcast %scan3A_207 : i32 to vector<16xi32>
          %and3A_365 = arith.andi %get3A_359, %and3A_364 : vector<16xi32>
          %bitcast3A_366 = vector.bitcast %and3A_365 : vector<16xi32> to vector<16xf32>
          %mul3A_367 = vector.broadcast %squeeze3A_229 : f32 to vector<16xf32>
          %mul3A_368 = arith.mulf %mul3A_367, %bitcast3A_363 : vector<16xf32>
          %add3A_369 = arith.addf %add3A_351, %mul3A_368 : vector<16xf32>
          %mul3A_370 = vector.broadcast %squeeze3A_229 : f32 to vector<16xf32>
          %mul3A_371 = arith.mulf %mul3A_370, %bitcast3A_366 : vector<16xf32>
          %add3A_372 = arith.addf %add3A_354, %mul3A_371 : vector<16xf32>
          %swap3A_373 = arith.index_cast %scan3A_213 : i32 to index
          %swap3A_374 = arith.constant 32 : index
          %swap3A_375 = tpu.vector_load %arg14[%swap3A_373, %swap3A_374] {strides = array<i32>} : memref<40x128xf32, #tpu.memory_space<vmem>>, vector<16xf32>,
          tpu.vector_store %arg14[%swap3A_373, %swap3A_374], %add3A_369 {strides = array<i32>} : memref<40x128xf32, #tpu.memory_space<vmem>>, vector<16xf32>,
          %swap3A_376 = arith.index_cast %scan3A_213 : i32 to index
          %swap3A_377 = arith.constant 48 : index
          %swap3A_378 = tpu.vector_load %arg14[%swap3A_376, %swap3A_377] {strides = array<i32>} : memref<40x128xf32, #tpu.memory_space<vmem>>, vector<16xf32>,
          tpu.vector_store %arg14[%swap3A_376, %swap3A_377], %add3A_372 {strides = array<i32>} : memref<40x128xf32, #tpu.memory_space<vmem>>, vector<16xf32>,
          %get3A_379 = arith.constant 1 : i32
          %get3A_380 = arith.index_cast %get3A_379 : i32 to index
          %get3A_381 = arith.index_cast %scan3A_213 : i32 to index
          %get3A_382 = arith.constant 32 : index
          %get3A_383 = tpu.vector_load %arg11[%get3A_380, %get3A_381, %get3A_382] {strides = array<i32>} : memref<2x40x256xi32, #tpu.memory_space<vmem>>, vector<16xi32>,
          %shift_left3A_384 = arith.constant 16 : i32
          %shift_left3A_385 = vector.broadcast %shift_left3A_384 : i32 to vector<16xi32>
          %shift_left3A_386 = arith.shli %get3A_383, %shift_left3A_385 : vector<16xi32>
          %bitcast3A_387 = vector.bitcast %shift_left3A_386 : vector<16xi32> to vector<16xf32>
          %and3A_388 = vector.broadcast %scan3A_207 : i32 to vector<16xi32>
          %and3A_389 = arith.andi %get3A_383, %and3A_388 : vector<16xi32>
          %bitcast3A_390 = vector.bitcast %and3A_389 : vector<16xi32> to vector<16xf32>
          %mul3A_391 = vector.broadcast %squeeze3A : f32 to vector<16xf32>
          %mul3A_392 = arith.mulf %mul3A_391, %bitcast3A_387 : vector<16xf32>
          %mul3A_393 = vector.broadcast %squeeze3A : f32 to vector<16xf32>
          %mul3A_394 = arith.mulf %mul3A_393, %bitcast3A_390 : vector<16xf32>
          %get3A_395 = arith.constant 1 : i32
          %get3A_396 = arith.index_cast %get3A_395 : i32 to index
          %get3A_397 = arith.index_cast %scan3A_213 : i32 to index
          %get3A_398 = arith.constant 96 : index
          %get3A_399 = tpu.vector_load %arg11[%get3A_396, %get3A_397, %get3A_398] {strides = array<i32>} : memref<2x40x256xi32, #tpu.memory_space<vmem>>, vector<16xi32>,
          %shift_left3A_400 = arith.constant 16 : i32
          %shift_left3A_401 = vector.broadcast %shift_left3A_400 : i32 to vector<16xi32>
          %shift_left3A_402 = arith.shli %get3A_399, %shift_left3A_401 : vector<16xi32>
          %bitcast3A_403 = vector.bitcast %shift_left3A_402 : vector<16xi32> to vector<16xf32>
          %and3A_404 = vector.broadcast %scan3A_207 : i32 to vector<16xi32>
          %and3A_405 = arith.andi %get3A_399, %and3A_404 : vector<16xi32>
          %bitcast3A_406 = vector.bitcast %and3A_405 : vector<16xi32> to vector<16xf32>
          %mul3A_407 = vector.broadcast %squeeze3A_225 : f32 to vector<16xf32>
          %mul3A_408 = arith.mulf %mul3A_407, %bitcast3A_403 : vector<16xf32>
          %add3A_409 = arith.addf %mul3A_392, %mul3A_408 : vector<16xf32>
          %mul3A_410 = vector.broadcast %squeeze3A_225 : f32 to vector<16xf32>
          %mul3A_411 = arith.mulf %mul3A_410, %bitcast3A_406 : vector<16xf32>
          %add3A_412 = arith.addf %mul3A_394, %mul3A_411 : vector<16xf32>
          %get3A_413 = arith.constant 1 : i32
          %get3A_414 = arith.index_cast %get3A_413 : i32 to index
          %get3A_415 = arith.index_cast %scan3A_213 : i32 to index
          %get3A_416 = arith.constant 160 : index
          %get3A_417 = tpu.vector_load %arg11[%get3A_414, %get3A_415, %get3A_416] {strides = array<i32>} : memref<2x40x256xi32, #tpu.memory_space<vmem>>, vector<16xi32>,
          %shift_left3A_418 = arith.constant 16 : i32
          %shift_left3A_419 = vector.broadcast %shift_left3A_418 : i32 to vector<16xi32>
          %shift_left3A_420 = arith.shli %get3A_417, %shift_left3A_419 : vector<16xi32>
          %bitcast3A_421 = vector.bitcast %shift_left3A_420 : vector<16xi32> to vector<16xf32>
          %and3A_422 = vector.broadcast %scan3A_207 : i32 to vector<16xi32>
          %and3A_423 = arith.andi %get3A_417, %and3A_422 : vector<16xi32>
          %bitcast3A_424 = vector.bitcast %and3A_423 : vector<16xi32> to vector<16xf32>
          %mul3A_425 = vector.broadcast %squeeze3A_227 : f32 to vector<16xf32>
          %mul3A_426 = arith.mulf %mul3A_425, %bitcast3A_421 : vector<16xf32>
          %add3A_427 = arith.addf %add3A_409, %mul3A_426 : vector<16xf32>
          %mul3A_428 = vector.broadcast %squeeze3A_227 : f32 to vector<16xf32>
          %mul3A_429 = arith.mulf %mul3A_428, %bitcast3A_424 : vector<16xf32>
          %add3A_430 = arith.addf %add3A_412, %mul3A_429 : vector<16xf32>
          %get3A_431 = arith.constant 1 : i32
          %get3A_432 = arith.index_cast %get3A_431 : i32 to index
          %get3A_433 = arith.index_cast %scan3A_213 : i32 to index
          %get3A_434 = arith.constant 224 : index
          %get3A_435 = tpu.vector_load %arg11[%get3A_432, %get3A_433, %get3A_434] {strides = array<i32>} : memref<2x40x256xi32, #tpu.memory_space<vmem>>, vector<16xi32>,
          %shift_left3A_436 = arith.constant 16 : i32
          %shift_left3A_437 = vector.broadcast %shift_left3A_436 : i32 to vector<16xi32>
          %shift_left3A_438 = arith.shli %get3A_435, %shift_left3A_437 : vector<16xi32>
          %bitcast3A_439 = vector.bitcast %shift_left3A_438 : vector<16xi32> to vector<16xf32>
          %and3A_440 = vector.broadcast %scan3A_207 : i32 to vector<16xi32>
          %and3A_441 = arith.andi %get3A_435, %and3A_440 : vector<16xi32>
          %bitcast3A_442 = vector.bitcast %and3A_441 : vector<16xi32> to vector<16xf32>
          %mul3A_443 = vector.broadcast %squeeze3A_229 : f32 to vector<16xf32>
          %mul3A_444 = arith.mulf %mul3A_443, %bitcast3A_439 : vector<16xf32>
          %add3A_445 = arith.addf %add3A_427, %mul3A_444 : vector<16xf32>
          %mul3A_446 = vector.broadcast %squeeze3A_229 : f32 to vector<16xf32>
          %mul3A_447 = arith.mulf %mul3A_446, %bitcast3A_442 : vector<16xf32>
          %add3A_448 = arith.addf %add3A_430, %mul3A_447 : vector<16xf32>
          %swap3A_449 = arith.index_cast %scan3A_213 : i32 to index
          %swap3A_450 = arith.constant 64 : index
          %swap3A_451 = tpu.vector_load %arg14[%swap3A_449, %swap3A_450] {strides = array<i32>} : memref<40x128xf32, #tpu.memory_space<vmem>>, vector<16xf32>,
          tpu.vector_store %arg14[%swap3A_449, %swap3A_450], %add3A_445 {strides = array<i32>} : memref<40x128xf32, #tpu.memory_space<vmem>>, vector<16xf32>,
          %swap3A_452 = arith.index_cast %scan3A_213 : i32 to index
          %swap3A_453 = arith.constant 80 : index
          %swap3A_454 = tpu.vector_load %arg14[%swap3A_452, %swap3A_453] {strides = array<i32>} : memref<40x128xf32, #tpu.memory_space<vmem>>, vector<16xf32>,
          tpu.vector_store %arg14[%swap3A_452, %swap3A_453], %add3A_448 {strides = array<i32>} : memref<40x128xf32, #tpu.memory_space<vmem>>, vector<16xf32>,
          %get3A_455 = arith.constant 1 : i32
          %get3A_456 = arith.index_cast %get3A_455 : i32 to index
          %get3A_457 = arith.index_cast %scan3A_213 : i32 to index
          %get3A_458 = arith.constant 48 : index
          %get3A_459 = tpu.vector_load %arg11[%get3A_456, %get3A_457, %get3A_458] {strides = array<i32>} : memref<2x40x256xi32, #tpu.memory_space<vmem>>, vector<16xi32>,
          %shift_left3A_460 = arith.constant 16 : i32
          %shift_left3A_461 = vector.broadcast %shift_left3A_460 : i32 to vector<16xi32>
          %shift_left3A_462 = arith.shli %get3A_459, %shift_left3A_461 : vector<16xi32>
          %bitcast3A_463 = vector.bitcast %shift_left3A_462 : vector<16xi32> to vector<16xf32>
          %and3A_464 = vector.broadcast %scan3A_207 : i32 to vector<16xi32>
          %and3A_465 = arith.andi %get3A_459, %and3A_464 : vector<16xi32>
          %bitcast3A_466 = vector.bitcast %and3A_465 : vector<16xi32> to vector<16xf32>
          %mul3A_467 = vector.broadcast %squeeze3A : f32 to vector<16xf32>
          %mul3A_468 = arith.mulf %mul3A_467, %bitcast3A_463 : vector<16xf32>
          %mul3A_469 = vector.broadcast %squeeze3A : f32 to vector<16xf32>
          %mul3A_470 = arith.mulf %mul3A_469, %bitcast3A_466 : vector<16xf32>
          %get3A_471 = arith.constant 1 : i32
          %get3A_472 = arith.index_cast %get3A_471 : i32 to index
          %get3A_473 = arith.index_cast %scan3A_213 : i32 to index
          %get3A_474 = arith.constant 112 : index
          %get3A_475 = tpu.vector_load %arg11[%get3A_472, %get3A_473, %get3A_474] {strides = array<i32>} : memref<2x40x256xi32, #tpu.memory_space<vmem>>, vector<16xi32>,
          %shift_left3A_476 = arith.constant 16 : i32
          %shift_left3A_477 = vector.broadcast %shift_left3A_476 : i32 to vector<16xi32>
          %shift_left3A_478 = arith.shli %get3A_475, %shift_left3A_477 : vector<16xi32>
          %bitcast3A_479 = vector.bitcast %shift_left3A_478 : vector<16xi32> to vector<16xf32>
          %and3A_480 = vector.broadcast %scan3A_207 : i32 to vector<16xi32>
          %and3A_481 = arith.andi %get3A_475, %and3A_480 : vector<16xi32>
          %bitcast3A_482 = vector.bitcast %and3A_481 : vector<16xi32> to vector<16xf32>
          %mul3A_483 = vector.broadcast %squeeze3A_225 : f32 to vector<16xf32>
          %mul3A_484 = arith.mulf %mul3A_483, %bitcast3A_479 : vector<16xf32>
          %add3A_485 = arith.addf %mul3A_468, %mul3A_484 : vector<16xf32>
          %mul3A_486 = vector.broadcast %squeeze3A_225 : f32 to vector<16xf32>
          %mul3A_487 = arith.mulf %mul3A_486, %bitcast3A_482 : vector<16xf32>
          %add3A_488 = arith.addf %mul3A_470, %mul3A_487 : vector<16xf32>
          %get3A_489 = arith.constant 1 : i32
          %get3A_490 = arith.index_cast %get3A_489 : i32 to index
          %get3A_491 = arith.index_cast %scan3A_213 : i32 to index
          %get3A_492 = arith.constant 176 : index
          %get3A_493 = tpu.vector_load %arg11[%get3A_490, %get3A_491, %get3A_492] {strides = array<i32>} : memref<2x40x256xi32, #tpu.memory_space<vmem>>, vector<16xi32>,
          %shift_left3A_494 = arith.constant 16 : i32
          %shift_left3A_495 = vector.broadcast %shift_left3A_494 : i32 to vector<16xi32>
          %shift_left3A_496 = arith.shli %get3A_493, %shift_left3A_495 : vector<16xi32>
          %bitcast3A_497 = vector.bitcast %shift_left3A_496 : vector<16xi32> to vector<16xf32>
          %and3A_498 = vector.broadcast %scan3A_207 : i32 to vector<16xi32>
          %and3A_499 = arith.andi %get3A_493, %and3A_498 : vector<16xi32>
          %bitcast3A_500 = vector.bitcast %and3A_499 : vector<16xi32> to vector<16xf32>
          %mul3A_501 = vector.broadcast %squeeze3A_227 : f32 to vector<16xf32>
          %mul3A_502 = arith.mulf %mul3A_501, %bitcast3A_497 : vector<16xf32>
          %add3A_503 = arith.addf %add3A_485, %mul3A_502 : vector<16xf32>
          %mul3A_504 = vector.broadcast %squeeze3A_227 : f32 to vector<16xf32>
          %mul3A_505 = arith.mulf %mul3A_504, %bitcast3A_500 : vector<16xf32>
          %add3A_506 = arith.addf %add3A_488, %mul3A_505 : vector<16xf32>
          %get3A_507 = arith.constant 1 : i32
          %get3A_508 = arith.index_cast %get3A_507 : i32 to index
          %get3A_509 = arith.index_cast %scan3A_213 : i32 to index
          %get3A_510 = arith.constant 240 : index
          %get3A_511 = tpu.vector_load %arg11[%get3A_508, %get3A_509, %get3A_510] {strides = array<i32>} : memref<2x40x256xi32, #tpu.memory_space<vmem>>, vector<16xi32>,
          %shift_left3A_512 = arith.constant 16 : i32
          %shift_left3A_513 = vector.broadcast %shift_left3A_512 : i32 to vector<16xi32>
          %shift_left3A_514 = arith.shli %get3A_511, %shift_left3A_513 : vector<16xi32>
          %bitcast3A_515 = vector.bitcast %shift_left3A_514 : vector<16xi32> to vector<16xf32>
          %and3A_516 = vector.broadcast %scan3A_207 : i32 to vector<16xi32>
          %and3A_517 = arith.andi %get3A_511, %and3A_516 : vector<16xi32>
          %bitcast3A_518 = vector.bitcast %and3A_517 : vector<16xi32> to vector<16xf32>
          %mul3A_519 = vector.broadcast %squeeze3A_229 : f32 to vector<16xf32>
          %mul3A_520 = arith.mulf %mul3A_519, %bitcast3A_515 : vector<16xf32>
          %add3A_521 = arith.addf %add3A_503, %mul3A_520 : vector<16xf32>
          %mul3A_522 = vector.broadcast %squeeze3A_229 : f32 to vector<16xf32>
          %mul3A_523 = arith.mulf %mul3A_522, %bitcast3A_518 : vector<16xf32>
          %add3A_524 = arith.addf %add3A_506, %mul3A_523 : vector<16xf32>
          %swap3A_525 = arith.index_cast %scan3A_213 : i32 to index
          %swap3A_526 = arith.constant 96 : index
          %swap3A_527 = tpu.vector_load %arg14[%swap3A_525, %swap3A_526] {strides = array<i32>} : memref<40x128xf32, #tpu.memory_space<vmem>>, vector<16xf32>,
          tpu.vector_store %arg14[%swap3A_525, %swap3A_526], %add3A_521 {strides = array<i32>} : memref<40x128xf32, #tpu.memory_space<vmem>>, vector<16xf32>,
          %swap3A_528 = arith.index_cast %scan3A_213 : i32 to index
          %swap3A_529 = arith.constant 112 : index
          %swap3A_530 = tpu.vector_load %arg14[%swap3A_528, %swap3A_529] {strides = array<i32>} : memref<40x128xf32, #tpu.memory_space<vmem>>, vector<16xf32>,
          tpu.vector_store %arg14[%swap3A_528, %swap3A_529], %add3A_524 {strides = array<i32>} : memref<40x128xf32, #tpu.memory_space<vmem>>, vector<16xf32>,
          %scan3A_531 = arith.constant 1 : i32
          %scan3A_532 = arith.addi %scan3A_213, %scan3A_531 : i32
          %get3A_533 = arith.constant 1 : i32
          %get3A_534 = arith.index_cast %get3A_533 : i32 to index
          %get3A_535 = arith.index_cast %scan3A_532 : i32 to index
          %get3A_536 = arith.constant 0 : index
          %get3A_537 = tpu.vector_load %arg13[%get3A_534, %get3A_535, %get3A_536] {strides = array<i32>} : memref<2x40x16xf32, #tpu.memory_space<vmem>>, vector<16xf32>,
          %get3A_538 = arith.constant 1 : i32
          %get3A_539 = arith.index_cast %get3A_538 : i32 to index
          %get3A_540 = arith.index_cast %scan3A_532 : i32 to index
          %get3A_541 = arith.constant 0 : index
          %get3A_542 = tpu.vector_load %arg12[%get3A_539, %get3A_540, %get3A_541] {strides = array<i32>} : memref<2x40x16xf32, #tpu.memory_space<vmem>>, vector<16xf32>,
          %mul3A_543 = arith.mulf %get3A_537, %get3A_542 : vector<16xf32>
          %slice3A_544 = vector.extract_strided_slice %mul3A_543 {offsets = [0], sizes = [1], strides = [1]} : vector<16xf32> to vector<1xf32>
          %squeeze3A_545 = vector.extract %slice3A_544[0] : f32 from vector<1xf32>
          %slice3A_546 = vector.extract_strided_slice %mul3A_543 {offsets = [1], sizes = [1], strides = [1]} : vector<16xf32> to vector<1xf32>
          %squeeze3A_547 = vector.extract %slice3A_546[0] : f32 from vector<1xf32>
          %slice3A_548 = vector.extract_strided_slice %mul3A_543 {offsets = [2], sizes = [1], strides = [1]} : vector<16xf32> to vector<1xf32>
          %squeeze3A_549 = vector.extract %slice3A_548[0] : f32 from vector<1xf32>
          %slice3A_550 = vector.extract_strided_slice %mul3A_543 {offsets = [3], sizes = [1], strides = [1]} : vector<16xf32> to vector<1xf32>
          %squeeze3A_551 = vector.extract %slice3A_550[0] : f32 from vector<1xf32>
          %get3A_552 = arith.constant 1 : i32
          %get3A_553 = arith.index_cast %get3A_552 : i32 to index
          %get3A_554 = arith.index_cast %scan3A_532 : i32 to index
          %get3A_555 = arith.constant 0 : index
          %get3A_556 = tpu.vector_load %arg11[%get3A_553, %get3A_554, %get3A_555] {strides = array<i32>} : memref<2x40x256xi32, #tpu.memory_space<vmem>>, vector<16xi32>,
          %shift_left3A_557 = arith.constant 16 : i32
          %shift_left3A_558 = vector.broadcast %shift_left3A_557 : i32 to vector<16xi32>
          %shift_left3A_559 = arith.shli %get3A_556, %shift_left3A_558 : vector<16xi32>
          %bitcast3A_560 = vector.bitcast %shift_left3A_559 : vector<16xi32> to vector<16xf32>
          %and3A_561 = vector.broadcast %scan3A_207 : i32 to vector<16xi32>
          %and3A_562 = arith.andi %get3A_556, %and3A_561 : vector<16xi32>
          %bitcast3A_563 = vector.bitcast %and3A_562 : vector<16xi32> to vector<16xf32>
          %mul3A_564 = vector.broadcast %squeeze3A_545 : f32 to vector<16xf32>
          %mul3A_565 = arith.mulf %mul3A_564, %bitcast3A_560 : vector<16xf32>
          %mul3A_566 = vector.broadcast %squeeze3A_545 : f32 to vector<16xf32>
          %mul3A_567 = arith.mulf %mul3A_566, %bitcast3A_563 : vector<16xf32>
          %get3A_568 = arith.constant 1 : i32
          %get3A_569 = arith.index_cast %get3A_568 : i32 to index
          %get3A_570 = arith.index_cast %scan3A_532 : i32 to index
          %get3A_571 = arith.constant 64 : index
          %get3A_572 = tpu.vector_load %arg11[%get3A_569, %get3A_570, %get3A_571] {strides = array<i32>} : memref<2x40x256xi32, #tpu.memory_space<vmem>>, vector<16xi32>,
          %shift_left3A_573 = arith.constant 16 : i32
          %shift_left3A_574 = vector.broadcast %shift_left3A_573 : i32 to vector<16xi32>
          %shift_left3A_575 = arith.shli %get3A_572, %shift_left3A_574 : vector<16xi32>
          %bitcast3A_576 = vector.bitcast %shift_left3A_575 : vector<16xi32> to vector<16xf32>
          %and3A_577 = vector.broadcast %scan3A_207 : i32 to vector<16xi32>
          %and3A_578 = arith.andi %get3A_572, %and3A_577 : vector<16xi32>
          %bitcast3A_579 = vector.bitcast %and3A_578 : vector<16xi32> to vector<16xf32>
          %mul3A_580 = vector.broadcast %squeeze3A_547 : f32 to vector<16xf32>
          %mul3A_581 = arith.mulf %mul3A_580, %bitcast3A_576 : vector<16xf32>
          %add3A_582 = arith.addf %mul3A_565, %mul3A_581 : vector<16xf32>
          %mul3A_583 = vector.broadcast %squeeze3A_547 : f32 to vector<16xf32>
          %mul3A_584 = arith.mulf %mul3A_583, %bitcast3A_579 : vector<16xf32>
          %add3A_585 = arith.addf %mul3A_567, %mul3A_584 : vector<16xf32>
          %get3A_586 = arith.constant 1 : i32
          %get3A_587 = arith.index_cast %get3A_586 : i32 to index
          %get3A_588 = arith.index_cast %scan3A_532 : i32 to index
          %get3A_589 = arith.constant 128 : index
          %get3A_590 = tpu.vector_load %arg11[%get3A_587, %get3A_588, %get3A_589] {strides = array<i32>} : memref<2x40x256xi32, #tpu.memory_space<vmem>>, vector<16xi32>,
          %shift_left3A_591 = arith.constant 16 : i32
          %shift_left3A_592 = vector.broadcast %shift_left3A_591 : i32 to vector<16xi32>
          %shift_left3A_593 = arith.shli %get3A_590, %shift_left3A_592 : vector<16xi32>
          %bitcast3A_594 = vector.bitcast %shift_left3A_593 : vector<16xi32> to vector<16xf32>
          %and3A_595 = vector.broadcast %scan3A_207 : i32 to vector<16xi32>
          %and3A_596 = arith.andi %get3A_590, %and3A_595 : vector<16xi32>
          %bitcast3A_597 = vector.bitcast %and3A_596 : vector<16xi32> to vector<16xf32>
          %mul3A_598 = vector.broadcast %squeeze3A_549 : f32 to vector<16xf32>
          %mul3A_599 = arith.mulf %mul3A_598, %bitcast3A_594 : vector<16xf32>
          %add3A_600 = arith.addf %add3A_582, %mul3A_599 : vector<16xf32>
          %mul3A_601 = vector.broadcast %squeeze3A_549 : f32 to vector<16xf32>
          %mul3A_602 = arith.mulf %mul3A_601, %bitcast3A_597 : vector<16xf32>
          %add3A_603 = arith.addf %add3A_585, %mul3A_602 : vector<16xf32>
          %get3A_604 = arith.constant 1 : i32
          %get3A_605 = arith.index_cast %get3A_604 : i32 to index
          %get3A_606 = arith.index_cast %scan3A_532 : i32 to index
          %get3A_607 = arith.constant 192 : index
          %get3A_608 = tpu.vector_load %arg11[%get3A_605, %get3A_606, %get3A_607] {strides = array<i32>} : memref<2x40x256xi32, #tpu.memory_space<vmem>>, vector<16xi32>,
          %shift_left3A_609 = arith.constant 16 : i32
          %shift_left3A_610 = vector.broadcast %shift_left3A_609 : i32 to vector<16xi32>
          %shift_left3A_611 = arith.shli %get3A_608, %shift_left3A_610 : vector<16xi32>
          %bitcast3A_612 = vector.bitcast %shift_left3A_611 : vector<16xi32> to vector<16xf32>
          %and3A_613 = vector.broadcast %scan3A_207 : i32 to vector<16xi32>
          %and3A_614 = arith.andi %get3A_608, %and3A_613 : vector<16xi32>
          %bitcast3A_615 = vector.bitcast %and3A_614 : vector<16xi32> to vector<16xf32>
          %mul3A_616 = vector.broadcast %squeeze3A_551 : f32 to vector<16xf32>
          %mul3A_617 = arith.mulf %mul3A_616, %bitcast3A_612 : vector<16xf32>
          %add3A_618 = arith.addf %add3A_600, %mul3A_617 : vector<16xf32>
          %mul3A_619 = vector.broadcast %squeeze3A_551 : f32 to vector<16xf32>
          %mul3A_620 = arith.mulf %mul3A_619, %bitcast3A_615 : vector<16xf32>
          %add3A_621 = arith.addf %add3A_603, %mul3A_620 : vector<16xf32>
          %swap3A_622 = arith.index_cast %scan3A_532 : i32 to index
          %swap3A_623 = arith.constant 0 : index
          %swap3A_624 = tpu.vector_load %arg14[%swap3A_622, %swap3A_623] {strides = array<i32>} : memref<40x128xf32, #tpu.memory_space<vmem>>, vector<16xf32>,
          tpu.vector_store %arg14[%swap3A_622, %swap3A_623], %add3A_618 {strides = array<i32>} : memref<40x128xf32, #tpu.memory_space<vmem>>, vector<16xf32>,
          %swap3A_625 = arith.index_cast %scan3A_532 : i32 to index
          %swap3A_626 = arith.constant 16 : index
          %swap3A_627 = tpu.vector_load %arg14[%swap3A_625, %swap3A_626] {strides = array<i32>} : memref<40x128xf32, #tpu.memory_space<vmem>>, vector<16xf32>,
          tpu.vector_store %arg14[%swap3A_625, %swap3A_626], %add3A_621 {strides = array<i32>} : memref<40x128xf32, #tpu.memory_space<vmem>>, vector<16xf32>,
          %get3A_628 = arith.constant 1 : i32
          %get3A_629 = arith.index_cast %get3A_628 : i32 to index
          %get3A_630 = arith.index_cast %scan3A_532 : i32 to index
          %get3A_631 = arith.constant 16 : index
          %get3A_632 = tpu.vector_load %arg11[%get3A_629, %get3A_630, %get3A_631] {strides = array<i32>} : memref<2x40x256xi32, #tpu.memory_space<vmem>>, vector<16xi32>,
          %shift_left3A_633 = arith.constant 16 : i32
          %shift_left3A_634 = vector.broadcast %shift_left3A_633 : i32 to vector<16xi32>
          %shift_left3A_635 = arith.shli %get3A_632, %shift_left3A_634 : vector<16xi32>
          %bitcast3A_636 = vector.bitcast %shift_left3A_635 : vector<16xi32> to vector<16xf32>
          %and3A_637 = vector.broadcast %scan3A_207 : i32 to vector<16xi32>
          %and3A_638 = arith.andi %get3A_632, %and3A_637 : vector<16xi32>
          %bitcast3A_639 = vector.bitcast %and3A_638 : vector<16xi32> to vector<16xf32>
          %mul3A_640 = vector.broadcast %squeeze3A_545 : f32 to vector<16xf32>
          %mul3A_641 = arith.mulf %mul3A_640, %bitcast3A_636 : vector<16xf32>
          %mul3A_642 = vector.broadcast %squeeze3A_545 : f32 to vector<16xf32>
          %mul3A_643 = arith.mulf %mul3A_642, %bitcast3A_639 : vector<16xf32>
          %get3A_644 = arith.constant 1 : i32
          %get3A_645 = arith.index_cast %get3A_644 : i32 to index
          %get3A_646 = arith.index_cast %scan3A_532 : i32 to index
          %get3A_647 = arith.constant 80 : index
          %get3A_648 = tpu.vector_load %arg11[%get3A_645, %get3A_646, %get3A_647] {strides = array<i32>} : memref<2x40x256xi32, #tpu.memory_space<vmem>>, vector<16xi32>,
          %shift_left3A_649 = arith.constant 16 : i32
          %shift_left3A_650 = vector.broadcast %shift_left3A_649 : i32 to vector<16xi32>
          %shift_left3A_651 = arith.shli %get3A_648, %shift_left3A_650 : vector<16xi32>
          %bitcast3A_652 = vector.bitcast %shift_left3A_651 : vector<16xi32> to vector<16xf32>
          %and3A_653 = vector.broadcast %scan3A_207 : i32 to vector<16xi32>
          %and3A_654 = arith.andi %get3A_648, %and3A_653 : vector<16xi32>
          %bitcast3A_655 = vector.bitcast %and3A_654 : vector<16xi32> to vector<16xf32>
          %mul3A_656 = vector.broadcast %squeeze3A_547 : f32 to vector<16xf32>
          %mul3A_657 = arith.mulf %mul3A_656, %bitcast3A_652 : vector<16xf32>
          %add3A_658 = arith.addf %mul3A_641, %mul3A_657 : vector<16xf32>
          %mul3A_659 = vector.broadcast %squeeze3A_547 : f32 to vector<16xf32>
          %mul3A_660 = arith.mulf %mul3A_659, %bitcast3A_655 : vector<16xf32>
          %add3A_661 = arith.addf %mul3A_643, %mul3A_660 : vector<16xf32>
          %get3A_662 = arith.constant 1 : i32
          %get3A_663 = arith.index_cast %get3A_662 : i32 to index
          %get3A_664 = arith.index_cast %scan3A_532 : i32 to index
          %get3A_665 = arith.constant 144 : index
          %get3A_666 = tpu.vector_load %arg11[%get3A_663, %get3A_664, %get3A_665] {strides = array<i32>} : memref<2x40x256xi32, #tpu.memory_space<vmem>>, vector<16xi32>,
          %shift_left3A_667 = arith.constant 16 : i32
          %shift_left3A_668 = vector.broadcast %shift_left3A_667 : i32 to vector<16xi32>
          %shift_left3A_669 = arith.shli %get3A_666, %shift_left3A_668 : vector<16xi32>
          %bitcast3A_670 = vector.bitcast %shift_left3A_669 : vector<16xi32> to vector<16xf32>
          %and3A_671 = vector.broadcast %scan3A_207 : i32 to vector<16xi32>
          %and3A_672 = arith.andi %get3A_666, %and3A_671 : vector<16xi32>
          %bitcast3A_673 = vector.bitcast %and3A_672 : vector<16xi32> to vector<16xf32>
          %mul3A_674 = vector.broadcast %squeeze3A_549 : f32 to vector<16xf32>
          %mul3A_675 = arith.mulf %mul3A_674, %bitcast3A_670 : vector<16xf32>
          %add3A_676 = arith.addf %add3A_658, %mul3A_675 : vector<16xf32>
          %mul3A_677 = vector.broadcast %squeeze3A_549 : f32 to vector<16xf32>
          %mul3A_678 = arith.mulf %mul3A_677, %bitcast3A_673 : vector<16xf32>
          %add3A_679 = arith.addf %add3A_661, %mul3A_678 : vector<16xf32>
          %get3A_680 = arith.constant 1 : i32
          %get3A_681 = arith.index_cast %get3A_680 : i32 to index
          %get3A_682 = arith.index_cast %scan3A_532 : i32 to index
          %get3A_683 = arith.constant 208 : index
          %get3A_684 = tpu.vector_load %arg11[%get3A_681, %get3A_682, %get3A_683] {strides = array<i32>} : memref<2x40x256xi32, #tpu.memory_space<vmem>>, vector<16xi32>,
          %shift_left3A_685 = arith.constant 16 : i32
          %shift_left3A_686 = vector.broadcast %shift_left3A_685 : i32 to vector<16xi32>
          %shift_left3A_687 = arith.shli %get3A_684, %shift_left3A_686 : vector<16xi32>
          %bitcast3A_688 = vector.bitcast %shift_left3A_687 : vector<16xi32> to vector<16xf32>
          %and3A_689 = vector.broadcast %scan3A_207 : i32 to vector<16xi32>
          %and3A_690 = arith.andi %get3A_684, %and3A_689 : vector<16xi32>
          %bitcast3A_691 = vector.bitcast %and3A_690 : vector<16xi32> to vector<16xf32>
          %mul3A_692 = vector.broadcast %squeeze3A_551 : f32 to vector<16xf32>
          %mul3A_693 = arith.mulf %mul3A_692, %bitcast3A_688 : vector<16xf32>
          %add3A_694 = arith.addf %add3A_676, %mul3A_693 : vector<16xf32>
          %mul3A_695 = vector.broadcast %squeeze3A_551 : f32 to vector<16xf32>
          %mul3A_696 = arith.mulf %mul3A_695, %bitcast3A_691 : vector<16xf32>
          %add3A_697 = arith.addf %add3A_679, %mul3A_696 : vector<16xf32>
          %swap3A_698 = arith.index_cast %scan3A_532 : i32 to index
          %swap3A_699 = arith.constant 32 : index
          %swap3A_700 = tpu.vector_load %arg14[%swap3A_698, %swap3A_699] {strides = array<i32>} : memref<40x128xf32, #tpu.memory_space<vmem>>, vector<16xf32>,
          tpu.vector_store %arg14[%swap3A_698, %swap3A_699], %add3A_694 {strides = array<i32>} : memref<40x128xf32, #tpu.memory_space<vmem>>, vector<16xf32>,
          %swap3A_701 = arith.index_cast %scan3A_532 : i32 to index
          %swap3A_702 = arith.constant 48 : index
          %swap3A_703 = tpu.vector_load %arg14[%swap3A_701, %swap3A_702] {strides = array<i32>} : memref<40x128xf32, #tpu.memory_space<vmem>>, vector<16xf32>,
          tpu.vector_store %arg14[%swap3A_701, %swap3A_702], %add3A_697 {strides = array<i32>} : memref<40x128xf32, #tpu.memory_space<vmem>>, vector<16xf32>,
          %get3A_704 = arith.constant 1 : i32
          %get3A_705 = arith.index_cast %get3A_704 : i32 to index
          %get3A_706 = arith.index_cast %scan3A_532 : i32 to index
          %get3A_707 = arith.constant 32 : index
          %get3A_708 = tpu.vector_load %arg11[%get3A_705, %get3A_706, %get3A_707] {strides = array<i32>} : memref<2x40x256xi32, #tpu.memory_space<vmem>>, vector<16xi32>,
          %shift_left3A_709 = arith.constant 16 : i32
          %shift_left3A_710 = vector.broadcast %shift_left3A_709 : i32 to vector<16xi32>
          %shift_left3A_711 = arith.shli %get3A_708, %shift_left3A_710 : vector<16xi32>
          %bitcast3A_712 = vector.bitcast %shift_left3A_711 : vector<16xi32> to vector<16xf32>
          %and3A_713 = vector.broadcast %scan3A_207 : i32 to vector<16xi32>
          %and3A_714 = arith.andi %get3A_708, %and3A_713 : vector<16xi32>
          %bitcast3A_715 = vector.bitcast %and3A_714 : vector<16xi32> to vector<16xf32>
          %mul3A_716 = vector.broadcast %squeeze3A_545 : f32 to vector<16xf32>
          %mul3A_717 = arith.mulf %mul3A_716, %bitcast3A_712 : vector<16xf32>
          %mul3A_718 = vector.broadcast %squeeze3A_545 : f32 to vector<16xf32>
          %mul3A_719 = arith.mulf %mul3A_718, %bitcast3A_715 : vector<16xf32>
          %get3A_720 = arith.constant 1 : i32
          %get3A_721 = arith.index_cast %get3A_720 : i32 to index
          %get3A_722 = arith.index_cast %scan3A_532 : i32 to index
          %get3A_723 = arith.constant 96 : index
          %get3A_724 = tpu.vector_load %arg11[%get3A_721, %get3A_722, %get3A_723] {strides = array<i32>} : memref<2x40x256xi32, #tpu.memory_space<vmem>>, vector<16xi32>,
          %shift_left3A_725 = arith.constant 16 : i32
          %shift_left3A_726 = vector.broadcast %shift_left3A_725 : i32 to vector<16xi32>
          %shift_left3A_727 = arith.shli %get3A_724, %shift_left3A_726 : vector<16xi32>
          %bitcast3A_728 = vector.bitcast %shift_left3A_727 : vector<16xi32> to vector<16xf32>
          %and3A_729 = vector.broadcast %scan3A_207 : i32 to vector<16xi32>
          %and3A_730 = arith.andi %get3A_724, %and3A_729 : vector<16xi32>
          %bitcast3A_731 = vector.bitcast %and3A_730 : vector<16xi32> to vector<16xf32>
          %mul3A_732 = vector.broadcast %squeeze3A_547 : f32 to vector<16xf32>
          %mul3A_733 = arith.mulf %mul3A_732, %bitcast3A_728 : vector<16xf32>
          %add3A_734 = arith.addf %mul3A_717, %mul3A_733 : vector<16xf32>
          %mul3A_735 = vector.broadcast %squeeze3A_547 : f32 to vector<16xf32>
          %mul3A_736 = arith.mulf %mul3A_735, %bitcast3A_731 : vector<16xf32>
          %add3A_737 = arith.addf %mul3A_719, %mul3A_736 : vector<16xf32>
          %get3A_738 = arith.constant 1 : i32
          %get3A_739 = arith.index_cast %get3A_738 : i32 to index
          %get3A_740 = arith.index_cast %scan3A_532 : i32 to index
          %get3A_741 = arith.constant 160 : index
          %get3A_742 = tpu.vector_load %arg11[%get3A_739, %get3A_740, %get3A_741] {strides = array<i32>} : memref<2x40x256xi32, #tpu.memory_space<vmem>>, vector<16xi32>,
          %shift_left3A_743 = arith.constant 16 : i32
          %shift_left3A_744 = vector.broadcast %shift_left3A_743 : i32 to vector<16xi32>
          %shift_left3A_745 = arith.shli %get3A_742, %shift_left3A_744 : vector<16xi32>
          %bitcast3A_746 = vector.bitcast %shift_left3A_745 : vector<16xi32> to vector<16xf32>
          %and3A_747 = vector.broadcast %scan3A_207 : i32 to vector<16xi32>
          %and3A_748 = arith.andi %get3A_742, %and3A_747 : vector<16xi32>
          %bitcast3A_749 = vector.bitcast %and3A_748 : vector<16xi32> to vector<16xf32>
          %mul3A_750 = vector.broadcast %squeeze3A_549 : f32 to vector<16xf32>
          %mul3A_751 = arith.mulf %mul3A_750, %bitcast3A_746 : vector<16xf32>
          %add3A_752 = arith.addf %add3A_734, %mul3A_751 : vector<16xf32>
          %mul3A_753 = vector.broadcast %squeeze3A_549 : f32 to vector<16xf32>
          %mul3A_754 = arith.mulf %mul3A_753, %bitcast3A_749 : vector<16xf32>
          %add3A_755 = arith.addf %add3A_737, %mul3A_754 : vector<16xf32>
          %get3A_756 = arith.constant 1 : i32
          %get3A_757 = arith.index_cast %get3A_756 : i32 to index
          %get3A_758 = arith.index_cast %scan3A_532 : i32 to index
          %get3A_759 = arith.constant 224 : index
          %get3A_760 = tpu.vector_load %arg11[%get3A_757, %get3A_758, %get3A_759] {strides = array<i32>} : memref<2x40x256xi32, #tpu.memory_space<vmem>>, vector<16xi32>,
          %shift_left3A_761 = arith.constant 16 : i32
          %shift_left3A_762 = vector.broadcast %shift_left3A_761 : i32 to vector<16xi32>
          %shift_left3A_763 = arith.shli %get3A_760, %shift_left3A_762 : vector<16xi32>
          %bitcast3A_764 = vector.bitcast %shift_left3A_763 : vector<16xi32> to vector<16xf32>
          %and3A_765 = vector.broadcast %scan3A_207 : i32 to vector<16xi32>
          %and3A_766 = arith.andi %get3A_760, %and3A_765 : vector<16xi32>
          %bitcast3A_767 = vector.bitcast %and3A_766 : vector<16xi32> to vector<16xf32>
          %mul3A_768 = vector.broadcast %squeeze3A_551 : f32 to vector<16xf32>
          %mul3A_769 = arith.mulf %mul3A_768, %bitcast3A_764 : vector<16xf32>
          %add3A_770 = arith.addf %add3A_752, %mul3A_769 : vector<16xf32>
          %mul3A_771 = vector.broadcast %squeeze3A_551 : f32 to vector<16xf32>
          %mul3A_772 = arith.mulf %mul3A_771, %bitcast3A_767 : vector<16xf32>
          %add3A_773 = arith.addf %add3A_755, %mul3A_772 : vector<16xf32>
          %swap3A_774 = arith.index_cast %scan3A_532 : i32 to index
          %swap3A_775 = arith.constant 64 : index
          %swap3A_776 = tpu.vector_load %arg14[%swap3A_774, %swap3A_775] {strides = array<i32>} : memref<40x128xf32, #tpu.memory_space<vmem>>, vector<16xf32>,
          tpu.vector_store %arg14[%swap3A_774, %swap3A_775], %add3A_770 {strides = array<i32>} : memref<40x128xf32, #tpu.memory_space<vmem>>, vector<16xf32>,
          %swap3A_777 = arith.index_cast %scan3A_532 : i32 to index
          %swap3A_778 = arith.constant 80 : index
          %swap3A_779 = tpu.vector_load %arg14[%swap3A_777, %swap3A_778] {strides = array<i32>} : memref<40x128xf32, #tpu.memory_space<vmem>>, vector<16xf32>,
          tpu.vector_store %arg14[%swap3A_777, %swap3A_778], %add3A_773 {strides = array<i32>} : memref<40x128xf32, #tpu.memory_space<vmem>>, vector<16xf32>,
          %get3A_780 = arith.constant 1 : i32
          %get3A_781 = arith.index_cast %get3A_780 : i32 to index
          %get3A_782 = arith.index_cast %scan3A_532 : i32 to index
          %get3A_783 = arith.constant 48 : index
          %get3A_784 = tpu.vector_load %arg11[%get3A_781, %get3A_782, %get3A_783] {strides = array<i32>} : memref<2x40x256xi32, #tpu.memory_space<vmem>>, vector<16xi32>,
          %shift_left3A_785 = arith.constant 16 : i32
          %shift_left3A_786 = vector.broadcast %shift_left3A_785 : i32 to vector<16xi32>
          %shift_left3A_787 = arith.shli %get3A_784, %shift_left3A_786 : vector<16xi32>
          %bitcast3A_788 = vector.bitcast %shift_left3A_787 : vector<16xi32> to vector<16xf32>
          %and3A_789 = vector.broadcast %scan3A_207 : i32 to vector<16xi32>
          %and3A_790 = arith.andi %get3A_784, %and3A_789 : vector<16xi32>
          %bitcast3A_791 = vector.bitcast %and3A_790 : vector<16xi32> to vector<16xf32>
          %mul3A_792 = vector.broadcast %squeeze3A_545 : f32 to vector<16xf32>
          %mul3A_793 = arith.mulf %mul3A_792, %bitcast3A_788 : vector<16xf32>
          %mul3A_794 = vector.broadcast %squeeze3A_545 : f32 to vector<16xf32>
          %mul3A_795 = arith.mulf %mul3A_794, %bitcast3A_791 : vector<16xf32>
          %get3A_796 = arith.constant 1 : i32
          %get3A_797 = arith.index_cast %get3A_796 : i32 to index
          %get3A_798 = arith.index_cast %scan3A_532 : i32 to index
          %get3A_799 = arith.constant 112 : index
          %get3A_800 = tpu.vector_load %arg11[%get3A_797, %get3A_798, %get3A_799] {strides = array<i32>} : memref<2x40x256xi32, #tpu.memory_space<vmem>>, vector<16xi32>,
          %shift_left3A_801 = arith.constant 16 : i32
          %shift_left3A_802 = vector.broadcast %shift_left3A_801 : i32 to vector<16xi32>
          %shift_left3A_803 = arith.shli %get3A_800, %shift_left3A_802 : vector<16xi32>
          %bitcast3A_804 = vector.bitcast %shift_left3A_803 : vector<16xi32> to vector<16xf32>
          %and3A_805 = vector.broadcast %scan3A_207 : i32 to vector<16xi32>
          %and3A_806 = arith.andi %get3A_800, %and3A_805 : vector<16xi32>
          %bitcast3A_807 = vector.bitcast %and3A_806 : vector<16xi32> to vector<16xf32>
          %mul3A_808 = vector.broadcast %squeeze3A_547 : f32 to vector<16xf32>
          %mul3A_809 = arith.mulf %mul3A_808, %bitcast3A_804 : vector<16xf32>
          %add3A_810 = arith.addf %mul3A_793, %mul3A_809 : vector<16xf32>
          %mul3A_811 = vector.broadcast %squeeze3A_547 : f32 to vector<16xf32>
          %mul3A_812 = arith.mulf %mul3A_811, %bitcast3A_807 : vector<16xf32>
          %add3A_813 = arith.addf %mul3A_795, %mul3A_812 : vector<16xf32>
          %get3A_814 = arith.constant 1 : i32
          %get3A_815 = arith.index_cast %get3A_814 : i32 to index
          %get3A_816 = arith.index_cast %scan3A_532 : i32 to index
          %get3A_817 = arith.constant 176 : index
          %get3A_818 = tpu.vector_load %arg11[%get3A_815, %get3A_816, %get3A_817] {strides = array<i32>} : memref<2x40x256xi32, #tpu.memory_space<vmem>>, vector<16xi32>,
          %shift_left3A_819 = arith.constant 16 : i32
          %shift_left3A_820 = vector.broadcast %shift_left3A_819 : i32 to vector<16xi32>
          %shift_left3A_821 = arith.shli %get3A_818, %shift_left3A_820 : vector<16xi32>
          %bitcast3A_822 = vector.bitcast %shift_left3A_821 : vector<16xi32> to vector<16xf32>
          %and3A_823 = vector.broadcast %scan3A_207 : i32 to vector<16xi32>
          %and3A_824 = arith.andi %get3A_818, %and3A_823 : vector<16xi32>
          %bitcast3A_825 = vector.bitcast %and3A_824 : vector<16xi32> to vector<16xf32>
          %mul3A_826 = vector.broadcast %squeeze3A_549 : f32 to vector<16xf32>
          %mul3A_827 = arith.mulf %mul3A_826, %bitcast3A_822 : vector<16xf32>
          %add3A_828 = arith.addf %add3A_810, %mul3A_827 : vector<16xf32>
          %mul3A_829 = vector.broadcast %squeeze3A_549 : f32 to vector<16xf32>
          %mul3A_830 = arith.mulf %mul3A_829, %bitcast3A_825 : vector<16xf32>
          %add3A_831 = arith.addf %add3A_813, %mul3A_830 : vector<16xf32>
          %get3A_832 = arith.constant 1 : i32
          %get3A_833 = arith.index_cast %get3A_832 : i32 to index
          %get3A_834 = arith.index_cast %scan3A_532 : i32 to index
          %get3A_835 = arith.constant 240 : index
          %get3A_836 = tpu.vector_load %arg11[%get3A_833, %get3A_834, %get3A_835] {strides = array<i32>} : memref<2x40x256xi32, #tpu.memory_space<vmem>>, vector<16xi32>,
          %shift_left3A_837 = arith.constant 16 : i32
          %shift_left3A_838 = vector.broadcast %shift_left3A_837 : i32 to vector<16xi32>
          %shift_left3A_839 = arith.shli %get3A_836, %shift_left3A_838 : vector<16xi32>
          %bitcast3A_840 = vector.bitcast %shift_left3A_839 : vector<16xi32> to vector<16xf32>
          %and3A_841 = vector.broadcast %scan3A_207 : i32 to vector<16xi32>
          %and3A_842 = arith.andi %get3A_836, %and3A_841 : vector<16xi32>
          %bitcast3A_843 = vector.bitcast %and3A_842 : vector<16xi32> to vector<16xf32>
          %mul3A_844 = vector.broadcast %squeeze3A_551 : f32 to vector<16xf32>
          %mul3A_845 = arith.mulf %mul3A_844, %bitcast3A_840 : vector<16xf32>
          %add3A_846 = arith.addf %add3A_828, %mul3A_845 : vector<16xf32>
          %mul3A_847 = vector.broadcast %squeeze3A_551 : f32 to vector<16xf32>
          %mul3A_848 = arith.mulf %mul3A_847, %bitcast3A_843 : vector<16xf32>
          %add3A_849 = arith.addf %add3A_831, %mul3A_848 : vector<16xf32>
          %swap3A_850 = arith.index_cast %scan3A_532 : i32 to index
          %swap3A_851 = arith.constant 96 : index
          %swap3A_852 = tpu.vector_load %arg14[%swap3A_850, %swap3A_851] {strides = array<i32>} : memref<40x128xf32, #tpu.memory_space<vmem>>, vector<16xf32>,
          tpu.vector_store %arg14[%swap3A_850, %swap3A_851], %add3A_846 {strides = array<i32>} : memref<40x128xf32, #tpu.memory_space<vmem>>, vector<16xf32>,
          %swap3A_853 = arith.index_cast %scan3A_532 : i32 to index
          %swap3A_854 = arith.constant 112 : index
          %swap3A_855 = tpu.vector_load %arg14[%swap3A_853, %swap3A_854] {strides = array<i32>} : memref<40x128xf32, #tpu.memory_space<vmem>>, vector<16xf32>,
          tpu.vector_store %arg14[%swap3A_853, %swap3A_854], %add3A_849 {strides = array<i32>} : memref<40x128xf32, #tpu.memory_space<vmem>>, vector<16xf32>,
        }
        %scan3A_212 = arith.constant 40 : i32
        "tpu.region"() ({
          %run_scoped3A = tpu.sem_alloc : memref<!tpu.dma_semaphore, #tpu.memory_space<semaphore_mem>>
          %dma_start3A_213 = arith.constant 0 : i32
          %dma_start3A_214 = tpu.memref_slice %arg10[%scan3A_91, %dma_start3A_213] : memref<250x40xi32, #tpu.memory_space<vmem>> -> memref<1x40xi32, #tpu.memory_space<vmem>>
          %dma_start3A_215 = tpu.memref_squeeze %dma_start3A_214 : memref<1x40xi32, #tpu.memory_space<vmem>> -> memref<40xi32, #tpu.memory_space<vmem>>
          %dma_start3A_216 = arith.constant 0 : i32
          %dma_start3A_217 = arith.constant 0 : i32
          %dma_start3A_218 = tpu.memref_slice %arg15[%dma_start3A_216, %dma_start3A_217] : memref<10240x128xf32, #tpu.memory_space<vmem_shared>> -> memref<10240x128xf32, #tpu.memory_space<vmem_shared>>
          tpu.enqueue_indirect_dma source(%arg14 : memref<40x128xf32, #tpu.memory_space<vmem>>) target(%dma_start3A_218 : memref<10240x128xf32, #tpu.memory_space<vmem_shared>>) offsets(%dma_start3A_215 : memref<40xi32, #tpu.memory_space<vmem>>) semaphore(%run_scoped3A : memref<!tpu.dma_semaphore, #tpu.memory_space<semaphore_mem>>) {add = true}
          %dma_wait3A_219 = arith.constant 0 : i32
          %dma_wait3A_220 = tpu.memref_slice %arg10[%scan3A_91, %dma_wait3A_219] : memref<250x40xi32, #tpu.memory_space<vmem>> -> memref<1x40xi32, #tpu.memory_space<vmem>>
          %dma_wait3A_221 = tpu.memref_squeeze %dma_wait3A_220 : memref<1x40xi32, #tpu.memory_space<vmem>> -> memref<40xi32, #tpu.memory_space<vmem>>
          %dma_wait3A_222 = arith.constant 0 : i32
          %dma_wait3A_223 = arith.constant 0 : i32
          %dma_wait3A_224 = tpu.memref_slice %arg15[%dma_wait3A_222, %dma_wait3A_223] : memref<10240x128xf32, #tpu.memory_space<vmem_shared>> -> memref<10240x128xf32, #tpu.memory_space<vmem_shared>>
          tpu.wait_indirect_dma semaphore(%run_scoped3A : memref<!tpu.dma_semaphore, #tpu.memory_space<semaphore_mem>>) src(%arg14 : memref<40x128xf32, #tpu.memory_space<vmem>>) dst(%dma_wait3A_224 : memref<10240x128xf32, #tpu.memory_space<vmem_shared>>)
          tpu.yield
        }) : () -> ()
      } else {
      }
    }
    %scan3A_48 = arith.constant 250 : i32
    %dma_wait3A = arith.constant 0 : i32
    %dma_wait3A_49 = arith.constant 0 : i32
    %dma_wait3A_50 = arith.constant 0 : i32
    %dma_wait3A_51 = arith.constant 0 : i32
    %dma_wait3A_52 = tpu.memref_slice %arg11[%dma_wait3A_49, %dma_wait3A_50, %dma_wait3A_51] : memref<2x40x256xi32, #tpu.memory_space<vmem>> -> memref<1x40x256xi32, #tpu.memory_space<vmem>>
    %dma_wait3A_53 = tpu.memref_squeeze %dma_wait3A_52 : memref<1x40x256xi32, #tpu.memory_space<vmem>> -> memref<40x256xi32, #tpu.memory_space<vmem>>
    %dma_wait3A_54 = arith.constant 0 : i32
    %dma_wait3A_55 = tpu.memref_slice %arg9[%dma_wait3A, %dma_wait3A_54] : memref<250x40xi32, #tpu.memory_space<vmem>> -> memref<1x40xi32, #tpu.memory_space<vmem>>
    %dma_wait3A_56 = tpu.memref_squeeze %dma_wait3A_55 : memref<1x40xi32, #tpu.memory_space<vmem>> -> memref<40xi32, #tpu.memory_space<vmem>>
    %dma_wait3A_57 = arith.constant 0 : i32
    %dma_wait3A_58 = arith.constant 0 : i32
    %dma_wait3A_59 = tpu.memref_slice %arg2[%dma_wait3A_57, %dma_wait3A_58] : memref<10000x256xi32, #tpu.memory_space<hbm>> -> memref<10000x256xi32, #tpu.memory_space<hbm>>
    tpu.wait_indirect_dma semaphore(%arg16 : memref<!tpu.dma_semaphore, #tpu.memory_space<semaphore_mem>>) src(%dma_wait3A_59 : memref<10000x256xi32, #tpu.memory_space<hbm>>) dst(%dma_wait3A_53 : memref<40x256xi32, #tpu.memory_space<vmem>>)
    %dma_wait3A_60 = arith.constant 0 : i32
    %dma_wait3A_61 = arith.constant 0 : i32
    %dma_wait3A_62 = arith.constant 0 : i32
    %dma_wait3A_63 = arith.constant 0 : i32
    %dma_wait3A_64 = tpu.memref_slice %arg12[%dma_wait3A_61, %dma_wait3A_62, %dma_wait3A_63] : memref<2x40x16xf32, #tpu.memory_space<vmem>> -> memref<1x40x16xf32, #tpu.memory_space<vmem>>
    %dma_wait3A_65 = tpu.memref_squeeze %dma_wait3A_64 : memref<1x40x16xf32, #tpu.memory_space<vmem>> -> memref<40x16xf32, #tpu.memory_space<vmem>>
    %dma_wait3A_66 = arith.constant 0 : i32
    %dma_wait3A_67 = tpu.memref_slice %arg10[%dma_wait3A_60, %dma_wait3A_66] : memref<250x40xi32, #tpu.memory_space<vmem>> -> memref<1x40xi32, #tpu.memory_space<vmem>>
    %dma_wait3A_68 = tpu.memref_squeeze %dma_wait3A_67 : memref<1x40xi32, #tpu.memory_space<vmem>> -> memref<40xi32, #tpu.memory_space<vmem>>
    %dma_wait3A_69 = arith.constant 0 : i32
    %dma_wait3A_70 = arith.constant 0 : i32
    %dma_wait3A_71 = tpu.memref_slice %arg3[%dma_wait3A_69, %dma_wait3A_70] : memref<10000x16xf32, #tpu.memory_space<hbm>> -> memref<10000x16xf32, #tpu.memory_space<hbm>>
    tpu.wait_indirect_dma semaphore(%arg18 : memref<!tpu.dma_semaphore, #tpu.memory_space<semaphore_mem>>) src(%dma_wait3A_71 : memref<10000x16xf32, #tpu.memory_space<hbm>>) dst(%dma_wait3A_65 : memref<40x16xf32, #tpu.memory_space<vmem>>)
    %dma_wait3A_72 = arith.constant 0 : i32
    %dma_wait3A_73 = arith.constant 0 : i32
    %dma_wait3A_74 = arith.constant 0 : i32
    %dma_wait3A_75 = arith.constant 0 : i32
    %dma_wait3A_76 = tpu.memref_slice %arg13[%dma_wait3A_73, %dma_wait3A_74, %dma_wait3A_75] : memref<2x40x16xf32, #tpu.memory_space<vmem>> -> memref<1x40x16xf32, #tpu.memory_space<vmem>>
    %dma_wait3A_77 = tpu.memref_squeeze %dma_wait3A_76 : memref<1x40x16xf32, #tpu.memory_space<vmem>> -> memref<40x16xf32, #tpu.memory_space<vmem>>
    %dma_wait3A_78 = arith.constant 0 : i32
    %dma_wait3A_79 = arith.constant 0 : i32
    %dma_wait3A_80 = tpu.memref_slice %arg4[%add3A, %dma_wait3A_72, %dma_wait3A_78, %dma_wait3A_79] : memref<32x250x40x16xf32, #tpu.memory_space<hbm>> -> memref<1x1x40x16xf32, #tpu.memory_space<hbm>>
    %dma_wait3A_81 = tpu.memref_squeeze %dma_wait3A_80 : memref<1x1x40x16xf32, #tpu.memory_space<hbm>> -> memref<40x16xf32, #tpu.memory_space<hbm>>
    %dma_wait3A_82 = arith.constant 0 : i32
    %dma_wait3A_83 = arith.constant 0 : i32
    %dma_wait3A_84 = tpu.memref_slice %arg13[%dma_wait3A_73, %dma_wait3A_82, %dma_wait3A_83] : memref<2x40x16xf32, #tpu.memory_space<vmem>> -> memref<1x40x16xf32, #tpu.memory_space<vmem>>
    %dma_wait3A_85 = tpu.memref_squeeze %dma_wait3A_84 : memref<1x40x16xf32, #tpu.memory_space<vmem>> -> memref<40x16xf32, #tpu.memory_space<vmem>>
    %dma_wait3A_86 = arith.constant 0 : i32
    %dma_wait3A_87 = arith.constant 0 : i32
    %dma_wait3A_88 = tpu.memref_slice %arg4[%add3A, %dma_wait3A_72, %dma_wait3A_86, %dma_wait3A_87] : memref<32x250x40x16xf32, #tpu.memory_space<hbm>> -> memref<1x1x40x16xf32, #tpu.memory_space<hbm>>
    %dma_wait3A_89 = tpu.memref_squeeze %dma_wait3A_88 : memref<1x1x40x16xf32, #tpu.memory_space<hbm>> -> memref<40x16xf32, #tpu.memory_space<hbm>>
    tpu.wait_dma2 semaphore(%arg20 : memref<!tpu.dma_semaphore, #tpu.memory_space<semaphore_mem>>) src(%dma_wait3A_89 : memref<40x16xf32, #tpu.memory_space<hbm>>) dst(%dma_wait3A_85 : memref<40x16xf32, #tpu.memory_space<vmem>>)
    %barrier3A_90 = arith.constant 0 : index
    tpu.barrier barrier_id(%barrier3A_90)
    "tpu.region"() ({
      %run_scoped3A = tpu.sem_alloc : memref<!tpu.dma_semaphore, #tpu.memory_space<semaphore_mem>>
      %dma_start3A_91 = arith.constant 0 : i32
      %dma_start3A_92 = tpu.memref_slice %arg8[%arg0, %mul3A_2, %dma_start3A_91] : memref<2x10240x128xf32, #tpu.memory_space<hbm>> -> memref<1x640x128xf32, #tpu.memory_space<hbm>>
      %dma_start3A_93 = tpu.memref_squeeze %dma_start3A_92 : memref<1x640x128xf32, #tpu.memory_space<hbm>> -> memref<640x128xf32, #tpu.memory_space<hbm>>
      %dma_start3A_94 = arith.constant 0 : i32
      %dma_start3A_95 = tpu.memref_slice %arg15[%mul3A_2, %dma_start3A_94] : memref<10240x128xf32, #tpu.memory_space<vmem_shared>> -> memref<640x128xf32, #tpu.memory_space<vmem_shared>>
      tpu.enqueue_dma source(%dma_start3A_95 : memref<640x128xf32, #tpu.memory_space<vmem_shared>>) target(%dma_start3A_93 : memref<640x128xf32, #tpu.memory_space<hbm>>) target_semaphore(%run_scoped3A : memref<!tpu.dma_semaphore, #tpu.memory_space<semaphore_mem>>)
      %dma_wait3A_96 = arith.constant 0 : i32
      %dma_wait3A_97 = tpu.memref_slice %arg8[%arg0, %mul3A_2, %dma_wait3A_96] : memref<2x10240x128xf32, #tpu.memory_space<hbm>> -> memref<1x640x128xf32, #tpu.memory_space<hbm>>
      %dma_wait3A_98 = tpu.memref_squeeze %dma_wait3A_97 : memref<1x640x128xf32, #tpu.memory_space<hbm>> -> memref<640x128xf32, #tpu.memory_space<hbm>>
      %dma_wait3A_99 = arith.constant 0 : i32
      %dma_wait3A_100 = tpu.memref_slice %arg15[%mul3A_2, %dma_wait3A_99] : memref<10240x128xf32, #tpu.memory_space<vmem_shared>> -> memref<640x128xf32, #tpu.memory_space<vmem_shared>>
      tpu.wait_dma2 semaphore(%run_scoped3A : memref<!tpu.dma_semaphore, #tpu.memory_space<semaphore_mem>>) src(%dma_wait3A_100 : memref<640x128xf32, #tpu.memory_space<vmem_shared>>) dst(%dma_wait3A_98 : memref<640x128xf32, #tpu.memory_space<hbm>>)
      tpu.yield
    }) : () -> ()
    return
  }
}

#map = affine_map<(d0, d1) -> (0, 0)>
#map1 = affine_map<(d0, d1) -> (0, 0, 0)>
module attributes {stable_mosaic.version = 14 : i64} {
  func.func @k(%arg0: i32, %arg1: i32, %arg2: memref<10000x128xbf16, #tpu.memory_space<hbm>>, %arg3: memref<32x125x80xi32, #tpu.memory_space<hbm>>, %arg4: memref<32x125x80xi32, #tpu.memory_space<hbm>>, %arg5: memref<10240x128xbf16, #tpu.memory_space<hbm>>, %arg6: memref<2x10240x128xbf16, #tpu.memory_space<hbm>>, %arg7: memref<125x80xi32, #tpu.memory_space<vmem>>, %arg8: memref<125x80xi32, #tpu.memory_space<vmem>>, %arg9: memref<2x80x128xbf16, #tpu.memory_space<vmem>>, %arg10: memref<10240x128xbf16, #tpu.memory_space<vmem_shared>>, %arg11: memref<!tpu.dma_semaphore, #tpu.memory_space<semaphore_mem>>, %arg12: memref<!tpu.dma_semaphore, #tpu.memory_space<semaphore_mem>>) attributes {dimension_semantics = [#tpu.dimension_semantics<core_parallel>, #tpu.dimension_semantics<subcore_parallel>], iteration_bounds = array<i64: 2, 16>, scalar_prefetch = 0 : i64, scratch_operands = 6 : i64, tpu.core_type = #tpu.core_type<sc_vector_subcore>, window_params = [{transform_indices = #map}, {transform_indices = #map1}, {transform_indices = #map1}, {transform_indices = #map}, {transform_indices = #map1}]} {
    %mul3A = arith.constant 16 : i32
    %mul3A_0 = arith.muli %arg0, %mul3A : i32
    %add3A = arith.addi %mul3A_0, %arg1 : i32
    %mul3A_1 = arith.constant 640 : i32
    %mul3A_2 = arith.muli %arg1, %mul3A_1 : i32
    "tpu.region"() ({
      %run_scoped3A = tpu.sem_alloc : memref<!tpu.dma_semaphore, #tpu.memory_space<semaphore_mem>>
      %dma_start3A_31 = arith.constant 0 : i32
      %dma_start3A_32 = tpu.memref_slice %arg10[%mul3A_2, %dma_start3A_31] : memref<10240x128xbf16, #tpu.memory_space<vmem_shared>> -> memref<640x128xbf16, #tpu.memory_space<vmem_shared>>
      %dma_start3A_33 = arith.constant 0 : i32
      %dma_start3A_34 = tpu.memref_slice %arg5[%mul3A_2, %dma_start3A_33] : memref<10240x128xbf16, #tpu.memory_space<hbm>> -> memref<640x128xbf16, #tpu.memory_space<hbm>>
      tpu.enqueue_dma source(%dma_start3A_34 : memref<640x128xbf16, #tpu.memory_space<hbm>>) target(%dma_start3A_32 : memref<640x128xbf16, #tpu.memory_space<vmem_shared>>) target_semaphore(%run_scoped3A : memref<!tpu.dma_semaphore, #tpu.memory_space<semaphore_mem>>)
      %dma_wait3A_35 = arith.constant 0 : i32
      %dma_wait3A_36 = tpu.memref_slice %arg10[%mul3A_2, %dma_wait3A_35] : memref<10240x128xbf16, #tpu.memory_space<vmem_shared>> -> memref<640x128xbf16, #tpu.memory_space<vmem_shared>>
      %dma_wait3A_37 = arith.constant 0 : i32
      %dma_wait3A_38 = tpu.memref_slice %arg5[%mul3A_2, %dma_wait3A_37] : memref<10240x128xbf16, #tpu.memory_space<hbm>> -> memref<640x128xbf16, #tpu.memory_space<hbm>>
      tpu.wait_dma2 semaphore(%run_scoped3A : memref<!tpu.dma_semaphore, #tpu.memory_space<semaphore_mem>>) src(%dma_wait3A_38 : memref<640x128xbf16, #tpu.memory_space<hbm>>) dst(%dma_wait3A_36 : memref<640x128xbf16, #tpu.memory_space<vmem_shared>>)
      tpu.yield
    }) : () -> ()
    %barrier3A = arith.constant 0 : index
    tpu.barrier barrier_id(%barrier3A)
    "tpu.region"() ({
      %run_scoped3A = tpu.sem_alloc : memref<!tpu.dma_semaphore, #tpu.memory_space<semaphore_mem>>
      %dma_start3A_31 = arith.constant 0 : i32
      %dma_start3A_32 = arith.constant 0 : i32
      %dma_start3A_33 = tpu.memref_slice %arg3[%add3A, %dma_start3A_31, %dma_start3A_32] : memref<32x125x80xi32, #tpu.memory_space<hbm>> -> memref<1x125x80xi32, #tpu.memory_space<hbm>>
      %dma_start3A_34 = tpu.memref_squeeze %dma_start3A_33 : memref<1x125x80xi32, #tpu.memory_space<hbm>> -> memref<125x80xi32, #tpu.memory_space<hbm>>
      %dma_start3A_35 = arith.constant 0 : i32
      %dma_start3A_36 = arith.constant 0 : i32
      %dma_start3A_37 = tpu.memref_slice %arg3[%add3A, %dma_start3A_35, %dma_start3A_36] : memref<32x125x80xi32, #tpu.memory_space<hbm>> -> memref<1x125x80xi32, #tpu.memory_space<hbm>>
      %dma_start3A_38 = tpu.memref_squeeze %dma_start3A_37 : memref<1x125x80xi32, #tpu.memory_space<hbm>> -> memref<125x80xi32, #tpu.memory_space<hbm>>
      tpu.enqueue_dma source(%dma_start3A_38 : memref<125x80xi32, #tpu.memory_space<hbm>>) target(%arg7 : memref<125x80xi32, #tpu.memory_space<vmem>>) target_semaphore(%run_scoped3A : memref<!tpu.dma_semaphore, #tpu.memory_space<semaphore_mem>>)
      %dma_wait3A_39 = arith.constant 0 : i32
      %dma_wait3A_40 = arith.constant 0 : i32
      %dma_wait3A_41 = tpu.memref_slice %arg3[%add3A, %dma_wait3A_39, %dma_wait3A_40] : memref<32x125x80xi32, #tpu.memory_space<hbm>> -> memref<1x125x80xi32, #tpu.memory_space<hbm>>
      %dma_wait3A_42 = tpu.memref_squeeze %dma_wait3A_41 : memref<1x125x80xi32, #tpu.memory_space<hbm>> -> memref<125x80xi32, #tpu.memory_space<hbm>>
      %dma_wait3A_43 = arith.constant 0 : i32
      %dma_wait3A_44 = arith.constant 0 : i32
      %dma_wait3A_45 = tpu.memref_slice %arg3[%add3A, %dma_wait3A_43, %dma_wait3A_44] : memref<32x125x80xi32, #tpu.memory_space<hbm>> -> memref<1x125x80xi32, #tpu.memory_space<hbm>>
      %dma_wait3A_46 = tpu.memref_squeeze %dma_wait3A_45 : memref<1x125x80xi32, #tpu.memory_space<hbm>> -> memref<125x80xi32, #tpu.memory_space<hbm>>
      tpu.wait_dma2 semaphore(%run_scoped3A : memref<!tpu.dma_semaphore, #tpu.memory_space<semaphore_mem>>) src(%dma_wait3A_46 : memref<125x80xi32, #tpu.memory_space<hbm>>) dst(%arg7 : memref<125x80xi32, #tpu.memory_space<vmem>>)
      tpu.yield
    }) : () -> ()
    "tpu.region"() ({
      %run_scoped3A = tpu.sem_alloc : memref<!tpu.dma_semaphore, #tpu.memory_space<semaphore_mem>>
      %dma_start3A_31 = arith.constant 0 : i32
      %dma_start3A_32 = arith.constant 0 : i32
      %dma_start3A_33 = tpu.memref_slice %arg4[%add3A, %dma_start3A_31, %dma_start3A_32] : memref<32x125x80xi32, #tpu.memory_space<hbm>> -> memref<1x125x80xi32, #tpu.memory_space<hbm>>
      %dma_start3A_34 = tpu.memref_squeeze %dma_start3A_33 : memref<1x125x80xi32, #tpu.memory_space<hbm>> -> memref<125x80xi32, #tpu.memory_space<hbm>>
      %dma_start3A_35 = arith.constant 0 : i32
      %dma_start3A_36 = arith.constant 0 : i32
      %dma_start3A_37 = tpu.memref_slice %arg4[%add3A, %dma_start3A_35, %dma_start3A_36] : memref<32x125x80xi32, #tpu.memory_space<hbm>> -> memref<1x125x80xi32, #tpu.memory_space<hbm>>
      %dma_start3A_38 = tpu.memref_squeeze %dma_start3A_37 : memref<1x125x80xi32, #tpu.memory_space<hbm>> -> memref<125x80xi32, #tpu.memory_space<hbm>>
      tpu.enqueue_dma source(%dma_start3A_38 : memref<125x80xi32, #tpu.memory_space<hbm>>) target(%arg8 : memref<125x80xi32, #tpu.memory_space<vmem>>) target_semaphore(%run_scoped3A : memref<!tpu.dma_semaphore, #tpu.memory_space<semaphore_mem>>)
      %dma_wait3A_39 = arith.constant 0 : i32
      %dma_wait3A_40 = arith.constant 0 : i32
      %dma_wait3A_41 = tpu.memref_slice %arg4[%add3A, %dma_wait3A_39, %dma_wait3A_40] : memref<32x125x80xi32, #tpu.memory_space<hbm>> -> memref<1x125x80xi32, #tpu.memory_space<hbm>>
      %dma_wait3A_42 = tpu.memref_squeeze %dma_wait3A_41 : memref<1x125x80xi32, #tpu.memory_space<hbm>> -> memref<125x80xi32, #tpu.memory_space<hbm>>
      %dma_wait3A_43 = arith.constant 0 : i32
      %dma_wait3A_44 = arith.constant 0 : i32
      %dma_wait3A_45 = tpu.memref_slice %arg4[%add3A, %dma_wait3A_43, %dma_wait3A_44] : memref<32x125x80xi32, #tpu.memory_space<hbm>> -> memref<1x125x80xi32, #tpu.memory_space<hbm>>
      %dma_wait3A_46 = tpu.memref_squeeze %dma_wait3A_45 : memref<1x125x80xi32, #tpu.memory_space<hbm>> -> memref<125x80xi32, #tpu.memory_space<hbm>>
      tpu.wait_dma2 semaphore(%run_scoped3A : memref<!tpu.dma_semaphore, #tpu.memory_space<semaphore_mem>>) src(%dma_wait3A_46 : memref<125x80xi32, #tpu.memory_space<hbm>>) dst(%arg8 : memref<125x80xi32, #tpu.memory_space<vmem>>)
      tpu.yield
    }) : () -> ()
    %dma_start3A = arith.constant 0 : i32
    %dma_start3A_3 = arith.constant 0 : i32
    %dma_start3A_4 = arith.constant 0 : i32
    %dma_start3A_5 = arith.constant 0 : i32
    %dma_start3A_6 = tpu.memref_slice %arg9[%dma_start3A_3, %dma_start3A_4, %dma_start3A_5] : memref<2x80x128xbf16, #tpu.memory_space<vmem>> -> memref<1x80x128xbf16, #tpu.memory_space<vmem>>
    %dma_start3A_7 = tpu.memref_squeeze %dma_start3A_6 : memref<1x80x128xbf16, #tpu.memory_space<vmem>> -> memref<80x128xbf16, #tpu.memory_space<vmem>>
    %dma_start3A_8 = arith.constant 0 : i32
    %dma_start3A_9 = tpu.memref_slice %arg7[%dma_start3A, %dma_start3A_8] : memref<125x80xi32, #tpu.memory_space<vmem>> -> memref<1x80xi32, #tpu.memory_space<vmem>>
    %dma_start3A_10 = tpu.memref_squeeze %dma_start3A_9 : memref<1x80xi32, #tpu.memory_space<vmem>> -> memref<80xi32, #tpu.memory_space<vmem>>
    %dma_start3A_11 = arith.constant 0 : i32
    %dma_start3A_12 = arith.constant 0 : i32
    %dma_start3A_13 = tpu.memref_slice %arg2[%dma_start3A_11, %dma_start3A_12] : memref<10000x128xbf16, #tpu.memory_space<hbm>> -> memref<10000x128xbf16, #tpu.memory_space<hbm>>
    tpu.enqueue_indirect_dma source(%dma_start3A_13 : memref<10000x128xbf16, #tpu.memory_space<hbm>>) target(%dma_start3A_7 : memref<80x128xbf16, #tpu.memory_space<vmem>>) offsets(%dma_start3A_10 : memref<80xi32, #tpu.memory_space<vmem>>) semaphore(%arg11 : memref<!tpu.dma_semaphore, #tpu.memory_space<semaphore_mem>>)
    %scan3A = arith.constant 0 : i32
    %scan3A_14 = arith.constant 0 : i32
    %scan3A_15 = arith.constant 125 : i32
    %scan3A_16 = arith.addi %scan3A_14, %scan3A_15 : i32
    %scan3A_17 = arith.constant 1 : i32
    scf.for %scan3A_31 = %scan3A_14 to %scan3A_16 step %scan3A_17  : i32 {
      %add3A_32 = arith.constant 1 : i32
      %add3A_33 = arith.addi %scan3A_31, %add3A_32 : i32
      %min3A = arith.constant 124 : i32
      %min3A_34 = arith.minsi %add3A_33, %min3A : i32
      %jit3A = arith.constant 2 : i32
      %eq3A = arith.constant 0 : i32
      %eq3A_35 = arith.cmpi eq, %jit3A, %eq3A : i32
      %jit3A_36 = arith.constant 1 : i32
      %select_n3A = arith.select %eq3A_35, %jit3A_36, %jit3A : i32
      %rem3A = arith.remsi %scan3A_31, %select_n3A : i32
      %ne3A = arith.constant 0 : i32
      %ne3A_37 = arith.cmpi ne, %rem3A, %ne3A : i32
      %lt3A = arith.constant 0 : i32
      %lt3A_38 = arith.cmpi slt, %rem3A, %lt3A : i32
      %lt3A_39 = arith.constant 0 : i32
      %lt3A_40 = arith.cmpi slt, %select_n3A, %lt3A_39 : i32
      %ne3A_41 = arith.xori %lt3A_38, %lt3A_40 : i1
      %and3A = arith.andi %ne3A_41, %ne3A_37 : i1
      %add3A_42 = arith.addi %rem3A, %select_n3A : i32
      %select_n3A_43 = arith.select %and3A, %add3A_42, %rem3A : i32
      %eq3A_44 = arith.constant 0 : i32
      %eq3A_45 = arith.cmpi eq, %select_n3A_43, %eq3A_44 : i32
      %convert_element_type3A = arith.extui %eq3A_45 : i1 to i32
      %cond3A = arith.constant 0 : i32
      %cond3A_46 = arith.cmpi ne, %convert_element_type3A, %cond3A : i32
      scf.if %cond3A_46 {
        %dma_start3A_68 = arith.constant 1 : i32
        %dma_start3A_69 = arith.constant 0 : i32
        %dma_start3A_70 = arith.constant 0 : i32
        %dma_start3A_71 = tpu.memref_slice %arg9[%dma_start3A_68, %dma_start3A_69, %dma_start3A_70] : memref<2x80x128xbf16, #tpu.memory_space<vmem>> -> memref<1x80x128xbf16, #tpu.memory_space<vmem>>
        %dma_start3A_72 = tpu.memref_squeeze %dma_start3A_71 : memref<1x80x128xbf16, #tpu.memory_space<vmem>> -> memref<80x128xbf16, #tpu.memory_space<vmem>>
        %dma_start3A_73 = arith.constant 0 : i32
        %dma_start3A_74 = tpu.memref_slice %arg7[%min3A_34, %dma_start3A_73] : memref<125x80xi32, #tpu.memory_space<vmem>> -> memref<1x80xi32, #tpu.memory_space<vmem>>
        %dma_start3A_75 = tpu.memref_squeeze %dma_start3A_74 : memref<1x80xi32, #tpu.memory_space<vmem>> -> memref<80xi32, #tpu.memory_space<vmem>>
        %dma_start3A_76 = arith.constant 0 : i32
        %dma_start3A_77 = arith.constant 0 : i32
        %dma_start3A_78 = tpu.memref_slice %arg2[%dma_start3A_76, %dma_start3A_77] : memref<10000x128xbf16, #tpu.memory_space<hbm>> -> memref<10000x128xbf16, #tpu.memory_space<hbm>>
        tpu.enqueue_indirect_dma source(%dma_start3A_78 : memref<10000x128xbf16, #tpu.memory_space<hbm>>) target(%dma_start3A_72 : memref<80x128xbf16, #tpu.memory_space<vmem>>) offsets(%dma_start3A_75 : memref<80xi32, #tpu.memory_space<vmem>>) semaphore(%arg12 : memref<!tpu.dma_semaphore, #tpu.memory_space<semaphore_mem>>)
        %dma_wait3A_79 = arith.constant 0 : i32
        %dma_wait3A_80 = arith.constant 0 : i32
        %dma_wait3A_81 = arith.constant 0 : i32
        %dma_wait3A_82 = tpu.memref_slice %arg9[%dma_wait3A_79, %dma_wait3A_80, %dma_wait3A_81] : memref<2x80x128xbf16, #tpu.memory_space<vmem>> -> memref<1x80x128xbf16, #tpu.memory_space<vmem>>
        %dma_wait3A_83 = tpu.memref_squeeze %dma_wait3A_82 : memref<1x80x128xbf16, #tpu.memory_space<vmem>> -> memref<80x128xbf16, #tpu.memory_space<vmem>>
        %dma_wait3A_84 = arith.constant 0 : i32
        %dma_wait3A_85 = tpu.memref_slice %arg7[%scan3A_31, %dma_wait3A_84] : memref<125x80xi32, #tpu.memory_space<vmem>> -> memref<1x80xi32, #tpu.memory_space<vmem>>
        %dma_wait3A_86 = tpu.memref_squeeze %dma_wait3A_85 : memref<1x80xi32, #tpu.memory_space<vmem>> -> memref<80xi32, #tpu.memory_space<vmem>>
        %dma_wait3A_87 = arith.constant 0 : i32
        %dma_wait3A_88 = arith.constant 0 : i32
        %dma_wait3A_89 = tpu.memref_slice %arg2[%dma_wait3A_87, %dma_wait3A_88] : memref<10000x128xbf16, #tpu.memory_space<hbm>> -> memref<10000x128xbf16, #tpu.memory_space<hbm>>
        tpu.wait_indirect_dma semaphore(%arg11 : memref<!tpu.dma_semaphore, #tpu.memory_space<semaphore_mem>>) src(%dma_wait3A_89 : memref<10000x128xbf16, #tpu.memory_space<hbm>>) dst(%dma_wait3A_83 : memref<80x128xbf16, #tpu.memory_space<vmem>>)
        %run_scoped3A = arith.constant 0 : i32
        "tpu.region"() ({
          %run_scoped3A_90 = tpu.sem_alloc : memref<!tpu.dma_semaphore, #tpu.memory_space<semaphore_mem>>
          %dma_start3A_91 = arith.constant 0 : i32
          %dma_start3A_92 = arith.constant 0 : i32
          %dma_start3A_93 = tpu.memref_slice %arg9[%run_scoped3A, %dma_start3A_91, %dma_start3A_92] : memref<2x80x128xbf16, #tpu.memory_space<vmem>> -> memref<1x80x128xbf16, #tpu.memory_space<vmem>>
          %dma_start3A_94 = tpu.memref_squeeze %dma_start3A_93 : memref<1x80x128xbf16, #tpu.memory_space<vmem>> -> memref<80x128xbf16, #tpu.memory_space<vmem>>
          %dma_start3A_95 = arith.constant 0 : i32
          %dma_start3A_96 = tpu.memref_slice %arg8[%scan3A_31, %dma_start3A_95] : memref<125x80xi32, #tpu.memory_space<vmem>> -> memref<1x80xi32, #tpu.memory_space<vmem>>
          %dma_start3A_97 = tpu.memref_squeeze %dma_start3A_96 : memref<1x80xi32, #tpu.memory_space<vmem>> -> memref<80xi32, #tpu.memory_space<vmem>>
          %dma_start3A_98 = arith.constant 0 : i32
          %dma_start3A_99 = arith.constant 0 : i32
          %dma_start3A_100 = tpu.memref_slice %arg10[%dma_start3A_98, %dma_start3A_99] : memref<10240x128xbf16, #tpu.memory_space<vmem_shared>> -> memref<10240x128xbf16, #tpu.memory_space<vmem_shared>>
          tpu.enqueue_indirect_dma source(%dma_start3A_94 : memref<80x128xbf16, #tpu.memory_space<vmem>>) target(%dma_start3A_100 : memref<10240x128xbf16, #tpu.memory_space<vmem_shared>>) offsets(%dma_start3A_97 : memref<80xi32, #tpu.memory_space<vmem>>) semaphore(%run_scoped3A_90 : memref<!tpu.dma_semaphore, #tpu.memory_space<semaphore_mem>>) {add = true}
          %dma_wait3A_101 = arith.constant 0 : i32
          %dma_wait3A_102 = arith.constant 0 : i32
          %dma_wait3A_103 = tpu.memref_slice %arg9[%run_scoped3A, %dma_wait3A_101, %dma_wait3A_102] : memref<2x80x128xbf16, #tpu.memory_space<vmem>> -> memref<1x80x128xbf16, #tpu.memory_space<vmem>>
          %dma_wait3A_104 = tpu.memref_squeeze %dma_wait3A_103 : memref<1x80x128xbf16, #tpu.memory_space<vmem>> -> memref<80x128xbf16, #tpu.memory_space<vmem>>
          %dma_wait3A_105 = arith.constant 0 : i32
          %dma_wait3A_106 = tpu.memref_slice %arg8[%scan3A_31, %dma_wait3A_105] : memref<125x80xi32, #tpu.memory_space<vmem>> -> memref<1x80xi32, #tpu.memory_space<vmem>>
          %dma_wait3A_107 = tpu.memref_squeeze %dma_wait3A_106 : memref<1x80xi32, #tpu.memory_space<vmem>> -> memref<80xi32, #tpu.memory_space<vmem>>
          %dma_wait3A_108 = arith.constant 0 : i32
          %dma_wait3A_109 = arith.constant 0 : i32
          %dma_wait3A_110 = tpu.memref_slice %arg10[%dma_wait3A_108, %dma_wait3A_109] : memref<10240x128xbf16, #tpu.memory_space<vmem_shared>> -> memref<10240x128xbf16, #tpu.memory_space<vmem_shared>>
          tpu.wait_indirect_dma semaphore(%run_scoped3A_90 : memref<!tpu.dma_semaphore, #tpu.memory_space<semaphore_mem>>) src(%dma_wait3A_104 : memref<80x128xbf16, #tpu.memory_space<vmem>>) dst(%dma_wait3A_110 : memref<10240x128xbf16, #tpu.memory_space<vmem_shared>>)
          tpu.yield
        }) : () -> ()
      } else {
      }
      %jit3A_47 = arith.constant 2 : i32
      %eq3A_48 = arith.constant 0 : i32
      %eq3A_49 = arith.cmpi eq, %jit3A_47, %eq3A_48 : i32
      %jit3A_50 = arith.constant 1 : i32
      %select_n3A_51 = arith.select %eq3A_49, %jit3A_50, %jit3A_47 : i32
      %rem3A_52 = arith.remsi %scan3A_31, %select_n3A_51 : i32
      %ne3A_53 = arith.constant 0 : i32
      %ne3A_54 = arith.cmpi ne, %rem3A_52, %ne3A_53 : i32
      %lt3A_55 = arith.constant 0 : i32
      %lt3A_56 = arith.cmpi slt, %rem3A_52, %lt3A_55 : i32
      %lt3A_57 = arith.constant 0 : i32
      %lt3A_58 = arith.cmpi slt, %select_n3A_51, %lt3A_57 : i32
      %ne3A_59 = arith.xori %lt3A_56, %lt3A_58 : i1
      %and3A_60 = arith.andi %ne3A_59, %ne3A_54 : i1
      %add3A_61 = arith.addi %rem3A_52, %select_n3A_51 : i32
      %select_n3A_62 = arith.select %and3A_60, %add3A_61, %rem3A_52 : i32
      %eq3A_63 = arith.constant 1 : i32
      %eq3A_64 = arith.cmpi eq, %select_n3A_62, %eq3A_63 : i32
      %convert_element_type3A_65 = arith.extui %eq3A_64 : i1 to i32
      %cond3A_66 = arith.constant 0 : i32
      %cond3A_67 = arith.cmpi ne, %convert_element_type3A_65, %cond3A_66 : i32
      scf.if %cond3A_67 {
        %dma_start3A_68 = arith.constant 0 : i32
        %dma_start3A_69 = arith.constant 0 : i32
        %dma_start3A_70 = arith.constant 0 : i32
        %dma_start3A_71 = tpu.memref_slice %arg9[%dma_start3A_68, %dma_start3A_69, %dma_start3A_70] : memref<2x80x128xbf16, #tpu.memory_space<vmem>> -> memref<1x80x128xbf16, #tpu.memory_space<vmem>>
        %dma_start3A_72 = tpu.memref_squeeze %dma_start3A_71 : memref<1x80x128xbf16, #tpu.memory_space<vmem>> -> memref<80x128xbf16, #tpu.memory_space<vmem>>
        %dma_start3A_73 = arith.constant 0 : i32
        %dma_start3A_74 = tpu.memref_slice %arg7[%min3A_34, %dma_start3A_73] : memref<125x80xi32, #tpu.memory_space<vmem>> -> memref<1x80xi32, #tpu.memory_space<vmem>>
        %dma_start3A_75 = tpu.memref_squeeze %dma_start3A_74 : memref<1x80xi32, #tpu.memory_space<vmem>> -> memref<80xi32, #tpu.memory_space<vmem>>
        %dma_start3A_76 = arith.constant 0 : i32
        %dma_start3A_77 = arith.constant 0 : i32
        %dma_start3A_78 = tpu.memref_slice %arg2[%dma_start3A_76, %dma_start3A_77] : memref<10000x128xbf16, #tpu.memory_space<hbm>> -> memref<10000x128xbf16, #tpu.memory_space<hbm>>
        tpu.enqueue_indirect_dma source(%dma_start3A_78 : memref<10000x128xbf16, #tpu.memory_space<hbm>>) target(%dma_start3A_72 : memref<80x128xbf16, #tpu.memory_space<vmem>>) offsets(%dma_start3A_75 : memref<80xi32, #tpu.memory_space<vmem>>) semaphore(%arg11 : memref<!tpu.dma_semaphore, #tpu.memory_space<semaphore_mem>>)
        %dma_wait3A_79 = arith.constant 1 : i32
        %dma_wait3A_80 = arith.constant 0 : i32
        %dma_wait3A_81 = arith.constant 0 : i32
        %dma_wait3A_82 = tpu.memref_slice %arg9[%dma_wait3A_79, %dma_wait3A_80, %dma_wait3A_81] : memref<2x80x128xbf16, #tpu.memory_space<vmem>> -> memref<1x80x128xbf16, #tpu.memory_space<vmem>>
        %dma_wait3A_83 = tpu.memref_squeeze %dma_wait3A_82 : memref<1x80x128xbf16, #tpu.memory_space<vmem>> -> memref<80x128xbf16, #tpu.memory_space<vmem>>
        %dma_wait3A_84 = arith.constant 0 : i32
        %dma_wait3A_85 = tpu.memref_slice %arg7[%scan3A_31, %dma_wait3A_84] : memref<125x80xi32, #tpu.memory_space<vmem>> -> memref<1x80xi32, #tpu.memory_space<vmem>>
        %dma_wait3A_86 = tpu.memref_squeeze %dma_wait3A_85 : memref<1x80xi32, #tpu.memory_space<vmem>> -> memref<80xi32, #tpu.memory_space<vmem>>
        %dma_wait3A_87 = arith.constant 0 : i32
        %dma_wait3A_88 = arith.constant 0 : i32
        %dma_wait3A_89 = tpu.memref_slice %arg2[%dma_wait3A_87, %dma_wait3A_88] : memref<10000x128xbf16, #tpu.memory_space<hbm>> -> memref<10000x128xbf16, #tpu.memory_space<hbm>>
        tpu.wait_indirect_dma semaphore(%arg12 : memref<!tpu.dma_semaphore, #tpu.memory_space<semaphore_mem>>) src(%dma_wait3A_89 : memref<10000x128xbf16, #tpu.memory_space<hbm>>) dst(%dma_wait3A_83 : memref<80x128xbf16, #tpu.memory_space<vmem>>)
        %run_scoped3A = arith.constant 1 : i32
        "tpu.region"() ({
          %run_scoped3A_90 = tpu.sem_alloc : memref<!tpu.dma_semaphore, #tpu.memory_space<semaphore_mem>>
          %dma_start3A_91 = arith.constant 0 : i32
          %dma_start3A_92 = arith.constant 0 : i32
          %dma_start3A_93 = tpu.memref_slice %arg9[%run_scoped3A, %dma_start3A_91, %dma_start3A_92] : memref<2x80x128xbf16, #tpu.memory_space<vmem>> -> memref<1x80x128xbf16, #tpu.memory_space<vmem>>
          %dma_start3A_94 = tpu.memref_squeeze %dma_start3A_93 : memref<1x80x128xbf16, #tpu.memory_space<vmem>> -> memref<80x128xbf16, #tpu.memory_space<vmem>>
          %dma_start3A_95 = arith.constant 0 : i32
          %dma_start3A_96 = tpu.memref_slice %arg8[%scan3A_31, %dma_start3A_95] : memref<125x80xi32, #tpu.memory_space<vmem>> -> memref<1x80xi32, #tpu.memory_space<vmem>>
          %dma_start3A_97 = tpu.memref_squeeze %dma_start3A_96 : memref<1x80xi32, #tpu.memory_space<vmem>> -> memref<80xi32, #tpu.memory_space<vmem>>
          %dma_start3A_98 = arith.constant 0 : i32
          %dma_start3A_99 = arith.constant 0 : i32
          %dma_start3A_100 = tpu.memref_slice %arg10[%dma_start3A_98, %dma_start3A_99] : memref<10240x128xbf16, #tpu.memory_space<vmem_shared>> -> memref<10240x128xbf16, #tpu.memory_space<vmem_shared>>
          tpu.enqueue_indirect_dma source(%dma_start3A_94 : memref<80x128xbf16, #tpu.memory_space<vmem>>) target(%dma_start3A_100 : memref<10240x128xbf16, #tpu.memory_space<vmem_shared>>) offsets(%dma_start3A_97 : memref<80xi32, #tpu.memory_space<vmem>>) semaphore(%run_scoped3A_90 : memref<!tpu.dma_semaphore, #tpu.memory_space<semaphore_mem>>) {add = true}
          %dma_wait3A_101 = arith.constant 0 : i32
          %dma_wait3A_102 = arith.constant 0 : i32
          %dma_wait3A_103 = tpu.memref_slice %arg9[%run_scoped3A, %dma_wait3A_101, %dma_wait3A_102] : memref<2x80x128xbf16, #tpu.memory_space<vmem>> -> memref<1x80x128xbf16, #tpu.memory_space<vmem>>
          %dma_wait3A_104 = tpu.memref_squeeze %dma_wait3A_103 : memref<1x80x128xbf16, #tpu.memory_space<vmem>> -> memref<80x128xbf16, #tpu.memory_space<vmem>>
          %dma_wait3A_105 = arith.constant 0 : i32
          %dma_wait3A_106 = tpu.memref_slice %arg8[%scan3A_31, %dma_wait3A_105] : memref<125x80xi32, #tpu.memory_space<vmem>> -> memref<1x80xi32, #tpu.memory_space<vmem>>
          %dma_wait3A_107 = tpu.memref_squeeze %dma_wait3A_106 : memref<1x80xi32, #tpu.memory_space<vmem>> -> memref<80xi32, #tpu.memory_space<vmem>>
          %dma_wait3A_108 = arith.constant 0 : i32
          %dma_wait3A_109 = arith.constant 0 : i32
          %dma_wait3A_110 = tpu.memref_slice %arg10[%dma_wait3A_108, %dma_wait3A_109] : memref<10240x128xbf16, #tpu.memory_space<vmem_shared>> -> memref<10240x128xbf16, #tpu.memory_space<vmem_shared>>
          tpu.wait_indirect_dma semaphore(%run_scoped3A_90 : memref<!tpu.dma_semaphore, #tpu.memory_space<semaphore_mem>>) src(%dma_wait3A_104 : memref<80x128xbf16, #tpu.memory_space<vmem>>) dst(%dma_wait3A_110 : memref<10240x128xbf16, #tpu.memory_space<vmem_shared>>)
          tpu.yield
        }) : () -> ()
      } else {
      }
    }
    %scan3A_18 = arith.constant 125 : i32
    %dma_wait3A = arith.constant 0 : i32
    %dma_wait3A_19 = arith.constant 1 : i32
    %dma_wait3A_20 = arith.constant 0 : i32
    %dma_wait3A_21 = arith.constant 0 : i32
    %dma_wait3A_22 = tpu.memref_slice %arg9[%dma_wait3A_19, %dma_wait3A_20, %dma_wait3A_21] : memref<2x80x128xbf16, #tpu.memory_space<vmem>> -> memref<1x80x128xbf16, #tpu.memory_space<vmem>>
    %dma_wait3A_23 = tpu.memref_squeeze %dma_wait3A_22 : memref<1x80x128xbf16, #tpu.memory_space<vmem>> -> memref<80x128xbf16, #tpu.memory_space<vmem>>
    %dma_wait3A_24 = arith.constant 0 : i32
    %dma_wait3A_25 = tpu.memref_slice %arg7[%dma_wait3A, %dma_wait3A_24] : memref<125x80xi32, #tpu.memory_space<vmem>> -> memref<1x80xi32, #tpu.memory_space<vmem>>
    %dma_wait3A_26 = tpu.memref_squeeze %dma_wait3A_25 : memref<1x80xi32, #tpu.memory_space<vmem>> -> memref<80xi32, #tpu.memory_space<vmem>>
    %dma_wait3A_27 = arith.constant 0 : i32
    %dma_wait3A_28 = arith.constant 0 : i32
    %dma_wait3A_29 = tpu.memref_slice %arg2[%dma_wait3A_27, %dma_wait3A_28] : memref<10000x128xbf16, #tpu.memory_space<hbm>> -> memref<10000x128xbf16, #tpu.memory_space<hbm>>
    tpu.wait_indirect_dma semaphore(%arg12 : memref<!tpu.dma_semaphore, #tpu.memory_space<semaphore_mem>>) src(%dma_wait3A_29 : memref<10000x128xbf16, #tpu.memory_space<hbm>>) dst(%dma_wait3A_23 : memref<80x128xbf16, #tpu.memory_space<vmem>>)
    %barrier3A_30 = arith.constant 0 : index
    tpu.barrier barrier_id(%barrier3A_30)
    "tpu.region"() ({
      %run_scoped3A = tpu.sem_alloc : memref<!tpu.dma_semaphore, #tpu.memory_space<semaphore_mem>>
      %dma_start3A_31 = arith.constant 0 : i32
      %dma_start3A_32 = tpu.memref_slice %arg6[%arg0, %mul3A_2, %dma_start3A_31] : memref<2x10240x128xbf16, #tpu.memory_space<hbm>> -> memref<1x640x128xbf16, #tpu.memory_space<hbm>>
      %dma_start3A_33 = tpu.memref_squeeze %dma_start3A_32 : memref<1x640x128xbf16, #tpu.memory_space<hbm>> -> memref<640x128xbf16, #tpu.memory_space<hbm>>
      %dma_start3A_34 = arith.constant 0 : i32
      %dma_start3A_35 = tpu.memref_slice %arg10[%mul3A_2, %dma_start3A_34] : memref<10240x128xbf16, #tpu.memory_space<vmem_shared>> -> memref<640x128xbf16, #tpu.memory_space<vmem_shared>>
      tpu.enqueue_dma source(%dma_start3A_35 : memref<640x128xbf16, #tpu.memory_space<vmem_shared>>) target(%dma_start3A_33 : memref<640x128xbf16, #tpu.memory_space<hbm>>) target_semaphore(%run_scoped3A : memref<!tpu.dma_semaphore, #tpu.memory_space<semaphore_mem>>)
      %dma_wait3A_36 = arith.constant 0 : i32
      %dma_wait3A_37 = tpu.memref_slice %arg6[%arg0, %mul3A_2, %dma_wait3A_36] : memref<2x10240x128xbf16, #tpu.memory_space<hbm>> -> memref<1x640x128xbf16, #tpu.memory_space<hbm>>
      %dma_wait3A_38 = tpu.memref_squeeze %dma_wait3A_37 : memref<1x640x128xbf16, #tpu.memory_space<hbm>> -> memref<640x128xbf16, #tpu.memory_space<hbm>>
      %dma_wait3A_39 = arith.constant 0 : i32
      %dma_wait3A_40 = tpu.memref_slice %arg10[%mul3A_2, %dma_wait3A_39] : memref<10240x128xbf16, #tpu.memory_space<vmem_shared>> -> memref<640x128xbf16, #tpu.memory_space<vmem_shared>>
      tpu.wait_dma2 semaphore(%run_scoped3A : memref<!tpu.dma_semaphore, #tpu.memory_space<semaphore_mem>>) src(%dma_wait3A_40 : memref<640x128xbf16, #tpu.memory_space<vmem_shared>>) dst(%dma_wait3A_38 : memref<640x128xbf16, #tpu.memory_space<hbm>>)
      tpu.yield
    }) : () -> ()
    return
  }
}

#map = affine_map<(d0, d1) -> (0, 0)>
#map1 = affine_map<(d0, d1) -> (0, 0, 0)>
module attributes {stable_mosaic.version = 14 : i64} {
  func.func @k(%arg0: i32, %arg1: i32, %arg2: memref<10000x160xbf16, #tpu.memory_space<hbm>>, %arg3: memref<32x125x80xi32, #tpu.memory_space<hbm>>, %arg4: memref<32x125x80xi32, #tpu.memory_space<hbm>>, %arg5: memref<10240x160xbf16, #tpu.memory_space<hbm>>, %arg6: memref<2x10240x160xbf16, #tpu.memory_space<hbm>>, %arg7: memref<125x80xi32, #tpu.memory_space<vmem>>, %arg8: memref<125x80xi32, #tpu.memory_space<vmem>>, %arg9: memref<2x80x160xbf16, #tpu.memory_space<vmem>>, %arg10: memref<10240x160xbf16, #tpu.memory_space<vmem_shared>>, %arg11: memref<!tpu.dma_semaphore, #tpu.memory_space<semaphore_mem>>, %arg12: memref<!tpu.dma_semaphore, #tpu.memory_space<semaphore_mem>>) attributes {dimension_semantics = [#tpu.dimension_semantics<core_parallel>, #tpu.dimension_semantics<subcore_parallel>], iteration_bounds = array<i64: 2, 16>, scalar_prefetch = 0 : i64, scratch_operands = 6 : i64, tpu.core_type = #tpu.core_type<sc_vector_subcore>, window_params = [{transform_indices = #map}, {transform_indices = #map1}, {transform_indices = #map1}, {transform_indices = #map}, {transform_indices = #map1}]} {
    %mul3A = arith.constant 16 : i32
    %mul3A_0 = arith.muli %arg0, %mul3A : i32
    %add3A = arith.addi %mul3A_0, %arg1 : i32
    %mul3A_1 = arith.constant 640 : i32
    %mul3A_2 = arith.muli %arg1, %mul3A_1 : i32
    "tpu.region"() ({
      %run_scoped3A = tpu.sem_alloc : memref<!tpu.dma_semaphore, #tpu.memory_space<semaphore_mem>>
      %dma_start3A_31 = arith.constant 0 : i32
      %dma_start3A_32 = tpu.memref_slice %arg10[%mul3A_2, %dma_start3A_31] : memref<10240x160xbf16, #tpu.memory_space<vmem_shared>> -> memref<640x160xbf16, #tpu.memory_space<vmem_shared>>
      %dma_start3A_33 = arith.constant 0 : i32
      %dma_start3A_34 = tpu.memref_slice %arg5[%mul3A_2, %dma_start3A_33] : memref<10240x160xbf16, #tpu.memory_space<hbm>> -> memref<640x160xbf16, #tpu.memory_space<hbm>>
      tpu.enqueue_dma source(%dma_start3A_34 : memref<640x160xbf16, #tpu.memory_space<hbm>>) target(%dma_start3A_32 : memref<640x160xbf16, #tpu.memory_space<vmem_shared>>) target_semaphore(%run_scoped3A : memref<!tpu.dma_semaphore, #tpu.memory_space<semaphore_mem>>)
      %dma_wait3A_35 = arith.constant 0 : i32
      %dma_wait3A_36 = tpu.memref_slice %arg10[%mul3A_2, %dma_wait3A_35] : memref<10240x160xbf16, #tpu.memory_space<vmem_shared>> -> memref<640x160xbf16, #tpu.memory_space<vmem_shared>>
      %dma_wait3A_37 = arith.constant 0 : i32
      %dma_wait3A_38 = tpu.memref_slice %arg5[%mul3A_2, %dma_wait3A_37] : memref<10240x160xbf16, #tpu.memory_space<hbm>> -> memref<640x160xbf16, #tpu.memory_space<hbm>>
      tpu.wait_dma2 semaphore(%run_scoped3A : memref<!tpu.dma_semaphore, #tpu.memory_space<semaphore_mem>>) src(%dma_wait3A_38 : memref<640x160xbf16, #tpu.memory_space<hbm>>) dst(%dma_wait3A_36 : memref<640x160xbf16, #tpu.memory_space<vmem_shared>>)
      tpu.yield
    }) : () -> ()
    %barrier3A = arith.constant 0 : index
    tpu.barrier barrier_id(%barrier3A)
    "tpu.region"() ({
      %run_scoped3A = tpu.sem_alloc : memref<!tpu.dma_semaphore, #tpu.memory_space<semaphore_mem>>
      %dma_start3A_31 = arith.constant 0 : i32
      %dma_start3A_32 = arith.constant 0 : i32
      %dma_start3A_33 = tpu.memref_slice %arg3[%add3A, %dma_start3A_31, %dma_start3A_32] : memref<32x125x80xi32, #tpu.memory_space<hbm>> -> memref<1x125x80xi32, #tpu.memory_space<hbm>>
      %dma_start3A_34 = tpu.memref_squeeze %dma_start3A_33 : memref<1x125x80xi32, #tpu.memory_space<hbm>> -> memref<125x80xi32, #tpu.memory_space<hbm>>
      %dma_start3A_35 = arith.constant 0 : i32
      %dma_start3A_36 = arith.constant 0 : i32
      %dma_start3A_37 = tpu.memref_slice %arg3[%add3A, %dma_start3A_35, %dma_start3A_36] : memref<32x125x80xi32, #tpu.memory_space<hbm>> -> memref<1x125x80xi32, #tpu.memory_space<hbm>>
      %dma_start3A_38 = tpu.memref_squeeze %dma_start3A_37 : memref<1x125x80xi32, #tpu.memory_space<hbm>> -> memref<125x80xi32, #tpu.memory_space<hbm>>
      tpu.enqueue_dma source(%dma_start3A_38 : memref<125x80xi32, #tpu.memory_space<hbm>>) target(%arg7 : memref<125x80xi32, #tpu.memory_space<vmem>>) target_semaphore(%run_scoped3A : memref<!tpu.dma_semaphore, #tpu.memory_space<semaphore_mem>>)
      %dma_wait3A_39 = arith.constant 0 : i32
      %dma_wait3A_40 = arith.constant 0 : i32
      %dma_wait3A_41 = tpu.memref_slice %arg3[%add3A, %dma_wait3A_39, %dma_wait3A_40] : memref<32x125x80xi32, #tpu.memory_space<hbm>> -> memref<1x125x80xi32, #tpu.memory_space<hbm>>
      %dma_wait3A_42 = tpu.memref_squeeze %dma_wait3A_41 : memref<1x125x80xi32, #tpu.memory_space<hbm>> -> memref<125x80xi32, #tpu.memory_space<hbm>>
      %dma_wait3A_43 = arith.constant 0 : i32
      %dma_wait3A_44 = arith.constant 0 : i32
      %dma_wait3A_45 = tpu.memref_slice %arg3[%add3A, %dma_wait3A_43, %dma_wait3A_44] : memref<32x125x80xi32, #tpu.memory_space<hbm>> -> memref<1x125x80xi32, #tpu.memory_space<hbm>>
      %dma_wait3A_46 = tpu.memref_squeeze %dma_wait3A_45 : memref<1x125x80xi32, #tpu.memory_space<hbm>> -> memref<125x80xi32, #tpu.memory_space<hbm>>
      tpu.wait_dma2 semaphore(%run_scoped3A : memref<!tpu.dma_semaphore, #tpu.memory_space<semaphore_mem>>) src(%dma_wait3A_46 : memref<125x80xi32, #tpu.memory_space<hbm>>) dst(%arg7 : memref<125x80xi32, #tpu.memory_space<vmem>>)
      tpu.yield
    }) : () -> ()
    "tpu.region"() ({
      %run_scoped3A = tpu.sem_alloc : memref<!tpu.dma_semaphore, #tpu.memory_space<semaphore_mem>>
      %dma_start3A_31 = arith.constant 0 : i32
      %dma_start3A_32 = arith.constant 0 : i32
      %dma_start3A_33 = tpu.memref_slice %arg4[%add3A, %dma_start3A_31, %dma_start3A_32] : memref<32x125x80xi32, #tpu.memory_space<hbm>> -> memref<1x125x80xi32, #tpu.memory_space<hbm>>
      %dma_start3A_34 = tpu.memref_squeeze %dma_start3A_33 : memref<1x125x80xi32, #tpu.memory_space<hbm>> -> memref<125x80xi32, #tpu.memory_space<hbm>>
      %dma_start3A_35 = arith.constant 0 : i32
      %dma_start3A_36 = arith.constant 0 : i32
      %dma_start3A_37 = tpu.memref_slice %arg4[%add3A, %dma_start3A_35, %dma_start3A_36] : memref<32x125x80xi32, #tpu.memory_space<hbm>> -> memref<1x125x80xi32, #tpu.memory_space<hbm>>
      %dma_start3A_38 = tpu.memref_squeeze %dma_start3A_37 : memref<1x125x80xi32, #tpu.memory_space<hbm>> -> memref<125x80xi32, #tpu.memory_space<hbm>>
      tpu.enqueue_dma source(%dma_start3A_38 : memref<125x80xi32, #tpu.memory_space<hbm>>) target(%arg8 : memref<125x80xi32, #tpu.memory_space<vmem>>) target_semaphore(%run_scoped3A : memref<!tpu.dma_semaphore, #tpu.memory_space<semaphore_mem>>)
      %dma_wait3A_39 = arith.constant 0 : i32
      %dma_wait3A_40 = arith.constant 0 : i32
      %dma_wait3A_41 = tpu.memref_slice %arg4[%add3A, %dma_wait3A_39, %dma_wait3A_40] : memref<32x125x80xi32, #tpu.memory_space<hbm>> -> memref<1x125x80xi32, #tpu.memory_space<hbm>>
      %dma_wait3A_42 = tpu.memref_squeeze %dma_wait3A_41 : memref<1x125x80xi32, #tpu.memory_space<hbm>> -> memref<125x80xi32, #tpu.memory_space<hbm>>
      %dma_wait3A_43 = arith.constant 0 : i32
      %dma_wait3A_44 = arith.constant 0 : i32
      %dma_wait3A_45 = tpu.memref_slice %arg4[%add3A, %dma_wait3A_43, %dma_wait3A_44] : memref<32x125x80xi32, #tpu.memory_space<hbm>> -> memref<1x125x80xi32, #tpu.memory_space<hbm>>
      %dma_wait3A_46 = tpu.memref_squeeze %dma_wait3A_45 : memref<1x125x80xi32, #tpu.memory_space<hbm>> -> memref<125x80xi32, #tpu.memory_space<hbm>>
      tpu.wait_dma2 semaphore(%run_scoped3A : memref<!tpu.dma_semaphore, #tpu.memory_space<semaphore_mem>>) src(%dma_wait3A_46 : memref<125x80xi32, #tpu.memory_space<hbm>>) dst(%arg8 : memref<125x80xi32, #tpu.memory_space<vmem>>)
      tpu.yield
    }) : () -> ()
    %dma_start3A = arith.constant 0 : i32
    %dma_start3A_3 = arith.constant 0 : i32
    %dma_start3A_4 = arith.constant 0 : i32
    %dma_start3A_5 = arith.constant 0 : i32
    %dma_start3A_6 = tpu.memref_slice %arg9[%dma_start3A_3, %dma_start3A_4, %dma_start3A_5] : memref<2x80x160xbf16, #tpu.memory_space<vmem>> -> memref<1x80x160xbf16, #tpu.memory_space<vmem>>
    %dma_start3A_7 = tpu.memref_squeeze %dma_start3A_6 : memref<1x80x160xbf16, #tpu.memory_space<vmem>> -> memref<80x160xbf16, #tpu.memory_space<vmem>>
    %dma_start3A_8 = arith.constant 0 : i32
    %dma_start3A_9 = tpu.memref_slice %arg7[%dma_start3A, %dma_start3A_8] : memref<125x80xi32, #tpu.memory_space<vmem>> -> memref<1x80xi32, #tpu.memory_space<vmem>>
    %dma_start3A_10 = tpu.memref_squeeze %dma_start3A_9 : memref<1x80xi32, #tpu.memory_space<vmem>> -> memref<80xi32, #tpu.memory_space<vmem>>
    %dma_start3A_11 = arith.constant 0 : i32
    %dma_start3A_12 = arith.constant 0 : i32
    %dma_start3A_13 = tpu.memref_slice %arg2[%dma_start3A_11, %dma_start3A_12] : memref<10000x160xbf16, #tpu.memory_space<hbm>> -> memref<10000x160xbf16, #tpu.memory_space<hbm>>
    tpu.enqueue_indirect_dma source(%dma_start3A_13 : memref<10000x160xbf16, #tpu.memory_space<hbm>>) target(%dma_start3A_7 : memref<80x160xbf16, #tpu.memory_space<vmem>>) offsets(%dma_start3A_10 : memref<80xi32, #tpu.memory_space<vmem>>) semaphore(%arg11 : memref<!tpu.dma_semaphore, #tpu.memory_space<semaphore_mem>>)
    %scan3A = arith.constant 0 : i32
    %scan3A_14 = arith.constant 0 : i32
    %scan3A_15 = arith.constant 125 : i32
    %scan3A_16 = arith.addi %scan3A_14, %scan3A_15 : i32
    %scan3A_17 = arith.constant 1 : i32
    scf.for %scan3A_31 = %scan3A_14 to %scan3A_16 step %scan3A_17  : i32 {
      %add3A_32 = arith.constant 1 : i32
      %add3A_33 = arith.addi %scan3A_31, %add3A_32 : i32
      %min3A = arith.constant 124 : i32
      %min3A_34 = arith.minsi %add3A_33, %min3A : i32
      %jit3A = arith.constant 2 : i32
      %eq3A = arith.constant 0 : i32
      %eq3A_35 = arith.cmpi eq, %jit3A, %eq3A : i32
      %jit3A_36 = arith.constant 1 : i32
      %select_n3A = arith.select %eq3A_35, %jit3A_36, %jit3A : i32
      %rem3A = arith.remsi %scan3A_31, %select_n3A : i32
      %ne3A = arith.constant 0 : i32
      %ne3A_37 = arith.cmpi ne, %rem3A, %ne3A : i32
      %lt3A = arith.constant 0 : i32
      %lt3A_38 = arith.cmpi slt, %rem3A, %lt3A : i32
      %lt3A_39 = arith.constant 0 : i32
      %lt3A_40 = arith.cmpi slt, %select_n3A, %lt3A_39 : i32
      %ne3A_41 = arith.xori %lt3A_38, %lt3A_40 : i1
      %and3A = arith.andi %ne3A_41, %ne3A_37 : i1
      %add3A_42 = arith.addi %rem3A, %select_n3A : i32
      %select_n3A_43 = arith.select %and3A, %add3A_42, %rem3A : i32
      %eq3A_44 = arith.constant 0 : i32
      %eq3A_45 = arith.cmpi eq, %select_n3A_43, %eq3A_44 : i32
      %convert_element_type3A = arith.extui %eq3A_45 : i1 to i32
      %cond3A = arith.constant 0 : i32
      %cond3A_46 = arith.cmpi ne, %convert_element_type3A, %cond3A : i32
      scf.if %cond3A_46 {
        %dma_start3A_68 = arith.constant 1 : i32
        %dma_start3A_69 = arith.constant 0 : i32
        %dma_start3A_70 = arith.constant 0 : i32
        %dma_start3A_71 = tpu.memref_slice %arg9[%dma_start3A_68, %dma_start3A_69, %dma_start3A_70] : memref<2x80x160xbf16, #tpu.memory_space<vmem>> -> memref<1x80x160xbf16, #tpu.memory_space<vmem>>
        %dma_start3A_72 = tpu.memref_squeeze %dma_start3A_71 : memref<1x80x160xbf16, #tpu.memory_space<vmem>> -> memref<80x160xbf16, #tpu.memory_space<vmem>>
        %dma_start3A_73 = arith.constant 0 : i32
        %dma_start3A_74 = tpu.memref_slice %arg7[%min3A_34, %dma_start3A_73] : memref<125x80xi32, #tpu.memory_space<vmem>> -> memref<1x80xi32, #tpu.memory_space<vmem>>
        %dma_start3A_75 = tpu.memref_squeeze %dma_start3A_74 : memref<1x80xi32, #tpu.memory_space<vmem>> -> memref<80xi32, #tpu.memory_space<vmem>>
        %dma_start3A_76 = arith.constant 0 : i32
        %dma_start3A_77 = arith.constant 0 : i32
        %dma_start3A_78 = tpu.memref_slice %arg2[%dma_start3A_76, %dma_start3A_77] : memref<10000x160xbf16, #tpu.memory_space<hbm>> -> memref<10000x160xbf16, #tpu.memory_space<hbm>>
        tpu.enqueue_indirect_dma source(%dma_start3A_78 : memref<10000x160xbf16, #tpu.memory_space<hbm>>) target(%dma_start3A_72 : memref<80x160xbf16, #tpu.memory_space<vmem>>) offsets(%dma_start3A_75 : memref<80xi32, #tpu.memory_space<vmem>>) semaphore(%arg12 : memref<!tpu.dma_semaphore, #tpu.memory_space<semaphore_mem>>)
        %dma_wait3A_79 = arith.constant 0 : i32
        %dma_wait3A_80 = arith.constant 0 : i32
        %dma_wait3A_81 = arith.constant 0 : i32
        %dma_wait3A_82 = tpu.memref_slice %arg9[%dma_wait3A_79, %dma_wait3A_80, %dma_wait3A_81] : memref<2x80x160xbf16, #tpu.memory_space<vmem>> -> memref<1x80x160xbf16, #tpu.memory_space<vmem>>
        %dma_wait3A_83 = tpu.memref_squeeze %dma_wait3A_82 : memref<1x80x160xbf16, #tpu.memory_space<vmem>> -> memref<80x160xbf16, #tpu.memory_space<vmem>>
        %dma_wait3A_84 = arith.constant 0 : i32
        %dma_wait3A_85 = tpu.memref_slice %arg7[%scan3A_31, %dma_wait3A_84] : memref<125x80xi32, #tpu.memory_space<vmem>> -> memref<1x80xi32, #tpu.memory_space<vmem>>
        %dma_wait3A_86 = tpu.memref_squeeze %dma_wait3A_85 : memref<1x80xi32, #tpu.memory_space<vmem>> -> memref<80xi32, #tpu.memory_space<vmem>>
        %dma_wait3A_87 = arith.constant 0 : i32
        %dma_wait3A_88 = arith.constant 0 : i32
        %dma_wait3A_89 = tpu.memref_slice %arg2[%dma_wait3A_87, %dma_wait3A_88] : memref<10000x160xbf16, #tpu.memory_space<hbm>> -> memref<10000x160xbf16, #tpu.memory_space<hbm>>
        tpu.wait_indirect_dma semaphore(%arg11 : memref<!tpu.dma_semaphore, #tpu.memory_space<semaphore_mem>>) src(%dma_wait3A_89 : memref<10000x160xbf16, #tpu.memory_space<hbm>>) dst(%dma_wait3A_83 : memref<80x160xbf16, #tpu.memory_space<vmem>>)
        %run_scoped3A = arith.constant 0 : i32
        "tpu.region"() ({
          %run_scoped3A_90 = tpu.sem_alloc : memref<!tpu.dma_semaphore, #tpu.memory_space<semaphore_mem>>
          %dma_start3A_91 = arith.constant 0 : i32
          %dma_start3A_92 = arith.constant 0 : i32
          %dma_start3A_93 = tpu.memref_slice %arg9[%run_scoped3A, %dma_start3A_91, %dma_start3A_92] : memref<2x80x160xbf16, #tpu.memory_space<vmem>> -> memref<1x80x160xbf16, #tpu.memory_space<vmem>>
          %dma_start3A_94 = tpu.memref_squeeze %dma_start3A_93 : memref<1x80x160xbf16, #tpu.memory_space<vmem>> -> memref<80x160xbf16, #tpu.memory_space<vmem>>
          %dma_start3A_95 = arith.constant 0 : i32
          %dma_start3A_96 = tpu.memref_slice %arg8[%scan3A_31, %dma_start3A_95] : memref<125x80xi32, #tpu.memory_space<vmem>> -> memref<1x80xi32, #tpu.memory_space<vmem>>
          %dma_start3A_97 = tpu.memref_squeeze %dma_start3A_96 : memref<1x80xi32, #tpu.memory_space<vmem>> -> memref<80xi32, #tpu.memory_space<vmem>>
          %dma_start3A_98 = arith.constant 0 : i32
          %dma_start3A_99 = arith.constant 0 : i32
          %dma_start3A_100 = tpu.memref_slice %arg10[%dma_start3A_98, %dma_start3A_99] : memref<10240x160xbf16, #tpu.memory_space<vmem_shared>> -> memref<10240x160xbf16, #tpu.memory_space<vmem_shared>>
          tpu.enqueue_indirect_dma source(%dma_start3A_94 : memref<80x160xbf16, #tpu.memory_space<vmem>>) target(%dma_start3A_100 : memref<10240x160xbf16, #tpu.memory_space<vmem_shared>>) offsets(%dma_start3A_97 : memref<80xi32, #tpu.memory_space<vmem>>) semaphore(%run_scoped3A_90 : memref<!tpu.dma_semaphore, #tpu.memory_space<semaphore_mem>>) {add = true}
          %dma_wait3A_101 = arith.constant 0 : i32
          %dma_wait3A_102 = arith.constant 0 : i32
          %dma_wait3A_103 = tpu.memref_slice %arg9[%run_scoped3A, %dma_wait3A_101, %dma_wait3A_102] : memref<2x80x160xbf16, #tpu.memory_space<vmem>> -> memref<1x80x160xbf16, #tpu.memory_space<vmem>>
          %dma_wait3A_104 = tpu.memref_squeeze %dma_wait3A_103 : memref<1x80x160xbf16, #tpu.memory_space<vmem>> -> memref<80x160xbf16, #tpu.memory_space<vmem>>
          %dma_wait3A_105 = arith.constant 0 : i32
          %dma_wait3A_106 = tpu.memref_slice %arg8[%scan3A_31, %dma_wait3A_105] : memref<125x80xi32, #tpu.memory_space<vmem>> -> memref<1x80xi32, #tpu.memory_space<vmem>>
          %dma_wait3A_107 = tpu.memref_squeeze %dma_wait3A_106 : memref<1x80xi32, #tpu.memory_space<vmem>> -> memref<80xi32, #tpu.memory_space<vmem>>
          %dma_wait3A_108 = arith.constant 0 : i32
          %dma_wait3A_109 = arith.constant 0 : i32
          %dma_wait3A_110 = tpu.memref_slice %arg10[%dma_wait3A_108, %dma_wait3A_109] : memref<10240x160xbf16, #tpu.memory_space<vmem_shared>> -> memref<10240x160xbf16, #tpu.memory_space<vmem_shared>>
          tpu.wait_indirect_dma semaphore(%run_scoped3A_90 : memref<!tpu.dma_semaphore, #tpu.memory_space<semaphore_mem>>) src(%dma_wait3A_104 : memref<80x160xbf16, #tpu.memory_space<vmem>>) dst(%dma_wait3A_110 : memref<10240x160xbf16, #tpu.memory_space<vmem_shared>>)
          tpu.yield
        }) : () -> ()
      } else {
      }
      %jit3A_47 = arith.constant 2 : i32
      %eq3A_48 = arith.constant 0 : i32
      %eq3A_49 = arith.cmpi eq, %jit3A_47, %eq3A_48 : i32
      %jit3A_50 = arith.constant 1 : i32
      %select_n3A_51 = arith.select %eq3A_49, %jit3A_50, %jit3A_47 : i32
      %rem3A_52 = arith.remsi %scan3A_31, %select_n3A_51 : i32
      %ne3A_53 = arith.constant 0 : i32
      %ne3A_54 = arith.cmpi ne, %rem3A_52, %ne3A_53 : i32
      %lt3A_55 = arith.constant 0 : i32
      %lt3A_56 = arith.cmpi slt, %rem3A_52, %lt3A_55 : i32
      %lt3A_57 = arith.constant 0 : i32
      %lt3A_58 = arith.cmpi slt, %select_n3A_51, %lt3A_57 : i32
      %ne3A_59 = arith.xori %lt3A_56, %lt3A_58 : i1
      %and3A_60 = arith.andi %ne3A_59, %ne3A_54 : i1
      %add3A_61 = arith.addi %rem3A_52, %select_n3A_51 : i32
      %select_n3A_62 = arith.select %and3A_60, %add3A_61, %rem3A_52 : i32
      %eq3A_63 = arith.constant 1 : i32
      %eq3A_64 = arith.cmpi eq, %select_n3A_62, %eq3A_63 : i32
      %convert_element_type3A_65 = arith.extui %eq3A_64 : i1 to i32
      %cond3A_66 = arith.constant 0 : i32
      %cond3A_67 = arith.cmpi ne, %convert_element_type3A_65, %cond3A_66 : i32
      scf.if %cond3A_67 {
        %dma_start3A_68 = arith.constant 0 : i32
        %dma_start3A_69 = arith.constant 0 : i32
        %dma_start3A_70 = arith.constant 0 : i32
        %dma_start3A_71 = tpu.memref_slice %arg9[%dma_start3A_68, %dma_start3A_69, %dma_start3A_70] : memref<2x80x160xbf16, #tpu.memory_space<vmem>> -> memref<1x80x160xbf16, #tpu.memory_space<vmem>>
        %dma_start3A_72 = tpu.memref_squeeze %dma_start3A_71 : memref<1x80x160xbf16, #tpu.memory_space<vmem>> -> memref<80x160xbf16, #tpu.memory_space<vmem>>
        %dma_start3A_73 = arith.constant 0 : i32
        %dma_start3A_74 = tpu.memref_slice %arg7[%min3A_34, %dma_start3A_73] : memref<125x80xi32, #tpu.memory_space<vmem>> -> memref<1x80xi32, #tpu.memory_space<vmem>>
        %dma_start3A_75 = tpu.memref_squeeze %dma_start3A_74 : memref<1x80xi32, #tpu.memory_space<vmem>> -> memref<80xi32, #tpu.memory_space<vmem>>
        %dma_start3A_76 = arith.constant 0 : i32
        %dma_start3A_77 = arith.constant 0 : i32
        %dma_start3A_78 = tpu.memref_slice %arg2[%dma_start3A_76, %dma_start3A_77] : memref<10000x160xbf16, #tpu.memory_space<hbm>> -> memref<10000x160xbf16, #tpu.memory_space<hbm>>
        tpu.enqueue_indirect_dma source(%dma_start3A_78 : memref<10000x160xbf16, #tpu.memory_space<hbm>>) target(%dma_start3A_72 : memref<80x160xbf16, #tpu.memory_space<vmem>>) offsets(%dma_start3A_75 : memref<80xi32, #tpu.memory_space<vmem>>) semaphore(%arg11 : memref<!tpu.dma_semaphore, #tpu.memory_space<semaphore_mem>>)
        %dma_wait3A_79 = arith.constant 1 : i32
        %dma_wait3A_80 = arith.constant 0 : i32
        %dma_wait3A_81 = arith.constant 0 : i32
        %dma_wait3A_82 = tpu.memref_slice %arg9[%dma_wait3A_79, %dma_wait3A_80, %dma_wait3A_81] : memref<2x80x160xbf16, #tpu.memory_space<vmem>> -> memref<1x80x160xbf16, #tpu.memory_space<vmem>>
        %dma_wait3A_83 = tpu.memref_squeeze %dma_wait3A_82 : memref<1x80x160xbf16, #tpu.memory_space<vmem>> -> memref<80x160xbf16, #tpu.memory_space<vmem>>
        %dma_wait3A_84 = arith.constant 0 : i32
        %dma_wait3A_85 = tpu.memref_slice %arg7[%scan3A_31, %dma_wait3A_84] : memref<125x80xi32, #tpu.memory_space<vmem>> -> memref<1x80xi32, #tpu.memory_space<vmem>>
        %dma_wait3A_86 = tpu.memref_squeeze %dma_wait3A_85 : memref<1x80xi32, #tpu.memory_space<vmem>> -> memref<80xi32, #tpu.memory_space<vmem>>
        %dma_wait3A_87 = arith.constant 0 : i32
        %dma_wait3A_88 = arith.constant 0 : i32
        %dma_wait3A_89 = tpu.memref_slice %arg2[%dma_wait3A_87, %dma_wait3A_88] : memref<10000x160xbf16, #tpu.memory_space<hbm>> -> memref<10000x160xbf16, #tpu.memory_space<hbm>>
        tpu.wait_indirect_dma semaphore(%arg12 : memref<!tpu.dma_semaphore, #tpu.memory_space<semaphore_mem>>) src(%dma_wait3A_89 : memref<10000x160xbf16, #tpu.memory_space<hbm>>) dst(%dma_wait3A_83 : memref<80x160xbf16, #tpu.memory_space<vmem>>)
        %run_scoped3A = arith.constant 1 : i32
        "tpu.region"() ({
          %run_scoped3A_90 = tpu.sem_alloc : memref<!tpu.dma_semaphore, #tpu.memory_space<semaphore_mem>>
          %dma_start3A_91 = arith.constant 0 : i32
          %dma_start3A_92 = arith.constant 0 : i32
          %dma_start3A_93 = tpu.memref_slice %arg9[%run_scoped3A, %dma_start3A_91, %dma_start3A_92] : memref<2x80x160xbf16, #tpu.memory_space<vmem>> -> memref<1x80x160xbf16, #tpu.memory_space<vmem>>
          %dma_start3A_94 = tpu.memref_squeeze %dma_start3A_93 : memref<1x80x160xbf16, #tpu.memory_space<vmem>> -> memref<80x160xbf16, #tpu.memory_space<vmem>>
          %dma_start3A_95 = arith.constant 0 : i32
          %dma_start3A_96 = tpu.memref_slice %arg8[%scan3A_31, %dma_start3A_95] : memref<125x80xi32, #tpu.memory_space<vmem>> -> memref<1x80xi32, #tpu.memory_space<vmem>>
          %dma_start3A_97 = tpu.memref_squeeze %dma_start3A_96 : memref<1x80xi32, #tpu.memory_space<vmem>> -> memref<80xi32, #tpu.memory_space<vmem>>
          %dma_start3A_98 = arith.constant 0 : i32
          %dma_start3A_99 = arith.constant 0 : i32
          %dma_start3A_100 = tpu.memref_slice %arg10[%dma_start3A_98, %dma_start3A_99] : memref<10240x160xbf16, #tpu.memory_space<vmem_shared>> -> memref<10240x160xbf16, #tpu.memory_space<vmem_shared>>
          tpu.enqueue_indirect_dma source(%dma_start3A_94 : memref<80x160xbf16, #tpu.memory_space<vmem>>) target(%dma_start3A_100 : memref<10240x160xbf16, #tpu.memory_space<vmem_shared>>) offsets(%dma_start3A_97 : memref<80xi32, #tpu.memory_space<vmem>>) semaphore(%run_scoped3A_90 : memref<!tpu.dma_semaphore, #tpu.memory_space<semaphore_mem>>) {add = true}
          %dma_wait3A_101 = arith.constant 0 : i32
          %dma_wait3A_102 = arith.constant 0 : i32
          %dma_wait3A_103 = tpu.memref_slice %arg9[%run_scoped3A, %dma_wait3A_101, %dma_wait3A_102] : memref<2x80x160xbf16, #tpu.memory_space<vmem>> -> memref<1x80x160xbf16, #tpu.memory_space<vmem>>
          %dma_wait3A_104 = tpu.memref_squeeze %dma_wait3A_103 : memref<1x80x160xbf16, #tpu.memory_space<vmem>> -> memref<80x160xbf16, #tpu.memory_space<vmem>>
          %dma_wait3A_105 = arith.constant 0 : i32
          %dma_wait3A_106 = tpu.memref_slice %arg8[%scan3A_31, %dma_wait3A_105] : memref<125x80xi32, #tpu.memory_space<vmem>> -> memref<1x80xi32, #tpu.memory_space<vmem>>
          %dma_wait3A_107 = tpu.memref_squeeze %dma_wait3A_106 : memref<1x80xi32, #tpu.memory_space<vmem>> -> memref<80xi32, #tpu.memory_space<vmem>>
          %dma_wait3A_108 = arith.constant 0 : i32
          %dma_wait3A_109 = arith.constant 0 : i32
          %dma_wait3A_110 = tpu.memref_slice %arg10[%dma_wait3A_108, %dma_wait3A_109] : memref<10240x160xbf16, #tpu.memory_space<vmem_shared>> -> memref<10240x160xbf16, #tpu.memory_space<vmem_shared>>
          tpu.wait_indirect_dma semaphore(%run_scoped3A_90 : memref<!tpu.dma_semaphore, #tpu.memory_space<semaphore_mem>>) src(%dma_wait3A_104 : memref<80x160xbf16, #tpu.memory_space<vmem>>) dst(%dma_wait3A_110 : memref<10240x160xbf16, #tpu.memory_space<vmem_shared>>)
          tpu.yield
        }) : () -> ()
      } else {
      }
    }
    %scan3A_18 = arith.constant 125 : i32
    %dma_wait3A = arith.constant 0 : i32
    %dma_wait3A_19 = arith.constant 1 : i32
    %dma_wait3A_20 = arith.constant 0 : i32
    %dma_wait3A_21 = arith.constant 0 : i32
    %dma_wait3A_22 = tpu.memref_slice %arg9[%dma_wait3A_19, %dma_wait3A_20, %dma_wait3A_21] : memref<2x80x160xbf16, #tpu.memory_space<vmem>> -> memref<1x80x160xbf16, #tpu.memory_space<vmem>>
    %dma_wait3A_23 = tpu.memref_squeeze %dma_wait3A_22 : memref<1x80x160xbf16, #tpu.memory_space<vmem>> -> memref<80x160xbf16, #tpu.memory_space<vmem>>
    %dma_wait3A_24 = arith.constant 0 : i32
    %dma_wait3A_25 = tpu.memref_slice %arg7[%dma_wait3A, %dma_wait3A_24] : memref<125x80xi32, #tpu.memory_space<vmem>> -> memref<1x80xi32, #tpu.memory_space<vmem>>
    %dma_wait3A_26 = tpu.memref_squeeze %dma_wait3A_25 : memref<1x80xi32, #tpu.memory_space<vmem>> -> memref<80xi32, #tpu.memory_space<vmem>>
    %dma_wait3A_27 = arith.constant 0 : i32
    %dma_wait3A_28 = arith.constant 0 : i32
    %dma_wait3A_29 = tpu.memref_slice %arg2[%dma_wait3A_27, %dma_wait3A_28] : memref<10000x160xbf16, #tpu.memory_space<hbm>> -> memref<10000x160xbf16, #tpu.memory_space<hbm>>
    tpu.wait_indirect_dma semaphore(%arg12 : memref<!tpu.dma_semaphore, #tpu.memory_space<semaphore_mem>>) src(%dma_wait3A_29 : memref<10000x160xbf16, #tpu.memory_space<hbm>>) dst(%dma_wait3A_23 : memref<80x160xbf16, #tpu.memory_space<vmem>>)
    %barrier3A_30 = arith.constant 0 : index
    tpu.barrier barrier_id(%barrier3A_30)
    "tpu.region"() ({
      %run_scoped3A = tpu.sem_alloc : memref<!tpu.dma_semaphore, #tpu.memory_space<semaphore_mem>>
      %dma_start3A_31 = arith.constant 0 : i32
      %dma_start3A_32 = tpu.memref_slice %arg6[%arg0, %mul3A_2, %dma_start3A_31] : memref<2x10240x160xbf16, #tpu.memory_space<hbm>> -> memref<1x640x160xbf16, #tpu.memory_space<hbm>>
      %dma_start3A_33 = tpu.memref_squeeze %dma_start3A_32 : memref<1x640x160xbf16, #tpu.memory_space<hbm>> -> memref<640x160xbf16, #tpu.memory_space<hbm>>
      %dma_start3A_34 = arith.constant 0 : i32
      %dma_start3A_35 = tpu.memref_slice %arg10[%mul3A_2, %dma_start3A_34] : memref<10240x160xbf16, #tpu.memory_space<vmem_shared>> -> memref<640x160xbf16, #tpu.memory_space<vmem_shared>>
      tpu.enqueue_dma source(%dma_start3A_35 : memref<640x160xbf16, #tpu.memory_space<vmem_shared>>) target(%dma_start3A_33 : memref<640x160xbf16, #tpu.memory_space<hbm>>) target_semaphore(%run_scoped3A : memref<!tpu.dma_semaphore, #tpu.memory_space<semaphore_mem>>)
      %dma_wait3A_36 = arith.constant 0 : i32
      %dma_wait3A_37 = tpu.memref_slice %arg6[%arg0, %mul3A_2, %dma_wait3A_36] : memref<2x10240x160xbf16, #tpu.memory_space<hbm>> -> memref<1x640x160xbf16, #tpu.memory_space<hbm>>
      %dma_wait3A_38 = tpu.memref_squeeze %dma_wait3A_37 : memref<1x640x160xbf16, #tpu.memory_space<hbm>> -> memref<640x160xbf16, #tpu.memory_space<hbm>>
      %dma_wait3A_39 = arith.constant 0 : i32
      %dma_wait3A_40 = tpu.memref_slice %arg10[%mul3A_2, %dma_wait3A_39] : memref<10240x160xbf16, #tpu.memory_space<vmem_shared>> -> memref<640x160xbf16, #tpu.memory_space<vmem_shared>>
      tpu.wait_dma2 semaphore(%run_scoped3A : memref<!tpu.dma_semaphore, #tpu.memory_space<semaphore_mem>>) src(%dma_wait3A_40 : memref<640x160xbf16, #tpu.memory_space<vmem_shared>>) dst(%dma_wait3A_38 : memref<640x160xbf16, #tpu.memory_space<hbm>>)
      tpu.yield
    }) : () -> ()
    return
  }
}

#map = affine_map<(d0, d1) -> (0, 0)>
#map1 = affine_map<(d0, d1) -> (0, 0, 0)>
#map2 = affine_map<(d0, d1) -> (0, 0, 0, 0)>
module attributes {stable_mosaic.version = 14 : i64} {
  func.func @k(%arg0: i32, %arg1: i32, %arg2: memref<10000x16xf32, #tpu.memory_space<hbm>>, %arg3: memref<10000x16xf32, #tpu.memory_space<hbm>>, %arg4: memref<10240x16xf32, #tpu.memory_space<hbm>>, %arg5: memref<32x125x80xi32, #tpu.memory_space<hbm>>, %arg6: memref<32x125x80xi32, #tpu.memory_space<hbm>>, %arg7: memref<2x10240x16xf32, #tpu.memory_space<hbm>>, %arg8: memref<32x125x80x16xf32, #tpu.memory_space<hbm>>, %arg9: memref<125x80xi32, #tpu.memory_space<vmem>>, %arg10: memref<125x80xi32, #tpu.memory_space<vmem>>, %arg11: memref<2x80x16xf32, #tpu.memory_space<vmem>>, %arg12: memref<2x80x16xf32, #tpu.memory_space<vmem>>, %arg13: memref<80x16xf32, #tpu.memory_space<vmem>>, %arg14: memref<10240x16xf32, #tpu.memory_space<vmem_shared>>, %arg15: memref<!tpu.dma_semaphore, #tpu.memory_space<semaphore_mem>>, %arg16: memref<!tpu.dma_semaphore, #tpu.memory_space<semaphore_mem>>, %arg17: memref<!tpu.dma_semaphore, #tpu.memory_space<semaphore_mem>>, %arg18: memref<!tpu.dma_semaphore, #tpu.memory_space<semaphore_mem>>) attributes {dimension_semantics = [#tpu.dimension_semantics<core_parallel>, #tpu.dimension_semantics<subcore_parallel>], iteration_bounds = array<i64: 2, 16>, scalar_prefetch = 0 : i64, scratch_operands = 10 : i64, tpu.core_type = #tpu.core_type<sc_vector_subcore>, window_params = [{transform_indices = #map}, {transform_indices = #map}, {transform_indices = #map}, {transform_indices = #map1}, {transform_indices = #map1}, {transform_indices = #map1}, {transform_indices = #map2}]} {
    %mul3A = arith.constant 16 : i32
    %mul3A_0 = arith.muli %arg0, %mul3A : i32
    %add3A = arith.addi %mul3A_0, %arg1 : i32
    %mul3A_1 = arith.constant 640 : i32
    %mul3A_2 = arith.muli %arg1, %mul3A_1 : i32
    "tpu.region"() ({
      %run_scoped3A = tpu.sem_alloc : memref<!tpu.dma_semaphore, #tpu.memory_space<semaphore_mem>>
      %dma_start3A_55 = arith.constant 0 : i32
      %dma_start3A_56 = tpu.memref_slice %arg14[%mul3A_2, %dma_start3A_55] : memref<10240x16xf32, #tpu.memory_space<vmem_shared>> -> memref<640x16xf32, #tpu.memory_space<vmem_shared>>
      %dma_start3A_57 = arith.constant 0 : i32
      %dma_start3A_58 = tpu.memref_slice %arg4[%mul3A_2, %dma_start3A_57] : memref<10240x16xf32, #tpu.memory_space<hbm>> -> memref<640x16xf32, #tpu.memory_space<hbm>>
      tpu.enqueue_dma source(%dma_start3A_58 : memref<640x16xf32, #tpu.memory_space<hbm>>) target(%dma_start3A_56 : memref<640x16xf32, #tpu.memory_space<vmem_shared>>) target_semaphore(%run_scoped3A : memref<!tpu.dma_semaphore, #tpu.memory_space<semaphore_mem>>)
      %dma_wait3A_59 = arith.constant 0 : i32
      %dma_wait3A_60 = tpu.memref_slice %arg14[%mul3A_2, %dma_wait3A_59] : memref<10240x16xf32, #tpu.memory_space<vmem_shared>> -> memref<640x16xf32, #tpu.memory_space<vmem_shared>>
      %dma_wait3A_61 = arith.constant 0 : i32
      %dma_wait3A_62 = tpu.memref_slice %arg4[%mul3A_2, %dma_wait3A_61] : memref<10240x16xf32, #tpu.memory_space<hbm>> -> memref<640x16xf32, #tpu.memory_space<hbm>>
      tpu.wait_dma2 semaphore(%run_scoped3A : memref<!tpu.dma_semaphore, #tpu.memory_space<semaphore_mem>>) src(%dma_wait3A_62 : memref<640x16xf32, #tpu.memory_space<hbm>>) dst(%dma_wait3A_60 : memref<640x16xf32, #tpu.memory_space<vmem_shared>>)
      tpu.yield
    }) : () -> ()
    %barrier3A = arith.constant 0 : index
    tpu.barrier barrier_id(%barrier3A)
    "tpu.region"() ({
      %run_scoped3A = tpu.sem_alloc : memref<!tpu.dma_semaphore, #tpu.memory_space<semaphore_mem>>
      %dma_start3A_55 = arith.constant 0 : i32
      %dma_start3A_56 = arith.constant 0 : i32
      %dma_start3A_57 = tpu.memref_slice %arg5[%add3A, %dma_start3A_55, %dma_start3A_56] : memref<32x125x80xi32, #tpu.memory_space<hbm>> -> memref<1x125x80xi32, #tpu.memory_space<hbm>>
      %dma_start3A_58 = tpu.memref_squeeze %dma_start3A_57 : memref<1x125x80xi32, #tpu.memory_space<hbm>> -> memref<125x80xi32, #tpu.memory_space<hbm>>
      %dma_start3A_59 = arith.constant 0 : i32
      %dma_start3A_60 = arith.constant 0 : i32
      %dma_start3A_61 = tpu.memref_slice %arg5[%add3A, %dma_start3A_59, %dma_start3A_60] : memref<32x125x80xi32, #tpu.memory_space<hbm>> -> memref<1x125x80xi32, #tpu.memory_space<hbm>>
      %dma_start3A_62 = tpu.memref_squeeze %dma_start3A_61 : memref<1x125x80xi32, #tpu.memory_space<hbm>> -> memref<125x80xi32, #tpu.memory_space<hbm>>
      tpu.enqueue_dma source(%dma_start3A_62 : memref<125x80xi32, #tpu.memory_space<hbm>>) target(%arg9 : memref<125x80xi32, #tpu.memory_space<vmem>>) target_semaphore(%run_scoped3A : memref<!tpu.dma_semaphore, #tpu.memory_space<semaphore_mem>>)
      %dma_wait3A_63 = arith.constant 0 : i32
      %dma_wait3A_64 = arith.constant 0 : i32
      %dma_wait3A_65 = tpu.memref_slice %arg5[%add3A, %dma_wait3A_63, %dma_wait3A_64] : memref<32x125x80xi32, #tpu.memory_space<hbm>> -> memref<1x125x80xi32, #tpu.memory_space<hbm>>
      %dma_wait3A_66 = tpu.memref_squeeze %dma_wait3A_65 : memref<1x125x80xi32, #tpu.memory_space<hbm>> -> memref<125x80xi32, #tpu.memory_space<hbm>>
      %dma_wait3A_67 = arith.constant 0 : i32
      %dma_wait3A_68 = arith.constant 0 : i32
      %dma_wait3A_69 = tpu.memref_slice %arg5[%add3A, %dma_wait3A_67, %dma_wait3A_68] : memref<32x125x80xi32, #tpu.memory_space<hbm>> -> memref<1x125x80xi32, #tpu.memory_space<hbm>>
      %dma_wait3A_70 = tpu.memref_squeeze %dma_wait3A_69 : memref<1x125x80xi32, #tpu.memory_space<hbm>> -> memref<125x80xi32, #tpu.memory_space<hbm>>
      tpu.wait_dma2 semaphore(%run_scoped3A : memref<!tpu.dma_semaphore, #tpu.memory_space<semaphore_mem>>) src(%dma_wait3A_70 : memref<125x80xi32, #tpu.memory_space<hbm>>) dst(%arg9 : memref<125x80xi32, #tpu.memory_space<vmem>>)
      tpu.yield
    }) : () -> ()
    "tpu.region"() ({
      %run_scoped3A = tpu.sem_alloc : memref<!tpu.dma_semaphore, #tpu.memory_space<semaphore_mem>>
      %dma_start3A_55 = arith.constant 0 : i32
      %dma_start3A_56 = arith.constant 0 : i32
      %dma_start3A_57 = tpu.memref_slice %arg6[%add3A, %dma_start3A_55, %dma_start3A_56] : memref<32x125x80xi32, #tpu.memory_space<hbm>> -> memref<1x125x80xi32, #tpu.memory_space<hbm>>
      %dma_start3A_58 = tpu.memref_squeeze %dma_start3A_57 : memref<1x125x80xi32, #tpu.memory_space<hbm>> -> memref<125x80xi32, #tpu.memory_space<hbm>>
      %dma_start3A_59 = arith.constant 0 : i32
      %dma_start3A_60 = arith.constant 0 : i32
      %dma_start3A_61 = tpu.memref_slice %arg6[%add3A, %dma_start3A_59, %dma_start3A_60] : memref<32x125x80xi32, #tpu.memory_space<hbm>> -> memref<1x125x80xi32, #tpu.memory_space<hbm>>
      %dma_start3A_62 = tpu.memref_squeeze %dma_start3A_61 : memref<1x125x80xi32, #tpu.memory_space<hbm>> -> memref<125x80xi32, #tpu.memory_space<hbm>>
      tpu.enqueue_dma source(%dma_start3A_62 : memref<125x80xi32, #tpu.memory_space<hbm>>) target(%arg10 : memref<125x80xi32, #tpu.memory_space<vmem>>) target_semaphore(%run_scoped3A : memref<!tpu.dma_semaphore, #tpu.memory_space<semaphore_mem>>)
      %dma_wait3A_63 = arith.constant 0 : i32
      %dma_wait3A_64 = arith.constant 0 : i32
      %dma_wait3A_65 = tpu.memref_slice %arg6[%add3A, %dma_wait3A_63, %dma_wait3A_64] : memref<32x125x80xi32, #tpu.memory_space<hbm>> -> memref<1x125x80xi32, #tpu.memory_space<hbm>>
      %dma_wait3A_66 = tpu.memref_squeeze %dma_wait3A_65 : memref<1x125x80xi32, #tpu.memory_space<hbm>> -> memref<125x80xi32, #tpu.memory_space<hbm>>
      %dma_wait3A_67 = arith.constant 0 : i32
      %dma_wait3A_68 = arith.constant 0 : i32
      %dma_wait3A_69 = tpu.memref_slice %arg6[%add3A, %dma_wait3A_67, %dma_wait3A_68] : memref<32x125x80xi32, #tpu.memory_space<hbm>> -> memref<1x125x80xi32, #tpu.memory_space<hbm>>
      %dma_wait3A_70 = tpu.memref_squeeze %dma_wait3A_69 : memref<1x125x80xi32, #tpu.memory_space<hbm>> -> memref<125x80xi32, #tpu.memory_space<hbm>>
      tpu.wait_dma2 semaphore(%run_scoped3A : memref<!tpu.dma_semaphore, #tpu.memory_space<semaphore_mem>>) src(%dma_wait3A_70 : memref<125x80xi32, #tpu.memory_space<hbm>>) dst(%arg10 : memref<125x80xi32, #tpu.memory_space<vmem>>)
      tpu.yield
    }) : () -> ()
    %dma_start3A = arith.constant 0 : i32
    %dma_start3A_3 = arith.constant 0 : i32
    %dma_start3A_4 = arith.constant 0 : i32
    %dma_start3A_5 = arith.constant 0 : i32
    %dma_start3A_6 = tpu.memref_slice %arg11[%dma_start3A_3, %dma_start3A_4, %dma_start3A_5] : memref<2x80x16xf32, #tpu.memory_space<vmem>> -> memref<1x80x16xf32, #tpu.memory_space<vmem>>
    %dma_start3A_7 = tpu.memref_squeeze %dma_start3A_6 : memref<1x80x16xf32, #tpu.memory_space<vmem>> -> memref<80x16xf32, #tpu.memory_space<vmem>>
    %dma_start3A_8 = arith.constant 0 : i32
    %dma_start3A_9 = tpu.memref_slice %arg9[%dma_start3A, %dma_start3A_8] : memref<125x80xi32, #tpu.memory_space<vmem>> -> memref<1x80xi32, #tpu.memory_space<vmem>>
    %dma_start3A_10 = tpu.memref_squeeze %dma_start3A_9 : memref<1x80xi32, #tpu.memory_space<vmem>> -> memref<80xi32, #tpu.memory_space<vmem>>
    %dma_start3A_11 = arith.constant 0 : i32
    %dma_start3A_12 = arith.constant 0 : i32
    %dma_start3A_13 = tpu.memref_slice %arg2[%dma_start3A_11, %dma_start3A_12] : memref<10000x16xf32, #tpu.memory_space<hbm>> -> memref<10000x16xf32, #tpu.memory_space<hbm>>
    tpu.enqueue_indirect_dma source(%dma_start3A_13 : memref<10000x16xf32, #tpu.memory_space<hbm>>) target(%dma_start3A_7 : memref<80x16xf32, #tpu.memory_space<vmem>>) offsets(%dma_start3A_10 : memref<80xi32, #tpu.memory_space<vmem>>) semaphore(%arg15 : memref<!tpu.dma_semaphore, #tpu.memory_space<semaphore_mem>>)
    %dma_start3A_14 = arith.constant 0 : i32
    %dma_start3A_15 = arith.constant 0 : i32
    %dma_start3A_16 = arith.constant 0 : i32
    %dma_start3A_17 = arith.constant 0 : i32
    %dma_start3A_18 = tpu.memref_slice %arg12[%dma_start3A_15, %dma_start3A_16, %dma_start3A_17] : memref<2x80x16xf32, #tpu.memory_space<vmem>> -> memref<1x80x16xf32, #tpu.memory_space<vmem>>
    %dma_start3A_19 = tpu.memref_squeeze %dma_start3A_18 : memref<1x80x16xf32, #tpu.memory_space<vmem>> -> memref<80x16xf32, #tpu.memory_space<vmem>>
    %dma_start3A_20 = arith.constant 0 : i32
    %dma_start3A_21 = tpu.memref_slice %arg10[%dma_start3A_14, %dma_start3A_20] : memref<125x80xi32, #tpu.memory_space<vmem>> -> memref<1x80xi32, #tpu.memory_space<vmem>>
    %dma_start3A_22 = tpu.memref_squeeze %dma_start3A_21 : memref<1x80xi32, #tpu.memory_space<vmem>> -> memref<80xi32, #tpu.memory_space<vmem>>
    %dma_start3A_23 = arith.constant 0 : i32
    %dma_start3A_24 = arith.constant 0 : i32
    %dma_start3A_25 = tpu.memref_slice %arg3[%dma_start3A_23, %dma_start3A_24] : memref<10000x16xf32, #tpu.memory_space<hbm>> -> memref<10000x16xf32, #tpu.memory_space<hbm>>
    tpu.enqueue_indirect_dma source(%dma_start3A_25 : memref<10000x16xf32, #tpu.memory_space<hbm>>) target(%dma_start3A_19 : memref<80x16xf32, #tpu.memory_space<vmem>>) offsets(%dma_start3A_22 : memref<80xi32, #tpu.memory_space<vmem>>) semaphore(%arg17 : memref<!tpu.dma_semaphore, #tpu.memory_space<semaphore_mem>>)
    %scan3A = arith.constant 0 : i32
    %scan3A_26 = arith.constant 0 : i32
    %scan3A_27 = arith.constant 125 : i32
    %scan3A_28 = arith.addi %scan3A_26, %scan3A_27 : i32
    %scan3A_29 = arith.constant 1 : i32
    scf.for %scan3A_55 = %scan3A_26 to %scan3A_28 step %scan3A_29  : i32 {
      %add3A_56 = arith.constant 1 : i32
      %add3A_57 = arith.addi %scan3A_55, %add3A_56 : i32
      %min3A = arith.constant 124 : i32
      %min3A_58 = arith.minsi %add3A_57, %min3A : i32
      %jit3A = arith.constant 2 : i32
      %eq3A = arith.constant 0 : i32
      %eq3A_59 = arith.cmpi eq, %jit3A, %eq3A : i32
      %jit3A_60 = arith.constant 1 : i32
      %select_n3A = arith.select %eq3A_59, %jit3A_60, %jit3A : i32
      %rem3A = arith.remsi %scan3A_55, %select_n3A : i32
      %ne3A = arith.constant 0 : i32
      %ne3A_61 = arith.cmpi ne, %rem3A, %ne3A : i32
      %lt3A = arith.constant 0 : i32
      %lt3A_62 = arith.cmpi slt, %rem3A, %lt3A : i32
      %lt3A_63 = arith.constant 0 : i32
      %lt3A_64 = arith.cmpi slt, %select_n3A, %lt3A_63 : i32
      %ne3A_65 = arith.xori %lt3A_62, %lt3A_64 : i1
      %and3A = arith.andi %ne3A_65, %ne3A_61 : i1
      %add3A_66 = arith.addi %rem3A, %select_n3A : i32
      %select_n3A_67 = arith.select %and3A, %add3A_66, %rem3A : i32
      %eq3A_68 = arith.constant 0 : i32
      %eq3A_69 = arith.cmpi eq, %select_n3A_67, %eq3A_68 : i32
      %convert_element_type3A = arith.extui %eq3A_69 : i1 to i32
      %cond3A = arith.constant 0 : i32
      %cond3A_70 = arith.cmpi ne, %convert_element_type3A, %cond3A : i32
      scf.if %cond3A_70 {
        %dma_start3A_92 = arith.constant 1 : i32
        %dma_start3A_93 = arith.constant 0 : i32
        %dma_start3A_94 = arith.constant 0 : i32
        %dma_start3A_95 = tpu.memref_slice %arg11[%dma_start3A_92, %dma_start3A_93, %dma_start3A_94] : memref<2x80x16xf32, #tpu.memory_space<vmem>> -> memref<1x80x16xf32, #tpu.memory_space<vmem>>
        %dma_start3A_96 = tpu.memref_squeeze %dma_start3A_95 : memref<1x80x16xf32, #tpu.memory_space<vmem>> -> memref<80x16xf32, #tpu.memory_space<vmem>>
        %dma_start3A_97 = arith.constant 0 : i32
        %dma_start3A_98 = tpu.memref_slice %arg9[%min3A_58, %dma_start3A_97] : memref<125x80xi32, #tpu.memory_space<vmem>> -> memref<1x80xi32, #tpu.memory_space<vmem>>
        %dma_start3A_99 = tpu.memref_squeeze %dma_start3A_98 : memref<1x80xi32, #tpu.memory_space<vmem>> -> memref<80xi32, #tpu.memory_space<vmem>>
        %dma_start3A_100 = arith.constant 0 : i32
        %dma_start3A_101 = arith.constant 0 : i32
        %dma_start3A_102 = tpu.memref_slice %arg2[%dma_start3A_100, %dma_start3A_101] : memref<10000x16xf32, #tpu.memory_space<hbm>> -> memref<10000x16xf32, #tpu.memory_space<hbm>>
        tpu.enqueue_indirect_dma source(%dma_start3A_102 : memref<10000x16xf32, #tpu.memory_space<hbm>>) target(%dma_start3A_96 : memref<80x16xf32, #tpu.memory_space<vmem>>) offsets(%dma_start3A_99 : memref<80xi32, #tpu.memory_space<vmem>>) semaphore(%arg16 : memref<!tpu.dma_semaphore, #tpu.memory_space<semaphore_mem>>)
        %dma_start3A_103 = arith.constant 1 : i32
        %dma_start3A_104 = arith.constant 0 : i32
        %dma_start3A_105 = arith.constant 0 : i32
        %dma_start3A_106 = tpu.memref_slice %arg12[%dma_start3A_103, %dma_start3A_104, %dma_start3A_105] : memref<2x80x16xf32, #tpu.memory_space<vmem>> -> memref<1x80x16xf32, #tpu.memory_space<vmem>>
        %dma_start3A_107 = tpu.memref_squeeze %dma_start3A_106 : memref<1x80x16xf32, #tpu.memory_space<vmem>> -> memref<80x16xf32, #tpu.memory_space<vmem>>
        %dma_start3A_108 = arith.constant 0 : i32
        %dma_start3A_109 = tpu.memref_slice %arg10[%min3A_58, %dma_start3A_108] : memref<125x80xi32, #tpu.memory_space<vmem>> -> memref<1x80xi32, #tpu.memory_space<vmem>>
        %dma_start3A_110 = tpu.memref_squeeze %dma_start3A_109 : memref<1x80xi32, #tpu.memory_space<vmem>> -> memref<80xi32, #tpu.memory_space<vmem>>
        %dma_start3A_111 = arith.constant 0 : i32
        %dma_start3A_112 = arith.constant 0 : i32
        %dma_start3A_113 = tpu.memref_slice %arg3[%dma_start3A_111, %dma_start3A_112] : memref<10000x16xf32, #tpu.memory_space<hbm>> -> memref<10000x16xf32, #tpu.memory_space<hbm>>
        tpu.enqueue_indirect_dma source(%dma_start3A_113 : memref<10000x16xf32, #tpu.memory_space<hbm>>) target(%dma_start3A_107 : memref<80x16xf32, #tpu.memory_space<vmem>>) offsets(%dma_start3A_110 : memref<80xi32, #tpu.memory_space<vmem>>) semaphore(%arg18 : memref<!tpu.dma_semaphore, #tpu.memory_space<semaphore_mem>>)
        %dma_wait3A_114 = arith.constant 0 : i32
        %dma_wait3A_115 = arith.constant 0 : i32
        %dma_wait3A_116 = arith.constant 0 : i32
        %dma_wait3A_117 = tpu.memref_slice %arg11[%dma_wait3A_114, %dma_wait3A_115, %dma_wait3A_116] : memref<2x80x16xf32, #tpu.memory_space<vmem>> -> memref<1x80x16xf32, #tpu.memory_space<vmem>>
        %dma_wait3A_118 = tpu.memref_squeeze %dma_wait3A_117 : memref<1x80x16xf32, #tpu.memory_space<vmem>> -> memref<80x16xf32, #tpu.memory_space<vmem>>
        %dma_wait3A_119 = arith.constant 0 : i32
        %dma_wait3A_120 = tpu.memref_slice %arg9[%scan3A_55, %dma_wait3A_119] : memref<125x80xi32, #tpu.memory_space<vmem>> -> memref<1x80xi32, #tpu.memory_space<vmem>>
        %dma_wait3A_121 = tpu.memref_squeeze %dma_wait3A_120 : memref<1x80xi32, #tpu.memory_space<vmem>> -> memref<80xi32, #tpu.memory_space<vmem>>
        %dma_wait3A_122 = arith.constant 0 : i32
        %dma_wait3A_123 = arith.constant 0 : i32
        %dma_wait3A_124 = tpu.memref_slice %arg2[%dma_wait3A_122, %dma_wait3A_123] : memref<10000x16xf32, #tpu.memory_space<hbm>> -> memref<10000x16xf32, #tpu.memory_space<hbm>>
        tpu.wait_indirect_dma semaphore(%arg15 : memref<!tpu.dma_semaphore, #tpu.memory_space<semaphore_mem>>) src(%dma_wait3A_124 : memref<10000x16xf32, #tpu.memory_space<hbm>>) dst(%dma_wait3A_118 : memref<80x16xf32, #tpu.memory_space<vmem>>)
        %dma_wait3A_125 = arith.constant 0 : i32
        %dma_wait3A_126 = arith.constant 0 : i32
        %dma_wait3A_127 = arith.constant 0 : i32
        %dma_wait3A_128 = tpu.memref_slice %arg12[%dma_wait3A_125, %dma_wait3A_126, %dma_wait3A_127] : memref<2x80x16xf32, #tpu.memory_space<vmem>> -> memref<1x80x16xf32, #tpu.memory_space<vmem>>
        %dma_wait3A_129 = tpu.memref_squeeze %dma_wait3A_128 : memref<1x80x16xf32, #tpu.memory_space<vmem>> -> memref<80x16xf32, #tpu.memory_space<vmem>>
        %dma_wait3A_130 = arith.constant 0 : i32
        %dma_wait3A_131 = tpu.memref_slice %arg10[%scan3A_55, %dma_wait3A_130] : memref<125x80xi32, #tpu.memory_space<vmem>> -> memref<1x80xi32, #tpu.memory_space<vmem>>
        %dma_wait3A_132 = tpu.memref_squeeze %dma_wait3A_131 : memref<1x80xi32, #tpu.memory_space<vmem>> -> memref<80xi32, #tpu.memory_space<vmem>>
        %dma_wait3A_133 = arith.constant 0 : i32
        %dma_wait3A_134 = arith.constant 0 : i32
        %dma_wait3A_135 = tpu.memref_slice %arg3[%dma_wait3A_133, %dma_wait3A_134] : memref<10000x16xf32, #tpu.memory_space<hbm>> -> memref<10000x16xf32, #tpu.memory_space<hbm>>
        tpu.wait_indirect_dma semaphore(%arg17 : memref<!tpu.dma_semaphore, #tpu.memory_space<semaphore_mem>>) src(%dma_wait3A_135 : memref<10000x16xf32, #tpu.memory_space<hbm>>) dst(%dma_wait3A_129 : memref<80x16xf32, #tpu.memory_space<vmem>>)
        %scan3A_136 = arith.constant 0 : i32
        %scan3A_137 = arith.constant 0 : i32
        %scan3A_138 = arith.constant 80 : i32
        %scan3A_139 = arith.addi %scan3A_137, %scan3A_138 : i32
        %scan3A_140 = arith.constant 1 : i32
        scf.for %scan3A_142 = %scan3A_137 to %scan3A_139 step %scan3A_140  : i32 {
          %get3A = arith.constant 0 : i32
          %get3A_143 = arith.index_cast %get3A : i32 to index
          %get3A_144 = arith.index_cast %scan3A_142 : i32 to index
          %get3A_145 = arith.constant 0 : index
          %get3A_146 = tpu.vector_load %arg11[%get3A_143, %get3A_144, %get3A_145] {strides = array<i32>} : memref<2x80x16xf32, #tpu.memory_space<vmem>>, vector<1x1x16xf32>,
          %get3A_147 = vector.shape_cast %get3A_146 : vector<1x1x16xf32> to vector<16xf32>
          %get3A_148 = arith.constant 0 : i32
          %get3A_149 = arith.index_cast %get3A_148 : i32 to index
          %get3A_150 = arith.index_cast %scan3A_142 : i32 to index
          %get3A_151 = arith.constant 0 : index
          %get3A_152 = tpu.vector_load %arg12[%get3A_149, %get3A_150, %get3A_151] {strides = array<i32>} : memref<2x80x16xf32, #tpu.memory_space<vmem>>, vector<1x1x16xf32>,
          %get3A_153 = vector.shape_cast %get3A_152 : vector<1x1x16xf32> to vector<16xf32>
          %add3A_154 = arith.addf %get3A_147, %get3A_153 : vector<16xf32>
          %ge3A = arith.constant 0.000000e+00 : f32
          %ge3A_155 = vector.broadcast %ge3A : f32 to vector<16xf32>
          %ge3A_156 = arith.cmpf oge, %add3A_154, %ge3A_155 : vector<16xf32>
          %mul3A_157 = arith.constant 2.000000e-01 : f32
          %mul3A_158 = vector.broadcast %mul3A_157 : f32 to vector<16xf32>
          %mul3A_159 = arith.mulf %add3A_154, %mul3A_158 : vector<16xf32>
          %select_n3A_160 = arith.select %ge3A_156, %add3A_154, %mul3A_159 : vector<16xi1>, vector<16xf32>
          %exp3A = math.exp %select_n3A_160 : vector<16xf32>
          %swap3A = arith.index_cast %scan3A_142 : i32 to index
          %swap3A_161 = arith.constant 0 : index
          %swap3A_162 = tpu.vector_load %arg13[%swap3A, %swap3A_161] {strides = array<i32>} : memref<80x16xf32, #tpu.memory_space<vmem>>, vector<1x16xf32>,
          %swap3A_163 = vector.shape_cast %swap3A_162 : vector<1x16xf32> to vector<16xf32>
          %swap3A_164 = vector.shape_cast %exp3A : vector<16xf32> to vector<1x16xf32>
          tpu.vector_store %arg13[%swap3A, %swap3A_161], %swap3A_164 {strides = array<i32>} : memref<80x16xf32, #tpu.memory_space<vmem>>, vector<1x16xf32>,
        }
        %scan3A_141 = arith.constant 80 : i32
        "tpu.region"() ({
          %run_scoped3A = tpu.sem_alloc : memref<!tpu.dma_semaphore, #tpu.memory_space<semaphore_mem>>
          %dma_start3A_142 = arith.constant 0 : i32
          %dma_start3A_143 = tpu.memref_slice %arg10[%scan3A_55, %dma_start3A_142] : memref<125x80xi32, #tpu.memory_space<vmem>> -> memref<1x80xi32, #tpu.memory_space<vmem>>
          %dma_start3A_144 = tpu.memref_squeeze %dma_start3A_143 : memref<1x80xi32, #tpu.memory_space<vmem>> -> memref<80xi32, #tpu.memory_space<vmem>>
          %dma_start3A_145 = arith.constant 0 : i32
          %dma_start3A_146 = arith.constant 0 : i32
          %dma_start3A_147 = tpu.memref_slice %arg14[%dma_start3A_145, %dma_start3A_146] : memref<10240x16xf32, #tpu.memory_space<vmem_shared>> -> memref<10240x16xf32, #tpu.memory_space<vmem_shared>>
          tpu.enqueue_indirect_dma source(%arg13 : memref<80x16xf32, #tpu.memory_space<vmem>>) target(%dma_start3A_147 : memref<10240x16xf32, #tpu.memory_space<vmem_shared>>) offsets(%dma_start3A_144 : memref<80xi32, #tpu.memory_space<vmem>>) semaphore(%run_scoped3A : memref<!tpu.dma_semaphore, #tpu.memory_space<semaphore_mem>>) {add = true}
          %dma_wait3A_148 = arith.constant 0 : i32
          %dma_wait3A_149 = tpu.memref_slice %arg10[%scan3A_55, %dma_wait3A_148] : memref<125x80xi32, #tpu.memory_space<vmem>> -> memref<1x80xi32, #tpu.memory_space<vmem>>
          %dma_wait3A_150 = tpu.memref_squeeze %dma_wait3A_149 : memref<1x80xi32, #tpu.memory_space<vmem>> -> memref<80xi32, #tpu.memory_space<vmem>>
          %dma_wait3A_151 = arith.constant 0 : i32
          %dma_wait3A_152 = arith.constant 0 : i32
          %dma_wait3A_153 = tpu.memref_slice %arg14[%dma_wait3A_151, %dma_wait3A_152] : memref<10240x16xf32, #tpu.memory_space<vmem_shared>> -> memref<10240x16xf32, #tpu.memory_space<vmem_shared>>
          tpu.wait_indirect_dma semaphore(%run_scoped3A : memref<!tpu.dma_semaphore, #tpu.memory_space<semaphore_mem>>) src(%arg13 : memref<80x16xf32, #tpu.memory_space<vmem>>) dst(%dma_wait3A_153 : memref<10240x16xf32, #tpu.memory_space<vmem_shared>>)
          tpu.yield
        }) : () -> ()
        "tpu.region"() ({
          %run_scoped3A = tpu.sem_alloc : memref<!tpu.dma_semaphore, #tpu.memory_space<semaphore_mem>>
          %dma_start3A_142 = arith.constant 0 : i32
          %dma_start3A_143 = arith.constant 0 : i32
          %dma_start3A_144 = tpu.memref_slice %arg8[%add3A, %scan3A_55, %dma_start3A_142, %dma_start3A_143] : memref<32x125x80x16xf32, #tpu.memory_space<hbm>> -> memref<1x1x80x16xf32, #tpu.memory_space<hbm>>
          %dma_start3A_145 = tpu.memref_squeeze %dma_start3A_144 : memref<1x1x80x16xf32, #tpu.memory_space<hbm>> -> memref<80x16xf32, #tpu.memory_space<hbm>>
          %dma_start3A_146 = arith.constant 0 : i32
          %dma_start3A_147 = arith.constant 0 : i32
          %dma_start3A_148 = tpu.memref_slice %arg8[%add3A, %scan3A_55, %dma_start3A_146, %dma_start3A_147] : memref<32x125x80x16xf32, #tpu.memory_space<hbm>> -> memref<1x1x80x16xf32, #tpu.memory_space<hbm>>
          %dma_start3A_149 = tpu.memref_squeeze %dma_start3A_148 : memref<1x1x80x16xf32, #tpu.memory_space<hbm>> -> memref<80x16xf32, #tpu.memory_space<hbm>>
          tpu.enqueue_dma source(%arg13 : memref<80x16xf32, #tpu.memory_space<vmem>>) target(%dma_start3A_149 : memref<80x16xf32, #tpu.memory_space<hbm>>) target_semaphore(%run_scoped3A : memref<!tpu.dma_semaphore, #tpu.memory_space<semaphore_mem>>)
          %dma_wait3A_150 = arith.constant 0 : i32
          %dma_wait3A_151 = arith.constant 0 : i32
          %dma_wait3A_152 = tpu.memref_slice %arg8[%add3A, %scan3A_55, %dma_wait3A_150, %dma_wait3A_151] : memref<32x125x80x16xf32, #tpu.memory_space<hbm>> -> memref<1x1x80x16xf32, #tpu.memory_space<hbm>>
          %dma_wait3A_153 = tpu.memref_squeeze %dma_wait3A_152 : memref<1x1x80x16xf32, #tpu.memory_space<hbm>> -> memref<80x16xf32, #tpu.memory_space<hbm>>
          %dma_wait3A_154 = arith.constant 0 : i32
          %dma_wait3A_155 = arith.constant 0 : i32
          %dma_wait3A_156 = tpu.memref_slice %arg8[%add3A, %scan3A_55, %dma_wait3A_154, %dma_wait3A_155] : memref<32x125x80x16xf32, #tpu.memory_space<hbm>> -> memref<1x1x80x16xf32, #tpu.memory_space<hbm>>
          %dma_wait3A_157 = tpu.memref_squeeze %dma_wait3A_156 : memref<1x1x80x16xf32, #tpu.memory_space<hbm>> -> memref<80x16xf32, #tpu.memory_space<hbm>>
          tpu.wait_dma2 semaphore(%run_scoped3A : memref<!tpu.dma_semaphore, #tpu.memory_space<semaphore_mem>>) src(%arg13 : memref<80x16xf32, #tpu.memory_space<vmem>>) dst(%dma_wait3A_157 : memref<80x16xf32, #tpu.memory_space<hbm>>)
          tpu.yield
        }) : () -> ()
      } else {
      }
      %jit3A_71 = arith.constant 2 : i32
      %eq3A_72 = arith.constant 0 : i32
      %eq3A_73 = arith.cmpi eq, %jit3A_71, %eq3A_72 : i32
      %jit3A_74 = arith.constant 1 : i32
      %select_n3A_75 = arith.select %eq3A_73, %jit3A_74, %jit3A_71 : i32
      %rem3A_76 = arith.remsi %scan3A_55, %select_n3A_75 : i32
      %ne3A_77 = arith.constant 0 : i32
      %ne3A_78 = arith.cmpi ne, %rem3A_76, %ne3A_77 : i32
      %lt3A_79 = arith.constant 0 : i32
      %lt3A_80 = arith.cmpi slt, %rem3A_76, %lt3A_79 : i32
      %lt3A_81 = arith.constant 0 : i32
      %lt3A_82 = arith.cmpi slt, %select_n3A_75, %lt3A_81 : i32
      %ne3A_83 = arith.xori %lt3A_80, %lt3A_82 : i1
      %and3A_84 = arith.andi %ne3A_83, %ne3A_78 : i1
      %add3A_85 = arith.addi %rem3A_76, %select_n3A_75 : i32
      %select_n3A_86 = arith.select %and3A_84, %add3A_85, %rem3A_76 : i32
      %eq3A_87 = arith.constant 1 : i32
      %eq3A_88 = arith.cmpi eq, %select_n3A_86, %eq3A_87 : i32
      %convert_element_type3A_89 = arith.extui %eq3A_88 : i1 to i32
      %cond3A_90 = arith.constant 0 : i32
      %cond3A_91 = arith.cmpi ne, %convert_element_type3A_89, %cond3A_90 : i32
      scf.if %cond3A_91 {
        %dma_start3A_92 = arith.constant 0 : i32
        %dma_start3A_93 = arith.constant 0 : i32
        %dma_start3A_94 = arith.constant 0 : i32
        %dma_start3A_95 = tpu.memref_slice %arg11[%dma_start3A_92, %dma_start3A_93, %dma_start3A_94] : memref<2x80x16xf32, #tpu.memory_space<vmem>> -> memref<1x80x16xf32, #tpu.memory_space<vmem>>
        %dma_start3A_96 = tpu.memref_squeeze %dma_start3A_95 : memref<1x80x16xf32, #tpu.memory_space<vmem>> -> memref<80x16xf32, #tpu.memory_space<vmem>>
        %dma_start3A_97 = arith.constant 0 : i32
        %dma_start3A_98 = tpu.memref_slice %arg9[%min3A_58, %dma_start3A_97] : memref<125x80xi32, #tpu.memory_space<vmem>> -> memref<1x80xi32, #tpu.memory_space<vmem>>
        %dma_start3A_99 = tpu.memref_squeeze %dma_start3A_98 : memref<1x80xi32, #tpu.memory_space<vmem>> -> memref<80xi32, #tpu.memory_space<vmem>>
        %dma_start3A_100 = arith.constant 0 : i32
        %dma_start3A_101 = arith.constant 0 : i32
        %dma_start3A_102 = tpu.memref_slice %arg2[%dma_start3A_100, %dma_start3A_101] : memref<10000x16xf32, #tpu.memory_space<hbm>> -> memref<10000x16xf32, #tpu.memory_space<hbm>>
        tpu.enqueue_indirect_dma source(%dma_start3A_102 : memref<10000x16xf32, #tpu.memory_space<hbm>>) target(%dma_start3A_96 : memref<80x16xf32, #tpu.memory_space<vmem>>) offsets(%dma_start3A_99 : memref<80xi32, #tpu.memory_space<vmem>>) semaphore(%arg15 : memref<!tpu.dma_semaphore, #tpu.memory_space<semaphore_mem>>)
        %dma_start3A_103 = arith.constant 0 : i32
        %dma_start3A_104 = arith.constant 0 : i32
        %dma_start3A_105 = arith.constant 0 : i32
        %dma_start3A_106 = tpu.memref_slice %arg12[%dma_start3A_103, %dma_start3A_104, %dma_start3A_105] : memref<2x80x16xf32, #tpu.memory_space<vmem>> -> memref<1x80x16xf32, #tpu.memory_space<vmem>>
        %dma_start3A_107 = tpu.memref_squeeze %dma_start3A_106 : memref<1x80x16xf32, #tpu.memory_space<vmem>> -> memref<80x16xf32, #tpu.memory_space<vmem>>
        %dma_start3A_108 = arith.constant 0 : i32
        %dma_start3A_109 = tpu.memref_slice %arg10[%min3A_58, %dma_start3A_108] : memref<125x80xi32, #tpu.memory_space<vmem>> -> memref<1x80xi32, #tpu.memory_space<vmem>>
        %dma_start3A_110 = tpu.memref_squeeze %dma_start3A_109 : memref<1x80xi32, #tpu.memory_space<vmem>> -> memref<80xi32, #tpu.memory_space<vmem>>
        %dma_start3A_111 = arith.constant 0 : i32
        %dma_start3A_112 = arith.constant 0 : i32
        %dma_start3A_113 = tpu.memref_slice %arg3[%dma_start3A_111, %dma_start3A_112] : memref<10000x16xf32, #tpu.memory_space<hbm>> -> memref<10000x16xf32, #tpu.memory_space<hbm>>
        tpu.enqueue_indirect_dma source(%dma_start3A_113 : memref<10000x16xf32, #tpu.memory_space<hbm>>) target(%dma_start3A_107 : memref<80x16xf32, #tpu.memory_space<vmem>>) offsets(%dma_start3A_110 : memref<80xi32, #tpu.memory_space<vmem>>) semaphore(%arg17 : memref<!tpu.dma_semaphore, #tpu.memory_space<semaphore_mem>>)
        %dma_wait3A_114 = arith.constant 1 : i32
        %dma_wait3A_115 = arith.constant 0 : i32
        %dma_wait3A_116 = arith.constant 0 : i32
        %dma_wait3A_117 = tpu.memref_slice %arg11[%dma_wait3A_114, %dma_wait3A_115, %dma_wait3A_116] : memref<2x80x16xf32, #tpu.memory_space<vmem>> -> memref<1x80x16xf32, #tpu.memory_space<vmem>>
        %dma_wait3A_118 = tpu.memref_squeeze %dma_wait3A_117 : memref<1x80x16xf32, #tpu.memory_space<vmem>> -> memref<80x16xf32, #tpu.memory_space<vmem>>
        %dma_wait3A_119 = arith.constant 0 : i32
        %dma_wait3A_120 = tpu.memref_slice %arg9[%scan3A_55, %dma_wait3A_119] : memref<125x80xi32, #tpu.memory_space<vmem>> -> memref<1x80xi32, #tpu.memory_space<vmem>>
        %dma_wait3A_121 = tpu.memref_squeeze %dma_wait3A_120 : memref<1x80xi32, #tpu.memory_space<vmem>> -> memref<80xi32, #tpu.memory_space<vmem>>
        %dma_wait3A_122 = arith.constant 0 : i32
        %dma_wait3A_123 = arith.constant 0 : i32
        %dma_wait3A_124 = tpu.memref_slice %arg2[%dma_wait3A_122, %dma_wait3A_123] : memref<10000x16xf32, #tpu.memory_space<hbm>> -> memref<10000x16xf32, #tpu.memory_space<hbm>>
        tpu.wait_indirect_dma semaphore(%arg16 : memref<!tpu.dma_semaphore, #tpu.memory_space<semaphore_mem>>) src(%dma_wait3A_124 : memref<10000x16xf32, #tpu.memory_space<hbm>>) dst(%dma_wait3A_118 : memref<80x16xf32, #tpu.memory_space<vmem>>)
        %dma_wait3A_125 = arith.constant 1 : i32
        %dma_wait3A_126 = arith.constant 0 : i32
        %dma_wait3A_127 = arith.constant 0 : i32
        %dma_wait3A_128 = tpu.memref_slice %arg12[%dma_wait3A_125, %dma_wait3A_126, %dma_wait3A_127] : memref<2x80x16xf32, #tpu.memory_space<vmem>> -> memref<1x80x16xf32, #tpu.memory_space<vmem>>
        %dma_wait3A_129 = tpu.memref_squeeze %dma_wait3A_128 : memref<1x80x16xf32, #tpu.memory_space<vmem>> -> memref<80x16xf32, #tpu.memory_space<vmem>>
        %dma_wait3A_130 = arith.constant 0 : i32
        %dma_wait3A_131 = tpu.memref_slice %arg10[%scan3A_55, %dma_wait3A_130] : memref<125x80xi32, #tpu.memory_space<vmem>> -> memref<1x80xi32, #tpu.memory_space<vmem>>
        %dma_wait3A_132 = tpu.memref_squeeze %dma_wait3A_131 : memref<1x80xi32, #tpu.memory_space<vmem>> -> memref<80xi32, #tpu.memory_space<vmem>>
        %dma_wait3A_133 = arith.constant 0 : i32
        %dma_wait3A_134 = arith.constant 0 : i32
        %dma_wait3A_135 = tpu.memref_slice %arg3[%dma_wait3A_133, %dma_wait3A_134] : memref<10000x16xf32, #tpu.memory_space<hbm>> -> memref<10000x16xf32, #tpu.memory_space<hbm>>
        tpu.wait_indirect_dma semaphore(%arg18 : memref<!tpu.dma_semaphore, #tpu.memory_space<semaphore_mem>>) src(%dma_wait3A_135 : memref<10000x16xf32, #tpu.memory_space<hbm>>) dst(%dma_wait3A_129 : memref<80x16xf32, #tpu.memory_space<vmem>>)
        %scan3A_136 = arith.constant 0 : i32
        %scan3A_137 = arith.constant 0 : i32
        %scan3A_138 = arith.constant 80 : i32
        %scan3A_139 = arith.addi %scan3A_137, %scan3A_138 : i32
        %scan3A_140 = arith.constant 1 : i32
        scf.for %scan3A_142 = %scan3A_137 to %scan3A_139 step %scan3A_140  : i32 {
          %get3A = arith.constant 1 : i32
          %get3A_143 = arith.index_cast %get3A : i32 to index
          %get3A_144 = arith.index_cast %scan3A_142 : i32 to index
          %get3A_145 = arith.constant 0 : index
          %get3A_146 = tpu.vector_load %arg11[%get3A_143, %get3A_144, %get3A_145] {strides = array<i32>} : memref<2x80x16xf32, #tpu.memory_space<vmem>>, vector<1x1x16xf32>,
          %get3A_147 = vector.shape_cast %get3A_146 : vector<1x1x16xf32> to vector<16xf32>
          %get3A_148 = arith.constant 1 : i32
          %get3A_149 = arith.index_cast %get3A_148 : i32 to index
          %get3A_150 = arith.index_cast %scan3A_142 : i32 to index
          %get3A_151 = arith.constant 0 : index
          %get3A_152 = tpu.vector_load %arg12[%get3A_149, %get3A_150, %get3A_151] {strides = array<i32>} : memref<2x80x16xf32, #tpu.memory_space<vmem>>, vector<1x1x16xf32>,
          %get3A_153 = vector.shape_cast %get3A_152 : vector<1x1x16xf32> to vector<16xf32>
          %add3A_154 = arith.addf %get3A_147, %get3A_153 : vector<16xf32>
          %ge3A = arith.constant 0.000000e+00 : f32
          %ge3A_155 = vector.broadcast %ge3A : f32 to vector<16xf32>
          %ge3A_156 = arith.cmpf oge, %add3A_154, %ge3A_155 : vector<16xf32>
          %mul3A_157 = arith.constant 2.000000e-01 : f32
          %mul3A_158 = vector.broadcast %mul3A_157 : f32 to vector<16xf32>
          %mul3A_159 = arith.mulf %add3A_154, %mul3A_158 : vector<16xf32>
          %select_n3A_160 = arith.select %ge3A_156, %add3A_154, %mul3A_159 : vector<16xi1>, vector<16xf32>
          %exp3A = math.exp %select_n3A_160 : vector<16xf32>
          %swap3A = arith.index_cast %scan3A_142 : i32 to index
          %swap3A_161 = arith.constant 0 : index
          %swap3A_162 = tpu.vector_load %arg13[%swap3A, %swap3A_161] {strides = array<i32>} : memref<80x16xf32, #tpu.memory_space<vmem>>, vector<1x16xf32>,
          %swap3A_163 = vector.shape_cast %swap3A_162 : vector<1x16xf32> to vector<16xf32>
          %swap3A_164 = vector.shape_cast %exp3A : vector<16xf32> to vector<1x16xf32>
          tpu.vector_store %arg13[%swap3A, %swap3A_161], %swap3A_164 {strides = array<i32>} : memref<80x16xf32, #tpu.memory_space<vmem>>, vector<1x16xf32>,
        }
        %scan3A_141 = arith.constant 80 : i32
        "tpu.region"() ({
          %run_scoped3A = tpu.sem_alloc : memref<!tpu.dma_semaphore, #tpu.memory_space<semaphore_mem>>
          %dma_start3A_142 = arith.constant 0 : i32
          %dma_start3A_143 = tpu.memref_slice %arg10[%scan3A_55, %dma_start3A_142] : memref<125x80xi32, #tpu.memory_space<vmem>> -> memref<1x80xi32, #tpu.memory_space<vmem>>
          %dma_start3A_144 = tpu.memref_squeeze %dma_start3A_143 : memref<1x80xi32, #tpu.memory_space<vmem>> -> memref<80xi32, #tpu.memory_space<vmem>>
          %dma_start3A_145 = arith.constant 0 : i32
          %dma_start3A_146 = arith.constant 0 : i32
          %dma_start3A_147 = tpu.memref_slice %arg14[%dma_start3A_145, %dma_start3A_146] : memref<10240x16xf32, #tpu.memory_space<vmem_shared>> -> memref<10240x16xf32, #tpu.memory_space<vmem_shared>>
          tpu.enqueue_indirect_dma source(%arg13 : memref<80x16xf32, #tpu.memory_space<vmem>>) target(%dma_start3A_147 : memref<10240x16xf32, #tpu.memory_space<vmem_shared>>) offsets(%dma_start3A_144 : memref<80xi32, #tpu.memory_space<vmem>>) semaphore(%run_scoped3A : memref<!tpu.dma_semaphore, #tpu.memory_space<semaphore_mem>>) {add = true}
          %dma_wait3A_148 = arith.constant 0 : i32
          %dma_wait3A_149 = tpu.memref_slice %arg10[%scan3A_55, %dma_wait3A_148] : memref<125x80xi32, #tpu.memory_space<vmem>> -> memref<1x80xi32, #tpu.memory_space<vmem>>
          %dma_wait3A_150 = tpu.memref_squeeze %dma_wait3A_149 : memref<1x80xi32, #tpu.memory_space<vmem>> -> memref<80xi32, #tpu.memory_space<vmem>>
          %dma_wait3A_151 = arith.constant 0 : i32
          %dma_wait3A_152 = arith.constant 0 : i32
          %dma_wait3A_153 = tpu.memref_slice %arg14[%dma_wait3A_151, %dma_wait3A_152] : memref<10240x16xf32, #tpu.memory_space<vmem_shared>> -> memref<10240x16xf32, #tpu.memory_space<vmem_shared>>
          tpu.wait_indirect_dma semaphore(%run_scoped3A : memref<!tpu.dma_semaphore, #tpu.memory_space<semaphore_mem>>) src(%arg13 : memref<80x16xf32, #tpu.memory_space<vmem>>) dst(%dma_wait3A_153 : memref<10240x16xf32, #tpu.memory_space<vmem_shared>>)
          tpu.yield
        }) : () -> ()
        "tpu.region"() ({
          %run_scoped3A = tpu.sem_alloc : memref<!tpu.dma_semaphore, #tpu.memory_space<semaphore_mem>>
          %dma_start3A_142 = arith.constant 0 : i32
          %dma_start3A_143 = arith.constant 0 : i32
          %dma_start3A_144 = tpu.memref_slice %arg8[%add3A, %scan3A_55, %dma_start3A_142, %dma_start3A_143] : memref<32x125x80x16xf32, #tpu.memory_space<hbm>> -> memref<1x1x80x16xf32, #tpu.memory_space<hbm>>
          %dma_start3A_145 = tpu.memref_squeeze %dma_start3A_144 : memref<1x1x80x16xf32, #tpu.memory_space<hbm>> -> memref<80x16xf32, #tpu.memory_space<hbm>>
          %dma_start3A_146 = arith.constant 0 : i32
          %dma_start3A_147 = arith.constant 0 : i32
          %dma_start3A_148 = tpu.memref_slice %arg8[%add3A, %scan3A_55, %dma_start3A_146, %dma_start3A_147] : memref<32x125x80x16xf32, #tpu.memory_space<hbm>> -> memref<1x1x80x16xf32, #tpu.memory_space<hbm>>
          %dma_start3A_149 = tpu.memref_squeeze %dma_start3A_148 : memref<1x1x80x16xf32, #tpu.memory_space<hbm>> -> memref<80x16xf32, #tpu.memory_space<hbm>>
          tpu.enqueue_dma source(%arg13 : memref<80x16xf32, #tpu.memory_space<vmem>>) target(%dma_start3A_149 : memref<80x16xf32, #tpu.memory_space<hbm>>) target_semaphore(%run_scoped3A : memref<!tpu.dma_semaphore, #tpu.memory_space<semaphore_mem>>)
          %dma_wait3A_150 = arith.constant 0 : i32
          %dma_wait3A_151 = arith.constant 0 : i32
          %dma_wait3A_152 = tpu.memref_slice %arg8[%add3A, %scan3A_55, %dma_wait3A_150, %dma_wait3A_151] : memref<32x125x80x16xf32, #tpu.memory_space<hbm>> -> memref<1x1x80x16xf32, #tpu.memory_space<hbm>>
          %dma_wait3A_153 = tpu.memref_squeeze %dma_wait3A_152 : memref<1x1x80x16xf32, #tpu.memory_space<hbm>> -> memref<80x16xf32, #tpu.memory_space<hbm>>
          %dma_wait3A_154 = arith.constant 0 : i32
          %dma_wait3A_155 = arith.constant 0 : i32
          %dma_wait3A_156 = tpu.memref_slice %arg8[%add3A, %scan3A_55, %dma_wait3A_154, %dma_wait3A_155] : memref<32x125x80x16xf32, #tpu.memory_space<hbm>> -> memref<1x1x80x16xf32, #tpu.memory_space<hbm>>
          %dma_wait3A_157 = tpu.memref_squeeze %dma_wait3A_156 : memref<1x1x80x16xf32, #tpu.memory_space<hbm>> -> memref<80x16xf32, #tpu.memory_space<hbm>>
          tpu.wait_dma2 semaphore(%run_scoped3A : memref<!tpu.dma_semaphore, #tpu.memory_space<semaphore_mem>>) src(%arg13 : memref<80x16xf32, #tpu.memory_space<vmem>>) dst(%dma_wait3A_157 : memref<80x16xf32, #tpu.memory_space<hbm>>)
          tpu.yield
        }) : () -> ()
      } else {
      }
    }
    %scan3A_30 = arith.constant 125 : i32
    %dma_wait3A = arith.constant 0 : i32
    %dma_wait3A_31 = arith.constant 1 : i32
    %dma_wait3A_32 = arith.constant 0 : i32
    %dma_wait3A_33 = arith.constant 0 : i32
    %dma_wait3A_34 = tpu.memref_slice %arg11[%dma_wait3A_31, %dma_wait3A_32, %dma_wait3A_33] : memref<2x80x16xf32, #tpu.memory_space<vmem>> -> memref<1x80x16xf32, #tpu.memory_space<vmem>>
    %dma_wait3A_35 = tpu.memref_squeeze %dma_wait3A_34 : memref<1x80x16xf32, #tpu.memory_space<vmem>> -> memref<80x16xf32, #tpu.memory_space<vmem>>
    %dma_wait3A_36 = arith.constant 0 : i32
    %dma_wait3A_37 = tpu.memref_slice %arg9[%dma_wait3A, %dma_wait3A_36] : memref<125x80xi32, #tpu.memory_space<vmem>> -> memref<1x80xi32, #tpu.memory_space<vmem>>
    %dma_wait3A_38 = tpu.memref_squeeze %dma_wait3A_37 : memref<1x80xi32, #tpu.memory_space<vmem>> -> memref<80xi32, #tpu.memory_space<vmem>>
    %dma_wait3A_39 = arith.constant 0 : i32
    %dma_wait3A_40 = arith.constant 0 : i32
    %dma_wait3A_41 = tpu.memref_slice %arg2[%dma_wait3A_39, %dma_wait3A_40] : memref<10000x16xf32, #tpu.memory_space<hbm>> -> memref<10000x16xf32, #tpu.memory_space<hbm>>
    tpu.wait_indirect_dma semaphore(%arg16 : memref<!tpu.dma_semaphore, #tpu.memory_space<semaphore_mem>>) src(%dma_wait3A_41 : memref<10000x16xf32, #tpu.memory_space<hbm>>) dst(%dma_wait3A_35 : memref<80x16xf32, #tpu.memory_space<vmem>>)
    %dma_wait3A_42 = arith.constant 0 : i32
    %dma_wait3A_43 = arith.constant 1 : i32
    %dma_wait3A_44 = arith.constant 0 : i32
    %dma_wait3A_45 = arith.constant 0 : i32
    %dma_wait3A_46 = tpu.memref_slice %arg12[%dma_wait3A_43, %dma_wait3A_44, %dma_wait3A_45] : memref<2x80x16xf32, #tpu.memory_space<vmem>> -> memref<1x80x16xf32, #tpu.memory_space<vmem>>
    %dma_wait3A_47 = tpu.memref_squeeze %dma_wait3A_46 : memref<1x80x16xf32, #tpu.memory_space<vmem>> -> memref<80x16xf32, #tpu.memory_space<vmem>>
    %dma_wait3A_48 = arith.constant 0 : i32
    %dma_wait3A_49 = tpu.memref_slice %arg10[%dma_wait3A_42, %dma_wait3A_48] : memref<125x80xi32, #tpu.memory_space<vmem>> -> memref<1x80xi32, #tpu.memory_space<vmem>>
    %dma_wait3A_50 = tpu.memref_squeeze %dma_wait3A_49 : memref<1x80xi32, #tpu.memory_space<vmem>> -> memref<80xi32, #tpu.memory_space<vmem>>
    %dma_wait3A_51 = arith.constant 0 : i32
    %dma_wait3A_52 = arith.constant 0 : i32
    %dma_wait3A_53 = tpu.memref_slice %arg3[%dma_wait3A_51, %dma_wait3A_52] : memref<10000x16xf32, #tpu.memory_space<hbm>> -> memref<10000x16xf32, #tpu.memory_space<hbm>>
    tpu.wait_indirect_dma semaphore(%arg18 : memref<!tpu.dma_semaphore, #tpu.memory_space<semaphore_mem>>) src(%dma_wait3A_53 : memref<10000x16xf32, #tpu.memory_space<hbm>>) dst(%dma_wait3A_47 : memref<80x16xf32, #tpu.memory_space<vmem>>)
    %barrier3A_54 = arith.constant 0 : index
    tpu.barrier barrier_id(%barrier3A_54)
    "tpu.region"() ({
      %run_scoped3A = tpu.sem_alloc : memref<!tpu.dma_semaphore, #tpu.memory_space<semaphore_mem>>
      %dma_start3A_55 = arith.constant 0 : i32
      %dma_start3A_56 = tpu.memref_slice %arg7[%arg0, %mul3A_2, %dma_start3A_55] : memref<2x10240x16xf32, #tpu.memory_space<hbm>> -> memref<1x640x16xf32, #tpu.memory_space<hbm>>
      %dma_start3A_57 = tpu.memref_squeeze %dma_start3A_56 : memref<1x640x16xf32, #tpu.memory_space<hbm>> -> memref<640x16xf32, #tpu.memory_space<hbm>>
      %dma_start3A_58 = arith.constant 0 : i32
      %dma_start3A_59 = tpu.memref_slice %arg14[%mul3A_2, %dma_start3A_58] : memref<10240x16xf32, #tpu.memory_space<vmem_shared>> -> memref<640x16xf32, #tpu.memory_space<vmem_shared>>
      tpu.enqueue_dma source(%dma_start3A_59 : memref<640x16xf32, #tpu.memory_space<vmem_shared>>) target(%dma_start3A_57 : memref<640x16xf32, #tpu.memory_space<hbm>>) target_semaphore(%run_scoped3A : memref<!tpu.dma_semaphore, #tpu.memory_space<semaphore_mem>>)
      %dma_wait3A_60 = arith.constant 0 : i32
      %dma_wait3A_61 = tpu.memref_slice %arg7[%arg0, %mul3A_2, %dma_wait3A_60] : memref<2x10240x16xf32, #tpu.memory_space<hbm>> -> memref<1x640x16xf32, #tpu.memory_space<hbm>>
      %dma_wait3A_62 = tpu.memref_squeeze %dma_wait3A_61 : memref<1x640x16xf32, #tpu.memory_space<hbm>> -> memref<640x16xf32, #tpu.memory_space<hbm>>
      %dma_wait3A_63 = arith.constant 0 : i32
      %dma_wait3A_64 = tpu.memref_slice %arg14[%mul3A_2, %dma_wait3A_63] : memref<10240x16xf32, #tpu.memory_space<vmem_shared>> -> memref<640x16xf32, #tpu.memory_space<vmem_shared>>
      tpu.wait_dma2 semaphore(%run_scoped3A : memref<!tpu.dma_semaphore, #tpu.memory_space<semaphore_mem>>) src(%dma_wait3A_64 : memref<640x16xf32, #tpu.memory_space<vmem_shared>>) dst(%dma_wait3A_62 : memref<640x16xf32, #tpu.memory_space<hbm>>)
      tpu.yield
    }) : () -> ()
    return
  }
}

module attributes {stable_mosaic.version = 14 : i64} {
  func.func @body(%arg0: i32, %arg1: memref<2x1000x160xbf16, #tpu.memory_space<vmem>>, %arg2: memref<1000x128xf32, #tpu.memory_space<vmem>>, %arg3: memref<128x256xf32, #tpu.memory_space<vmem>>, %arg4: memref<128x256xf32, #tpu.memory_space<vmem>>, %arg5: memref<1x256xf32, #tpu.memory_space<vmem>>, %arg6: memref<1000x256xf32, #tpu.memory_space<vmem>>, %arg7: memref<2x256xf32, #tpu.memory_space<vmem>>) attributes {dimension_semantics = [#tpu.dimension_semantics<arbitrary>], iteration_bounds = array<i64: 10>, scalar_prefetch = 0 : i64, scratch_operands = 0 : i64, tpu.core_type = #tpu.core_type<tc>, window_params = [{transform_indices = @transform_0, window_bounds = array<i64: 2, 1000, 160>}, {transform_indices = @transform_1, window_bounds = array<i64: 1000, 128>}, {pipeline_mode = #tpu.pipeline_mode<synchronous>, transform_indices = @transform_2, window_bounds = array<i64: 128, 256>}, {pipeline_mode = #tpu.pipeline_mode<synchronous>, transform_indices = @transform_3, window_bounds = array<i64: 128, 256>}, {pipeline_mode = #tpu.pipeline_mode<synchronous>, transform_indices = @transform_4, window_bounds = array<i64: 1, 256>}, {transform_indices = @transform_5, window_bounds = array<i64: 1000, 256>}, {pipeline_mode = #tpu.pipeline_mode<synchronous>, transform_indices = @transform_6, window_bounds = array<i64: 2, 256>}]} {
    %get3A = arith.constant 0 : index
    %get3A_0 = arith.constant 0 : index
    %get3A_1 = arith.constant 0 : index
    %get3A_2 = vector.load %arg1[%get3A, %get3A_0, %get3A_1] : memref<2x1000x160xbf16, #tpu.memory_space<vmem>>, vector<1x1000x160xbf16>
    %get3A_3 = vector.shape_cast %get3A_2 : vector<1x1000x160xbf16> to vector<1000x160xbf16>
    %convert_element_type3A = arith.extf %get3A_3 : vector<1000x160xbf16> to vector<1000x160xf32>
    %get3A_4 = arith.constant 1 : index
    %get3A_5 = arith.constant 0 : index
    %get3A_6 = arith.constant 0 : index
    %get3A_7 = vector.load %arg1[%get3A_4, %get3A_5, %get3A_6] : memref<2x1000x160xbf16, #tpu.memory_space<vmem>>, vector<1x1000x160xbf16>
    %get3A_8 = vector.shape_cast %get3A_7 : vector<1x1000x160xbf16> to vector<1000x160xbf16>
    %convert_element_type3A_9 = arith.extf %get3A_8 : vector<1000x160xbf16> to vector<1000x160xf32>
    %add3A = arith.addf %convert_element_type3A, %convert_element_type3A_9 : vector<1000x160xf32>
    %slice3A = vector.extract_strided_slice %add3A {offsets = [0, 128], sizes = [1000, 1], strides = [1, 1]} : vector<1000x160xf32> to vector<1000x1xf32>
    %max3A = arith.constant 1.000000e+00 : f32
    %max3A_10 = vector.broadcast %max3A : f32 to vector<1000x1xf32>
    %max3A_11 = arith.maximumf %slice3A, %max3A_10 : vector<1000x1xf32>
    %slice3A_12 = vector.extract_strided_slice %add3A {offsets = [0, 0], sizes = [1000, 128], strides = [1, 1]} : vector<1000x160xf32> to vector<1000x128xf32>
    %div3A = vector.broadcast %max3A_11 : vector<1000x1xf32> to vector<1000x128xf32>
    %div3A_13 = arith.divf %slice3A_12, %div3A : vector<1000x128xf32>
    %get3A_14 = arith.constant 0 : index
    %get3A_15 = arith.constant 0 : index
    %get3A_16 = vector.load %arg3[%get3A_14, %get3A_15] : memref<128x256xf32, #tpu.memory_space<vmem>>, vector<128x256xf32>
    %dot_general3A = arith.constant dense<0.000000e+00> : vector<1000x256xf32>
    %dot_general3A_17 = tpu.matmul %div3A_13, %get3A_16, %dot_general3A {dimension_numbers = #tpu.dot_dimension_numbers<[1], [0], [0], [1], [0, 0, 1, 1], [], []>, transpose_lhs_hint = false} : vector<1000x128xf32>, vector<128x256xf32>, vector<1000x256xf32> -> vector<1000x256xf32>
    %get3A_18 = arith.constant 0 : index
    %get3A_19 = arith.constant 0 : index
    %get3A_20 = vector.load %arg2[%get3A_18, %get3A_19] : memref<1000x128xf32, #tpu.memory_space<vmem>>, vector<1000x128xf32>
    %get3A_21 = arith.constant 0 : index
    %get3A_22 = arith.constant 0 : index
    %get3A_23 = vector.load %arg4[%get3A_21, %get3A_22] : memref<128x256xf32, #tpu.memory_space<vmem>>, vector<128x256xf32>
    %dot_general3A_24 = arith.constant dense<0.000000e+00> : vector<1000x256xf32>
    %dot_general3A_25 = tpu.matmul %get3A_20, %get3A_23, %dot_general3A_24 {dimension_numbers = #tpu.dot_dimension_numbers<[1], [0], [0], [1], [0, 0, 1, 1], [], []>, transpose_lhs_hint = false} : vector<1000x128xf32>, vector<128x256xf32>, vector<1000x256xf32> -> vector<1000x256xf32>
    %add3A_26 = arith.addf %dot_general3A_17, %dot_general3A_25 : vector<1000x256xf32>
    %get3A_27 = arith.constant 0 : index
    %get3A_28 = arith.constant 0 : index
    %get3A_29 = vector.load %arg5[%get3A_27, %get3A_28] : memref<1x256xf32, #tpu.memory_space<vmem>>, vector<1x256xf32>
    %add3A_30 = vector.broadcast %get3A_29 : vector<1x256xf32> to vector<1000x256xf32>
    %add3A_31 = arith.addf %add3A_26, %add3A_30 : vector<1000x256xf32>
    %swap3A = arith.constant 0 : index
    %swap3A_32 = arith.constant 0 : index
    %swap3A_33 = vector.load %arg6[%swap3A, %swap3A_32] : memref<1000x256xf32, #tpu.memory_space<vmem>>, vector<1000x256xf32>
    tpu.vector_store %arg6[%swap3A, %swap3A_32], %add3A_31 {strides = array<i32>} : memref<1000x256xf32, #tpu.memory_space<vmem>>, vector<1000x256xf32>,
    %eq3A = arith.constant 0 : i32
    %eq3A_34 = arith.cmpi eq, %arg0, %eq3A : i32
    %convert_element_type3A_35 = arith.extui %eq3A_34 : i1 to i32
    %cond3A = arith.constant 0 : i32
    %cond3A_36 = arith.cmpi ne, %convert_element_type3A_35, %cond3A : i32
    scf.if %cond3A_36 {
      %broadcast_in_dim3A_48 = arith.constant 0.000000e+00 : f32
      %broadcast_in_dim3A_49 = vector.broadcast %broadcast_in_dim3A_48 : f32 to vector<2x256xf32>
      %swap3A_50 = arith.constant 0 : index
      %swap3A_51 = arith.constant 0 : index
      %swap3A_52 = vector.load %arg7[%swap3A_50, %swap3A_51] : memref<2x256xf32, #tpu.memory_space<vmem>>, vector<2x256xf32>
      tpu.vector_store %arg7[%swap3A_50, %swap3A_51], %broadcast_in_dim3A_49 {strides = array<i32>} : memref<2x256xf32, #tpu.memory_space<vmem>>, vector<2x256xf32>,
    } else {
    }
    %get3A_37 = arith.constant 0 : index
    %get3A_38 = arith.constant 0 : index
    %get3A_39 = vector.load %arg7[%get3A_37, %get3A_38] : memref<2x256xf32, #tpu.memory_space<vmem>>, vector<2x256xf32>
    %reduce_sum3A = arith.constant dense<0.000000e+00> : vector<256xf32>
    %reduce_sum3A_40 = vector.multi_reduction <add>, %add3A_31, %reduce_sum3A [0] : vector<1000x256xf32> to vector<256xf32>
    %broadcast_in_dim3A = vector.shape_cast %reduce_sum3A_40 : vector<256xf32> to vector<1x256xf32>
    %mul3A = arith.mulf %add3A_31, %add3A_31 : vector<1000x256xf32>
    %reduce_sum3A_41 = arith.constant dense<0.000000e+00> : vector<256xf32>
    %reduce_sum3A_42 = vector.multi_reduction <add>, %mul3A, %reduce_sum3A_41 [0] : vector<1000x256xf32> to vector<256xf32>
    %broadcast_in_dim3A_43 = vector.shape_cast %reduce_sum3A_42 : vector<256xf32> to vector<1x256xf32>
    %concatenate3A = tpu.concatenate %broadcast_in_dim3A, %broadcast_in_dim3A_43 in 0 : vector<1x256xf32>, vector<1x256xf32> -> vector<2x256xf32>
    %add3A_44 = arith.addf %get3A_39, %concatenate3A : vector<2x256xf32>
    %swap3A_45 = arith.constant 0 : index
    %swap3A_46 = arith.constant 0 : index
    %swap3A_47 = vector.load %arg7[%swap3A_45, %swap3A_46] : memref<2x256xf32, #tpu.memory_space<vmem>>, vector<2x256xf32>
    tpu.vector_store %arg7[%swap3A_45, %swap3A_46], %add3A_44 {strides = array<i32>} : memref<2x256xf32, #tpu.memory_space<vmem>>, vector<2x256xf32>,
    return
  }
  func.func @transform_0(%arg0: i32) -> (i32, i32, i32) {
    %c0_i32 = arith.constant 0 : i32
    %c0_i32_0 = arith.constant 0 : i32
    %c0_i32_1 = arith.constant 0 : i32
    return %c0_i32, %arg0, %c0_i32_0 : i32, i32, i32
  }
  func.func @transform_1(%arg0: i32) -> (i32, i32) {
    %c0_i32 = arith.constant 0 : i32
    %c0_i32_0 = arith.constant 0 : i32
    return %arg0, %c0_i32 : i32, i32
  }
  func.func @transform_2(%arg0: i32) -> (i32, i32) {
    %c0_i32 = arith.constant 0 : i32
    %c0_i32_0 = arith.constant 0 : i32
    %c0_i32_1 = arith.constant 0 : i32
    return %c0_i32, %c0_i32_0 : i32, i32
  }
  func.func @transform_3(%arg0: i32) -> (i32, i32) {
    %c0_i32 = arith.constant 0 : i32
    %c0_i32_0 = arith.constant 0 : i32
    %c0_i32_1 = arith.constant 0 : i32
    return %c0_i32, %c0_i32_0 : i32, i32
  }
  func.func @transform_4(%arg0: i32) -> (i32, i32) {
    %c0_i32 = arith.constant 0 : i32
    %c0_i32_0 = arith.constant 0 : i32
    %c0_i32_1 = arith.constant 0 : i32
    return %c0_i32, %c0_i32_0 : i32, i32
  }
  func.func @transform_5(%arg0: i32) -> (i32, i32) {
    %c0_i32 = arith.constant 0 : i32
    %c0_i32_0 = arith.constant 0 : i32
    return %arg0, %c0_i32 : i32, i32
  }
  func.func @transform_6(%arg0: i32) -> (i32, i32) {
    %c0_i32 = arith.constant 0 : i32
    %c0_i32_0 = arith.constant 0 : i32
    %c0_i32_1 = arith.constant 0 : i32
    return %c0_i32, %c0_i32_0 : i32, i32
  }
}

module attributes {stable_mosaic.version = 14 : i64} {
  func.func @body(%arg0: i32, %arg1: memref<1000x256xf32, #tpu.memory_space<vmem>>, %arg2: memref<2x256xf32, #tpu.memory_space<vmem>>, %arg3: memref<1x256xf32, #tpu.memory_space<vmem>>, %arg4: memref<1x256xf32, #tpu.memory_space<vmem>>, %arg5: memref<256x128xf32, #tpu.memory_space<vmem>>, %arg6: memref<256x128xf32, #tpu.memory_space<vmem>>, %arg7: memref<1000x128xbf16, #tpu.memory_space<vmem>>, %arg8: memref<1000x128xf32, #tpu.memory_space<vmem>>) attributes {dimension_semantics = [#tpu.dimension_semantics<arbitrary>], iteration_bounds = array<i64: 10>, scalar_prefetch = 0 : i64, scratch_operands = 0 : i64, tpu.core_type = #tpu.core_type<tc>, window_params = [{transform_indices = @transform_0, window_bounds = array<i64: 1000, 256>}, {pipeline_mode = #tpu.pipeline_mode<synchronous>, transform_indices = @transform_1, window_bounds = array<i64: 2, 256>}, {pipeline_mode = #tpu.pipeline_mode<synchronous>, transform_indices = @transform_2, window_bounds = array<i64: 1, 256>}, {pipeline_mode = #tpu.pipeline_mode<synchronous>, transform_indices = @transform_3, window_bounds = array<i64: 1, 256>}, {pipeline_mode = #tpu.pipeline_mode<synchronous>, transform_indices = @transform_4, window_bounds = array<i64: 256, 128>}, {pipeline_mode = #tpu.pipeline_mode<synchronous>, transform_indices = @transform_5, window_bounds = array<i64: 256, 128>}, {transform_indices = @transform_6, window_bounds = array<i64: 1000, 128>}, {transform_indices = @transform_7, window_bounds = array<i64: 1000, 128>}]} {
    %get3A = arith.constant 0 : index
    %get3A_0 = arith.constant 0 : index
    %get3A_1 = vector.load %arg2[%get3A, %get3A_0] : memref<2x256xf32, #tpu.memory_space<vmem>>, vector<1x256xf32>
    %mul3A = arith.constant 9.99999974E-5 : f32
    %mul3A_2 = vector.broadcast %mul3A : f32 to vector<1x256xf32>
    %mul3A_3 = arith.mulf %get3A_1, %mul3A_2 : vector<1x256xf32>
    %get3A_4 = arith.constant 1 : index
    %get3A_5 = arith.constant 0 : index
    %get3A_6 = vector.load %arg2[%get3A_4, %get3A_5] : memref<2x256xf32, #tpu.memory_space<vmem>>, vector<1x256xf32>
    %mul3A_7 = arith.constant 9.99999974E-5 : f32
    %mul3A_8 = vector.broadcast %mul3A_7 : f32 to vector<1x256xf32>
    %mul3A_9 = arith.mulf %get3A_6, %mul3A_8 : vector<1x256xf32>
    %mul3A_10 = arith.mulf %mul3A_3, %mul3A_3 : vector<1x256xf32>
    %sub3A = arith.subf %mul3A_9, %mul3A_10 : vector<1x256xf32>
    %get3A_11 = arith.constant 0 : index
    %get3A_12 = arith.constant 0 : index
    %get3A_13 = vector.load %arg3[%get3A_11, %get3A_12] : memref<1x256xf32, #tpu.memory_space<vmem>>, vector<1x256xf32>
    %add3A = arith.constant 9.99999974E-6 : f32
    %add3A_14 = vector.broadcast %add3A : f32 to vector<1x256xf32>
    %add3A_15 = arith.addf %sub3A, %add3A_14 : vector<1x256xf32>
    %rsqrt3A = math.rsqrt %add3A_15 : vector<1x256xf32>
    %mul3A_16 = arith.mulf %get3A_13, %rsqrt3A : vector<1x256xf32>
    %get3A_17 = arith.constant 0 : index
    %get3A_18 = arith.constant 0 : index
    %get3A_19 = vector.load %arg1[%get3A_17, %get3A_18] : memref<1000x256xf32, #tpu.memory_space<vmem>>, vector<1000x256xf32>
    %sub3A_20 = vector.broadcast %mul3A_3 : vector<1x256xf32> to vector<1000x256xf32>
    %sub3A_21 = arith.subf %get3A_19, %sub3A_20 : vector<1000x256xf32>
    %mul3A_22 = vector.broadcast %mul3A_16 : vector<1x256xf32> to vector<1000x256xf32>
    %mul3A_23 = arith.mulf %sub3A_21, %mul3A_22 : vector<1000x256xf32>
    %get3A_24 = arith.constant 0 : index
    %get3A_25 = arith.constant 0 : index
    %get3A_26 = vector.load %arg4[%get3A_24, %get3A_25] : memref<1x256xf32, #tpu.memory_space<vmem>>, vector<1x256xf32>
    %add3A_27 = vector.broadcast %get3A_26 : vector<1x256xf32> to vector<1000x256xf32>
    %add3A_28 = arith.addf %mul3A_23, %add3A_27 : vector<1000x256xf32>
    %max3A = arith.constant 0.000000e+00 : f32
    %max3A_29 = vector.broadcast %max3A : f32 to vector<1000x256xf32>
    %max3A_30 = arith.maximumf %add3A_28, %max3A_29 : vector<1000x256xf32>
    %get3A_31 = arith.constant 0 : index
    %get3A_32 = arith.constant 0 : index
    %get3A_33 = vector.load %arg5[%get3A_31, %get3A_32] : memref<256x128xf32, #tpu.memory_space<vmem>>, vector<256x128xf32>
    %dot_general3A = arith.constant dense<0.000000e+00> : vector<1000x128xf32>
    %dot_general3A_34 = tpu.matmul %max3A_30, %get3A_33, %dot_general3A {dimension_numbers = #tpu.dot_dimension_numbers<[1], [0], [0], [1], [0, 0, 1, 1], [], []>, transpose_lhs_hint = false} : vector<1000x256xf32>, vector<256x128xf32>, vector<1000x128xf32> -> vector<1000x128xf32>
    %convert_element_type3A = arith.truncf %dot_general3A_34 : vector<1000x128xf32> to vector<1000x128xbf16>
    %swap3A = arith.constant 0 : index
    %swap3A_35 = arith.constant 0 : index
    %swap3A_36 = vector.load %arg7[%swap3A, %swap3A_35] : memref<1000x128xbf16, #tpu.memory_space<vmem>>, vector<1000x128xbf16>
    tpu.vector_store %arg7[%swap3A, %swap3A_35], %convert_element_type3A {strides = array<i32>} : memref<1000x128xbf16, #tpu.memory_space<vmem>>, vector<1000x128xbf16>,
    %get3A_37 = arith.constant 0 : index
    %get3A_38 = arith.constant 0 : index
    %get3A_39 = vector.load %arg6[%get3A_37, %get3A_38] : memref<256x128xf32, #tpu.memory_space<vmem>>, vector<256x128xf32>
    %dot_general3A_40 = arith.constant dense<0.000000e+00> : vector<1000x128xf32>
    %dot_general3A_41 = tpu.matmul %max3A_30, %get3A_39, %dot_general3A_40 {dimension_numbers = #tpu.dot_dimension_numbers<[1], [0], [0], [1], [0, 0, 1, 1], [], []>, transpose_lhs_hint = false} : vector<1000x256xf32>, vector<256x128xf32>, vector<1000x128xf32> -> vector<1000x128xf32>
    %swap3A_42 = arith.constant 0 : index
    %swap3A_43 = arith.constant 0 : index
    %swap3A_44 = vector.load %arg8[%swap3A_42, %swap3A_43] : memref<1000x128xf32, #tpu.memory_space<vmem>>, vector<1000x128xf32>
    tpu.vector_store %arg8[%swap3A_42, %swap3A_43], %dot_general3A_41 {strides = array<i32>} : memref<1000x128xf32, #tpu.memory_space<vmem>>, vector<1000x128xf32>,
    return
  }
  func.func @transform_0(%arg0: i32) -> (i32, i32) {
    %c0_i32 = arith.constant 0 : i32
    %c0_i32_0 = arith.constant 0 : i32
    return %arg0, %c0_i32 : i32, i32
  }
  func.func @transform_1(%arg0: i32) -> (i32, i32) {
    %c0_i32 = arith.constant 0 : i32
    %c0_i32_0 = arith.constant 0 : i32
    %c0_i32_1 = arith.constant 0 : i32
    return %c0_i32, %c0_i32_0 : i32, i32
  }
  func.func @transform_2(%arg0: i32) -> (i32, i32) {
    %c0_i32 = arith.constant 0 : i32
    %c0_i32_0 = arith.constant 0 : i32
    %c0_i32_1 = arith.constant 0 : i32
    return %c0_i32, %c0_i32_0 : i32, i32
  }
  func.func @transform_3(%arg0: i32) -> (i32, i32) {
    %c0_i32 = arith.constant 0 : i32
    %c0_i32_0 = arith.constant 0 : i32
    %c0_i32_1 = arith.constant 0 : i32
    return %c0_i32, %c0_i32_0 : i32, i32
  }
  func.func @transform_4(%arg0: i32) -> (i32, i32) {
    %c0_i32 = arith.constant 0 : i32
    %c0_i32_0 = arith.constant 0 : i32
    %c0_i32_1 = arith.constant 0 : i32
    return %c0_i32, %c0_i32_0 : i32, i32
  }
  func.func @transform_5(%arg0: i32) -> (i32, i32) {
    %c0_i32 = arith.constant 0 : i32
    %c0_i32_0 = arith.constant 0 : i32
    %c0_i32_1 = arith.constant 0 : i32
    return %c0_i32, %c0_i32_0 : i32, i32
  }
  func.func @transform_6(%arg0: i32) -> (i32, i32) {
    %c0_i32 = arith.constant 0 : i32
    %c0_i32_0 = arith.constant 0 : i32
    return %arg0, %c0_i32 : i32, i32
  }
  func.func @transform_7(%arg0: i32) -> (i32, i32) {
    %c0_i32 = arith.constant 0 : i32
    %c0_i32_0 = arith.constant 0 : i32
    return %arg0, %c0_i32 : i32, i32
  }
}

module attributes {stable_mosaic.version = 14 : i64} {
  func.func @body(%arg0: i32, %arg1: memref<2x1000x160xbf16, #tpu.memory_space<vmem>>, %arg2: memref<2x1000x128xbf16, #tpu.memory_space<vmem>>, %arg3: memref<1000x128xf32, #tpu.memory_space<vmem>>, %arg4: memref<1x128xf32, #tpu.memory_space<vmem>>, %arg5: memref<1000x128xf32, #tpu.memory_space<vmem>>, %arg6: memref<2x128xf32, #tpu.memory_space<vmem>>) attributes {dimension_semantics = [#tpu.dimension_semantics<arbitrary>], iteration_bounds = array<i64: 10>, scalar_prefetch = 0 : i64, scratch_operands = 0 : i64, tpu.core_type = #tpu.core_type<tc>, window_params = [{transform_indices = @transform_0, window_bounds = array<i64: 2, 1000, 160>}, {transform_indices = @transform_1, window_bounds = array<i64: 2, 1000, 128>}, {transform_indices = @transform_2, window_bounds = array<i64: 1000, 128>}, {pipeline_mode = #tpu.pipeline_mode<synchronous>, transform_indices = @transform_3, window_bounds = array<i64: 1, 128>}, {transform_indices = @transform_4, window_bounds = array<i64: 1000, 128>}, {pipeline_mode = #tpu.pipeline_mode<synchronous>, transform_indices = @transform_5, window_bounds = array<i64: 2, 128>}]} {
    %get3A = arith.constant 0 : index
    %get3A_0 = arith.constant 0 : index
    %get3A_1 = arith.constant 0 : index
    %get3A_2 = vector.load %arg1[%get3A, %get3A_0, %get3A_1] : memref<2x1000x160xbf16, #tpu.memory_space<vmem>>, vector<1x1000x160xbf16>
    %get3A_3 = vector.shape_cast %get3A_2 : vector<1x1000x160xbf16> to vector<1000x160xbf16>
    %slice3A = vector.extract_strided_slice %get3A_3 {offsets = [0, 128], sizes = [1000, 1], strides = [1, 1]} : vector<1000x160xbf16> to vector<1000x1xbf16>
    %convert_element_type3A = arith.extf %slice3A : vector<1000x1xbf16> to vector<1000x1xf32>
    %get3A_4 = arith.constant 1 : index
    %get3A_5 = arith.constant 0 : index
    %get3A_6 = arith.constant 0 : index
    %get3A_7 = vector.load %arg1[%get3A_4, %get3A_5, %get3A_6] : memref<2x1000x160xbf16, #tpu.memory_space<vmem>>, vector<1x1000x160xbf16>
    %get3A_8 = vector.shape_cast %get3A_7 : vector<1x1000x160xbf16> to vector<1000x160xbf16>
    %slice3A_9 = vector.extract_strided_slice %get3A_8 {offsets = [0, 128], sizes = [1000, 1], strides = [1, 1]} : vector<1000x160xbf16> to vector<1000x1xbf16>
    %convert_element_type3A_10 = arith.extf %slice3A_9 : vector<1000x1xbf16> to vector<1000x1xf32>
    %add3A = arith.addf %convert_element_type3A, %convert_element_type3A_10 : vector<1000x1xf32>
    %max3A = arith.constant 1.000000e+00 : f32
    %max3A_11 = vector.broadcast %max3A : f32 to vector<1000x1xf32>
    %max3A_12 = arith.maximumf %add3A, %max3A_11 : vector<1000x1xf32>
    %get3A_13 = arith.constant 0 : index
    %get3A_14 = arith.constant 0 : index
    %get3A_15 = arith.constant 0 : index
    %get3A_16 = vector.load %arg2[%get3A_13, %get3A_14, %get3A_15] : memref<2x1000x128xbf16, #tpu.memory_space<vmem>>, vector<1x1000x128xbf16>
    %get3A_17 = vector.shape_cast %get3A_16 : vector<1x1000x128xbf16> to vector<1000x128xbf16>
    %convert_element_type3A_18 = arith.extf %get3A_17 : vector<1000x128xbf16> to vector<1000x128xf32>
    %get3A_19 = arith.constant 1 : index
    %get3A_20 = arith.constant 0 : index
    %get3A_21 = arith.constant 0 : index
    %get3A_22 = vector.load %arg2[%get3A_19, %get3A_20, %get3A_21] : memref<2x1000x128xbf16, #tpu.memory_space<vmem>>, vector<1x1000x128xbf16>
    %get3A_23 = vector.shape_cast %get3A_22 : vector<1x1000x128xbf16> to vector<1000x128xbf16>
    %convert_element_type3A_24 = arith.extf %get3A_23 : vector<1000x128xbf16> to vector<1000x128xf32>
    %add3A_25 = arith.addf %convert_element_type3A_18, %convert_element_type3A_24 : vector<1000x128xf32>
    %div3A = vector.broadcast %max3A_12 : vector<1000x1xf32> to vector<1000x128xf32>
    %div3A_26 = arith.divf %add3A_25, %div3A : vector<1000x128xf32>
    %get3A_27 = arith.constant 0 : index
    %get3A_28 = arith.constant 0 : index
    %get3A_29 = vector.load %arg3[%get3A_27, %get3A_28] : memref<1000x128xf32, #tpu.memory_space<vmem>>, vector<1000x128xf32>
    %add3A_30 = arith.addf %div3A_26, %get3A_29 : vector<1000x128xf32>
    %get3A_31 = arith.constant 0 : index
    %get3A_32 = arith.constant 0 : index
    %get3A_33 = vector.load %arg4[%get3A_31, %get3A_32] : memref<1x128xf32, #tpu.memory_space<vmem>>, vector<1x128xf32>
    %add3A_34 = vector.broadcast %get3A_33 : vector<1x128xf32> to vector<1000x128xf32>
    %add3A_35 = arith.addf %add3A_30, %add3A_34 : vector<1000x128xf32>
    %swap3A = arith.constant 0 : index
    %swap3A_36 = arith.constant 0 : index
    %swap3A_37 = vector.load %arg5[%swap3A, %swap3A_36] : memref<1000x128xf32, #tpu.memory_space<vmem>>, vector<1000x128xf32>
    tpu.vector_store %arg5[%swap3A, %swap3A_36], %add3A_35 {strides = array<i32>} : memref<1000x128xf32, #tpu.memory_space<vmem>>, vector<1000x128xf32>,
    %eq3A = arith.constant 0 : i32
    %eq3A_38 = arith.cmpi eq, %arg0, %eq3A : i32
    %convert_element_type3A_39 = arith.extui %eq3A_38 : i1 to i32
    %cond3A = arith.constant 0 : i32
    %cond3A_40 = arith.cmpi ne, %convert_element_type3A_39, %cond3A : i32
    scf.if %cond3A_40 {
      %broadcast_in_dim3A_52 = arith.constant 0.000000e+00 : f32
      %broadcast_in_dim3A_53 = vector.broadcast %broadcast_in_dim3A_52 : f32 to vector<2x128xf32>
      %swap3A_54 = arith.constant 0 : index
      %swap3A_55 = arith.constant 0 : index
      %swap3A_56 = vector.load %arg6[%swap3A_54, %swap3A_55] : memref<2x128xf32, #tpu.memory_space<vmem>>, vector<2x128xf32>
      tpu.vector_store %arg6[%swap3A_54, %swap3A_55], %broadcast_in_dim3A_53 {strides = array<i32>} : memref<2x128xf32, #tpu.memory_space<vmem>>, vector<2x128xf32>,
    } else {
    }
    %get3A_41 = arith.constant 0 : index
    %get3A_42 = arith.constant 0 : index
    %get3A_43 = vector.load %arg6[%get3A_41, %get3A_42] : memref<2x128xf32, #tpu.memory_space<vmem>>, vector<2x128xf32>
    %reduce_sum3A = arith.constant dense<0.000000e+00> : vector<128xf32>
    %reduce_sum3A_44 = vector.multi_reduction <add>, %add3A_35, %reduce_sum3A [0] : vector<1000x128xf32> to vector<128xf32>
    %broadcast_in_dim3A = vector.shape_cast %reduce_sum3A_44 : vector<128xf32> to vector<1x128xf32>
    %mul3A = arith.mulf %add3A_35, %add3A_35 : vector<1000x128xf32>
    %reduce_sum3A_45 = arith.constant dense<0.000000e+00> : vector<128xf32>
    %reduce_sum3A_46 = vector.multi_reduction <add>, %mul3A, %reduce_sum3A_45 [0] : vector<1000x128xf32> to vector<128xf32>
    %broadcast_in_dim3A_47 = vector.shape_cast %reduce_sum3A_46 : vector<128xf32> to vector<1x128xf32>
    %concatenate3A = tpu.concatenate %broadcast_in_dim3A, %broadcast_in_dim3A_47 in 0 : vector<1x128xf32>, vector<1x128xf32> -> vector<2x128xf32>
    %add3A_48 = arith.addf %get3A_43, %concatenate3A : vector<2x128xf32>
    %swap3A_49 = arith.constant 0 : index
    %swap3A_50 = arith.constant 0 : index
    %swap3A_51 = vector.load %arg6[%swap3A_49, %swap3A_50] : memref<2x128xf32, #tpu.memory_space<vmem>>, vector<2x128xf32>
    tpu.vector_store %arg6[%swap3A_49, %swap3A_50], %add3A_48 {strides = array<i32>} : memref<2x128xf32, #tpu.memory_space<vmem>>, vector<2x128xf32>,
    return
  }
  func.func @transform_0(%arg0: i32) -> (i32, i32, i32) {
    %c0_i32 = arith.constant 0 : i32
    %c0_i32_0 = arith.constant 0 : i32
    %c0_i32_1 = arith.constant 0 : i32
    return %c0_i32, %arg0, %c0_i32_0 : i32, i32, i32
  }
  func.func @transform_1(%arg0: i32) -> (i32, i32, i32) {
    %c0_i32 = arith.constant 0 : i32
    %c0_i32_0 = arith.constant 0 : i32
    %c0_i32_1 = arith.constant 0 : i32
    return %c0_i32, %arg0, %c0_i32_0 : i32, i32, i32
  }
  func.func @transform_2(%arg0: i32) -> (i32, i32) {
    %c0_i32 = arith.constant 0 : i32
    %c0_i32_0 = arith.constant 0 : i32
    return %arg0, %c0_i32 : i32, i32
  }
  func.func @transform_3(%arg0: i32) -> (i32, i32) {
    %c0_i32 = arith.constant 0 : i32
    %c0_i32_0 = arith.constant 0 : i32
    %c0_i32_1 = arith.constant 0 : i32
    return %c0_i32, %c0_i32_0 : i32, i32
  }
  func.func @transform_4(%arg0: i32) -> (i32, i32) {
    %c0_i32 = arith.constant 0 : i32
    %c0_i32_0 = arith.constant 0 : i32
    return %arg0, %c0_i32 : i32, i32
  }
  func.func @transform_5(%arg0: i32) -> (i32, i32) {
    %c0_i32 = arith.constant 0 : i32
    %c0_i32_0 = arith.constant 0 : i32
    %c0_i32_1 = arith.constant 0 : i32
    return %c0_i32, %c0_i32_0 : i32, i32
  }
}

module attributes {stable_mosaic.version = 14 : i64} {
  func.func @body(%arg0: i32, %arg1: memref<1000x128xf32, #tpu.memory_space<vmem>>, %arg2: memref<2x128xf32, #tpu.memory_space<vmem>>, %arg3: memref<1x128xf32, #tpu.memory_space<vmem>>, %arg4: memref<1x128xf32, #tpu.memory_space<vmem>>, %arg5: memref<128x16xf32, #tpu.memory_space<vmem>>, %arg6: memref<128x16xf32, #tpu.memory_space<vmem>>, %arg7: memref<1000x128xf32, #tpu.memory_space<vmem>>, %arg8: memref<1000x16xf32, #tpu.memory_space<vmem>>, %arg9: memref<1000x16xf32, #tpu.memory_space<vmem>>) attributes {dimension_semantics = [#tpu.dimension_semantics<arbitrary>], iteration_bounds = array<i64: 10>, scalar_prefetch = 0 : i64, scratch_operands = 0 : i64, tpu.core_type = #tpu.core_type<tc>, window_params = [{transform_indices = @transform_0, window_bounds = array<i64: 1000, 128>}, {pipeline_mode = #tpu.pipeline_mode<synchronous>, transform_indices = @transform_1, window_bounds = array<i64: 2, 128>}, {pipeline_mode = #tpu.pipeline_mode<synchronous>, transform_indices = @transform_2, window_bounds = array<i64: 1, 128>}, {pipeline_mode = #tpu.pipeline_mode<synchronous>, transform_indices = @transform_3, window_bounds = array<i64: 1, 128>}, {pipeline_mode = #tpu.pipeline_mode<synchronous>, transform_indices = @transform_4, window_bounds = array<i64: 128, 16>}, {pipeline_mode = #tpu.pipeline_mode<synchronous>, transform_indices = @transform_5, window_bounds = array<i64: 128, 16>}, {transform_indices = @transform_6, window_bounds = array<i64: 1000, 128>}, {transform_indices = @transform_7, window_bounds = array<i64: 1000, 16>}, {transform_indices = @transform_8, window_bounds = array<i64: 1000, 16>}]} {
    %get3A = arith.constant 0 : index
    %get3A_0 = arith.constant 0 : index
    %get3A_1 = vector.load %arg2[%get3A, %get3A_0] : memref<2x128xf32, #tpu.memory_space<vmem>>, vector<1x128xf32>
    %mul3A = arith.constant 9.99999974E-5 : f32
    %mul3A_2 = vector.broadcast %mul3A : f32 to vector<1x128xf32>
    %mul3A_3 = arith.mulf %get3A_1, %mul3A_2 : vector<1x128xf32>
    %get3A_4 = arith.constant 1 : index
    %get3A_5 = arith.constant 0 : index
    %get3A_6 = vector.load %arg2[%get3A_4, %get3A_5] : memref<2x128xf32, #tpu.memory_space<vmem>>, vector<1x128xf32>
    %mul3A_7 = arith.constant 9.99999974E-5 : f32
    %mul3A_8 = vector.broadcast %mul3A_7 : f32 to vector<1x128xf32>
    %mul3A_9 = arith.mulf %get3A_6, %mul3A_8 : vector<1x128xf32>
    %mul3A_10 = arith.mulf %mul3A_3, %mul3A_3 : vector<1x128xf32>
    %sub3A = arith.subf %mul3A_9, %mul3A_10 : vector<1x128xf32>
    %get3A_11 = arith.constant 0 : index
    %get3A_12 = arith.constant 0 : index
    %get3A_13 = vector.load %arg3[%get3A_11, %get3A_12] : memref<1x128xf32, #tpu.memory_space<vmem>>, vector<1x128xf32>
    %add3A = arith.constant 9.99999974E-6 : f32
    %add3A_14 = vector.broadcast %add3A : f32 to vector<1x128xf32>
    %add3A_15 = arith.addf %sub3A, %add3A_14 : vector<1x128xf32>
    %rsqrt3A = math.rsqrt %add3A_15 : vector<1x128xf32>
    %mul3A_16 = arith.mulf %get3A_13, %rsqrt3A : vector<1x128xf32>
    %get3A_17 = arith.constant 0 : index
    %get3A_18 = arith.constant 0 : index
    %get3A_19 = vector.load %arg1[%get3A_17, %get3A_18] : memref<1000x128xf32, #tpu.memory_space<vmem>>, vector<1000x128xf32>
    %sub3A_20 = vector.broadcast %mul3A_3 : vector<1x128xf32> to vector<1000x128xf32>
    %sub3A_21 = arith.subf %get3A_19, %sub3A_20 : vector<1000x128xf32>
    %mul3A_22 = vector.broadcast %mul3A_16 : vector<1x128xf32> to vector<1000x128xf32>
    %mul3A_23 = arith.mulf %sub3A_21, %mul3A_22 : vector<1000x128xf32>
    %get3A_24 = arith.constant 0 : index
    %get3A_25 = arith.constant 0 : index
    %get3A_26 = vector.load %arg4[%get3A_24, %get3A_25] : memref<1x128xf32, #tpu.memory_space<vmem>>, vector<1x128xf32>
    %add3A_27 = vector.broadcast %get3A_26 : vector<1x128xf32> to vector<1000x128xf32>
    %add3A_28 = arith.addf %mul3A_23, %add3A_27 : vector<1000x128xf32>
    %max3A = arith.constant 0.000000e+00 : f32
    %max3A_29 = vector.broadcast %max3A : f32 to vector<1000x128xf32>
    %max3A_30 = arith.maximumf %add3A_28, %max3A_29 : vector<1000x128xf32>
    %swap3A = arith.constant 0 : index
    %swap3A_31 = arith.constant 0 : index
    %swap3A_32 = vector.load %arg7[%swap3A, %swap3A_31] : memref<1000x128xf32, #tpu.memory_space<vmem>>, vector<1000x128xf32>
    tpu.vector_store %arg7[%swap3A, %swap3A_31], %max3A_30 {strides = array<i32>} : memref<1000x128xf32, #tpu.memory_space<vmem>>, vector<1000x128xf32>,
    %get3A_33 = arith.constant 0 : index
    %get3A_34 = arith.constant 0 : index
    %get3A_35 = vector.load %arg5[%get3A_33, %get3A_34] : memref<128x16xf32, #tpu.memory_space<vmem>>, vector<128x16xf32>
    %dot_general3A = arith.constant dense<0.000000e+00> : vector<1000x16xf32>
    %dot_general3A_36 = tpu.matmul %max3A_30, %get3A_35, %dot_general3A {dimension_numbers = #tpu.dot_dimension_numbers<[1], [0], [0], [1], [0, 0, 1, 1], [], []>, transpose_lhs_hint = false} : vector<1000x128xf32>, vector<128x16xf32>, vector<1000x16xf32> -> vector<1000x16xf32>
    %swap3A_37 = arith.constant 0 : index
    %swap3A_38 = arith.constant 0 : index
    %swap3A_39 = vector.load %arg8[%swap3A_37, %swap3A_38] : memref<1000x16xf32, #tpu.memory_space<vmem>>, vector<1000x16xf32>
    tpu.vector_store %arg8[%swap3A_37, %swap3A_38], %dot_general3A_36 {strides = array<i32>} : memref<1000x16xf32, #tpu.memory_space<vmem>>, vector<1000x16xf32>,
    %get3A_40 = arith.constant 0 : index
    %get3A_41 = arith.constant 0 : index
    %get3A_42 = vector.load %arg6[%get3A_40, %get3A_41] : memref<128x16xf32, #tpu.memory_space<vmem>>, vector<128x16xf32>
    %dot_general3A_43 = arith.constant dense<0.000000e+00> : vector<1000x16xf32>
    %dot_general3A_44 = tpu.matmul %max3A_30, %get3A_42, %dot_general3A_43 {dimension_numbers = #tpu.dot_dimension_numbers<[1], [0], [0], [1], [0, 0, 1, 1], [], []>, transpose_lhs_hint = false} : vector<1000x128xf32>, vector<128x16xf32>, vector<1000x16xf32> -> vector<1000x16xf32>
    %swap3A_45 = arith.constant 0 : index
    %swap3A_46 = arith.constant 0 : index
    %swap3A_47 = vector.load %arg9[%swap3A_45, %swap3A_46] : memref<1000x16xf32, #tpu.memory_space<vmem>>, vector<1000x16xf32>
    tpu.vector_store %arg9[%swap3A_45, %swap3A_46], %dot_general3A_44 {strides = array<i32>} : memref<1000x16xf32, #tpu.memory_space<vmem>>, vector<1000x16xf32>,
    return
  }
  func.func @transform_0(%arg0: i32) -> (i32, i32) {
    %c0_i32 = arith.constant 0 : i32
    %c0_i32_0 = arith.constant 0 : i32
    return %arg0, %c0_i32 : i32, i32
  }
  func.func @transform_1(%arg0: i32) -> (i32, i32) {
    %c0_i32 = arith.constant 0 : i32
    %c0_i32_0 = arith.constant 0 : i32
    %c0_i32_1 = arith.constant 0 : i32
    return %c0_i32, %c0_i32_0 : i32, i32
  }
  func.func @transform_2(%arg0: i32) -> (i32, i32) {
    %c0_i32 = arith.constant 0 : i32
    %c0_i32_0 = arith.constant 0 : i32
    %c0_i32_1 = arith.constant 0 : i32
    return %c0_i32, %c0_i32_0 : i32, i32
  }
  func.func @transform_3(%arg0: i32) -> (i32, i32) {
    %c0_i32 = arith.constant 0 : i32
    %c0_i32_0 = arith.constant 0 : i32
    %c0_i32_1 = arith.constant 0 : i32
    return %c0_i32, %c0_i32_0 : i32, i32
  }
  func.func @transform_4(%arg0: i32) -> (i32, i32) {
    %c0_i32 = arith.constant 0 : i32
    %c0_i32_0 = arith.constant 0 : i32
    %c0_i32_1 = arith.constant 0 : i32
    return %c0_i32, %c0_i32_0 : i32, i32
  }
  func.func @transform_5(%arg0: i32) -> (i32, i32) {
    %c0_i32 = arith.constant 0 : i32
    %c0_i32_0 = arith.constant 0 : i32
    %c0_i32_1 = arith.constant 0 : i32
    return %c0_i32, %c0_i32_0 : i32, i32
  }
  func.func @transform_6(%arg0: i32) -> (i32, i32) {
    %c0_i32 = arith.constant 0 : i32
    %c0_i32_0 = arith.constant 0 : i32
    return %arg0, %c0_i32 : i32, i32
  }
  func.func @transform_7(%arg0: i32) -> (i32, i32) {
    %c0_i32 = arith.constant 0 : i32
    %c0_i32_0 = arith.constant 0 : i32
    return %arg0, %c0_i32 : i32, i32
  }
  func.func @transform_8(%arg0: i32) -> (i32, i32) {
    %c0_i32 = arith.constant 0 : i32
    %c0_i32_0 = arith.constant 0 : i32
    return %arg0, %c0_i32 : i32, i32
  }
}

module attributes {stable_mosaic.version = 14 : i64} {
  func.func @body(%arg0: i32, %arg1: memref<1000x128xf32, #tpu.memory_space<vmem>>, %arg2: memref<128x512xf32, #tpu.memory_space<vmem>>, %arg3: memref<1000x512xbf16, #tpu.memory_space<vmem>>) attributes {dimension_semantics = [#tpu.dimension_semantics<arbitrary>], iteration_bounds = array<i64: 10>, scalar_prefetch = 0 : i64, scratch_operands = 0 : i64, tpu.core_type = #tpu.core_type<tc>, window_params = [{transform_indices = @transform_0, window_bounds = array<i64: 1000, 128>}, {pipeline_mode = #tpu.pipeline_mode<synchronous>, transform_indices = @transform_1, window_bounds = array<i64: 128, 512>}, {transform_indices = @transform_2, window_bounds = array<i64: 1000, 512>}]} {
    %get3A = arith.constant 0 : index
    %get3A_0 = arith.constant 0 : index
    %get3A_1 = vector.load %arg1[%get3A, %get3A_0] : memref<1000x128xf32, #tpu.memory_space<vmem>>, vector<1000x128xf32>
    %get3A_2 = arith.constant 0 : index
    %get3A_3 = arith.constant 0 : index
    %get3A_4 = vector.load %arg2[%get3A_2, %get3A_3] : memref<128x512xf32, #tpu.memory_space<vmem>>, vector<128x512xf32>
    %dot_general3A = arith.constant dense<0.000000e+00> : vector<1000x512xf32>
    %dot_general3A_5 = tpu.matmul %get3A_1, %get3A_4, %dot_general3A {dimension_numbers = #tpu.dot_dimension_numbers<[1], [0], [0], [1], [0, 0, 1, 1], [], []>, transpose_lhs_hint = false} : vector<1000x128xf32>, vector<128x512xf32>, vector<1000x512xf32> -> vector<1000x512xf32>
    %convert_element_type3A = arith.truncf %dot_general3A_5 : vector<1000x512xf32> to vector<1000x512xbf16>
    %swap3A = arith.constant 0 : index
    %swap3A_6 = arith.constant 0 : index
    %swap3A_7 = vector.load %arg3[%swap3A, %swap3A_6] : memref<1000x512xbf16, #tpu.memory_space<vmem>>, vector<1000x512xbf16>
    tpu.vector_store %arg3[%swap3A, %swap3A_6], %convert_element_type3A {strides = array<i32>} : memref<1000x512xbf16, #tpu.memory_space<vmem>>, vector<1000x512xbf16>,
    return
  }
  func.func @transform_0(%arg0: i32) -> (i32, i32) {
    %c0_i32 = arith.constant 0 : i32
    %c0_i32_0 = arith.constant 0 : i32
    return %arg0, %c0_i32 : i32, i32
  }
  func.func @transform_1(%arg0: i32) -> (i32, i32) {
    %c0_i32 = arith.constant 0 : i32
    %c0_i32_0 = arith.constant 0 : i32
    %c0_i32_1 = arith.constant 0 : i32
    return %c0_i32, %c0_i32_0 : i32, i32
  }
  func.func @transform_2(%arg0: i32) -> (i32, i32) {
    %c0_i32 = arith.constant 0 : i32
    %c0_i32_0 = arith.constant 0 : i32
    return %arg0, %c0_i32 : i32, i32
  }
}

module attributes {stable_mosaic.version = 14 : i64} {
  func.func @body(%arg0: i32, %arg1: memref<2x1000x16xf32, #tpu.memory_space<vmem>>, %arg2: memref<1000x16xf32, #tpu.memory_space<vmem>>) attributes {dimension_semantics = [#tpu.dimension_semantics<arbitrary>], iteration_bounds = array<i64: 10>, scalar_prefetch = 0 : i64, scratch_operands = 0 : i64, tpu.core_type = #tpu.core_type<tc>, window_params = [{transform_indices = @transform_0, window_bounds = array<i64: 2, 1000, 16>}, {transform_indices = @transform_1, window_bounds = array<i64: 1000, 16>}]} {
    %get3A = arith.constant 0 : index
    %get3A_0 = arith.constant 0 : index
    %get3A_1 = arith.constant 0 : index
    %get3A_2 = vector.load %arg1[%get3A, %get3A_0, %get3A_1] : memref<2x1000x16xf32, #tpu.memory_space<vmem>>, vector<1x1000x16xf32>
    %get3A_3 = vector.shape_cast %get3A_2 : vector<1x1000x16xf32> to vector<1000x16xf32>
    %get3A_4 = arith.constant 1 : index
    %get3A_5 = arith.constant 0 : index
    %get3A_6 = arith.constant 0 : index
    %get3A_7 = vector.load %arg1[%get3A_4, %get3A_5, %get3A_6] : memref<2x1000x16xf32, #tpu.memory_space<vmem>>, vector<1x1000x16xf32>
    %get3A_8 = vector.shape_cast %get3A_7 : vector<1x1000x16xf32> to vector<1000x16xf32>
    %add3A = arith.addf %get3A_3, %get3A_8 : vector<1000x16xf32>
    %max3A = arith.constant 1.000000e-16 : f32
    %max3A_9 = vector.broadcast %max3A : f32 to vector<1000x16xf32>
    %max3A_10 = arith.maximumf %add3A, %max3A_9 : vector<1000x16xf32>
    %div3A = arith.constant 1.000000e+00 : f32
    %div3A_11 = vector.broadcast %div3A : f32 to vector<1000x16xf32>
    %div3A_12 = arith.divf %div3A_11, %max3A_10 : vector<1000x16xf32>
    %swap3A = arith.constant 0 : index
    %swap3A_13 = arith.constant 0 : index
    %swap3A_14 = vector.load %arg2[%swap3A, %swap3A_13] : memref<1000x16xf32, #tpu.memory_space<vmem>>, vector<1000x16xf32>
    tpu.vector_store %arg2[%swap3A, %swap3A_13], %div3A_12 {strides = array<i32>} : memref<1000x16xf32, #tpu.memory_space<vmem>>, vector<1000x16xf32>,
    return
  }
  func.func @transform_0(%arg0: i32) -> (i32, i32, i32) {
    %c0_i32 = arith.constant 0 : i32
    %c0_i32_0 = arith.constant 0 : i32
    %c0_i32_1 = arith.constant 0 : i32
    return %c0_i32, %arg0, %c0_i32_0 : i32, i32, i32
  }
  func.func @transform_1(%arg0: i32) -> (i32, i32) {
    %c0_i32 = arith.constant 0 : i32
    %c0_i32_0 = arith.constant 0 : i32
    return %arg0, %c0_i32 : i32, i32
  }
}

module attributes {stable_mosaic.version = 14 : i64} {
  func.func @body(%arg0: i32, %arg1: memref<2x1000x128xf32, #tpu.memory_space<vmem>>, %arg2: memref<1x128xf32, #tpu.memory_space<vmem>>, %arg3: memref<1x128xf32, #tpu.memory_space<vmem>>) attributes {dimension_semantics = [#tpu.dimension_semantics<arbitrary>], iteration_bounds = array<i64: 10>, scalar_prefetch = 0 : i64, scratch_operands = 0 : i64, tpu.core_type = #tpu.core_type<tc>, window_params = [{transform_indices = @transform_0, window_bounds = array<i64: 2, 1000, 128>}, {pipeline_mode = #tpu.pipeline_mode<synchronous>, transform_indices = @transform_1, window_bounds = array<i64: 1, 128>}, {pipeline_mode = #tpu.pipeline_mode<synchronous>, transform_indices = @transform_2, window_bounds = array<i64: 1, 128>}]} {
    %eq3A = arith.constant 0 : i32
    %eq3A_0 = arith.cmpi eq, %arg0, %eq3A : i32
    %convert_element_type3A = arith.extui %eq3A_0 : i1 to i32
    %cond3A = arith.constant 0 : i32
    %cond3A_1 = arith.cmpi ne, %convert_element_type3A, %cond3A : i32
    scf.if %cond3A_1 {
      %broadcast_in_dim3A_30 = arith.constant 0.000000e+00 : f32
      %broadcast_in_dim3A_31 = vector.broadcast %broadcast_in_dim3A_30 : f32 to vector<1x128xf32>
      %swap3A_32 = arith.constant 0 : index
      %swap3A_33 = arith.constant 0 : index
      %swap3A_34 = vector.load %arg3[%swap3A_32, %swap3A_33] : memref<1x128xf32, #tpu.memory_space<vmem>>, vector<1x128xf32>
      tpu.vector_store %arg3[%swap3A_32, %swap3A_33], %broadcast_in_dim3A_31 {strides = array<i32>} : memref<1x128xf32, #tpu.memory_space<vmem>>, vector<1x128xf32>,
    } else {
    }
    %get3A = arith.constant 0 : index
    %get3A_2 = arith.constant 0 : index
    %get3A_3 = arith.constant 0 : index
    %get3A_4 = vector.load %arg1[%get3A, %get3A_2, %get3A_3] : memref<2x1000x128xf32, #tpu.memory_space<vmem>>, vector<1x1000x128xf32>
    %get3A_5 = vector.shape_cast %get3A_4 : vector<1x1000x128xf32> to vector<1000x128xf32>
    %get3A_6 = arith.constant 1 : index
    %get3A_7 = arith.constant 0 : index
    %get3A_8 = arith.constant 0 : index
    %get3A_9 = vector.load %arg1[%get3A_6, %get3A_7, %get3A_8] : memref<2x1000x128xf32, #tpu.memory_space<vmem>>, vector<1x1000x128xf32>
    %get3A_10 = vector.shape_cast %get3A_9 : vector<1x1000x128xf32> to vector<1000x128xf32>
    %add3A = arith.addf %get3A_5, %get3A_10 : vector<1000x128xf32>
    %mul3A = arith.constant 2.500000e-01 : f32
    %mul3A_11 = vector.broadcast %mul3A : f32 to vector<1000x128xf32>
    %mul3A_12 = arith.mulf %add3A, %mul3A_11 : vector<1000x128xf32>
    %get3A_13 = arith.constant 0 : index
    %get3A_14 = arith.constant 0 : index
    %get3A_15 = vector.load %arg2[%get3A_13, %get3A_14] : memref<1x128xf32, #tpu.memory_space<vmem>>, vector<1x128xf32>
    %add3A_16 = vector.broadcast %get3A_15 : vector<1x128xf32> to vector<1000x128xf32>
    %add3A_17 = arith.addf %mul3A_12, %add3A_16 : vector<1000x128xf32>
    %max3A = arith.constant 0.000000e+00 : f32
    %max3A_18 = vector.broadcast %max3A : f32 to vector<1000x128xf32>
    %max3A_19 = arith.maximumf %add3A_17, %max3A_18 : vector<1000x128xf32>
    %get3A_20 = arith.constant 0 : index
    %get3A_21 = arith.constant 0 : index
    %get3A_22 = vector.load %arg3[%get3A_20, %get3A_21] : memref<1x128xf32, #tpu.memory_space<vmem>>, vector<1x128xf32>
    %reduce_sum3A = arith.constant dense<0.000000e+00> : vector<128xf32>
    %reduce_sum3A_23 = vector.multi_reduction <add>, %max3A_19, %reduce_sum3A [0] : vector<1000x128xf32> to vector<128xf32>
    %broadcast_in_dim3A = vector.shape_cast %reduce_sum3A_23 : vector<128xf32> to vector<1x128xf32>
    %mul3A_24 = arith.constant 9.99999974E-5 : f32
    %mul3A_25 = vector.broadcast %mul3A_24 : f32 to vector<1x128xf32>
    %mul3A_26 = arith.mulf %broadcast_in_dim3A, %mul3A_25 : vector<1x128xf32>
    %add3A_27 = arith.addf %get3A_22, %mul3A_26 : vector<1x128xf32>
    %swap3A = arith.constant 0 : index
    %swap3A_28 = arith.constant 0 : index
    %swap3A_29 = vector.load %arg3[%swap3A, %swap3A_28] : memref<1x128xf32, #tpu.memory_space<vmem>>, vector<1x128xf32>
    tpu.vector_store %arg3[%swap3A, %swap3A_28], %add3A_27 {strides = array<i32>} : memref<1x128xf32, #tpu.memory_space<vmem>>, vector<1x128xf32>,
    return
  }
  func.func @transform_0(%arg0: i32) -> (i32, i32, i32) {
    %c0_i32 = arith.constant 0 : i32
    %c0_i32_0 = arith.constant 0 : i32
    %c0_i32_1 = arith.constant 0 : i32
    return %c0_i32, %arg0, %c0_i32_0 : i32, i32, i32
  }
  func.func @transform_1(%arg0: i32) -> (i32, i32) {
    %c0_i32 = arith.constant 0 : i32
    %c0_i32_0 = arith.constant 0 : i32
    %c0_i32_1 = arith.constant 0 : i32
    return %c0_i32, %c0_i32_0 : i32, i32
  }
  func.func @transform_2(%arg0: i32) -> (i32, i32) {
    %c0_i32 = arith.constant 0 : i32
    %c0_i32_0 = arith.constant 0 : i32
    %c0_i32_1 = arith.constant 0 : i32
    return %c0_i32, %c0_i32_0 : i32, i32
  }
}

</mosaic_0001>

<sc_bundles>
// kernel: kernel.13.cloned.1.call-start
scs
__scs_entry_jumppad:
0x0: {  	(pc) =	sbr.rel $0x88, $3  }
0x1: {  	(tag) =	ssettag $0x0;
	lr =	simm.s32 $0x1  }
0x2: {  	[smem:$0x3F91] =	sst lr;
	_ =	strace $0xD0000000  }
0x3: {  	_ = 	snop  }
0x4: {  	_ = 	snop  }
0x5: {  	_ = 	snop  }
0x6: {  	_ = 	snop  }
0x7: {  	_ = 	snop  }
__scs_overlays_trampoline_lowered:
0x8: {  	[smem:$0x3FA0] =	sst s0  }
0x9: {  	[smem:$0x3FA1] =	sst s1  }
0xa: {  	[smem:$0x3FA2] =	sst s2  }
0xb: {  	[smem:$0x3FA3] =	sst s3  }
0xc: {  	[smem:$0x3FA4] =	sst s4  }
0xd: {  	[smem:$0x3FA5] =	sst s5  }
0xe: {  	[smem:$0x3FA6] =	sst s6  }
0xf: {  	[smem:$0x3FA7] =	sst s7  }
0x10: {  	[smem:$0x3FA8] =	sst s8  }
0x11: {  	[smem:$0x3FA9] =	sst s9;
	s0 =	simm.s32 @!p0 $0x0  }
0x12: {  	s1 =	sld [smem:$0x3F8F];
	s0 =	simm.s32 @p0 $0x1  }
0x13: {  	[smem:$0x3FAA] =	sst s0;
	s0 =	simm.s32 @!p1 $0x0  }
0x14: {  	s2 =	sld [smem:$0x3F8E];
	s0 =	simm.s32 @p1 $0x1  }
0x15: {  	[smem:$0x3FAB] =	sst s0;
	s0 =	simm.s32 @!p2 $0x0  }
0x16: {  	s3 =	sld [smem:$0x3FDB];
	s0 =	simm.s32 @p2 $0x1  }
0x17: {  	s4 =	simm.s32 $0x1BF5;
	[smem:$0x3FAD] =	sst s0  }
0x18: {  	s0 =	sld [smem:$0x3F90];
	_ =	swait.ge [sflag:s4], $0x0  }
0x19: {  	s7 =	sld [smem:$0x3F91]  }
0x1a: {  	s8 =	sadd.s32 $0xFFFFE003, lr  }
0x1b: {  	s9 =	sadd.s32 $0xFFFFFEF7, lr;
	s5 =	simm.s32 $0xFFFFFFFF;
	p2 =	slt.u32 s8, $0xFFFFF086  }
0x1c: {  	p1 =	slt.u32 s9, $0xF7A;
	s5 =	simm.s32 @!p2 $0x0  }
0x1d: {  	s5 =	simm.s32 @p1 $0x1;
	p0 =	seq.s32 s7, s2  }
0x1e: {  	s7 =	smul.u32 @!p0 $0xF7A, s2;
	p2 =	seq.s32 @!p0 s5, $0x0  }
0x1f: {  	s9 =	smul.u32 $0xF7A, s1;
	s8 =	simm.s32 @!p0 $0x1BF5;
	p2 =	por !p2, p0  }
0x20: {  	[sflag:s8] =	ssyncset.s32 @!p0 $0xFFFFF086;
	s6 =	sadd.s32 @!p0 s3, s7;
	s7 =	simm.s32 @!p0 $0x108  }
0x21: {  	s3 =	sadd.s32 s3, s9;
	s6 =	sadd.s32 @!p0 $0x88, s6;
	s7 =	simm.s32 @p2 $0x1082  }
0x22: {  	[simem:s7], [sflag:s8] =	dma.local @!p0 [hbm:s6], $0xF7A  }
0x23: {  	s9 =	sor.u32 $0xD0000000, s2;
	s6 =	simm.s32 $0x108;
	_ =	swait.ge @!p0 [sflag:s8], $0x0  }
0x24: {  	s3 =	sadd.s32 $0x88, s3;
	s6 =	simm.s32 @!p1 $0x1082;
	[sflag:s4] =	ssyncset.s32 $0xFFFFF086  }
0x25: {  	[simem:s6], [sflag:s4] =	dma.local [hbm:s3], $0xF7A  }
0x26: {  	[smem:$0x3F91] =	sst s1;
	(tag) =	ssettag s2;
	_ =	strace s9  }
0x27: {  	s1 =	sld [smem:$0x3FA1]  }
0x28: {  	s2 =	sld [smem:$0x3FA2]  }
0x29: {  	s4 =	sld [smem:$0x3FA4]  }
0x2a: {  	p0 =	seq.s32 s5, $0x0;
	s5 =	sld [smem:$0x3FA5]  }
0x2b: {  	s6 =	sld [smem:$0x3FA6]  }
0x2c: {  	s7 =	sld [smem:$0x3FA7]  }
0x2d: {  	s3 =	simm.s32 $0x108;
	s8 =	sld [smem:$0x3FA8]  }
0x2e: {  	s3 =	simm.s32 @!p0 $0x1082;
	s9 =	sld [smem:$0x3FA9]  }
0x2f: {  	lr =	sadd.s32 s0, s3;
	s0 =	sld [smem:$0x3FA0]  }
0x30: {  	s3 =	sld [smem:$0x3FA3]  }
0x31: {  	[smem:$0x3FAC] =	sst s10  }
0x32: {  	s10 =	sld [smem:$0x3FAA];
	_ =	sdelay $0x3  }
0x33: {  	p0 =	seq.s32 s10, $0x1;
	s10 =	sld [smem:$0x3FAC];
	_ =	sdelay $0x3  }
0x34: {  	[smem:$0x3FAC] =	sst s10  }
0x35: {  	s10 =	sld [smem:$0x3FAB];
	_ =	sdelay $0x3  }
0x36: {  	p1 =	seq.s32 s10, $0x1;
	s10 =	sld [smem:$0x3FAC];
	_ =	sdelay $0x3  }
0x37: {  	[smem:$0x3FAC] =	sst s10  }
0x38: {  	s10 =	sld [smem:$0x3FAD]  }
0x39: {  	_ = 	snop;
	(pc) =	sbr.ind lr, $3  }
0x3a: {  	_ = 	snop  }
0x3b: {  	_ = 	snop  }
0x3c: {  	p2 =	seq.s32 s10, $0x1;
	s10 =	sld [smem:$0x3FAC]  }
0x3d: {  	_ =	shalt  }
0x3e: {  	_ =	shalt  }
0x3f: {  	_ =	shalt  }
0x40: {  	_ =	shalt  }
0x41: {  	_ =	shalt  }
0x42: {  	_ =	shalt  }
0x43: {  	_ =	shalt  }
0x44: {  	_ =	shalt  }
0x45: {  	_ =	shalt  }
0x46: {  	_ =	shalt  }
0x47: {  	_ =	shalt  }
0x48: {  	_ =	shalt  }
0x49: {  	_ =	shalt  }
0x4a: {  	_ =	shalt  }
0x4b: {  	_ =	shalt  }
0x4c: {  	_ =	shalt  }
0x4d: {  	_ =	shalt  }
0x4e: {  	_ =	shalt  }
0x4f: {  	_ =	shalt  }
0x50: {  	_ =	shalt  }
0x51: {  	_ =	shalt  }
0x52: {  	_ =	shalt  }
0x53: {  	_ =	shalt  }
0x54: {  	_ =	shalt  }
0x55: {  	_ =	shalt  }
0x56: {  	_ =	shalt  }
0x57: {  	_ =	shalt  }
0x58: {  	_ =	shalt  }
0x59: {  	_ =	shalt  }
0x5a: {  	_ =	shalt  }
0x5b: {  	_ =	shalt  }
0x5c: {  	_ =	shalt  }
0x5d: {  	_ =	shalt  }
0x5e: {  	_ =	shalt  }
0x5f: {  	_ =	shalt  }
0x60: {  	_ =	shalt  }
0x61: {  	_ =	shalt  }
0x62: {  	_ =	shalt  }
0x63: {  	_ =	shalt  }
0x64: {  	_ =	shalt  }
0x65: {  	_ =	shalt  }
0x66: {  	_ =	shalt  }
0x67: {  	_ =	shalt  }
0x68: {  	_ =	shalt  }
0x69: {  	_ =	shalt  }
0x6a: {  	_ =	shalt  }
0x6b: {  	_ =	shalt  }
0x6c: {  	_ =	shalt  }
0x6d: {  	_ =	shalt  }
0x6e: {  	_ =	shalt  }
0x6f: {  	_ =	shalt  }
0x70: {  	_ =	shalt  }
0x71: {  	_ =	shalt  }
0x72: {  	_ =	shalt  }
0x73: {  	_ =	shalt  }
0x74: {  	_ =	shalt  }
0x75: {  	_ =	shalt  }
0x76: {  	_ =	shalt  }
0x77: {  	_ =	shalt  }
0x78: {  	_ =	shalt  }
0x79: {  	_ =	shalt  }
0x7a: {  	_ =	shalt  }
0x7b: {  	_ =	shalt  }
0x7c: {  	_ =	shalt  }
0x7d: {  	_ =	shalt  }
0x7e: {  	_ =	shalt  }
0x7f: {  	_ =	shalt  }
0x80: {  	_ =	shalt  }
0x81: {  	_ =	shalt  }
0x82: {  	_ =	shalt  }
0x83: {  	_ =	shalt  }
0x84: {  	_ =	shalt  }
0x85: {  	_ =	shalt  }
0x86: {  	_ =	shalt  }
0x87: {  	_ =	shalt  }
.Lfunc_end0:
.L_simem_size_0:
called_computation_lowered:
.L_overlay_start_0:
0x88: {  	s2 =	sld [smem:$0x3FD9]  }
0x89: {  	s3 =	sld [smem:$0x3FFE];
	_ =	sdelay $0x1  }
0x8a: {  	s1 =	srdreg.scid  }
0x8b: {  	s0 =	sand.u32 $0x1, s1  }
0x8c: {  	s16 =	sshll.u32 s0, $0xA;
	s2 =	sadd.s32 s3, s2  }
0x8d: {  	s2 =	sadd.s32 s2, s16  }
0x8e: {  	[smem:$0x3FB8] =	sst s2  }
0x8f: {  	_ = 	snop  }
0x90: {  	(tm) =	ssettm $0x1  }
0x91: {  	s17 =	sld [smem:$0x3FFB];
	_ =	sdelay $0x3  }
0x92: {  	_ =	strace s17  }
0x93: {  	s2 =	sld [smem:$0x3FFC];
	_ =	sdelay $0x3  }
0x94: {  	_ =	strace s2  }
0x95: {  	s2 =	sld [smem:$0x3FFD];
	_ =	sdelay $0x3  }
0x96: {  	_ =	strace s2  }
0x97: {  	_ =	strace $0x8FFFFFFF  }
0x98: {  	s18 =	sld [smem:$0x3FDB];
	_ =	sdelay $0x1  }
0x99: {  	s19 =	simm.s32 $_scs_section_size  }
0x9a: {  	s4 =	simm.s32 $_size__tile_overlayer_lowered;
	s5 =	simm.s32 $_tile_overlayer_lowered  }
0x9b: {  	s22 =	simm.s32 $0x1BFF;
	s21 =	sshll.u32 s5, $0x1;
	s2 =	sadd.s32 s19, s18  }
0x9c: {  	s6 =	simm.s32 $0x0;
	s20 =	sshll.u32 s4, $0x1;
	s4 =	sadd.s32 s21, s2  }
0x9d: {  	[timem:s6], [sflag:s22] =	dma.local [hbm:s4], s20  }
0x9e: {  	_ =	swait.ge [sflag:s22], s20  }
0x9f: {  	s3 =	ssub.s32 $0x0, s20;
	[sflag:s22] =	ssyncset.done $0x0  }
0xa0: {  	[sflag:s22] =	ssyncadd.s32 s3;
	_ =	sdelay $0x1  }
0xa1: {  	s23 =	simm.s32 $0x1B8B  }
0xa2: {  	_ =	swait.ge [sflag:s23], $0x1  }
0xa3: {  	[sflag:s23] =	ssyncset.done $0x0  }
0xa4: {  	s25 =	simm.s32 $0x1B8E;
	s24 =	sld [smem:$0x3FFE];
	[sflag:s23] =	ssyncadd.s32 $0xFFFFFFFF  }
0xa5: {  	s26 =	simm.s32 $execute0_lowered;
	[smem:$0x3FD2] =	sst s25  }
0xa6: {  	s4 =	sshll.u32 s26, $0x1;
	_ =	strace $0x80000046;
	[dreg:$0x1] =	wrdreg $0xFFFFFFFF  }
0xa7: {  	s28 =	simm.s32 $_size_execute0_lowered;
	s2 =	sadd.s32 s2, s4;
	[dreg:$0x0] =	wrdreg $0x0  }
0xa8: {  	s4 =	sshll.u32 s28, $0x1;
	[dreg:$0x2] =	wrdreg s2  }
0xa9: {  	[dreg:$0x3] =	wrdreg s4  }
0xaa: {  	[dreg:$0x4] =	wrdreg $0xC0  }
0xab: {  	_ =	task [dreg:s6], $0x5FFFF  }
0xac: {  	[dreg:$0x1] =	wrdreg $0xFFFFFFFF  }
0xad: {  	[dreg:$0x0] =	wrdreg $0x60  }
0xae: {  	[dreg:$0x2] =	wrdreg s24  }
0xaf: {  	[dreg:$0x3] =	wrdreg $0x80200  }
0xb0: {  	[dreg:$0x4] =	wrdreg $0x9  }
0xb1: {  	_ =	task.clear_ibuf [dreg:s6], $0x5FFFF;
	_ =	strace $0x90000046  }
0xb2: {  	s29 =	simm.s32 $0x9;
	_ =	strace $0x80000048  }
0xb3: {  	_ =	swait.ge [sflag:s29], $0x1  }
0xb4: {  	[sflag:s29] =	ssyncadd.s32 $0xFFFFFFFF  }
0xb5: {  	_ =	strace $0x90000048  }
0xb6: {  	_ =	sfence  }
0xb7: {  	s30 =	sld [smem:$0x0];
	_ =	sdelay $0x2  }
0xb8: {  	s31 =	sshll.u32 s1, $0xD;
	s1 =	sshrl.u32 s1, $0x2  }
0xb9: {  	s3 =	sand.u32 $0x4000, s31;
	s1 =	sadd.s32 s1, s30  }
0xba: {  	s0 =	sor.u32 s3, s0;
	s1 =	sshll.u32 s1, $0x11  }
0xbb: {  	s0 =	sor.u32 s1, s0  }
0xbc: {  	s0 =	sadd.s32 $0x8F2B, s0  }
0xbd: {  	[sflag:s0] =	ssyncadd.remote.s32 $0x1  }
0xbe: {  	_ =	sfence.sel $0xFFFF  }
0xbf: {  	[dreg:$0x0] =	wrdreg $0xFFFFFFFF;
	(pc) =	sbr.abs _section_cstart, $3  }
0xc0: {  	[dreg:$0x1] =	wrdreg $0xFFFFFFFF  }
0xc1: {  	_ =	task.clear_ibuf [dreg:s6], $0x2FFFF;
	_ =	strace $0x9FFFFFFF  }
0xc2: {  	(tm) =	ssettm $0x7FFFFFFF  }
0xc3: {  	_ =	shalt  }
tec
execute0_lowered:
.L_overlay_start_1:
0x0: {  	(tag) =	ssettag $0x1  }
0x1: {  	s6 =	rddreg [dreg:$0x0]  }
0x2: {  	s0 =	srdreg.scid;
	s2 =	rddreg [dreg:$0x1]  }
0x3: {  	s3 =	simm.s32 $0x0;
	s13 =	simm.s32 $0x50;
	s14 =	simm.s32 $0x4E20  }
0x4: {  	s15 =	simm.s32 $0x2;
	s5 =	sand.u32 $0x1, s0;
	s0 =	stileid.u32  }
0x5: {  	s16 =	simm.s32 $0x0;
	[smem:$0x7FF] =	sst s3;
	s8 =	smul.u32 $0x19000, s0  }
0x6: {  	s4 =	sadd.s32 $0x2600, s6;
	s1 =	sshll.u32 s5, $0x4;
	s9 =	smul.u32 $0x190000, s5  }
0x7: {  	s5 =	ssub.s32 $0x2, s5;
	s31 =	sshll.u32 s0, $0x6;
	s1 =	sor.u32 s0, s1  }
0x8: {  	s30 =	sshrl.u32 s5, $0x1;
	s7 =	smul.u32 $0x4E2, s1;
	s1 =	rddreg [dreg:$0x2]  }
0x9: {  	_ =	strace $0x80000047;
	s29 =	sshrl.u32 s8, $0x4;
	s9 =	sadd.s32 s8, s9  }
0xa: {  	s8 =	sshrl.u32 s8, $0x1;
	s11 =	ssub.s32 s5, s30;
	s9 =	sshrl.u32 s9, $0x4  }
0xb: {  	s12 =	sadd.s32 s8, s2;
	s10 =	sadd.s32 s7, s6;
	s7 =	sadd.s32 s29, s6  }
0xc: {  	s9 =	sadd.s32 s9, s6;
	s6 =	sor.u32 $0x1C03, s31;
	s5 =	sadd.s32 $0x2EA00, s7  }
0xd: {  	s7 =	sadd.s32 $0x24C00, s10;
	s8 =	sadd.s32 $0x1AE00, s10;
	s9 =	sadd.s32 $0x47A00, s9  }
0xe: {  	s10 =	smax.u32 s11, $0x1;
	s11 =	sshrl.u32 s12, $0x3;
	s12 =	simm.s32 $0x3  }
.LBB2_1:
0xf: {  	[spmem:s11], [sflag:s6] =	dma.local [hbm:s5], $0x1900  }
0x10: {  	_ =	swait.ge [sflag:s12], $0x1900  }
0x11: {  	[sflag:s12] =	ssyncset.done $0x0  }
0x12: {  	[sflag:s12] =	ssyncadd.s32 $0xFFFFE700  }
0x13: {  	[bflag:$0x0] =	sbarrier.arrive $0xFFFF  }
0x14: {  	[tilespmem:s3], [sflag:$0x3] =	stream.linear.gather [hbm4b:s7+s3], $0x2710, $0x38;
	[tilespmem:$0x14820] =	vst v63  }
0x15: {  	_ =	swait.ge [sflag:s12], $0x2710  }
0x16: {  	[sflag:s12] =	ssyncset.done $0x0  }
0x17: {  	s17 =	simm.s32 $0x2710;
	[sflag:s12] =	ssyncadd.s32 $0xFFFFD8F0  }
0x18: {  	[tilespmem:s17], [sflag:$0x3] =	stream.linear.gather [hbm4b:s8+s3], $0x2710, $0x38;
	[tilespmem:$0x14820] =	vst v63  }
0x19: {  	s18 =	simm.s32 $0x1;
	s20 =	sand.u32 $0x1, s3;
	_ =	swait.ge [sflag:s12], $0x2710  }
0x1a: {  	s19 =	smin.u32 s18, $0x7C;
	p0 =	seq.s32 s20, $0x1;
	[sflag:s12] =	ssyncset.done $0x0  }
0x1b: {  	s19 =	smul.u32 $0x140, s19;
	s20 =	simm.s32 @p0 $0x50;
	[sflag:s12] =	ssyncadd.s32 $0xFFFFD8F0  }
0x1c: {  	[tilespmem:s14], [sflag:$0x1] =	stream.indirect.gather [hbm4b:s4+s13], $0x50, s3, s13, $0xb8;
	[tilespmem:$0x14820] =	vst v63  }
0x1d: {  	s21 =	simm.s32 @p0 $0x4E20;
	s22 =	simm.s32 @p0 $0x2;
	s19 =	sshrl.u32 s19, $0x2  }
0x1e: {  	[tilespmem:s21], [sflag:$0x1] =	stream.indirect.gather @p0 [hbm4b:s4+s20], $0x50, s19, s20, $0xb8;
	[tilespmem:$0x14820] =	vst v63  }
0x1f: {  	_ =	swait.ge @p0 [sflag:s22], $0x1900  }
0x20: {  	[sflag:s22] =	ssyncset.done @p0 $0x0  }
0x21: {  	s21 =	simm.s32 @p0 $0x6720;
	[sflag:s22] =	ssyncadd.s32 @p0 $0xFFFFE700  }
0x22: {  	[spmem:s2] =	stream.indirect.scatter.add.bf16 @p0 [tilespmem:s21], [sflag:$0x3], $0x50, s17, s20, $0xb8;
	[tilespmem:$0x14820] =	vst v63  }
0x23: {  	s20 =	simm.s32 @!p0 $0x50;
	s21 =	simm.s32 @!p0 $0x6720  }
0x24: {  	[tilespmem:s21], [sflag:$0x2] =	stream.indirect.gather @!p0 [hbm4b:s4+s20], $0x50, s19, s20, $0xb8;
	[tilespmem:$0x14820] =	vst v63  }
0x25: {  	s19 =	simm.s32 @!p0 $0x4;
	s21 =	simm.s32 @!p0 $0x1  }
.LBB2_2:
0x26: {  	_ =	swait.ge @!p0 [sflag:s21], $0x1900;
	s22 =	smov.u32 s19  }
0x27: {  	s19 =	smov.u32 s18;
	s18 =	sadd.s32 $0x1, s18;
	s22 =	simm.s32 @p0 $0x3  }
0x28: {  	s24 =	simm.s32 @!p0 $0x4E20;
	s23 =	smin.u32 s18, $0x7C;
	[sflag:s21] =	ssyncset.done @!p0 $0x0  }
0x29: {  	s19 =	sand.u32 $0x1, s19;
	s23 =	smul.u32 $0x140, s23;
	[sflag:s21] =	ssyncadd.s32 @!p0 $0xFFFFE700  }
0x2a: {  	[spmem:s2] =	stream.indirect.scatter.add.bf16 @!p0 [tilespmem:s24], [sflag:$0x4], $0x50, s17, s20, $0xb8;
	[tilespmem:$0x14820] =	vst v63  }
0x2b: {  	p1 =	sne.s32 s18, $0x7D;
	p0 =	seq.s32 s19, $0x1;
	_ =	swait.ge [sflag:s22], $0x1900  }
0x2c: {  	s23 =	sshrl.u32 s23, $0x2;
	s20 =	simm.s32 @p0 $0x50;
	[sflag:s22] =	ssyncset.done $0x0  }
0x2d: {  	s21 =	simm.s32 @p0 $0x4E20;
	s19 =	simm.s32 @!p0 $0x4;
	[sflag:s22] =	ssyncadd.s32 $0xFFFFE700  }
0x2e: {  	s17 =	sadd.s32 $0x50, s17;
	s22 =	simm.s32 @p0 $0x2  }
0x2f: {  	[tilespmem:s21], [sflag:$0x1] =	stream.indirect.gather @p0 [hbm4b:s4+s20], $0x50, s23, s20, $0xb8;
	[tilespmem:$0x14820] =	vst v63  }
0x30: {  	_ =	swait.ge @p0 [sflag:s22], $0x1900  }
.Ltmp0:
0x31: {  	[sflag:s22] =	ssyncset.done @p0 $0x0;
	(pc) =	sbr.rel @p1 .LBB2_2-.Ltmp0, $4  }
0x32: {  	s21 =	simm.s32 @p0 $0x6720;
	[sflag:s22] =	ssyncadd.s32 @p0 $0xFFFFE700  }
0x33: {  	[spmem:s2] =	stream.indirect.scatter.add.bf16 @p0 [tilespmem:s21], [sflag:$0x3], $0x50, s17, s20, $0xb8;
	[tilespmem:$0x14820] =	vst v63  }
0x34: {  	s22 =	simm.s32 @!p0 $0x6720;
	s20 =	simm.s32 @!p0 $0x50;
	s21 =	simm.s32 @!p0 $0x1  }
0x35: {  	[tilespmem:s22], [sflag:$0x2] =	stream.indirect.gather @!p0 [hbm4b:s4+s20], $0x50, s23, s20, $0xb8;
	[tilespmem:$0x14820] =	vst v63  }
0x36: {  	_ =	swait.ge @!p0 [sflag:s21], $0x1900  }
0x37: {  	[sflag:s21] =	ssyncset.done @!p0 $0x0  }
0x38: {  	s19 =	simm.s32 @p0 $0x3;
	s18 =	simm.s32 @!p0 $0x4E20;
	[sflag:s21] =	ssyncadd.s32 @!p0 $0xFFFFE700  }
0x39: {  	[spmem:s2] =	stream.indirect.scatter.add.bf16 @!p0 [tilespmem:s18], [sflag:$0x4], $0x50, s17, s20, $0xb8;
	[tilespmem:$0x14820] =	vst v63  }
0x3a: {  	_ =	swait.ge [sflag:s19], $0x1900  }
0x3b: {  	[sflag:s19] =	ssyncset.done $0x0  }
0x3c: {  	[sflag:s19] =	ssyncadd.s32 $0xFFFFE700  }
0x3d: {  	_ =	swait.ge [sflag:s15], $0x1900  }
0x3e: {  	s16 =	sadd.s32 $0x1, s16;
	[sflag:s15] =	ssyncset.done $0x0  }
0x3f: {  	p0 =	sne.s32 s16, s10;
	[sflag:s15] =	ssyncadd.s32 $0xFFFFE700  }
.Ltmp1:
0x40: {  	[bflag:$0x0] =	sbarrier.arrive $0xFFFF;
	(pc) =	sbr.rel @p0 .LBB2_1-.Ltmp1, $4  }
0x41: {  	[hbm:s9], [sflag:s6] =	dma.local [spmem:s11], $0x1900  }
0x42: {  	_ =	swait.ge [sflag:s12], $0x1900  }
0x43: {  	[sflag:s12] =	ssyncset.done $0x0  }
0x44: {  	[sflag:s12] =	ssyncadd.s32 $0xFFFFE700  }
0x45: {  	_ =	sfence.sel $0x180000  }
0x46: {  	[bflag:$0x0] =	sbarrier.arrive $0xFFFF  }
0x47: {  	p0 =	sne.s32 s0, $0x0;
	_ =	strace $0x90000047  }
0x48: {  	s0 =	sadd.s32 @!p0 $0x100000, s1;
	[bflag:$0x2] =	sbarrier.arrive $0xFFFF  }
0x49: {  	[sflag:s0] =	ssyncadd.tile.s32 @!p0 $0x1;
	_ =	shalt  }
.Lfunc_end2:
_tile_overlayer_lowered:
.L_overlay_start_2:
0x4a: {  	(tag) =	ssettag $0x2  }
0x4b: {  	s0 =	rddreg [dreg:$0x0];
	s2 =	stileid.u32  }
0x4c: {  	s1 =	rddreg [dreg:$0x1];
	p0 =	sne.s32 s2, $0x0  }
0x4d: {  	s3 =	rddreg [dreg:$0x2];
	[bflag:$0x3] =	sbarrier.arrive $0xFFFF;
	s2 =	simm.s32 @!p0 $0x1C03  }
0x4e: {  	[timem:s3], [sflag:s2] =	dma.local @!p0 [hbm:s0], s1  }
0x4f: {  	s0 =	simm.s32 @!p0 $0x3  }
0x50: {  	_ =	swait.ge @!p0 [sflag:s0], s1  }
0x51: {  	s1 =	ssub.s32 @!p0 $0x0, s1;
	[sflag:s0] =	ssyncset.done @!p0 $0x0  }
0x52: {  	[sflag:s0] =	ssyncadd.s32 @!p0 s1  }
0x53: {  	[bflag:$0x3] =	sbarrier.arrive $0xFFFF  }
0x54: {  	_ =	shalt  }

// kernel: kernel.16.cloned.1.call-start
scs
__scs_entry_jumppad:
0x0: {  	(pc) =	sbr.rel $0x88, $3  }
0x1: {  	(tag) =	ssettag $0x0;
	lr =	simm.s32 $0x1  }
0x2: {  	[smem:$0x3F91] =	sst lr;
	_ =	strace $0xD0000000  }
0x3: {  	_ = 	snop  }
0x4: {  	_ = 	snop  }
0x5: {  	_ = 	snop  }
0x6: {  	_ = 	snop  }
0x7: {  	_ = 	snop  }
__scs_overlays_trampoline_lowered:
0x8: {  	[smem:$0x3FA0] =	sst s0  }
0x9: {  	[smem:$0x3FA1] =	sst s1  }
0xa: {  	[smem:$0x3FA2] =	sst s2  }
0xb: {  	[smem:$0x3FA3] =	sst s3  }
0xc: {  	[smem:$0x3FA4] =	sst s4  }
0xd: {  	[smem:$0x3FA5] =	sst s5  }
0xe: {  	[smem:$0x3FA6] =	sst s6  }
0xf: {  	[smem:$0x3FA7] =	sst s7  }
0x10: {  	[smem:$0x3FA8] =	sst s8  }
0x11: {  	[smem:$0x3FA9] =	sst s9;
	s0 =	simm.s32 @!p0 $0x0  }
0x12: {  	s1 =	sld [smem:$0x3F8F];
	s0 =	simm.s32 @p0 $0x1  }
0x13: {  	[smem:$0x3FAA] =	sst s0;
	s0 =	simm.s32 @!p1 $0x0  }
0x14: {  	s2 =	sld [smem:$0x3F8E];
	s0 =	simm.s32 @p1 $0x1  }
0x15: {  	[smem:$0x3FAB] =	sst s0;
	s0 =	simm.s32 @!p2 $0x0  }
0x16: {  	s3 =	sld [smem:$0x3FDB];
	s0 =	simm.s32 @p2 $0x1  }
0x17: {  	s4 =	simm.s32 $0x1BF5;
	[smem:$0x3FAD] =	sst s0  }
0x18: {  	s0 =	sld [smem:$0x3F90];
	_ =	swait.ge [sflag:s4], $0x0  }
0x19: {  	s7 =	sld [smem:$0x3F91]  }
0x1a: {  	s8 =	sadd.s32 $0xFFFFE003, lr  }
0x1b: {  	s9 =	sadd.s32 $0xFFFFFEF7, lr;
	s5 =	simm.s32 $0xFFFFFFFF;
	p2 =	slt.u32 s8, $0xFFFFF086  }
0x1c: {  	p1 =	slt.u32 s9, $0xF7A;
	s5 =	simm.s32 @!p2 $0x0  }
0x1d: {  	s5 =	simm.s32 @p1 $0x1;
	p0 =	seq.s32 s7, s2  }
0x1e: {  	s7 =	smul.u32 @!p0 $0xF7A, s2;
	p2 =	seq.s32 @!p0 s5, $0x0  }
0x1f: {  	s9 =	smul.u32 $0xF7A, s1;
	s8 =	simm.s32 @!p0 $0x1BF5;
	p2 =	por !p2, p0  }
0x20: {  	[sflag:s8] =	ssyncset.s32 @!p0 $0xFFFFF086;
	s6 =	sadd.s32 @!p0 s3, s7;
	s7 =	simm.s32 @!p0 $0x108  }
0x21: {  	s3 =	sadd.s32 s3, s9;
	s6 =	sadd.s32 @!p0 $0x88, s6;
	s7 =	simm.s32 @p2 $0x1082  }
0x22: {  	[simem:s7], [sflag:s8] =	dma.local @!p0 [hbm:s6], $0xF7A  }
0x23: {  	s9 =	sor.u32 $0xD0000000, s2;
	s6 =	simm.s32 $0x108;
	_ =	swait.ge @!p0 [sflag:s8], $0x0  }
0x24: {  	s3 =	sadd.s32 $0x88, s3;
	s6 =	simm.s32 @!p1 $0x1082;
	[sflag:s4] =	ssyncset.s32 $0xFFFFF086  }
0x25: {  	[simem:s6], [sflag:s4] =	dma.local [hbm:s3], $0xF7A  }
0x26: {  	[smem:$0x3F91] =	sst s1;
	(tag) =	ssettag s2;
	_ =	strace s9  }
0x27: {  	s1 =	sld [smem:$0x3FA1]  }
0x28: {  	s2 =	sld [smem:$0x3FA2]  }
0x29: {  	s4 =	sld [smem:$0x3FA4]  }
0x2a: {  	p0 =	seq.s32 s5, $0x0;
	s5 =	sld [smem:$0x3FA5]  }
0x2b: {  	s6 =	sld [smem:$0x3FA6]  }
0x2c: {  	s7 =	sld [smem:$0x3FA7]  }
0x2d: {  	s3 =	simm.s32 $0x108;
	s8 =	sld [smem:$0x3FA8]  }
0x2e: {  	s3 =	simm.s32 @!p0 $0x1082;
	s9 =	sld [smem:$0x3FA9]  }
0x2f: {  	lr =	sadd.s32 s0, s3;
	s0 =	sld [smem:$0x3FA0]  }
0x30: {  	s3 =	sld [smem:$0x3FA3]  }
0x31: {  	[smem:$0x3FAC] =	sst s10  }
0x32: {  	s10 =	sld [smem:$0x3FAA];
	_ =	sdelay $0x3  }
0x33: {  	p0 =	seq.s32 s10, $0x1;
	s10 =	sld [smem:$0x3FAC];
	_ =	sdelay $0x3  }
0x34: {  	[smem:$0x3FAC] =	sst s10  }
0x35: {  	s10 =	sld [smem:$0x3FAB];
	_ =	sdelay $0x3  }
0x36: {  	p1 =	seq.s32 s10, $0x1;
	s10 =	sld [smem:$0x3FAC];
	_ =	sdelay $0x3  }
0x37: {  	[smem:$0x3FAC] =	sst s10  }
0x38: {  	s10 =	sld [smem:$0x3FAD]  }
0x39: {  	_ = 	snop;
	(pc) =	sbr.ind lr, $3  }
0x3a: {  	_ = 	snop  }
0x3b: {  	_ = 	snop  }
0x3c: {  	p2 =	seq.s32 s10, $0x1;
	s10 =	sld [smem:$0x3FAC]  }
0x3d: {  	_ =	shalt  }
0x3e: {  	_ =	shalt  }
0x3f: {  	_ =	shalt  }
0x40: {  	_ =	shalt  }
0x41: {  	_ =	shalt  }
0x42: {  	_ =	shalt  }
0x43: {  	_ =	shalt  }
0x44: {  	_ =	shalt  }
0x45: {  	_ =	shalt  }
0x46: {  	_ =	shalt  }
0x47: {  	_ =	shalt  }
0x48: {  	_ =	shalt  }
0x49: {  	_ =	shalt  }
0x4a: {  	_ =	shalt  }
0x4b: {  	_ =	shalt  }
0x4c: {  	_ =	shalt  }
0x4d: {  	_ =	shalt  }
0x4e: {  	_ =	shalt  }
0x4f: {  	_ =	shalt  }
0x50: {  	_ =	shalt  }
0x51: {  	_ =	shalt  }
0x52: {  	_ =	shalt  }
0x53: {  	_ =	shalt  }
0x54: {  	_ =	shalt  }
0x55: {  	_ =	shalt  }
0x56: {  	_ =	shalt  }
0x57: {  	_ =	shalt  }
0x58: {  	_ =	shalt  }
0x59: {  	_ =	shalt  }
0x5a: {  	_ =	shalt  }
0x5b: {  	_ =	shalt  }
0x5c: {  	_ =	shalt  }
0x5d: {  	_ =	shalt  }
0x5e: {  	_ =	shalt  }
0x5f: {  	_ =	shalt  }
0x60: {  	_ =	shalt  }
0x61: {  	_ =	shalt  }
0x62: {  	_ =	shalt  }
0x63: {  	_ =	shalt  }
0x64: {  	_ =	shalt  }
0x65: {  	_ =	shalt  }
0x66: {  	_ =	shalt  }
0x67: {  	_ =	shalt  }
0x68: {  	_ =	shalt  }
0x69: {  	_ =	shalt  }
0x6a: {  	_ =	shalt  }
0x6b: {  	_ =	shalt  }
0x6c: {  	_ =	shalt  }
0x6d: {  	_ =	shalt  }
0x6e: {  	_ =	shalt  }
0x6f: {  	_ =	shalt  }
0x70: {  	_ =	shalt  }
0x71: {  	_ =	shalt  }
0x72: {  	_ =	shalt  }
0x73: {  	_ =	shalt  }
0x74: {  	_ =	shalt  }
0x75: {  	_ =	shalt  }
0x76: {  	_ =	shalt  }
0x77: {  	_ =	shalt  }
0x78: {  	_ =	shalt  }
0x79: {  	_ =	shalt  }
0x7a: {  	_ =	shalt  }
0x7b: {  	_ =	shalt  }
0x7c: {  	_ =	shalt  }
0x7d: {  	_ =	shalt  }
0x7e: {  	_ =	shalt  }
0x7f: {  	_ =	shalt  }
0x80: {  	_ =	shalt  }
0x81: {  	_ =	shalt  }
0x82: {  	_ =	shalt  }
0x83: {  	_ =	shalt  }
0x84: {  	_ =	shalt  }
0x85: {  	_ =	shalt  }
0x86: {  	_ =	shalt  }
0x87: {  	_ =	shalt  }
.Lfunc_end0:
.L_simem_size_0:
called_computation.1_lowered:
.L_overlay_start_0:
0x88: {  	s2 =	sld [smem:$0x3FD9]  }
0x89: {  	s3 =	sld [smem:$0x3FFE];
	_ =	sdelay $0x1  }
0x8a: {  	s1 =	srdreg.scid  }
0x8b: {  	s0 =	sand.u32 $0x1, s1  }
0x8c: {  	s16 =	sshll.u32 s0, $0xA;
	s2 =	sadd.s32 s3, s2  }
0x8d: {  	s2 =	sadd.s32 s2, s16  }
0x8e: {  	[smem:$0x3FB8] =	sst s2  }
0x8f: {  	_ = 	snop  }
0x90: {  	(tm) =	ssettm $0x1  }
0x91: {  	s17 =	sld [smem:$0x3FFB];
	_ =	sdelay $0x3  }
0x92: {  	_ =	strace s17  }
0x93: {  	s2 =	sld [smem:$0x3FFC];
	_ =	sdelay $0x3  }
0x94: {  	_ =	strace s2  }
0x95: {  	s2 =	sld [smem:$0x3FFD];
	_ =	sdelay $0x3  }
0x96: {  	_ =	strace s2  }
0x97: {  	_ =	strace $0x8FFFFFFF  }
0x98: {  	s18 =	sld [smem:$0x3FDB];
	_ =	sdelay $0x1  }
0x99: {  	s19 =	simm.s32 $_scs_section_size  }
0x9a: {  	s4 =	simm.s32 $_size__tile_overlayer_lowered;
	s5 =	simm.s32 $_tile_overlayer_lowered  }
0x9b: {  	s22 =	simm.s32 $0x1BFF;
	s21 =	sshll.u32 s5, $0x1;
	s2 =	sadd.s32 s19, s18  }
0x9c: {  	s6 =	simm.s32 $0x0;
	s20 =	sshll.u32 s4, $0x1;
	s4 =	sadd.s32 s21, s2  }
0x9d: {  	[timem:s6], [sflag:s22] =	dma.local [hbm:s4], s20  }
0x9e: {  	_ =	swait.ge [sflag:s22], s20  }
0x9f: {  	s3 =	ssub.s32 $0x0, s20;
	[sflag:s22] =	ssyncset.done $0x0  }
0xa0: {  	[sflag:s22] =	ssyncadd.s32 s3;
	_ =	sdelay $0x1  }
0xa1: {  	s23 =	simm.s32 $0x1B8B  }
0xa2: {  	_ =	swait.ge [sflag:s23], $0x1  }
0xa3: {  	[sflag:s23] =	ssyncset.done $0x0  }
0xa4: {  	s25 =	simm.s32 $0x1B8E;
	s24 =	sld [smem:$0x3FFE];
	[sflag:s23] =	ssyncadd.s32 $0xFFFFFFFF  }
0xa5: {  	s26 =	simm.s32 $execute0_lowered;
	[smem:$0x3FD2] =	sst s25  }
0xa6: {  	s4 =	sshll.u32 s26, $0x1;
	_ =	strace $0x80000049;
	[dreg:$0x1] =	wrdreg $0xFFFFFFFF  }
0xa7: {  	s28 =	simm.s32 $_size_execute0_lowered;
	s2 =	sadd.s32 s2, s4;
	[dreg:$0x0] =	wrdreg $0x0  }
0xa8: {  	s4 =	sshll.u32 s28, $0x1;
	[dreg:$0x2] =	wrdreg s2  }
0xa9: {  	[dreg:$0x3] =	wrdreg s4  }
0xaa: {  	[dreg:$0x4] =	wrdreg $0xC0  }
0xab: {  	_ =	task [dreg:s6], $0x5FFFF  }
0xac: {  	[dreg:$0x1] =	wrdreg $0xFFFFFFFF  }
0xad: {  	[dreg:$0x0] =	wrdreg $0x60  }
0xae: {  	[dreg:$0x2] =	wrdreg s24  }
0xaf: {  	[dreg:$0x3] =	wrdreg $0x76200  }
0xb0: {  	[dreg:$0x4] =	wrdreg $0x9  }
0xb1: {  	_ =	task.clear_ibuf [dreg:s6], $0x5FFFF;
	_ =	strace $0x90000049  }
0xb2: {  	s29 =	simm.s32 $0x9;
	_ =	strace $0x8000004B  }
0xb3: {  	_ =	swait.ge [sflag:s29], $0x1  }
0xb4: {  	[sflag:s29] =	ssyncadd.s32 $0xFFFFFFFF  }
0xb5: {  	_ =	strace $0x9000004B  }
0xb6: {  	_ =	sfence  }
0xb7: {  	s30 =	sld [smem:$0x0];
	_ =	sdelay $0x2  }
0xb8: {  	s31 =	sshll.u32 s1, $0xD;
	s1 =	sshrl.u32 s1, $0x2  }
0xb9: {  	s3 =	sand.u32 $0x4000, s31;
	s1 =	sadd.s32 s1, s30  }
0xba: {  	s0 =	sor.u32 s3, s0;
	s1 =	sshll.u32 s1, $0x11  }
0xbb: {  	s0 =	sor.u32 s1, s0  }
0xbc: {  	s0 =	sadd.s32 $0x8F2B, s0  }
0xbd: {  	[sflag:s0] =	ssyncadd.remote.s32 $0x1  }
0xbe: {  	_ =	sfence.sel $0xFFFF  }
0xbf: {  	[dreg:$0x0] =	wrdreg $0xFFFFFFFF;
	(pc) =	sbr.abs _section_cstart, $3  }
0xc0: {  	[dreg:$0x1] =	wrdreg $0xFFFFFFFF  }
0xc1: {  	_ =	task.clear_ibuf [dreg:s6], $0x2FFFF;
	_ =	strace $0x9FFFFFFF  }
0xc2: {  	(tm) =	ssettm $0x7FFFFFFF  }
0xc3: {  	_ =	shalt  }
tec
execute0_lowered:
.L_overlay_start_1:
0x0: {  	(tag) =	ssettag $0x1  }
0x1: {  	s6 =	rddreg [dreg:$0x0]  }
0x2: {  	s0 =	srdreg.scid;
	s2 =	rddreg [dreg:$0x1]  }
0x3: {  	s3 =	simm.s32 $0x0;
	s13 =	simm.s32 $0x50;
	s14 =	simm.s32 $0x4E20  }
0x4: {  	s15 =	simm.s32 $0x2;
	s5 =	sand.u32 $0x1, s0;
	s0 =	stileid.u32  }
0x5: {  	s16 =	simm.s32 $0x0;
	[smem:$0x7FF] =	sst s3;
	s8 =	smul.u32 $0x14000, s0  }
0x6: {  	s4 =	sadd.s32 $0x2600, s6;
	s1 =	sshll.u32 s5, $0x4;
	s9 =	smul.u32 $0x140000, s5  }
0x7: {  	s5 =	ssub.s32 $0x2, s5;
	s31 =	sshll.u32 s0, $0x6;
	s1 =	sor.u32 s0, s1  }
0x8: {  	s30 =	sshrl.u32 s5, $0x1;
	s7 =	smul.u32 $0x4E2, s1;
	s1 =	rddreg [dreg:$0x2]  }
0x9: {  	_ =	strace $0x8000004A;
	s29 =	sshrl.u32 s8, $0x4;
	s9 =	sadd.s32 s8, s9  }
0xa: {  	s8 =	sshrl.u32 s8, $0x1;
	s11 =	ssub.s32 s5, s30;
	s9 =	sshrl.u32 s9, $0x4  }
0xb: {  	s12 =	sadd.s32 s8, s2;
	s10 =	sadd.s32 s7, s6;
	s7 =	sadd.s32 s29, s6  }
0xc: {  	s9 =	sadd.s32 s9, s6;
	s6 =	sor.u32 $0x1C03, s31;
	s5 =	sadd.s32 $0x79A00, s7  }
0xd: {  	s7 =	sadd.s32 $0x24C00, s10;
	s8 =	sadd.s32 $0x1AE00, s10;
	s9 =	sadd.s32 $0x2EA00, s9  }
0xe: {  	s10 =	smax.u32 s11, $0x1;
	s11 =	sshrl.u32 s12, $0x3;
	s12 =	simm.s32 $0x3  }
.LBB2_1:
0xf: {  	[spmem:s11], [sflag:s6] =	dma.local [hbm:s5], $0x1400  }
0x10: {  	_ =	swait.ge [sflag:s12], $0x1400  }
0x11: {  	[sflag:s12] =	ssyncset.done $0x0  }
0x12: {  	[sflag:s12] =	ssyncadd.s32 $0xFFFFEC00  }
0x13: {  	[bflag:$0x0] =	sbarrier.arrive $0xFFFF  }
0x14: {  	[tilespmem:s3], [sflag:$0x3] =	stream.linear.gather [hbm4b:s7+s3], $0x2710, $0x38;
	[tilespmem:$0x11620] =	vst v63  }
0x15: {  	_ =	swait.ge [sflag:s12], $0x2710  }
0x16: {  	[sflag:s12] =	ssyncset.done $0x0  }
0x17: {  	s17 =	simm.s32 $0x2710;
	[sflag:s12] =	ssyncadd.s32 $0xFFFFD8F0  }
0x18: {  	[tilespmem:s17], [sflag:$0x3] =	stream.linear.gather [hbm4b:s8+s3], $0x2710, $0x38;
	[tilespmem:$0x11620] =	vst v63  }
0x19: {  	s18 =	simm.s32 $0x1;
	s20 =	sand.u32 $0x1, s3;
	_ =	swait.ge [sflag:s12], $0x2710  }
0x1a: {  	s19 =	smin.u32 s18, $0x7C;
	p0 =	seq.s32 s20, $0x1;
	[sflag:s12] =	ssyncset.done $0x0  }
0x1b: {  	s19 =	smul.u32 $0x140, s19;
	s20 =	simm.s32 @p0 $0x50;
	[sflag:s12] =	ssyncadd.s32 $0xFFFFD8F0  }
0x1c: {  	[tilespmem:s14], [sflag:$0x1] =	stream.indirect.gather [hbm4b:s4+s13], $0x40, s3, s13, $0xb8;
	[tilespmem:$0x11620] =	vst v63  }
0x1d: {  	s21 =	simm.s32 @p0 $0x4E20;
	s22 =	simm.s32 @p0 $0x2;
	s19 =	sshrl.u32 s19, $0x2  }
0x1e: {  	[tilespmem:s21], [sflag:$0x1] =	stream.indirect.gather @p0 [hbm4b:s4+s20], $0x40, s19, s20, $0xb8;
	[tilespmem:$0x11620] =	vst v63  }
0x1f: {  	_ =	swait.ge @p0 [sflag:s22], $0x1400  }
0x20: {  	[sflag:s22] =	ssyncset.done @p0 $0x0  }
0x21: {  	s21 =	simm.s32 @p0 $0x6220;
	[sflag:s22] =	ssyncadd.s32 @p0 $0xFFFFEC00  }
0x22: {  	[spmem:s2] =	stream.indirect.scatter.add.bf16 @p0 [tilespmem:s21], [sflag:$0x3], $0x40, s17, s20, $0xb8;
	[tilespmem:$0x11620] =	vst v63  }
0x23: {  	s20 =	simm.s32 @!p0 $0x50;
	s21 =	simm.s32 @!p0 $0x6220  }
0x24: {  	[tilespmem:s21], [sflag:$0x2] =	stream.indirect.gather @!p0 [hbm4b:s4+s20], $0x40, s19, s20, $0xb8;
	[tilespmem:$0x11620] =	vst v63  }
0x25: {  	s19 =	simm.s32 @!p0 $0x4;
	s21 =	simm.s32 @!p0 $0x1  }
.LBB2_2:
0x26: {  	_ =	swait.ge @!p0 [sflag:s21], $0x1400;
	s22 =	smov.u32 s19  }
0x27: {  	s19 =	smov.u32 s18;
	s18 =	sadd.s32 $0x1, s18;
	s22 =	simm.s32 @p0 $0x3  }
0x28: {  	s24 =	simm.s32 @!p0 $0x4E20;
	s23 =	smin.u32 s18, $0x7C;
	[sflag:s21] =	ssyncset.done @!p0 $0x0  }
0x29: {  	s19 =	sand.u32 $0x1, s19;
	s23 =	smul.u32 $0x140, s23;
	[sflag:s21] =	ssyncadd.s32 @!p0 $0xFFFFEC00  }
0x2a: {  	[spmem:s2] =	stream.indirect.scatter.add.bf16 @!p0 [tilespmem:s24], [sflag:$0x4], $0x40, s17, s20, $0xb8;
	[tilespmem:$0x11620] =	vst v63  }
0x2b: {  	p1 =	sne.s32 s18, $0x7D;
	p0 =	seq.s32 s19, $0x1;
	_ =	swait.ge [sflag:s22], $0x1400  }
0x2c: {  	s23 =	sshrl.u32 s23, $0x2;
	s20 =	simm.s32 @p0 $0x50;
	[sflag:s22] =	ssyncset.done $0x0  }
0x2d: {  	s21 =	simm.s32 @p0 $0x4E20;
	s19 =	simm.s32 @!p0 $0x4;
	[sflag:s22] =	ssyncadd.s32 $0xFFFFEC00  }
0x2e: {  	s17 =	sadd.s32 $0x50, s17;
	s22 =	simm.s32 @p0 $0x2  }
0x2f: {  	[tilespmem:s21], [sflag:$0x1] =	stream.indirect.gather @p0 [hbm4b:s4+s20], $0x40, s23, s20, $0xb8;
	[tilespmem:$0x11620] =	vst v63  }
0x30: {  	_ =	swait.ge @p0 [sflag:s22], $0x1400  }
.Ltmp0:
0x31: {  	[sflag:s22] =	ssyncset.done @p0 $0x0;
	(pc) =	sbr.rel @p1 .LBB2_2-.Ltmp0, $4  }
0x32: {  	s21 =	simm.s32 @p0 $0x6220;
	[sflag:s22] =	ssyncadd.s32 @p0 $0xFFFFEC00  }
0x33: {  	[spmem:s2] =	stream.indirect.scatter.add.bf16 @p0 [tilespmem:s21], [sflag:$0x3], $0x40, s17, s20, $0xb8;
	[tilespmem:$0x11620] =	vst v63  }
0x34: {  	s22 =	simm.s32 @!p0 $0x6220;
	s20 =	simm.s32 @!p0 $0x50;
	s21 =	simm.s32 @!p0 $0x1  }
0x35: {  	[tilespmem:s22], [sflag:$0x2] =	stream.indirect.gather @!p0 [hbm4b:s4+s20], $0x40, s23, s20, $0xb8;
	[tilespmem:$0x11620] =	vst v63  }
0x36: {  	_ =	swait.ge @!p0 [sflag:s21], $0x1400  }
0x37: {  	[sflag:s21] =	ssyncset.done @!p0 $0x0  }
0x38: {  	s19 =	simm.s32 @p0 $0x3;
	s18 =	simm.s32 @!p0 $0x4E20;
	[sflag:s21] =	ssyncadd.s32 @!p0 $0xFFFFEC00  }
0x39: {  	[spmem:s2] =	stream.indirect.scatter.add.bf16 @!p0 [tilespmem:s18], [sflag:$0x4], $0x40, s17, s20, $0xb8;
	[tilespmem:$0x11620] =	vst v63  }
0x3a: {  	_ =	swait.ge [sflag:s19], $0x1400  }
0x3b: {  	[sflag:s19] =	ssyncset.done $0x0  }
0x3c: {  	[sflag:s19] =	ssyncadd.s32 $0xFFFFEC00  }
0x3d: {  	_ =	swait.ge [sflag:s15], $0x1400  }
0x3e: {  	s16 =	sadd.s32 $0x1, s16;
	[sflag:s15] =	ssyncset.done $0x0  }
0x3f: {  	p0 =	sne.s32 s16, s10;
	[sflag:s15] =	ssyncadd.s32 $0xFFFFEC00  }
.Ltmp1:
0x40: {  	[bflag:$0x0] =	sbarrier.arrive $0xFFFF;
	(pc) =	sbr.rel @p0 .LBB2_1-.Ltmp1, $4  }
0x41: {  	[hbm:s9], [sflag:s6] =	dma.local [spmem:s11], $0x1400  }
0x42: {  	_ =	swait.ge [sflag:s12], $0x1400  }
0x43: {  	[sflag:s12] =	ssyncset.done $0x0  }
0x44: {  	[sflag:s12] =	ssyncadd.s32 $0xFFFFEC00  }
0x45: {  	_ =	sfence.sel $0x180000  }
0x46: {  	[bflag:$0x0] =	sbarrier.arrive $0xFFFF  }
0x47: {  	p0 =	sne.s32 s0, $0x0;
	_ =	strace $0x9000004A  }
0x48: {  	s0 =	sadd.s32 @!p0 $0x100000, s1;
	[bflag:$0x2] =	sbarrier.arrive $0xFFFF  }
0x49: {  	[sflag:s0] =	ssyncadd.tile.s32 @!p0 $0x1;
	_ =	shalt  }
.Lfunc_end2:
_tile_overlayer_lowered:
.L_overlay_start_2:
0x4a: {  	(tag) =	ssettag $0x2  }
0x4b: {  	s0 =	rddreg [dreg:$0x0];
	s2 =	stileid.u32  }
0x4c: {  	s1 =	rddreg [dreg:$0x1];
	p0 =	sne.s32 s2, $0x0  }
0x4d: {  	s3 =	rddreg [dreg:$0x2];
	[bflag:$0x3] =	sbarrier.arrive $0xFFFF;
	s2 =	simm.s32 @!p0 $0x1C03  }
0x4e: {  	[timem:s3], [sflag:s2] =	dma.local @!p0 [hbm:s0], s1  }
0x4f: {  	s0 =	simm.s32 @!p0 $0x3  }
0x50: {  	_ =	swait.ge @!p0 [sflag:s0], s1  }
0x51: {  	s1 =	ssub.s32 @!p0 $0x0, s1;
	[sflag:s0] =	ssyncset.done @!p0 $0x0  }
0x52: {  	[sflag:s0] =	ssyncadd.s32 @!p0 s1  }
0x53: {  	[bflag:$0x3] =	sbarrier.arrive $0xFFFF  }
0x54: {  	_ =	shalt  }

// kernel: kernel.19.cloned.1.call-start
scs
__scs_entry_jumppad:
0x0: {  	(pc) =	sbr.rel $0x88, $3  }
0x1: {  	(tag) =	ssettag $0x0;
	lr =	simm.s32 $0x1  }
0x2: {  	[smem:$0x3F91] =	sst lr;
	_ =	strace $0xD0000000  }
0x3: {  	_ = 	snop  }
0x4: {  	_ = 	snop  }
0x5: {  	_ = 	snop  }
0x6: {  	_ = 	snop  }
0x7: {  	_ = 	snop  }
__scs_overlays_trampoline_lowered:
0x8: {  	[smem:$0x3FA0] =	sst s0  }
0x9: {  	[smem:$0x3FA1] =	sst s1  }
0xa: {  	[smem:$0x3FA2] =	sst s2  }
0xb: {  	[smem:$0x3FA3] =	sst s3  }
0xc: {  	[smem:$0x3FA4] =	sst s4  }
0xd: {  	[smem:$0x3FA5] =	sst s5  }
0xe: {  	[smem:$0x3FA6] =	sst s6  }
0xf: {  	[smem:$0x3FA7] =	sst s7  }
0x10: {  	[smem:$0x3FA8] =	sst s8  }
0x11: {  	[smem:$0x3FA9] =	sst s9;
	s0 =	simm.s32 @!p0 $0x0  }
0x12: {  	s1 =	sld [smem:$0x3F8F];
	s0 =	simm.s32 @p0 $0x1  }
0x13: {  	[smem:$0x3FAA] =	sst s0;
	s0 =	simm.s32 @!p1 $0x0  }
0x14: {  	s2 =	sld [smem:$0x3F8E];
	s0 =	simm.s32 @p1 $0x1  }
0x15: {  	[smem:$0x3FAB] =	sst s0;
	s0 =	simm.s32 @!p2 $0x0  }
0x16: {  	s3 =	sld [smem:$0x3FDB];
	s0 =	simm.s32 @p2 $0x1  }
0x17: {  	s4 =	simm.s32 $0x1BF5;
	[smem:$0x3FAD] =	sst s0  }
0x18: {  	s0 =	sld [smem:$0x3F90];
	_ =	swait.ge [sflag:s4], $0x0  }
0x19: {  	s7 =	sld [smem:$0x3F91]  }
0x1a: {  	s8 =	sadd.s32 $0xFFFFE003, lr  }
0x1b: {  	s9 =	sadd.s32 $0xFFFFFEF7, lr;
	s5 =	simm.s32 $0xFFFFFFFF;
	p2 =	slt.u32 s8, $0xFFFFF086  }
0x1c: {  	p1 =	slt.u32 s9, $0xF7A;
	s5 =	simm.s32 @!p2 $0x0  }
0x1d: {  	s5 =	simm.s32 @p1 $0x1;
	p0 =	seq.s32 s7, s2  }
0x1e: {  	s7 =	smul.u32 @!p0 $0xF7A, s2;
	p2 =	seq.s32 @!p0 s5, $0x0  }
0x1f: {  	s9 =	smul.u32 $0xF7A, s1;
	s8 =	simm.s32 @!p0 $0x1BF5;
	p2 =	por !p2, p0  }
0x20: {  	[sflag:s8] =	ssyncset.s32 @!p0 $0xFFFFF086;
	s6 =	sadd.s32 @!p0 s3, s7;
	s7 =	simm.s32 @!p0 $0x108  }
0x21: {  	s3 =	sadd.s32 s3, s9;
	s6 =	sadd.s32 @!p0 $0x88, s6;
	s7 =	simm.s32 @p2 $0x1082  }
0x22: {  	[simem:s7], [sflag:s8] =	dma.local @!p0 [hbm:s6], $0xF7A  }
0x23: {  	s9 =	sor.u32 $0xD0000000, s2;
	s6 =	simm.s32 $0x108;
	_ =	swait.ge @!p0 [sflag:s8], $0x0  }
0x24: {  	s3 =	sadd.s32 $0x88, s3;
	s6 =	simm.s32 @!p1 $0x1082;
	[sflag:s4] =	ssyncset.s32 $0xFFFFF086  }
0x25: {  	[simem:s6], [sflag:s4] =	dma.local [hbm:s3], $0xF7A  }
0x26: {  	[smem:$0x3F91] =	sst s1;
	(tag) =	ssettag s2;
	_ =	strace s9  }
0x27: {  	s1 =	sld [smem:$0x3FA1]  }
0x28: {  	s2 =	sld [smem:$0x3FA2]  }
0x29: {  	s4 =	sld [smem:$0x3FA4]  }
0x2a: {  	p0 =	seq.s32 s5, $0x0;
	s5 =	sld [smem:$0x3FA5]  }
0x2b: {  	s6 =	sld [smem:$0x3FA6]  }
0x2c: {  	s7 =	sld [smem:$0x3FA7]  }
0x2d: {  	s3 =	simm.s32 $0x108;
	s8 =	sld [smem:$0x3FA8]  }
0x2e: {  	s3 =	simm.s32 @!p0 $0x1082;
	s9 =	sld [smem:$0x3FA9]  }
0x2f: {  	lr =	sadd.s32 s0, s3;
	s0 =	sld [smem:$0x3FA0]  }
0x30: {  	s3 =	sld [smem:$0x3FA3]  }
0x31: {  	[smem:$0x3FAC] =	sst s10  }
0x32: {  	s10 =	sld [smem:$0x3FAA];
	_ =	sdelay $0x3  }
0x33: {  	p0 =	seq.s32 s10, $0x1;
	s10 =	sld [smem:$0x3FAC];
	_ =	sdelay $0x3  }
0x34: {  	[smem:$0x3FAC] =	sst s10  }
0x35: {  	s10 =	sld [smem:$0x3FAB];
	_ =	sdelay $0x3  }
0x36: {  	p1 =	seq.s32 s10, $0x1;
	s10 =	sld [smem:$0x3FAC];
	_ =	sdelay $0x3  }
0x37: {  	[smem:$0x3FAC] =	sst s10  }
0x38: {  	s10 =	sld [smem:$0x3FAD]  }
0x39: {  	_ = 	snop;
	(pc) =	sbr.ind lr, $3  }
0x3a: {  	_ = 	snop  }
0x3b: {  	_ = 	snop  }
0x3c: {  	p2 =	seq.s32 s10, $0x1;
	s10 =	sld [smem:$0x3FAC]  }
0x3d: {  	_ =	shalt  }
0x3e: {  	_ =	shalt  }
0x3f: {  	_ =	shalt  }
0x40: {  	_ =	shalt  }
0x41: {  	_ =	shalt  }
0x42: {  	_ =	shalt  }
0x43: {  	_ =	shalt  }
0x44: {  	_ =	shalt  }
0x45: {  	_ =	shalt  }
0x46: {  	_ =	shalt  }
0x47: {  	_ =	shalt  }
0x48: {  	_ =	shalt  }
0x49: {  	_ =	shalt  }
0x4a: {  	_ =	shalt  }
0x4b: {  	_ =	shalt  }
0x4c: {  	_ =	shalt  }
0x4d: {  	_ =	shalt  }
0x4e: {  	_ =	shalt  }
0x4f: {  	_ =	shalt  }
0x50: {  	_ =	shalt  }
0x51: {  	_ =	shalt  }
0x52: {  	_ =	shalt  }
0x53: {  	_ =	shalt  }
0x54: {  	_ =	shalt  }
0x55: {  	_ =	shalt  }
0x56: {  	_ =	shalt  }
0x57: {  	_ =	shalt  }
0x58: {  	_ =	shalt  }
0x59: {  	_ =	shalt  }
0x5a: {  	_ =	shalt  }
0x5b: {  	_ =	shalt  }
0x5c: {  	_ =	shalt  }
0x5d: {  	_ =	shalt  }
0x5e: {  	_ =	shalt  }
0x5f: {  	_ =	shalt  }
0x60: {  	_ =	shalt  }
0x61: {  	_ =	shalt  }
0x62: {  	_ =	shalt  }
0x63: {  	_ =	shalt  }
0x64: {  	_ =	shalt  }
0x65: {  	_ =	shalt  }
0x66: {  	_ =	shalt  }
0x67: {  	_ =	shalt  }
0x68: {  	_ =	shalt  }
0x69: {  	_ =	shalt  }
0x6a: {  	_ =	shalt  }
0x6b: {  	_ =	shalt  }
0x6c: {  	_ =	shalt  }
0x6d: {  	_ =	shalt  }
0x6e: {  	_ =	shalt  }
0x6f: {  	_ =	shalt  }
0x70: {  	_ =	shalt  }
0x71: {  	_ =	shalt  }
0x72: {  	_ =	shalt  }
0x73: {  	_ =	shalt  }
0x74: {  	_ =	shalt  }
0x75: {  	_ =	shalt  }
0x76: {  	_ =	shalt  }
0x77: {  	_ =	shalt  }
0x78: {  	_ =	shalt  }
0x79: {  	_ =	shalt  }
0x7a: {  	_ =	shalt  }
0x7b: {  	_ =	shalt  }
0x7c: {  	_ =	shalt  }
0x7d: {  	_ =	shalt  }
0x7e: {  	_ =	shalt  }
0x7f: {  	_ =	shalt  }
0x80: {  	_ =	shalt  }
0x81: {  	_ =	shalt  }
0x82: {  	_ =	shalt  }
0x83: {  	_ =	shalt  }
0x84: {  	_ =	shalt  }
0x85: {  	_ =	shalt  }
0x86: {  	_ =	shalt  }
0x87: {  	_ =	shalt  }
.Lfunc_end0:
.L_simem_size_0:
called_computation.2_lowered:
.L_overlay_start_0:
0x88: {  	s2 =	sld [smem:$0x3FD9]  }
0x89: {  	s3 =	sld [smem:$0x3FFE];
	_ =	sdelay $0x1  }
0x8a: {  	s1 =	srdreg.scid  }
0x8b: {  	s0 =	sand.u32 $0x1, s1  }
0x8c: {  	s16 =	sshll.u32 s0, $0xA;
	s2 =	sadd.s32 s3, s2  }
0x8d: {  	s2 =	sadd.s32 s2, s16  }
0x8e: {  	[smem:$0x3FB8] =	sst s2  }
0x8f: {  	_ = 	snop  }
0x90: {  	(tm) =	ssettm $0x1  }
0x91: {  	s17 =	sld [smem:$0x3FFB];
	_ =	sdelay $0x3  }
0x92: {  	_ =	strace s17  }
0x93: {  	s2 =	sld [smem:$0x3FFC];
	_ =	sdelay $0x3  }
0x94: {  	_ =	strace s2  }
0x95: {  	s2 =	sld [smem:$0x3FFD];
	_ =	sdelay $0x3  }
0x96: {  	_ =	strace s2  }
0x97: {  	_ =	strace $0x8FFFFFFF  }
0x98: {  	s18 =	sld [smem:$0x3FDB];
	_ =	sdelay $0x1  }
0x99: {  	s19 =	simm.s32 $_scs_section_size  }
0x9a: {  	s4 =	simm.s32 $_size__tile_overlayer_lowered;
	s5 =	simm.s32 $_tile_overlayer_lowered  }
0x9b: {  	s22 =	simm.s32 $0x1BFF;
	s21 =	sshll.u32 s5, $0x1;
	s2 =	sadd.s32 s19, s18  }
0x9c: {  	s6 =	simm.s32 $0x0;
	s20 =	sshll.u32 s4, $0x1;
	s4 =	sadd.s32 s21, s2  }
0x9d: {  	[timem:s6], [sflag:s22] =	dma.local [hbm:s4], s20  }
0x9e: {  	_ =	swait.ge [sflag:s22], s20  }
0x9f: {  	s3 =	ssub.s32 $0x0, s20;
	[sflag:s22] =	ssyncset.done $0x0  }
0xa0: {  	[sflag:s22] =	ssyncadd.s32 s3;
	_ =	sdelay $0x1  }
0xa1: {  	s23 =	simm.s32 $0x1B8B  }
0xa2: {  	_ =	swait.ge [sflag:s23], $0x1  }
0xa3: {  	[sflag:s23] =	ssyncset.done $0x0  }
0xa4: {  	s25 =	simm.s32 $0x1B8E;
	s24 =	sld [smem:$0x3FFE];
	[sflag:s23] =	ssyncadd.s32 $0xFFFFFFFF  }
0xa5: {  	s26 =	simm.s32 $execute0_lowered;
	[smem:$0x3FD2] =	sst s25  }
0xa6: {  	s4 =	sshll.u32 s26, $0x1;
	_ =	strace $0x8000004C;
	[dreg:$0x1] =	wrdreg $0xFFFFFFFF  }
0xa7: {  	s28 =	simm.s32 $_size_execute0_lowered;
	s2 =	sadd.s32 s2, s4;
	[dreg:$0x0] =	wrdreg $0x0  }
0xa8: {  	s4 =	sshll.u32 s28, $0x1;
	[dreg:$0x2] =	wrdreg s2  }
0xa9: {  	[dreg:$0x3] =	wrdreg s4  }
0xaa: {  	[dreg:$0x4] =	wrdreg $0xC0  }
0xab: {  	_ =	task [dreg:s6], $0x5FFFF  }
0xac: {  	[dreg:$0x1] =	wrdreg $0xFFFFFFFF  }
0xad: {  	[dreg:$0x0] =	wrdreg $0x60  }
0xae: {  	[dreg:$0x2] =	wrdreg s24  }
0xaf: {  	[dreg:$0x3] =	wrdreg $0x67200  }
0xb0: {  	[dreg:$0x4] =	wrdreg $0x9  }
0xb1: {  	_ =	task.clear_ibuf [dreg:s6], $0x5FFFF;
	_ =	strace $0x9000004C  }
0xb2: {  	s29 =	simm.s32 $0x9;
	_ =	strace $0x8000004E  }
0xb3: {  	_ =	swait.ge [sflag:s29], $0x1  }
0xb4: {  	[sflag:s29] =	ssyncadd.s32 $0xFFFFFFFF  }
0xb5: {  	_ =	strace $0x9000004E  }
0xb6: {  	_ =	sfence  }
0xb7: {  	s30 =	sld [smem:$0x0];
	_ =	sdelay $0x2  }
0xb8: {  	s31 =	sshll.u32 s1, $0xD;
	s1 =	sshrl.u32 s1, $0x2  }
0xb9: {  	s3 =	sand.u32 $0x4000, s31;
	s1 =	sadd.s32 s1, s30  }
0xba: {  	s0 =	sor.u32 s3, s0;
	s1 =	sshll.u32 s1, $0x11  }
0xbb: {  	s0 =	sor.u32 s1, s0  }
0xbc: {  	s0 =	sadd.s32 $0x8F2B, s0  }
0xbd: {  	[sflag:s0] =	ssyncadd.remote.s32 $0x1  }
0xbe: {  	_ =	sfence.sel $0xFFFF  }
0xbf: {  	[dreg:$0x0] =	wrdreg $0xFFFFFFFF;
	(pc) =	sbr.abs _section_cstart, $3  }
0xc0: {  	[dreg:$0x1] =	wrdreg $0xFFFFFFFF  }
0xc1: {  	_ =	task.clear_ibuf [dreg:s6], $0x2FFFF;
	_ =	strace $0x9FFFFFFF  }
0xc2: {  	(tm) =	ssettm $0x7FFFFFFF  }
0xc3: {  	_ =	shalt  }
tec
execute0_lowered:
.L_overlay_start_1:
0x0: {  	(tag) =	ssettag $0x1  }
0x1: {  	s0 =	rddreg [dreg:$0x0]  }
0x2: {  	s1 =	rddreg [dreg:$0x1];
	s3 =	simm.s32 $0x0;
	s2 =	srdreg.scid  }
0x3: {  	s13 =	stileid.u32;
	s15 =	simm.s32 $0x5;
	s17 =	simm.s32 $0x50  }
0x4: {  	s18 =	simm.s32 $0x4E20;
	s19 =	simm.s32 $0x5820;
	s20 =	simm.s32 $0x5320  }
0x5: {  	s21 =	simm.s32 $0x5D20;
	s22 =	simm.s32 $0x1;
	s28 =	simm.s32 $0x4  }
0x6: {  	s29 =	simm.s32 $0x0;
	[smem:$0x7FF] =	sst s3;
	s2 =	sand.u32 $0x1, s2  }
0x7: {  	s7 =	smul.u32 $0x2800, s13;
	s4 =	sadd.s32 $0x2600, s0;
	s26 =	sshll.u32 s13, $0x6  }
0x8: {  	_ =	strace $0x8000004D;
	s5 =	sshll.u32 s2, $0x4;
	s6 =	smul.u32 $0x28000, s2  }
0x9: {  	s2 =	ssub.s32 $0x2, s2;
	s9 =	sor.u32 s13, s5;
	s5 =	sadd.s32 $0x7600, s0  }
0xa: {  	s8 =	sshrl.u32 s7, $0x3;
	s11 =	sshrl.u32 s2, $0x1;
	s24 =	sadd.s32 s7, s1  }
0xb: {  	s10 =	smul.u32 $0x4E2, s9;
	s8 =	sadd.s32 s8, s0;
	s6 =	sadd.s32 s7, s6  }
0xc: {  	s23 =	ssub.s32 s2, s11;
	s11 =	smul.u32 $0x27100, s9;
	s14 =	sshrl.u32 s24, $0x3  }
0xd: {  	s24 =	simm.s32 $0x6220;
	s6 =	sshrl.u32 s6, $0x3;
	s25 =	sadd.s32 $0xC600, s8  }
.Ltmp0:
0xe: {  	s8 =	sor.u32 $0x1C05, s26;
	s13 =	smax.u32 s23, $0x1;
	(pc) =	sbr.rel .LBB2_1-.Ltmp0, $4  }
0xf: {  	s23 =	simm.s32 $0x3;
	s26 =	simm.s32 $0x2;
	s10 =	sadd.s32 s10, s0  }
0x10: {  	s12 =	sadd.s32 s6, s0;
	[dreg:$0x3] =	wrdreg s25;
	s30 =	sadd.s32 $0x24C00, s10  }
0x11: {  	s6 =	sadd.s32 $0x38A00, s0;
	s31 =	sadd.s32 $0x1AE00, s10;
	[dreg:$0x4] =	wrdreg s30  }
0x12: {  	s25 =	simm.s32 $0x6;
	s12 =	sadd.s32 $0x2EA00, s12;
	[dreg:$0x5] =	wrdreg s31  }
.LBB2_10:
0x13: {  	_ =	swait.ge [sflag:s26], $0x500  }
0x14: {  	[sflag:s26] =	ssyncset.done $0x0  }
0x15: {  	[sflag:s26] =	ssyncadd.s32 $0xFFFFFB00  }
0x16: {  	_ =	swait.ge [sflag:s28], $0x500  }
0x17: {  	s29 =	sadd.s32 $0x1, s29;
	[sflag:s28] =	ssyncset.done $0x0  }
0x18: {  	p0 =	sne.s32 s29, s13;
	[sflag:s28] =	ssyncadd.s32 $0xFFFFFB00  }
.Ltmp1:
0x19: {  	[bflag:$0x0] =	sbarrier.arrive $0xFFFF;
	(pc) =	sbr.rel @!p0 .LBB2_11-.Ltmp1, $4  }
0x1a: {  	[hbm:s12], [sflag:s8] =	dma.local [spmem:s14], $0x500  }
0x1b: {  	_ =	swait.ge [sflag:s15], $0x500  }
0x1c: {  	[sflag:s15] =	ssyncset.done $0x0  }
0x1d: {  	[sflag:s15] =	ssyncadd.s32 $0xFFFFFB00  }
.LBB2_1:
0x1e: {  	s0 =	rddreg [dreg:$0x3]  }
0x1f: {  	[spmem:s14], [sflag:s8] =	dma.local [hbm:s0], $0x500  }
0x20: {  	_ =	swait.ge [sflag:s15], $0x500  }
0x21: {  	[sflag:s15] =	ssyncset.done $0x0  }
0x22: {  	[sflag:s15] =	ssyncadd.s32 $0xFFFFFB00  }
0x23: {  	[bflag:$0x0] =	sbarrier.arrive $0xFFFF  }
0x24: {  	s16 =	rddreg [dreg:$0x4]  }
0x25: {  	[tilespmem:s3], [sflag:$0x5] =	stream.linear.gather [hbm4b:s16+s3], $0x2710, $0x38;
	[tilespmem:$0x8F20] =	vst v63  }
0x26: {  	_ =	swait.ge [sflag:s15], $0x2710  }
0x27: {  	[sflag:s15] =	ssyncset.done $0x0  }
0x28: {  	s2 =	simm.s32 $0x2710;
	s30 =	rddreg [dreg:$0x5];
	[sflag:s15] =	ssyncadd.s32 $0xFFFFD8F0  }
0x29: {  	[tilespmem:s2], [sflag:$0x5] =	stream.linear.gather [hbm4b:s30+s3], $0x2710, $0x38;
	[tilespmem:$0x8F20] =	vst v63  }
0x2a: {  	_ =	swait.ge [sflag:s15], $0x2710  }
.Ltmp2:
0x2b: {  	[sflag:s15] =	ssyncset.done $0x0;
	(pc) =	sbr.rel .LBB2_2-.Ltmp2, $4  }
0x2c: {  	[sflag:s15] =	ssyncadd.s32 $0xFFFFD8F0  }
0x2d: {  	[tilespmem:s18], [sflag:$0x1] =	stream.indirect.gather [hbm4b:s4+s17], $0x10, s3, s17, $0xb8;
	[tilespmem:$0x8F20] =	vst v63  }
0x2e: {  	s31 =	simm.s32 $0x0  }
0x2f: {  	[tilespmem:s19], [sflag:$0x3] =	stream.indirect.gather [hbm4b:s5+s17], $0x10, s2, s17, $0xb8;
	[tilespmem:$0x8F20] =	vst v63  }
.LBB2_8:
0x30: {  	v0 =	vadd.f32 v1, v0;
	_ =	sdelay $0x1  }
0x31: {  	v1 =	vmul.f32 $2.000000030e-01, v0  }
0x32: {  	vm0 =	vge.f32 v0, $0.0e+00  }
0x33: {  	v60 =	vmul.f32 $1.442695020e+00, v3;
	v0 =	vsel vm0, v0, v1  }
0x34: {  	v0 =	vmul.f32 $1.442695020e+00, v0  }
0x35: {  	(erf) = vpow2.f32 v60  }
0x36: {  	(erf) = vpow2.f32 v0;
	_ =	sdelay $0x6  }
0x37: {  	v61 =	vpop (erf);
	[tilespmem:s0+$0x6220] =	vst v2  }
0x38: {  	[tilespmem:s2+$0x6220] =	vst v61;
	v62 =	vpop (erf)  }
0x39: {  	[tilespmem:s7+$0x6220] =	vst v62;
	v63 =	vpop (erf)  }
0x3a: {  	s0 =	simm.s32 $0x5;
	[tilespmem:s9+$0x6220] =	vst v63  }
.LBB2_9:
0x3b: {  	s2 =	smul.u32 $0x140, s31;
	_ =	sdelay $0x1  }
0x3c: {  	s2 =	sshra.s32 s2, $0x2  }
0x3d: {  	s7 =	smul.u32 $0x500, s31;
	s2 =	sadd.s32 $0x2710, s2  }
0x3e: {  	[spmem:s1] =	stream.indirect.scatter.add.f32 [tilespmem:s24], [sflag:$0x6], $0x10, s2, s17, $0xb8;
	[tilespmem:$0x8F20] =	vst v63  }
0x3f: {  	s16 =	sadd.s32 s11, s7;
	_ =	swait.ge [sflag:s25], $0x500  }
0x40: {  	p0 =	sne.s32 s30, $0x7D;
	s2 =	sshrl.u32 s16, $0x3;
	[sflag:s25] =	ssyncset.done $0x0  }
.Ltmp3:
0x41: {  	s2 =	sadd.s32 s6, s2;
	[sflag:s25] =	ssyncadd.s32 $0xFFFFFB00;
	(pc) =	sbr.rel @!p0 .LBB2_10-.Ltmp3, $4  }
0x42: {  	[hbm4b:s2+s3] =	stream.linear.scatter [tilespmem:s24], [sflag:s0], $0x500, $0x38;
	[tilespmem:$0x8F20] =	vst v63  }
0x43: {  	_ =	swait.ge [sflag:s0], $0x500  }
0x44: {  	[sflag:s0] =	ssyncset.done $0x0  }
0x45: {  	s31 =	smov.u32 s30;
	[sflag:s0] =	ssyncadd.s32 $0xFFFFFB00  }
.LBB2_2:
0x46: {  	s2 =	sand.u32 $0x1, s31  }
0x47: {  	p0 =	seq.s32 s2, $0x1  }
.Ltmp4:
0x48: {  	s30 =	sadd.s32 $0x1, s31;
	(pc) =	sbr.rel @p0 .LBB2_6-.Ltmp4, $3  }
0x49: {  	s0 =	smin.u32 s30, $0x7C  }
0x4a: {  	s0 =	smul.u32 $0x50, s0;
	_ =	sdelay $0x1  }
0x4b: {  	s2 =	sadd.s32 $0x2710, s0  }
0x4c: {  	[tilespmem:s20], [sflag:$0x2] =	stream.indirect.gather [hbm4b:s4+s17], $0x10, s0, s17, $0xb8;
	[tilespmem:$0x8F20] =	vst v63  }
0x4d: {  	_ = 	snop  }
0x4e: {  	[tilespmem:s21], [sflag:$0x4] =	stream.indirect.gather [hbm4b:s5+s17], $0x10, s2, s17, $0xb8;
	[tilespmem:$0x8F20] =	vst v63  }
0x4f: {  	_ =	swait.ge [sflag:s22], $0x500  }
0x50: {  	[sflag:s22] =	ssyncset.done $0x0  }
0x51: {  	[sflag:s22] =	ssyncadd.s32 $0xFFFFFB00  }
0x52: {  	_ =	swait.ge [sflag:s23], $0x500  }
0x53: {  	[sflag:s23] =	ssyncset.done $0x0  }
0x54: {  	s0 =	simm.s32 $0x0;
	[sflag:s23] =	ssyncadd.s32 $0xFFFFFB00  }
0x55: {  	v0 =	vld [tilespmem:s0+$0x4E20]  }
0x56: {  	v1 =	vld [tilespmem:s0+$0x5820];
	_ =	sdelay $0x4  }
0x57: {  	v0 =	vadd.f32 v1, v0;
	_ =	sdelay $0x1  }
0x58: {  	s2 =	simm.s32 $0x10;
	v1 =	vmul.f32 $2.000000030e-01, v0  }
0x59: {  	v2 =	vld [tilespmem:s2+$0x4E20];
	vm0 =	vge.f32 v0, $0.0e+00  }
0x5a: {  	v3 =	vld [tilespmem:s2+$0x5820];
	v0 =	vsel vm0, v0, v1  }
0x5b: {  	s7 =	simm.s32 $0x20;
	v0 =	vmul.f32 $1.442695020e+00, v0  }
0x5c: {  	v1 =	vld [tilespmem:s7+$0x4E20]  }
0x5d: {  	(erf) = vpow2.f32 v0;
	v0 =	vld [tilespmem:s7+$0x5820];
	_ =	sdelay $0x1  }
0x5e: {  	v2 =	vadd.f32 v3, v2;
	_ =	sdelay $0x1  }
0x5f: {  	v3 =	vmul.f32 $2.000000030e-01, v2  }
0x60: {  	vm14 =	vge.f32 v2, $0.0e+00;
	v4 =	vadd.f32 v0, v1  }
0x61: {  	v0 =	vsel vm14, v2, v3  }
0x62: {  	s9 =	simm.s32 $0x30;
	v1 =	vmul.f32 $1.442695020e+00, v0;
	v2 =	vmul.f32 $2.000000030e-01, v4  }
0x63: {  	v0 =	vld [tilespmem:s9+$0x4E20]  }
0x64: {  	(erf) = vpow2.f32 v1;
	v1 =	vld [tilespmem:s9+$0x5820]  }
0x65: {  	vm15 =	vge.f32 v4, $0.0e+00  }
0x66: {  	s10 =	simm.s32 $0x100;
	v3 =	vsel vm15, v4, v2;
	v2 =	vpop (erf)  }
.LBB2_4:
0x67: {  	s16 =	sshra.s32 s10, $0x2  }
0x68: {  	v3 =	vmul.f32 $1.442695020e+00, v3;
	[tilespmem:s0+$0x6220] =	vst v2;
	s0 =	smov.u32 s2;
	s2 =	smov.u32 s7;
	p0 =	sne.s32 s10, $0x13C0  }
.Ltmp5:
0x69: {  	s10 =	sadd.s32 $0x40, s10;
	v2 =	vadd.f32 v1, v0;
	v0 =	vld [tilespmem:s16+$0x4E20];
	(pc) =	sbr.rel @p0 .LBB2_4-.Ltmp5, $4  }
0x6a: {  	s7 =	smov.u32 s9;
	s9 =	smov.u32 s16;
	v1 =	vld [tilespmem:s16+$0x5820];
	(erf) = vpow2.f32 v3  }
0x6b: {  	v3 =	vmul.f32 $2.000000030e-01, v2  }
0x6c: {  	vm0 =	vge.f32 v2, $0.0e+00  }
0x6d: {  	v3 =	vsel vm0, v2, v3;
	v2 =	vpop (erf)  }
0x6e: {  	_ = 	snop  }
0x6f: {  	v0 =	vadd.f32 v1, v0;
	_ =	sdelay $0x1  }
0x70: {  	v1 =	vmul.f32 $2.000000030e-01, v0  }
0x71: {  	vm0 =	vge.f32 v0, $0.0e+00  }
0x72: {  	v60 =	vmul.f32 $1.442695020e+00, v3;
	v0 =	vsel vm0, v0, v1  }
0x73: {  	v0 =	vmul.f32 $1.442695020e+00, v0  }
0x74: {  	(erf) = vpow2.f32 v60  }
0x75: {  	(erf) = vpow2.f32 v0;
	_ =	sdelay $0x5  }
.Ltmp6:
0x76: {  	_ = 	snop;
	(pc) =	sbr.rel .LBB2_9-.Ltmp6, $4  }
0x77: {  	[tilespmem:s0+$0x6220] =	vst v2;
	v61 =	vpop (erf)  }
0x78: {  	[tilespmem:s2+$0x6220] =	vst v61;
	v62 =	vpop (erf)  }
0x79: {  	[tilespmem:s7+$0x6220] =	vst v62;
	v63 =	vpop (erf)  }
0x7a: {  	s0 =	simm.s32 $0x6;
	[tilespmem:s9+$0x6220] =	vst v63  }
.LBB2_6:
0x7b: {  	[tilespmem:s18], [sflag:$0x1] =	stream.indirect.gather [hbm4b:s4+s17], $0x10, s0, s17, $0xb8;
	[tilespmem:$0x8F20] =	vst v63  }
0x7c: {  	_ = 	snop  }
0x7d: {  	[tilespmem:s19], [sflag:$0x3] =	stream.indirect.gather [hbm4b:s5+s17], $0x10, s2, s17, $0xb8;
	[tilespmem:$0x8F20] =	vst v63  }
0x7e: {  	_ =	swait.ge [sflag:s26], $0x500  }
0x7f: {  	[sflag:s26] =	ssyncset.done $0x0  }
0x80: {  	[sflag:s26] =	ssyncadd.s32 $0xFFFFFB00  }
0x81: {  	_ =	swait.ge [sflag:s28], $0x500  }
0x82: {  	[sflag:s28] =	ssyncset.done $0x0  }
0x83: {  	s0 =	simm.s32 $0x0;
	[sflag:s28] =	ssyncadd.s32 $0xFFFFFB00  }
0x84: {  	v0 =	vld [tilespmem:s0+$0x5320]  }
0x85: {  	v1 =	vld [tilespmem:s0+$0x5D20];
	_ =	sdelay $0x4  }
0x86: {  	v0 =	vadd.f32 v1, v0;
	_ =	sdelay $0x1  }
0x87: {  	s2 =	simm.s32 $0x10;
	v1 =	vmul.f32 $2.000000030e-01, v0  }
0x88: {  	v2 =	vld [tilespmem:s2+$0x5320];
	vm0 =	vge.f32 v0, $0.0e+00  }
0x89: {  	v3 =	vld [tilespmem:s2+$0x5D20];
	v0 =	vsel vm0, v0, v1  }
0x8a: {  	s7 =	simm.s32 $0x20;
	v0 =	vmul.f32 $1.442695020e+00, v0  }
0x8b: {  	v1 =	vld [tilespmem:s7+$0x5320]  }
0x8c: {  	(erf) = vpow2.f32 v0;
	v0 =	vld [tilespmem:s7+$0x5D20];
	_ =	sdelay $0x1  }
0x8d: {  	v2 =	vadd.f32 v3, v2;
	_ =	sdelay $0x1  }
0x8e: {  	v3 =	vmul.f32 $2.000000030e-01, v2  }
0x8f: {  	vm14 =	vge.f32 v2, $0.0e+00;
	v4 =	vadd.f32 v0, v1  }
0x90: {  	v0 =	vsel vm14, v2, v3  }
0x91: {  	s9 =	simm.s32 $0x30;
	v1 =	vmul.f32 $1.442695020e+00, v0;
	v2 =	vmul.f32 $2.000000030e-01, v4  }
0x92: {  	v0 =	vld [tilespmem:s9+$0x5320]  }
0x93: {  	(erf) = vpow2.f32 v1;
	v1 =	vld [tilespmem:s9+$0x5D20]  }
0x94: {  	vm15 =	vge.f32 v4, $0.0e+00  }
0x95: {  	s10 =	simm.s32 $0x100;
	v3 =	vsel vm15, v4, v2;
	v2 =	vpop (erf)  }
.LBB2_7:
0x96: {  	s16 =	sshra.s32 s10, $0x2  }
0x97: {  	v3 =	vmul.f32 $1.442695020e+00, v3;
	[tilespmem:s0+$0x6220] =	vst v2;
	s0 =	smov.u32 s2;
	s2 =	smov.u32 s7;
	p0 =	sne.s32 s10, $0x13C0  }
.Ltmp7:
0x98: {  	s10 =	sadd.s32 $0x40, s10;
	v2 =	vadd.f32 v1, v0;
	v0 =	vld [tilespmem:s16+$0x5320];
	(pc) =	sbr.rel @p0 .LBB2_7-.Ltmp7, $4  }
0x99: {  	s7 =	smov.u32 s9;
	s9 =	smov.u32 s16;
	v1 =	vld [tilespmem:s16+$0x5D20];
	(erf) = vpow2.f32 v3  }
0x9a: {  	v3 =	vmul.f32 $2.000000030e-01, v2  }
0x9b: {  	vm0 =	vge.f32 v2, $0.0e+00  }
0x9c: {  	v3 =	vsel vm0, v2, v3;
	v2 =	vpop (erf)  }
.Ltmp8:
0x9d: {  	_ = 	snop;
	(pc) =	sbr.rel .LBB2_8-.Ltmp8, $1  }
0x9e: {  	_ =	sdelay $0x3  }
.LBB2_11:
0x9f: {  	_ =	sfence.sel $0x180000  }
0xa0: {  	[bflag:$0x0] =	sbarrier.arrive $0xFFFF  }
0xa1: {  	_ =	strace $0x9000004D  }
0xa2: {  	s0 =	stileid.u32;
	[bflag:$0x2] =	sbarrier.arrive $0xFFFF  }
0xa3: {  	p0 =	sne.s32 s0, $0x0;
	s0 =	rddreg [dreg:$0x2]  }
0xa4: {  	s0 =	sadd.s32 @!p0 $0x100000, s0  }
0xa5: {  	[sflag:s0] =	ssyncadd.tile.s32 @!p0 $0x1;
	_ =	shalt  }
.Lfunc_end2:
_tile_overlayer_lowered:
.L_overlay_start_2:
0xa6: {  	(tag) =	ssettag $0x2  }
0xa7: {  	s0 =	rddreg [dreg:$0x0];
	s2 =	stileid.u32  }
0xa8: {  	s1 =	rddreg [dreg:$0x1];
	p0 =	sne.s32 s2, $0x0  }
0xa9: {  	s3 =	rddreg [dreg:$0x2];
	[bflag:$0x3] =	sbarrier.arrive $0xFFFF;
	s2 =	simm.s32 @!p0 $0x1C05  }
0xaa: {  	[timem:s3], [sflag:s2] =	dma.local @!p0 [hbm:s0], s1  }
0xab: {  	s0 =	simm.s32 @!p0 $0x5  }
0xac: {  	_ =	swait.ge @!p0 [sflag:s0], s1  }
0xad: {  	s1 =	ssub.s32 @!p0 $0x0, s1;
	[sflag:s0] =	ssyncset.done @!p0 $0x0  }
0xae: {  	[sflag:s0] =	ssyncadd.s32 @!p0 s1  }
0xaf: {  	[bflag:$0x3] =	sbarrier.arrive $0xFFFF  }
0xb0: {  	_ =	shalt  }

// kernel: kernel.22.cloned.1.call-start
scs
__scs_entry_jumppad:
0x0: {  	(pc) =	sbr.rel $0x88, $3  }
0x1: {  	(tag) =	ssettag $0x0;
	lr =	simm.s32 $0x1  }
0x2: {  	[smem:$0x3F91] =	sst lr;
	_ =	strace $0xD0000000  }
0x3: {  	_ = 	snop  }
0x4: {  	_ = 	snop  }
0x5: {  	_ = 	snop  }
0x6: {  	_ = 	snop  }
0x7: {  	_ = 	snop  }
__scs_overlays_trampoline_lowered:
0x8: {  	[smem:$0x3FA0] =	sst s0  }
0x9: {  	[smem:$0x3FA1] =	sst s1  }
0xa: {  	[smem:$0x3FA2] =	sst s2  }
0xb: {  	[smem:$0x3FA3] =	sst s3  }
0xc: {  	[smem:$0x3FA4] =	sst s4  }
0xd: {  	[smem:$0x3FA5] =	sst s5  }
0xe: {  	[smem:$0x3FA6] =	sst s6  }
0xf: {  	[smem:$0x3FA7] =	sst s7  }
0x10: {  	[smem:$0x3FA8] =	sst s8  }
0x11: {  	[smem:$0x3FA9] =	sst s9;
	s0 =	simm.s32 @!p0 $0x0  }
0x12: {  	s1 =	sld [smem:$0x3F8F];
	s0 =	simm.s32 @p0 $0x1  }
0x13: {  	[smem:$0x3FAA] =	sst s0;
	s0 =	simm.s32 @!p1 $0x0  }
0x14: {  	s2 =	sld [smem:$0x3F8E];
	s0 =	simm.s32 @p1 $0x1  }
0x15: {  	[smem:$0x3FAB] =	sst s0;
	s0 =	simm.s32 @!p2 $0x0  }
0x16: {  	s3 =	sld [smem:$0x3FDB];
	s0 =	simm.s32 @p2 $0x1  }
0x17: {  	s4 =	simm.s32 $0x1BF5;
	[smem:$0x3FAD] =	sst s0  }
0x18: {  	s0 =	sld [smem:$0x3F90];
	_ =	swait.ge [sflag:s4], $0x0  }
0x19: {  	s7 =	sld [smem:$0x3F91]  }
0x1a: {  	s8 =	sadd.s32 $0xFFFFE003, lr  }
0x1b: {  	s9 =	sadd.s32 $0xFFFFFEF7, lr;
	s5 =	simm.s32 $0xFFFFFFFF;
	p2 =	slt.u32 s8, $0xFFFFF086  }
0x1c: {  	p1 =	slt.u32 s9, $0xF7A;
	s5 =	simm.s32 @!p2 $0x0  }
0x1d: {  	s5 =	simm.s32 @p1 $0x1;
	p0 =	seq.s32 s7, s2  }
0x1e: {  	s7 =	smul.u32 @!p0 $0xF7A, s2;
	p2 =	seq.s32 @!p0 s5, $0x0  }
0x1f: {  	s9 =	smul.u32 $0xF7A, s1;
	s8 =	simm.s32 @!p0 $0x1BF5;
	p2 =	por !p2, p0  }
0x20: {  	[sflag:s8] =	ssyncset.s32 @!p0 $0xFFFFF086;
	s6 =	sadd.s32 @!p0 s3, s7;
	s7 =	simm.s32 @!p0 $0x108  }
0x21: {  	s3 =	sadd.s32 s3, s9;
	s6 =	sadd.s32 @!p0 $0x88, s6;
	s7 =	simm.s32 @p2 $0x1082  }
0x22: {  	[simem:s7], [sflag:s8] =	dma.local @!p0 [hbm:s6], $0xF7A  }
0x23: {  	s9 =	sor.u32 $0xD0000000, s2;
	s6 =	simm.s32 $0x108;
	_ =	swait.ge @!p0 [sflag:s8], $0x0  }
0x24: {  	s3 =	sadd.s32 $0x88, s3;
	s6 =	simm.s32 @!p1 $0x1082;
	[sflag:s4] =	ssyncset.s32 $0xFFFFF086  }
0x25: {  	[simem:s6], [sflag:s4] =	dma.local [hbm:s3], $0xF7A  }
0x26: {  	[smem:$0x3F91] =	sst s1;
	(tag) =	ssettag s2;
	_ =	strace s9  }
0x27: {  	s1 =	sld [smem:$0x3FA1]  }
0x28: {  	s2 =	sld [smem:$0x3FA2]  }
0x29: {  	s4 =	sld [smem:$0x3FA4]  }
0x2a: {  	p0 =	seq.s32 s5, $0x0;
	s5 =	sld [smem:$0x3FA5]  }
0x2b: {  	s6 =	sld [smem:$0x3FA6]  }
0x2c: {  	s7 =	sld [smem:$0x3FA7]  }
0x2d: {  	s3 =	simm.s32 $0x108;
	s8 =	sld [smem:$0x3FA8]  }
0x2e: {  	s3 =	simm.s32 @!p0 $0x1082;
	s9 =	sld [smem:$0x3FA9]  }
0x2f: {  	lr =	sadd.s32 s0, s3;
	s0 =	sld [smem:$0x3FA0]  }
0x30: {  	s3 =	sld [smem:$0x3FA3]  }
0x31: {  	[smem:$0x3FAC] =	sst s10  }
0x32: {  	s10 =	sld [smem:$0x3FAA];
	_ =	sdelay $0x3  }
0x33: {  	p0 =	seq.s32 s10, $0x1;
	s10 =	sld [smem:$0x3FAC];
	_ =	sdelay $0x3  }
0x34: {  	[smem:$0x3FAC] =	sst s10  }
0x35: {  	s10 =	sld [smem:$0x3FAB];
	_ =	sdelay $0x3  }
0x36: {  	p1 =	seq.s32 s10, $0x1;
	s10 =	sld [smem:$0x3FAC];
	_ =	sdelay $0x3  }
0x37: {  	[smem:$0x3FAC] =	sst s10  }
0x38: {  	s10 =	sld [smem:$0x3FAD]  }
0x39: {  	_ = 	snop;
	(pc) =	sbr.ind lr, $3  }
0x3a: {  	_ = 	snop  }
0x3b: {  	_ = 	snop  }
0x3c: {  	p2 =	seq.s32 s10, $0x1;
	s10 =	sld [smem:$0x3FAC]  }
0x3d: {  	_ =	shalt  }
0x3e: {  	_ =	shalt  }
0x3f: {  	_ =	shalt  }
0x40: {  	_ =	shalt  }
0x41: {  	_ =	shalt  }
0x42: {  	_ =	shalt  }
0x43: {  	_ =	shalt  }
0x44: {  	_ =	shalt  }
0x45: {  	_ =	shalt  }
0x46: {  	_ =	shalt  }
0x47: {  	_ =	shalt  }
0x48: {  	_ =	shalt  }
0x49: {  	_ =	shalt  }
0x4a: {  	_ =	shalt  }
0x4b: {  	_ =	shalt  }
0x4c: {  	_ =	shalt  }
0x4d: {  	_ =	shalt  }
0x4e: {  	_ =	shalt  }
0x4f: {  	_ =	shalt  }
0x50: {  	_ =	shalt  }
0x51: {  	_ =	shalt  }
0x52: {  	_ =	shalt  }
0x53: {  	_ =	shalt  }
0x54: {  	_ =	shalt  }
0x55: {  	_ =	shalt  }
0x56: {  	_ =	shalt  }
0x57: {  	_ =	shalt  }
0x58: {  	_ =	shalt  }
0x59: {  	_ =	shalt  }
0x5a: {  	_ =	shalt  }
0x5b: {  	_ =	shalt  }
0x5c: {  	_ =	shalt  }
0x5d: {  	_ =	shalt  }
0x5e: {  	_ =	shalt  }
0x5f: {  	_ =	shalt  }
0x60: {  	_ =	shalt  }
0x61: {  	_ =	shalt  }
0x62: {  	_ =	shalt  }
0x63: {  	_ =	shalt  }
0x64: {  	_ =	shalt  }
0x65: {  	_ =	shalt  }
0x66: {  	_ =	shalt  }
0x67: {  	_ =	shalt  }
0x68: {  	_ =	shalt  }
0x69: {  	_ =	shalt  }
0x6a: {  	_ =	shalt  }
0x6b: {  	_ =	shalt  }
0x6c: {  	_ =	shalt  }
0x6d: {  	_ =	shalt  }
0x6e: {  	_ =	shalt  }
0x6f: {  	_ =	shalt  }
0x70: {  	_ =	shalt  }
0x71: {  	_ =	shalt  }
0x72: {  	_ =	shalt  }
0x73: {  	_ =	shalt  }
0x74: {  	_ =	shalt  }
0x75: {  	_ =	shalt  }
0x76: {  	_ =	shalt  }
0x77: {  	_ =	shalt  }
0x78: {  	_ =	shalt  }
0x79: {  	_ =	shalt  }
0x7a: {  	_ =	shalt  }
0x7b: {  	_ =	shalt  }
0x7c: {  	_ =	shalt  }
0x7d: {  	_ =	shalt  }
0x7e: {  	_ =	shalt  }
0x7f: {  	_ =	shalt  }
0x80: {  	_ =	shalt  }
0x81: {  	_ =	shalt  }
0x82: {  	_ =	shalt  }
0x83: {  	_ =	shalt  }
0x84: {  	_ =	shalt  }
0x85: {  	_ =	shalt  }
0x86: {  	_ =	shalt  }
0x87: {  	_ =	shalt  }
.Lfunc_end0:
.L_simem_size_0:
called_computation.3_lowered:
.L_overlay_start_0:
0x88: {  	s2 =	sld [smem:$0x3FD9]  }
0x89: {  	s3 =	sld [smem:$0x3FFE];
	_ =	sdelay $0x1  }
0x8a: {  	s1 =	srdreg.scid  }
0x8b: {  	s0 =	sand.u32 $0x1, s1  }
0x8c: {  	s16 =	sshll.u32 s0, $0xA;
	s2 =	sadd.s32 s3, s2  }
0x8d: {  	s2 =	sadd.s32 s2, s16  }
0x8e: {  	[smem:$0x3FB8] =	sst s2  }
0x8f: {  	_ = 	snop  }
0x90: {  	(tm) =	ssettm $0x1  }
0x91: {  	s17 =	sld [smem:$0x3FFB];
	_ =	sdelay $0x3  }
0x92: {  	_ =	strace s17  }
0x93: {  	s2 =	sld [smem:$0x3FFC];
	_ =	sdelay $0x3  }
0x94: {  	_ =	strace s2  }
0x95: {  	s2 =	sld [smem:$0x3FFD];
	_ =	sdelay $0x3  }
0x96: {  	_ =	strace s2  }
0x97: {  	_ =	strace $0x8FFFFFFF  }
0x98: {  	s18 =	sld [smem:$0x3FDB];
	_ =	sdelay $0x1  }
0x99: {  	s19 =	simm.s32 $_scs_section_size  }
0x9a: {  	s4 =	simm.s32 $_size__tile_overlayer_lowered;
	s5 =	simm.s32 $_tile_overlayer_lowered  }
0x9b: {  	s22 =	simm.s32 $0x1BFF;
	s21 =	sshll.u32 s5, $0x1;
	s2 =	sadd.s32 s19, s18  }
0x9c: {  	s6 =	simm.s32 $0x0;
	s20 =	sshll.u32 s4, $0x1;
	s4 =	sadd.s32 s21, s2  }
0x9d: {  	[timem:s6], [sflag:s22] =	dma.local [hbm:s4], s20  }
0x9e: {  	_ =	swait.ge [sflag:s22], s20  }
0x9f: {  	s3 =	ssub.s32 $0x0, s20;
	[sflag:s22] =	ssyncset.done $0x0  }
0xa0: {  	[sflag:s22] =	ssyncadd.s32 s3;
	_ =	sdelay $0x1  }
0xa1: {  	s23 =	simm.s32 $0x1B8B  }
0xa2: {  	_ =	swait.ge [sflag:s23], $0x1  }
0xa3: {  	[sflag:s23] =	ssyncset.done $0x0  }
0xa4: {  	s25 =	simm.s32 $0x1B8E;
	s24 =	sld [smem:$0x3FFE];
	[sflag:s23] =	ssyncadd.s32 $0xFFFFFFFF  }
0xa5: {  	s26 =	simm.s32 $execute0_lowered;
	[smem:$0x3FD2] =	sst s25  }
0xa6: {  	s4 =	sshll.u32 s26, $0x1;
	_ =	strace $0x8000004F;
	[dreg:$0x1] =	wrdreg $0xFFFFFFFF  }
0xa7: {  	s28 =	simm.s32 $_size_execute0_lowered;
	s2 =	sadd.s32 s2, s4;
	[dreg:$0x0] =	wrdreg $0x0  }
0xa8: {  	s4 =	sshll.u32 s28, $0x1;
	[dreg:$0x2] =	wrdreg s2  }
0xa9: {  	[dreg:$0x3] =	wrdreg s4  }
0xaa: {  	[dreg:$0x4] =	wrdreg $0xC0  }
0xab: {  	_ =	task [dreg:s6], $0x5FFFF  }
0xac: {  	[dreg:$0x1] =	wrdreg $0xFFFFFFFF  }
0xad: {  	[dreg:$0x0] =	wrdreg $0x60  }
0xae: {  	[dreg:$0x2] =	wrdreg s24  }
0xaf: {  	[dreg:$0x3] =	wrdreg $0xBC200  }
0xb0: {  	[dreg:$0x4] =	wrdreg $0x9  }
0xb1: {  	_ =	task.clear_ibuf [dreg:s6], $0x5FFFF;
	_ =	strace $0x9000004F  }
0xb2: {  	s29 =	simm.s32 $0x9;
	_ =	strace $0x80000051  }
0xb3: {  	_ =	swait.ge [sflag:s29], $0x1  }
0xb4: {  	[sflag:s29] =	ssyncadd.s32 $0xFFFFFFFF  }
0xb5: {  	_ =	strace $0x90000051  }
0xb6: {  	_ =	sfence  }
0xb7: {  	s30 =	sld [smem:$0x0];
	_ =	sdelay $0x2  }
0xb8: {  	s31 =	sshll.u32 s1, $0xD;
	s1 =	sshrl.u32 s1, $0x2  }
0xb9: {  	s3 =	sand.u32 $0x4000, s31;
	s1 =	sadd.s32 s1, s30  }
0xba: {  	s0 =	sor.u32 s3, s0;
	s1 =	sshll.u32 s1, $0x11  }
0xbb: {  	s0 =	sor.u32 s1, s0  }
0xbc: {  	s0 =	sadd.s32 $0x8F2B, s0  }
0xbd: {  	[sflag:s0] =	ssyncadd.remote.s32 $0x1  }
0xbe: {  	_ =	sfence.sel $0xFFFF  }
0xbf: {  	[dreg:$0x0] =	wrdreg $0xFFFFFFFF;
	(pc) =	sbr.abs _section_cstart, $3  }
0xc0: {  	[dreg:$0x1] =	wrdreg $0xFFFFFFFF  }
0xc1: {  	_ =	task.clear_ibuf [dreg:s6], $0x2FFFF;
	_ =	strace $0x9FFFFFFF  }
0xc2: {  	(tm) =	ssettm $0x7FFFFFFF  }
0xc3: {  	_ =	shalt  }
tec
execute0_lowered:
.L_overlay_start_1:
0x0: {  	(tag) =	ssettag $0x1  }
0x1: {  	s0 =	rddreg [dreg:$0x0]  }
0x2: {  	s2 =	rddreg [dreg:$0x1];
	s3 =	simm.s32 $0x0  }
0x3: {  	s12 =	stileid.u32;
	s1 =	srdreg.scid;
	s16 =	simm.s32 $0x7  }
0x4: {  	s18 =	simm.s32 $0x28;
	s19 =	simm.s32 $0x4E20;
	s20 =	simm.s32 $0x9E20  }
0x5: {  	s28 =	simm.s32 $0x5;
	s29 =	simm.s32 $0xA820;
	s30 =	simm.s32 $0x2  }
0x6: {  	s31 =	simm.s32 $0x4;
	[smem:$0x7FF] =	sst s3;
	s8 =	smul.u32 $0x14000, s12  }
0x7: {  	s1 =	sand.u32 $0x1, s1;
	s4 =	sadd.s32 $0xD4E00, s0;
	s5 =	sadd.s32 $0x2EA00, s0  }
0x8: {  	s6 =	sadd.s32 $0x38A00, s0;
	s22 =	sshll.u32 s12, $0x6;
	_ =	strace $0x80000050  }
0x9: {  	s7 =	sshll.u32 s1, $0x4;
	s9 =	smul.u32 $0x140000, s1;
	s1 =	ssub.s32 $0x2, s1  }
0xa: {  	s7 =	sor.u32 s12, s7;
	s10 =	sshrl.u32 s8, $0x3;
	s21 =	sshrl.u32 s1, $0x1  }
0xb: {  	s11 =	smul.u32 $0x4E2, s7;
	s9 =	sadd.s32 s8, s9;
	s10 =	sadd.s32 s10, s0  }
0xc: {  	s1 =	ssub.s32 s1, s21;
	s7 =	smul.u32 $0x27100, s7;
	s8 =	sadd.s32 s8, s2  }
0xd: {  	s21 =	simm.s32 $0xA320;
	s9 =	sshrl.u32 s9, $0x3;
	s10 =	sadd.s32 $0x123000, s10  }
0xe: {  	s26 =	smax.u32 s1, $0x1;
	s15 =	sshrl.u32 s8, $0x3;
	s1 =	simm.s32 $0x0  }
0xf: {  	s11 =	sadd.s32 s11, s0;
	s0 =	sadd.s32 s9, s0;
	[dreg:$0x3] =	wrdreg s10  }
0x10: {  	s25 =	sshrl.u32 s7, $0x3;
	[dreg:$0x8] =	wrdreg s26;
	s23 =	sadd.s32 $0x24C00, s11  }
.Ltmp0:
0x11: {  	s24 =	sadd.s32 $0x1AE00, s11;
	[dreg:$0x4] =	wrdreg s23;
	(pc) =	sbr.rel .LBB2_1-.Ltmp0, $4  }
0x12: {  	s9 =	sor.u32 $0x1C07, s22;
	s10 =	sadd.s32 s6, s25;
	[dreg:$0x5] =	wrdreg s24  }
0x13: {  	s22 =	simm.s32 $0x7620;
	s0 =	sadd.s32 $0x14B000, s0;
	[dreg:$0x6] =	wrdreg s10  }
0x14: {  	s26 =	simm.s32 $0x3;
	s25 =	simm.s32 $0x1;
	[dreg:$0x7] =	wrdreg s0  }
0x15: {  	s23 =	simm.s32 $0xA0A0;
	s24 =	simm.s32 $0xA5A0;
	s0 =	simm.s32 $0x6  }
.LBB2_10:
0x16: {  	_ =	swait.ge [sflag:s25], $0x2800  }
0x17: {  	[sflag:s25] =	ssyncset.done $0x0  }
0x18: {  	[sflag:s25] =	ssyncadd.s32 $0xFFFFD800  }
0x19: {  	_ =	swait.ge [sflag:s26], $0x280  }
0x1a: {  	[sflag:s26] =	ssyncset.done $0x0  }
0x1b: {  	[sflag:s26] =	ssyncadd.s32 $0xFFFFFD80  }
0x1c: {  	_ =	swait.ge [sflag:s28], $0x280  }
0x1d: {  	[sflag:s28] =	ssyncset.done $0x0  }
0x1e: {  	[sflag:s28] =	ssyncadd.s32 $0xFFFFFD80  }
0x1f: {  	[bflag:$0x0] =	sbarrier.arrive $0xFFFF  }
0x20: {  	s8 =	rddreg [dreg:$0x7]  }
0x21: {  	[hbm:s8], [sflag:s9] =	dma.local [spmem:s15], $0x2800  }
0x22: {  	_ =	swait.ge [sflag:s16], $0x2800  }
0x23: {  	s1 =	sadd.s32 $0x1, s1;
	s17 =	rddreg [dreg:$0x8]  }
0x24: {  	p0 =	sne.s32 s1, s17  }
.Ltmp1:
0x25: {  	_ = 	snop;
	(pc) =	sbr.rel @!p0 .LBB2_11-.Ltmp1, $3  }
0x26: {  	_ =	sdelay $0x1  }
0x27: {  	[sflag:s16] =	ssyncset.done $0x0  }
0x28: {  	[sflag:s16] =	ssyncadd.s32 $0xFFFFD800  }
.LBB2_1:
0x29: {  	s8 =	rddreg [dreg:$0x3]  }
0x2a: {  	[spmem:s15], [sflag:s9] =	dma.local [hbm:s8], $0x2800  }
0x2b: {  	_ =	swait.ge [sflag:s16], $0x2800  }
0x2c: {  	[sflag:s16] =	ssyncset.done $0x0  }
0x2d: {  	[sflag:s16] =	ssyncadd.s32 $0xFFFFD800  }
0x2e: {  	[bflag:$0x0] =	sbarrier.arrive $0xFFFF  }
0x2f: {  	s13 =	rddreg [dreg:$0x4]  }
0x30: {  	[tilespmem:s3], [sflag:$0x7] =	stream.linear.gather [hbm4b:s13+s3], $0x2710, $0x38;
	[tilespmem:$0x1FC20] =	vst v63  }
0x31: {  	_ =	swait.ge [sflag:s16], $0x2710  }
0x32: {  	[sflag:s16] =	ssyncset.done $0x0  }
0x33: {  	s10 =	simm.s32 $0x2710;
	s14 =	rddreg [dreg:$0x5];
	[sflag:s16] =	ssyncadd.s32 $0xFFFFD8F0  }
0x34: {  	[tilespmem:s10], [sflag:$0x7] =	stream.linear.gather [hbm4b:s14+s3], $0x2710, $0x38;
	[tilespmem:$0x1FC20] =	vst v63  }
0x35: {  	_ =	swait.ge [sflag:s16], $0x2710  }
0x36: {  	[sflag:s16] =	ssyncset.done $0x0  }
0x37: {  	[sflag:s16] =	ssyncadd.s32 $0xFFFFD8F0  }
0x38: {  	[tilespmem:s19], [sflag:$0x1] =	stream.indirect.gather [hbm4b:s4+s18], $0x100, s3, s18, $0xb8;
	[tilespmem:$0x1FC20] =	vst v63  }
.Ltmp2:
0x39: {  	_ = 	snop;
	(pc) =	sbr.rel .LBB2_2-.Ltmp2, $4  }
0x3a: {  	_ = 	snop  }
0x3b: {  	[tilespmem:s20], [sflag:$0x3] =	stream.indirect.gather [hbm4b:s5+s18], $0x10, s10, s18, $0xb8;
	[tilespmem:$0x1FC20] =	vst v63  }
0x3c: {  	s8 =	simm.s32 $0x0;
	s17 =	rddreg [dreg:$0x6]  }
0x3d: {  	[tilespmem:s21], [sflag:$0x5] =	stream.linear.gather [hbm4b:s17+s3], $0x280, $0x38;
	[tilespmem:$0x1FC20] =	vst v63  }
.LBB2_8:
0x3e: {  	s10 =	simm.s32 $0x7  }
.LBB2_9:
0x3f: {  	s8 =	smul.u32 $0xA0, s8;
	_ =	sdelay $0x1  }
0x40: {  	p0 =	sne.s32 s17, $0xFA;
	s8 =	sshra.s32 s8, $0x2  }
.Ltmp3:
0x41: {  	s8 =	sadd.s32 $0x2710, s8;
	(pc) =	sbr.rel @!p0 .LBB2_10-.Ltmp3, $4  }
0x42: {  	[spmem:s2] =	stream.indirect.scatter.add.f32 [tilespmem:s29], [sflag:s10], $0x80, s8, s18, $0xb8;
	[tilespmem:$0x1FC20] =	vst v63  }
0x43: {  	_ =	swait.ge [sflag:s10], $0x1400  }
0x44: {  	[sflag:s10] =	ssyncset.done $0x0  }
0x45: {  	s8 =	smov.u32 s17;
	[sflag:s10] =	ssyncadd.s32 $0xFFFFEC00  }
.LBB2_2:
0x46: {  	s17 =	sadd.s32 $0x1, s8  }
0x47: {  	s12 =	sand.u32 $0x1, s8;
	s10 =	smin.u32 s17, $0xF9  }
0x48: {  	p0 =	seq.s32 s12, $0x1;
	s11 =	smul.u32 $0x280, s10  }
.Ltmp4:
0x49: {  	_ = 	snop;
	(pc) =	sbr.rel @p0 .LBB2_6-.Ltmp4, $4  }
0x4a: {  	_ = 	snop  }
0x4b: {  	s10 =	smul.u32 $0x28, s10;
	s11 =	sadd.s32 s7, s11  }
0x4c: {  	s11 =	sshrl.u32 s11, $0x3  }
0x4d: {  	s12 =	sadd.s32 $0x2710, s10;
	s11 =	sadd.s32 s6, s11  }
0x4e: {  	[tilespmem:s22], [sflag:$0x2] =	stream.indirect.gather [hbm4b:s4+s18], $0x100, s10, s18, $0xb8;
	[tilespmem:$0x1FC20] =	vst v63  }
0x4f: {  	_ = 	snop  }
0x50: {  	[tilespmem:s23], [sflag:$0x4] =	stream.indirect.gather [hbm4b:s5+s18], $0x10, s12, s18, $0xb8;
	[tilespmem:$0x1FC20] =	vst v63  }
0x51: {  	_ = 	snop  }
0x52: {  	[tilespmem:s24], [sflag:$0x6] =	stream.linear.gather [hbm4b:s11+s3], $0x280, $0x38;
	[tilespmem:$0x1FC20] =	vst v63  }
0x53: {  	_ =	swait.ge [sflag:s25], $0x2800  }
0x54: {  	[sflag:s25] =	ssyncset.done $0x0  }
0x55: {  	[sflag:s25] =	ssyncadd.s32 $0xFFFFD800  }
0x56: {  	_ =	swait.ge [sflag:s26], $0x280  }
0x57: {  	[sflag:s26] =	ssyncset.done $0x0  }
0x58: {  	[sflag:s26] =	ssyncadd.s32 $0xFFFFFD80  }
0x59: {  	s10 =	simm.s32 $0xFFFFFFFE;
	_ =	swait.ge [sflag:s28], $0x280  }
0x5a: {  	s13 =	simm.s32 $0x4F20;
	s14 =	simm.s32 $0xA8A0;
	[sflag:s28] =	ssyncset.done $0x0  }
0x5b: {  	s12 =	simm.s32 $0xA330;
	s11 =	simm.s32 $0x9E30;
	[sflag:s28] =	ssyncadd.s32 $0xFFFFFD80  }
.LBB2_4:
0x5c: {  	v0 =	vld [tilespmem:s12+$0xFFFFFFF0]  }
0x5d: {  	v1 =	vld [tilespmem:s11+$0xFFFFFFF0]  }
0x5e: {  	v2 =	vld [tilespmem:s13+$0xFFFFFF00]  }
0x5f: {  	v3 =	vld [tilespmem:s13+$0xFFFFFF40];
	_ =	sdelay $0x1  }
0x60: {  	v45 =	vld [tilespmem:s13+$0xFFFFFF80]  }
0x61: {  	v0 =	vmul.f32 v1, v0  }
0x62: {  	v6 =	vshll.u32 v2, $0x10  }
0x63: {  	v8 =	vld [tilespmem:s13+$0xFFFFFFC0];
	v7 =	vshll.u32 v3, $0x10;
	v4 =	vbroadcast v0, $0x0;
	v5 =	vbroadcast v0, $0x1  }
0x64: {  	v2 =	vand.u32 $0xFFFF0000, v2;
	v3 =	vand.u32 $0xFFFF0000, v3;
	v9 =	vbroadcast v0, $0x2  }
0x65: {  	v46 =	vshll.u32 v45, $0x10;
	v6 =	vmul.f32 v6, v4;
	v7 =	vmul.f32 v7, v5  }
0x66: {  	v1 =	vand.u32 $0xFFFF0000, v45;
	v2 =	vmul.f32 v2, v4;
	v3 =	vmul.f32 v3, v5  }
0x67: {  	v0 =	vbroadcast v0, $0x3;
	v6 =	vadd.f32 v7, v6;
	v7 =	vmul.f32 v46, v9  }
0x68: {  	v47 =	vshll.u32 v8, $0x10;
	v1 =	vmul.f32 v1, v9;
	v2 =	vadd.f32 v3, v2  }
0x69: {  	v48 =	vand.u32 $0xFFFF0000, v8;
	v3 =	vmul.f32 v47, v0;
	v6 =	vadd.f32 v7, v6  }
0x6a: {  	v49 =	vmul.f32 v48, v0;
	v1 =	vadd.f32 v1, v2  }
0x6b: {  	v3 =	vadd.f32 v3, v6  }
0x6c: {  	v1 =	vadd.f32 v49, v1  }
0x6d: {  	[tilespmem:s14+$0xFFFFFF80] =	vst v3  }
0x6e: {  	[tilespmem:s14+$0xFFFFFF90] =	vst v1  }
0x6f: {  	v1 =	vld [tilespmem:s13+$0xFFFFFF10]  }
0x70: {  	v50 =	vld [tilespmem:s13+$0xFFFFFF50];
	_ =	sdelay $0x1  }
0x71: {  	v3 =	vld [tilespmem:s13+$0xFFFFFF90];
	_ =	sdelay $0x1  }
0x72: {  	v51 =	vld [tilespmem:s13+$0xFFFFFFD0]  }
0x73: {  	v52 =	vshll.u32 v1, $0x10;
	v1 =	vand.u32 $0xFFFF0000, v1;
	v53 =	vshll.u32 v50, $0x10  }
0x74: {  	v2 =	vand.u32 $0xFFFF0000, v50;
	v7 =	vmul.f32 v52, v4;
	v8 =	vmul.f32 v53, v5  }
0x75: {  	v10 =	vshll.u32 v3, $0x10;
	v1 =	vmul.f32 v1, v4;
	v2 =	vmul.f32 v2, v5  }
0x76: {  	v3 =	vand.u32 $0xFFFF0000, v3;
	v54 =	vmul.f32 v10, v9;
	v7 =	vadd.f32 v8, v7  }
0x77: {  	v56 =	vshll.u32 v51, $0x10;
	v55 =	vmul.f32 v3, v9;
	v1 =	vadd.f32 v2, v1  }
0x78: {  	v6 =	vand.u32 $0xFFFF0000, v51;
	v3 =	vmul.f32 v56, v0;
	v7 =	vadd.f32 v54, v7  }
0x79: {  	v57 =	vmul.f32 v6, v0;
	v1 =	vadd.f32 v55, v1  }
0x7a: {  	v3 =	vadd.f32 v3, v7  }
0x7b: {  	v1 =	vadd.f32 v57, v1  }
0x7c: {  	[tilespmem:s14+$0xFFFFFFA0] =	vst v3  }
0x7d: {  	[tilespmem:s14+$0xFFFFFFB0] =	vst v1  }
0x7e: {  	v1 =	vld [tilespmem:s13+$0xFFFFFF20]  }
0x7f: {  	v58 =	vld [tilespmem:s13+$0xFFFFFF60];
	_ =	sdelay $0x1  }
0x80: {  	v3 =	vld [tilespmem:s13+$0xFFFFFFA0];
	_ =	sdelay $0x1  }
0x81: {  	v59 =	vld [tilespmem:s13+$0xFFFFFFE0]  }
0x82: {  	v60 =	vshll.u32 v1, $0x10;
	v1 =	vand.u32 $0xFFFF0000, v1;
	v61 =	vshll.u32 v58, $0x10  }
0x83: {  	v2 =	vand.u32 $0xFFFF0000, v58;
	v7 =	vmul.f32 v60, v4;
	v8 =	vmul.f32 v61, v5  }
0x84: {  	v62 =	vshll.u32 v3, $0x10;
	v1 =	vmul.f32 v1, v4;
	v2 =	vmul.f32 v2, v5  }
0x85: {  	v3 =	vand.u32 $0xFFFF0000, v3;
	v63 =	vmul.f32 v62, v9;
	v7 =	vadd.f32 v8, v7  }
0x86: {  	v11 =	vshll.u32 v59, $0x10;
	v10 =	vmul.f32 v3, v9;
	v1 =	vadd.f32 v2, v1  }
0x87: {  	v6 =	vand.u32 $0xFFFF0000, v59;
	v3 =	vmul.f32 v11, v0;
	v7 =	vadd.f32 v63, v7  }
0x88: {  	v12 =	vmul.f32 v6, v0;
	v1 =	vadd.f32 v10, v1  }
0x89: {  	v3 =	vadd.f32 v3, v7  }
0x8a: {  	v1 =	vadd.f32 v12, v1  }
0x8b: {  	[tilespmem:s14+$0xFFFFFFC0] =	vst v3  }
0x8c: {  	[tilespmem:s14+$0xFFFFFFD0] =	vst v1  }
0x8d: {  	v1 =	vld [tilespmem:s13+$0xFFFFFF30]  }
0x8e: {  	v13 =	vld [tilespmem:s13+$0xFFFFFF70];
	_ =	sdelay $0x1  }
0x8f: {  	v3 =	vld [tilespmem:s13+$0xFFFFFFB0];
	_ =	sdelay $0x1  }
0x90: {  	v14 =	vld [tilespmem:s13+$0xFFFFFFF0]  }
0x91: {  	v15 =	vshll.u32 v1, $0x10;
	v1 =	vand.u32 $0xFFFF0000, v1;
	v16 =	vshll.u32 v13, $0x10  }
0x92: {  	v2 =	vand.u32 $0xFFFF0000, v13;
	v7 =	vmul.f32 v15, v4;
	v8 =	vmul.f32 v16, v5  }
0x93: {  	v17 =	vshll.u32 v3, $0x10;
	v1 =	vmul.f32 v1, v4;
	v2 =	vmul.f32 v2, v5  }
0x94: {  	v3 =	vand.u32 $0xFFFF0000, v3;
	v4 =	vmul.f32 v17, v9;
	v18 =	vadd.f32 v8, v7  }
0x95: {  	v20 =	vshll.u32 v14, $0x10;
	v19 =	vmul.f32 v3, v9;
	v1 =	vadd.f32 v2, v1  }
0x96: {  	v21 =	vand.u32 $0xFFFF0000, v14;
	v3 =	vmul.f32 v20, v0;
	v4 =	vadd.f32 v4, v18  }
0x97: {  	v0 =	vmul.f32 v21, v0;
	v1 =	vadd.f32 v19, v1  }
0x98: {  	v22 =	vadd.f32 v3, v4  }
0x99: {  	v0 =	vadd.f32 v0, v1  }
0x9a: {  	[tilespmem:s14+$0xFFFFFFE0] =	vst v22  }
0x9b: {  	[tilespmem:s14+$0xFFFFFFF0] =	vst v0  }
0x9c: {  	v0 =	vld [tilespmem:s12+$0x0]  }
0x9d: {  	v23 =	vld [tilespmem:s11+$0x0]  }
0x9e: {  	v2 =	vld [tilespmem:s13+$0x0]  }
0x9f: {  	v24 =	vld [tilespmem:s13+$0x40];
	_ =	sdelay $0x1  }
0xa0: {  	v25 =	vld [tilespmem:s13+$0x80]  }
0xa1: {  	v0 =	vmul.f32 v23, v0  }
0xa2: {  	v28 =	vshll.u32 v2, $0x10  }
0xa3: {  	v30 =	vld [tilespmem:s13+$0xC0];
	v29 =	vshll.u32 v24, $0x10;
	v26 =	vbroadcast v0, $0x0;
	v27 =	vbroadcast v0, $0x1  }
0xa4: {  	v2 =	vand.u32 $0xFFFF0000, v2;
	v3 =	vand.u32 $0xFFFF0000, v24;
	v31 =	vbroadcast v0, $0x2  }
0xa5: {  	v32 =	vshll.u32 v25, $0x10;
	v6 =	vmul.f32 v28, v26;
	v7 =	vmul.f32 v29, v27  }
0xa6: {  	v1 =	vand.u32 $0xFFFF0000, v25;
	v2 =	vmul.f32 v2, v26;
	v3 =	vmul.f32 v3, v27  }
0xa7: {  	v0 =	vbroadcast v0, $0x3;
	v6 =	vadd.f32 v7, v6;
	v7 =	vmul.f32 v32, v31  }
0xa8: {  	v33 =	vshll.u32 v30, $0x10;
	v1 =	vmul.f32 v1, v31;
	v2 =	vadd.f32 v3, v2  }
0xa9: {  	v34 =	vand.u32 $0xFFFF0000, v30;
	v3 =	vmul.f32 v33, v0;
	v6 =	vadd.f32 v7, v6  }
0xaa: {  	v35 =	vmul.f32 v34, v0;
	v1 =	vadd.f32 v1, v2  }
0xab: {  	v3 =	vadd.f32 v3, v6  }
0xac: {  	v1 =	vadd.f32 v35, v1  }
0xad: {  	[tilespmem:s14+$0x0] =	vst v3  }
0xae: {  	[tilespmem:s14+$0x10] =	vst v1  }
0xaf: {  	v1 =	vld [tilespmem:s13+$0x10]  }
0xb0: {  	v36 =	vld [tilespmem:s13+$0x50];
	_ =	sdelay $0x1  }
0xb1: {  	v3 =	vld [tilespmem:s13+$0x90];
	_ =	sdelay $0x1  }
0xb2: {  	v37 =	vld [tilespmem:s13+$0xD0]  }
0xb3: {  	v38 =	vshll.u32 v1, $0x10;
	v1 =	vand.u32 $0xFFFF0000, v1;
	v39 =	vshll.u32 v36, $0x10  }
0xb4: {  	v2 =	vand.u32 $0xFFFF0000, v36;
	v7 =	vmul.f32 v38, v26;
	v8 =	vmul.f32 v39, v27  }
0xb5: {  	v40 =	vshll.u32 v3, $0x10;
	v1 =	vmul.f32 v1, v26;
	v2 =	vmul.f32 v2, v27  }
0xb6: {  	v3 =	vand.u32 $0xFFFF0000, v3;
	v41 =	vmul.f32 v40, v31;
	v7 =	vadd.f32 v8, v7  }
0xb7: {  	v43 =	vshll.u32 v37, $0x10;
	v42 =	vmul.f32 v3, v31;
	v1 =	vadd.f32 v2, v1  }
0xb8: {  	v6 =	vand.u32 $0xFFFF0000, v37;
	v3 =	vmul.f32 v43, v0;
	v7 =	vadd.f32 v41, v7  }
0xb9: {  	v44 =	vmul.f32 v6, v0;
	v1 =	vadd.f32 v42, v1  }
0xba: {  	v3 =	vadd.f32 v3, v7  }
0xbb: {  	v1 =	vadd.f32 v44, v1  }
0xbc: {  	[tilespmem:s14+$0x20] =	vst v3  }
0xbd: {  	[tilespmem:s14+$0x30] =	vst v1  }
0xbe: {  	v1 =	vld [tilespmem:s13+$0x20]  }
0xbf: {  	v45 =	vld [tilespmem:s13+$0x60];
	_ =	sdelay $0x1  }
0xc0: {  	v3 =	vld [tilespmem:s13+$0xA0];
	_ =	sdelay $0x1  }
0xc1: {  	v46 =	vld [tilespmem:s13+$0xE0]  }
0xc2: {  	v47 =	vshll.u32 v1, $0x10;
	v1 =	vand.u32 $0xFFFF0000, v1;
	v48 =	vshll.u32 v45, $0x10  }
0xc3: {  	v2 =	vand.u32 $0xFFFF0000, v45;
	v7 =	vmul.f32 v47, v26;
	v8 =	vmul.f32 v48, v27  }
0xc4: {  	v49 =	vshll.u32 v3, $0x10;
	v1 =	vmul.f32 v1, v26;
	v2 =	vmul.f32 v2, v27  }
0xc5: {  	v3 =	vand.u32 $0xFFFF0000, v3;
	v50 =	vmul.f32 v49, v31;
	v7 =	vadd.f32 v8, v7  }
0xc6: {  	v52 =	vshll.u32 v46, $0x10;
	v51 =	vmul.f32 v3, v31;
	v1 =	vadd.f32 v2, v1  }
0xc7: {  	v6 =	vand.u32 $0xFFFF0000, v46;
	v3 =	vmul.f32 v52, v0;
	v7 =	vadd.f32 v50, v7  }
0xc8: {  	v53 =	vmul.f32 v6, v0;
	v1 =	vadd.f32 v51, v1  }
0xc9: {  	v3 =	vadd.f32 v3, v7  }
0xca: {  	v1 =	vadd.f32 v53, v1  }
0xcb: {  	[tilespmem:s14+$0x40] =	vst v3  }
0xcc: {  	[tilespmem:s14+$0x50] =	vst v1  }
0xcd: {  	v1 =	vld [tilespmem:s13+$0x30]  }
0xce: {  	v54 =	vld [tilespmem:s13+$0x70];
	_ =	sdelay $0x1  }
0xcf: {  	v3 =	vld [tilespmem:s13+$0xB0];
	_ =	sdelay $0x1  }
0xd0: {  	v55 =	vld [tilespmem:s13+$0xF0]  }
0xd1: {  	v56 =	vshll.u32 v1, $0x10;
	v1 =	vand.u32 $0xFFFF0000, v1;
	v57 =	vshll.u32 v54, $0x10  }
0xd2: {  	v2 =	vand.u32 $0xFFFF0000, v54;
	v7 =	vmul.f32 v56, v26;
	v8 =	vmul.f32 v57, v27  }
0xd3: {  	v58 =	vshll.u32 v3, $0x10;
	v1 =	vmul.f32 v1, v26;
	v2 =	vmul.f32 v2, v27  }
0xd4: {  	v3 =	vand.u32 $0xFFFF0000, v3;
	v4 =	vmul.f32 v58, v31;
	v59 =	vadd.f32 v8, v7  }
0xd5: {  	s10 =	sadd.s32 $0x2, s10;
	v61 =	vshll.u32 v55, $0x10;
	v60 =	vmul.f32 v3, v31;
	v1 =	vadd.f32 v2, v1  }
0xd6: {  	p0 =	slt.u32 s10, $0x26;
	v62 =	vand.u32 $0xFFFF0000, v55;
	v3 =	vmul.f32 v61, v0;
	v4 =	vadd.f32 v4, v59  }
.Ltmp5:
0xd7: {  	v0 =	vmul.f32 v62, v0;
	v1 =	vadd.f32 v60, v1;
	(pc) =	sbr.rel @p0 .LBB2_4-.Ltmp5, $4  }
0xd8: {  	v63 =	vadd.f32 v3, v4  }
0xd9: {  	v0 =	vadd.f32 v0, v1  }
0xda: {  	s11 =	sadd.s32 $0x20, s11;
	[tilespmem:s14+$0x60] =	vst v63  }
0xdb: {  	s12 =	sadd.s32 $0x20, s12;
	s13 =	sadd.s32 $0x200, s13;
	[tilespmem:s14+$0x70] =	vst v0;
	s14 =	sadd.s32 $0x100, s14  }
.Ltmp6:
0xdc: {  	(pc) =	sbr.rel .LBB2_9-.Ltmp6, $2  }
0xdd: {  	_ =	sdelay $0x2  }
0xde: {  	s10 =	simm.s32 $0x8  }
.LBB2_6:
0xdf: {  	[tilespmem:s19], [sflag:$0x1] =	stream.indirect.gather [hbm4b:s4+s18], $0x100, s10, s18, $0xb8;
	[tilespmem:$0x1FC20] =	vst v63  }
0xe0: {  	_ = 	snop  }
0xe1: {  	[tilespmem:s20], [sflag:$0x3] =	stream.indirect.gather [hbm4b:s5+s18], $0x10, s12, s18, $0xb8;
	[tilespmem:$0x1FC20] =	vst v63  }
0xe2: {  	_ = 	snop  }
0xe3: {  	[tilespmem:s21], [sflag:$0x5] =	stream.linear.gather [hbm4b:s11+s3], $0x280, $0x38;
	[tilespmem:$0x1FC20] =	vst v63  }
0xe4: {  	_ =	swait.ge [sflag:s30], $0x2800  }
0xe5: {  	[sflag:s30] =	ssyncset.done $0x0  }
0xe6: {  	[sflag:s30] =	ssyncadd.s32 $0xFFFFD800  }
0xe7: {  	_ =	swait.ge [sflag:s31], $0x280  }
0xe8: {  	[sflag:s31] =	ssyncset.done $0x0  }
0xe9: {  	[sflag:s31] =	ssyncadd.s32 $0xFFFFFD80  }
0xea: {  	s10 =	simm.s32 $0xFFFFFFFE;
	_ =	swait.ge [sflag:s0], $0x280  }
0xeb: {  	s13 =	simm.s32 $0x7810;
	s14 =	simm.s32 $0xA8A0;
	[sflag:s0] =	ssyncset.done $0x0  }
0xec: {  	s12 =	simm.s32 $0xA0B0;
	s11 =	simm.s32 $0xA5B0;
	[sflag:s0] =	ssyncadd.s32 $0xFFFFFD80  }
.LBB2_7:
0xed: {  	v0 =	vld [tilespmem:s11+$0xFFFFFFF0]  }
0xee: {  	v1 =	vld [tilespmem:s12+$0xFFFFFFF0]  }
0xef: {  	v2 =	vld [tilespmem:s13+$0xFFFFFE10]  }
0xf0: {  	v3 =	vld [tilespmem:s13+$0xFFFFFE50];
	_ =	sdelay $0x1  }
0xf1: {  	v45 =	vld [tilespmem:s13+$0xFFFFFE90]  }
0xf2: {  	v0 =	vmul.f32 v1, v0  }
0xf3: {  	v6 =	vshll.u32 v2, $0x10  }
0xf4: {  	v8 =	vld [tilespmem:s13+$0xFFFFFED0];
	v7 =	vshll.u32 v3, $0x10;
	v4 =	vbroadcast v0, $0x0;
	v5 =	vbroadcast v0, $0x1  }
0xf5: {  	v2 =	vand.u32 $0xFFFF0000, v2;
	v3 =	vand.u32 $0xFFFF0000, v3;
	v9 =	vbroadcast v0, $0x2  }
0xf6: {  	v46 =	vshll.u32 v45, $0x10;
	v6 =	vmul.f32 v6, v4;
	v7 =	vmul.f32 v7, v5  }
0xf7: {  	v1 =	vand.u32 $0xFFFF0000, v45;
	v2 =	vmul.f32 v2, v4;
	v3 =	vmul.f32 v3, v5  }
0xf8: {  	v0 =	vbroadcast v0, $0x3;
	v6 =	vadd.f32 v7, v6;
	v7 =	vmul.f32 v46, v9  }
0xf9: {  	v47 =	vshll.u32 v8, $0x10;
	v1 =	vmul.f32 v1, v9;
	v2 =	vadd.f32 v3, v2  }
0xfa: {  	v48 =	vand.u32 $0xFFFF0000, v8;
	v3 =	vmul.f32 v47, v0;
	v6 =	vadd.f32 v7, v6  }
0xfb: {  	v49 =	vmul.f32 v48, v0;
	v1 =	vadd.f32 v1, v2  }
0xfc: {  	v3 =	vadd.f32 v3, v6  }
0xfd: {  	v1 =	vadd.f32 v49, v1  }
0xfe: {  	[tilespmem:s14+$0xFFFFFF80] =	vst v3  }
0xff: {  	[tilespmem:s14+$0xFFFFFF90] =	vst v1  }
0x100: {  	v1 =	vld [tilespmem:s13+$0xFFFFFE20]  }
0x101: {  	v50 =	vld [tilespmem:s13+$0xFFFFFE60];
	_ =	sdelay $0x1  }
0x102: {  	v3 =	vld [tilespmem:s13+$0xFFFFFEA0];
	_ =	sdelay $0x1  }
0x103: {  	v51 =	vld [tilespmem:s13+$0xFFFFFEE0]  }
0x104: {  	v52 =	vshll.u32 v1, $0x10;
	v1 =	vand.u32 $0xFFFF0000, v1;
	v53 =	vshll.u32 v50, $0x10  }
0x105: {  	v2 =	vand.u32 $0xFFFF0000, v50;
	v7 =	vmul.f32 v52, v4;
	v8 =	vmul.f32 v53, v5  }
0x106: {  	v10 =	vshll.u32 v3, $0x10;
	v1 =	vmul.f32 v1, v4;
	v2 =	vmul.f32 v2, v5  }
0x107: {  	v3 =	vand.u32 $0xFFFF0000, v3;
	v54 =	vmul.f32 v10, v9;
	v7 =	vadd.f32 v8, v7  }
0x108: {  	v56 =	vshll.u32 v51, $0x10;
	v55 =	vmul.f32 v3, v9;
	v1 =	vadd.f32 v2, v1  }
0x109: {  	v6 =	vand.u32 $0xFFFF0000, v51;
	v3 =	vmul.f32 v56, v0;
	v7 =	vadd.f32 v54, v7  }
0x10a: {  	v57 =	vmul.f32 v6, v0;
	v1 =	vadd.f32 v55, v1  }
0x10b: {  	v3 =	vadd.f32 v3, v7  }
0x10c: {  	v1 =	vadd.f32 v57, v1  }
0x10d: {  	[tilespmem:s14+$0xFFFFFFA0] =	vst v3  }
0x10e: {  	[tilespmem:s14+$0xFFFFFFB0] =	vst v1  }
0x10f: {  	v1 =	vld [tilespmem:s13+$0xFFFFFE30]  }
0x110: {  	v58 =	vld [tilespmem:s13+$0xFFFFFE70];
	_ =	sdelay $0x1  }
0x111: {  	v3 =	vld [tilespmem:s13+$0xFFFFFEB0];
	_ =	sdelay $0x1  }
0x112: {  	v59 =	vld [tilespmem:s13+$0xFFFFFEF0]  }
0x113: {  	v60 =	vshll.u32 v1, $0x10;
	v1 =	vand.u32 $0xFFFF0000, v1;
	v61 =	vshll.u32 v58, $0x10  }
0x114: {  	v2 =	vand.u32 $0xFFFF0000, v58;
	v7 =	vmul.f32 v60, v4;
	v8 =	vmul.f32 v61, v5  }
0x115: {  	v62 =	vshll.u32 v3, $0x10;
	v1 =	vmul.f32 v1, v4;
	v2 =	vmul.f32 v2, v5  }
0x116: {  	v3 =	vand.u32 $0xFFFF0000, v3;
	v63 =	vmul.f32 v62, v9;
	v7 =	vadd.f32 v8, v7  }
0x117: {  	v11 =	vshll.u32 v59, $0x10;
	v10 =	vmul.f32 v3, v9;
	v1 =	vadd.f32 v2, v1  }
0x118: {  	v6 =	vand.u32 $0xFFFF0000, v59;
	v3 =	vmul.f32 v11, v0;
	v7 =	vadd.f32 v63, v7  }
0x119: {  	v12 =	vmul.f32 v6, v0;
	v1 =	vadd.f32 v10, v1  }
0x11a: {  	v3 =	vadd.f32 v3, v7  }
0x11b: {  	v1 =	vadd.f32 v12, v1  }
0x11c: {  	[tilespmem:s14+$0xFFFFFFC0] =	vst v3  }
0x11d: {  	[tilespmem:s14+$0xFFFFFFD0] =	vst v1  }
0x11e: {  	v1 =	vld [tilespmem:s13+$0xFFFFFE40]  }
0x11f: {  	v13 =	vld [tilespmem:s13+$0xFFFFFE80];
	_ =	sdelay $0x1  }
0x120: {  	v3 =	vld [tilespmem:s13+$0xFFFFFEC0];
	_ =	sdelay $0x1  }
0x121: {  	v14 =	vld [tilespmem:s13+$0xFFFFFF00]  }
0x122: {  	v15 =	vshll.u32 v1, $0x10;
	v1 =	vand.u32 $0xFFFF0000, v1;
	v16 =	vshll.u32 v13, $0x10  }
0x123: {  	v2 =	vand.u32 $0xFFFF0000, v13;
	v7 =	vmul.f32 v15, v4;
	v8 =	vmul.f32 v16, v5  }
0x124: {  	v17 =	vshll.u32 v3, $0x10;
	v1 =	vmul.f32 v1, v4;
	v2 =	vmul.f32 v2, v5  }
0x125: {  	v3 =	vand.u32 $0xFFFF0000, v3;
	v4 =	vmul.f32 v17, v9;
	v18 =	vadd.f32 v8, v7  }
0x126: {  	v20 =	vshll.u32 v14, $0x10;
	v19 =	vmul.f32 v3, v9;
	v1 =	vadd.f32 v2, v1  }
0x127: {  	v21 =	vand.u32 $0xFFFF0000, v14;
	v3 =	vmul.f32 v20, v0;
	v4 =	vadd.f32 v4, v18  }
0x128: {  	v0 =	vmul.f32 v21, v0;
	v1 =	vadd.f32 v19, v1  }
0x129: {  	v22 =	vadd.f32 v3, v4  }
0x12a: {  	v0 =	vadd.f32 v0, v1  }
0x12b: {  	[tilespmem:s14+$0xFFFFFFE0] =	vst v22  }
0x12c: {  	[tilespmem:s14+$0xFFFFFFF0] =	vst v0  }
0x12d: {  	v0 =	vld [tilespmem:s11+$0x0]  }
0x12e: {  	v23 =	vld [tilespmem:s12+$0x0]  }
0x12f: {  	v2 =	vld [tilespmem:s13+$0xFFFFFF10]  }
0x130: {  	v24 =	vld [tilespmem:s13+$0xFFFFFF50];
	_ =	sdelay $0x1  }
0x131: {  	v25 =	vld [tilespmem:s13+$0xFFFFFF90]  }
0x132: {  	v0 =	vmul.f32 v23, v0  }
0x133: {  	v28 =	vshll.u32 v2, $0x10  }
0x134: {  	v30 =	vld [tilespmem:s13+$0xFFFFFFD0];
	v29 =	vshll.u32 v24, $0x10;
	v26 =	vbroadcast v0, $0x0;
	v27 =	vbroadcast v0, $0x1  }
0x135: {  	v2 =	vand.u32 $0xFFFF0000, v2;
	v3 =	vand.u32 $0xFFFF0000, v24;
	v31 =	vbroadcast v0, $0x2  }
0x136: {  	v32 =	vshll.u32 v25, $0x10;
	v6 =	vmul.f32 v28, v26;
	v7 =	vmul.f32 v29, v27  }
0x137: {  	v1 =	vand.u32 $0xFFFF0000, v25;
	v2 =	vmul.f32 v2, v26;
	v3 =	vmul.f32 v3, v27  }
0x138: {  	v0 =	vbroadcast v0, $0x3;
	v6 =	vadd.f32 v7, v6;
	v7 =	vmul.f32 v32, v31  }
0x139: {  	v33 =	vshll.u32 v30, $0x10;
	v1 =	vmul.f32 v1, v31;
	v2 =	vadd.f32 v3, v2  }
0x13a: {  	v34 =	vand.u32 $0xFFFF0000, v30;
	v3 =	vmul.f32 v33, v0;
	v6 =	vadd.f32 v7, v6  }
0x13b: {  	v35 =	vmul.f32 v34, v0;
	v1 =	vadd.f32 v1, v2  }
0x13c: {  	v3 =	vadd.f32 v3, v6  }
0x13d: {  	v1 =	vadd.f32 v35, v1  }
0x13e: {  	[tilespmem:s14+$0x0] =	vst v3  }
0x13f: {  	[tilespmem:s14+$0x10] =	vst v1  }
0x140: {  	v1 =	vld [tilespmem:s13+$0xFFFFFF20]  }
0x141: {  	v36 =	vld [tilespmem:s13+$0xFFFFFF60];
	_ =	sdelay $0x1  }
0x142: {  	v3 =	vld [tilespmem:s13+$0xFFFFFFA0];
	_ =	sdelay $0x1  }
0x143: {  	v37 =	vld [tilespmem:s13+$0xFFFFFFE0]  }
0x144: {  	v38 =	vshll.u32 v1, $0x10;
	v1 =	vand.u32 $0xFFFF0000, v1;
	v39 =	vshll.u32 v36, $0x10  }
0x145: {  	v2 =	vand.u32 $0xFFFF0000, v36;
	v7 =	vmul.f32 v38, v26;
	v8 =	vmul.f32 v39, v27  }
0x146: {  	v40 =	vshll.u32 v3, $0x10;
	v1 =	vmul.f32 v1, v26;
	v2 =	vmul.f32 v2, v27  }
0x147: {  	v3 =	vand.u32 $0xFFFF0000, v3;
	v41 =	vmul.f32 v40, v31;
	v7 =	vadd.f32 v8, v7  }
0x148: {  	v43 =	vshll.u32 v37, $0x10;
	v42 =	vmul.f32 v3, v31;
	v1 =	vadd.f32 v2, v1  }
0x149: {  	v6 =	vand.u32 $0xFFFF0000, v37;
	v3 =	vmul.f32 v43, v0;
	v7 =	vadd.f32 v41, v7  }
0x14a: {  	v44 =	vmul.f32 v6, v0;
	v1 =	vadd.f32 v42, v1  }
0x14b: {  	v3 =	vadd.f32 v3, v7  }
0x14c: {  	v1 =	vadd.f32 v44, v1  }
0x14d: {  	[tilespmem:s14+$0x20] =	vst v3  }
0x14e: {  	[tilespmem:s14+$0x30] =	vst v1  }
0x14f: {  	v1 =	vld [tilespmem:s13+$0xFFFFFF30]  }
0x150: {  	v45 =	vld [tilespmem:s13+$0xFFFFFF70];
	_ =	sdelay $0x1  }
0x151: {  	v3 =	vld [tilespmem:s13+$0xFFFFFFB0];
	_ =	sdelay $0x1  }
0x152: {  	v46 =	vld [tilespmem:s13+$0xFFFFFFF0]  }
0x153: {  	v47 =	vshll.u32 v1, $0x10;
	v1 =	vand.u32 $0xFFFF0000, v1;
	v48 =	vshll.u32 v45, $0x10  }
0x154: {  	v2 =	vand.u32 $0xFFFF0000, v45;
	v7 =	vmul.f32 v47, v26;
	v8 =	vmul.f32 v48, v27  }
0x155: {  	v49 =	vshll.u32 v3, $0x10;
	v1 =	vmul.f32 v1, v26;
	v2 =	vmul.f32 v2, v27  }
0x156: {  	v3 =	vand.u32 $0xFFFF0000, v3;
	v50 =	vmul.f32 v49, v31;
	v7 =	vadd.f32 v8, v7  }
0x157: {  	v52 =	vshll.u32 v46, $0x10;
	v51 =	vmul.f32 v3, v31;
	v1 =	vadd.f32 v2, v1  }
0x158: {  	v6 =	vand.u32 $0xFFFF0000, v46;
	v3 =	vmul.f32 v52, v0;
	v7 =	vadd.f32 v50, v7  }
0x159: {  	v53 =	vmul.f32 v6, v0;
	v1 =	vadd.f32 v51, v1  }
0x15a: {  	v3 =	vadd.f32 v3, v7  }
0x15b: {  	v1 =	vadd.f32 v53, v1  }
0x15c: {  	[tilespmem:s14+$0x40] =	vst v3  }
0x15d: {  	[tilespmem:s14+$0x50] =	vst v1  }
0x15e: {  	v1 =	vld [tilespmem:s13+$0xFFFFFF40]  }
0x15f: {  	v54 =	vld [tilespmem:s13+$0xFFFFFF80];
	_ =	sdelay $0x1  }
0x160: {  	v3 =	vld [tilespmem:s13+$0xFFFFFFC0];
	_ =	sdelay $0x1  }
0x161: {  	v55 =	vld [tilespmem:s13+$0x0]  }
0x162: {  	v56 =	vshll.u32 v1, $0x10;
	v1 =	vand.u32 $0xFFFF0000, v1;
	v57 =	vshll.u32 v54, $0x10  }
0x163: {  	v2 =	vand.u32 $0xFFFF0000, v54;
	v7 =	vmul.f32 v56, v26;
	v8 =	vmul.f32 v57, v27  }
0x164: {  	v58 =	vshll.u32 v3, $0x10;
	v1 =	vmul.f32 v1, v26;
	v2 =	vmul.f32 v2, v27  }
0x165: {  	v3 =	vand.u32 $0xFFFF0000, v3;
	v4 =	vmul.f32 v58, v31;
	v59 =	vadd.f32 v8, v7  }
0x166: {  	s10 =	sadd.s32 $0x2, s10;
	v61 =	vshll.u32 v55, $0x10;
	v60 =	vmul.f32 v3, v31;
	v1 =	vadd.f32 v2, v1  }
0x167: {  	p0 =	slt.u32 s10, $0x26;
	v62 =	vand.u32 $0xFFFF0000, v55;
	v3 =	vmul.f32 v61, v0;
	v4 =	vadd.f32 v4, v59  }
.Ltmp7:
0x168: {  	v0 =	vmul.f32 v62, v0;
	v1 =	vadd.f32 v60, v1;
	(pc) =	sbr.rel @p0 .LBB2_7-.Ltmp7, $4  }
0x169: {  	v63 =	vadd.f32 v3, v4  }
0x16a: {  	v0 =	vadd.f32 v0, v1  }
0x16b: {  	s11 =	sadd.s32 $0x20, s11;
	[tilespmem:s14+$0x60] =	vst v63  }
0x16c: {  	s12 =	sadd.s32 $0x20, s12;
	s13 =	sadd.s32 $0x200, s13;
	[tilespmem:s14+$0x70] =	vst v0;
	s14 =	sadd.s32 $0x100, s14  }
.Ltmp8:
0x16d: {  	_ = 	snop;
	(pc) =	sbr.rel .LBB2_8-.Ltmp8, $1  }
0x16e: {  	_ =	sdelay $0x3  }
.LBB2_11:
0x16f: {  	_ =	sfence.sel $0x180000  }
0x170: {  	[bflag:$0x0] =	sbarrier.arrive $0xFFFF  }
0x171: {  	_ =	strace $0x90000050  }
0x172: {  	s0 =	stileid.u32;
	[bflag:$0x2] =	sbarrier.arrive $0xFFFF  }
0x173: {  	p0 =	sne.s32 s0, $0x0;
	s0 =	rddreg [dreg:$0x2]  }
0x174: {  	s0 =	sadd.s32 @!p0 $0x100000, s0  }
0x175: {  	[sflag:s0] =	ssyncadd.tile.s32 @!p0 $0x1;
	_ =	shalt  }
.Lfunc_end2:
_tile_overlayer_lowered:
.L_overlay_start_2:
0x176: {  	(tag) =	ssettag $0x2  }
0x177: {  	s0 =	rddreg [dreg:$0x0];
	s2 =	stileid.u32  }
0x178: {  	s1 =	rddreg [dreg:$0x1];
	p0 =	sne.s32 s2, $0x0  }
0x179: {  	s3 =	rddreg [dreg:$0x2];
	[bflag:$0x3] =	sbarrier.arrive $0xFFFF;
	s2 =	simm.s32 @!p0 $0x1C07  }
0x17a: {  	[timem:s3], [sflag:s2] =	dma.local @!p0 [hbm:s0], s1  }
0x17b: {  	s0 =	simm.s32 @!p0 $0x7  }
0x17c: {  	_ =	swait.ge @!p0 [sflag:s0], s1  }
0x17d: {  	s1 =	ssub.s32 @!p0 $0x0, s1;
	[sflag:s0] =	ssyncset.done @!p0 $0x0  }
0x17e: {  	[sflag:s0] =	ssyncadd.s32 @!p0 s1  }
0x17f: {  	[bflag:$0x3] =	sbarrier.arrive $0xFFFF  }
0x180: {  	_ =	shalt  }

</sc_bundles>
